<compile_context>
chip_gen: v7x
topology: tpu7x:2x2x1
jax: 0.10.2.dev20260603
libtpu: 0.0.44.dev20260713+nightly
codegen_flags: <defaults>
</compile_context>

<pallas_src>
import functools

import jax
import jax.numpy as jnp
from jax import lax
from jax.experimental import pallas as pl
from jax.experimental.pallas import tpu as pltpu
from jax.experimental.pallas import tpu_sc as plsc

N = 10000
E = 160000
IN_DIM = 256
HID = 512
OUT = 128
GRAPHS = 64
EPS = 1e-5
SINV = float(1.0 / (1.0 + EPS) ** 0.5)

NCORE = 2
NSUB = 16
CH = 128
NCHUNK = HID // CH
CPC = NCHUNK // NCORE
EPAD = 163840
ES = EPAD // NSUB
NJ = ES // CH
NR = 3
THIRD = 3456
NROWS = NR * THIRD
NPADT = THIRD + 8
WPS = THIRD // NSUB
NB = 1000
GRID = N // NB

_F32 = jnp.float32


def _sc_mesh():
    return plsc.VectorSubcoreMesh(core_axis_name="c", subcore_axis_name="s",
                                  num_cores=NCORE, num_subcores=NSUB)


def _sc_degree(col_degr, ones16, zeros16):

    @functools.partial(
        pl.kernel,
        out_type=jax.ShapeDtypeStruct((NCORE, NROWS, CH), _F32),
        mesh=_sc_mesh(),
        scratch_types=[
            pltpu.VMEM((40, CH), jnp.int32),
            pltpu.VMEM((CH, CH), _F32),
            pltpu.VMEM((WPS, CH), _F32),
            pltpu.VMEM_SHARED((NPADT, CH), _F32),
        ],
    )
    def deg_kernel(col_hbm, ones_hbm, zr_hbm, deg_hbm, colv, onesv, zerov, acc):
        c = lax.axis_index("c")
        s = lax.axis_index("s")
        pltpu.sync_copy(ones_hbm, onesv)
        pltpu.sync_copy(zr_hbm, zerov)
        for r in range(NR):
            pltpu.sync_copy(zerov, acc.at[pl.ds(s * WPS, WPS)])

            @pl.when(s == 0)
            def _():
                pltpu.sync_copy(zerov.at[pl.ds(0, 8)], acc.at[pl.ds(THIRD, 8)])

            pltpu.sync_copy(col_hbm.at[r, c, s], colv)
            plsc.subcore_barrier()

            @pl.loop(0, 40)
            def _(j):
                pltpu.sync_copy(onesv, acc.at[colv.at[j]], add=True)

            plsc.subcore_barrier()
            pltpu.sync_copy(acc.at[pl.ds(s * WPS, WPS)],
                            deg_hbm.at[c, pl.ds(r * THIRD + s * WPS, WPS)])
            plsc.subcore_barrier()

    return deg_kernel(col_degr, ones16, zeros16)


def _sc_aggregate(u_flat, row3, col3r, zeros):

    @functools.partial(
        pl.kernel,
        out_type=jax.ShapeDtypeStruct((NCHUNK, NROWS, CH), _F32),
        mesh=_sc_mesh(),
        scratch_types=[
            pltpu.VMEM((NJ, CH), jnp.int32),
            pltpu.VMEM((NJ, CH), jnp.int32),
            pltpu.VMEM((2, CH, CH), _F32),
            pltpu.VMEM((WPS, CH), _F32),
            pltpu.VMEM_SHARED((NPADT, CH), _F32),
            pltpu.SemaphoreType.DMA,
            pltpu.SemaphoreType.DMA,
            pltpu.SemaphoreType.DMA,
            pltpu.SemaphoreType.DMA,
        ],
    )
    def agg_kernel(u_hbm, row_hbm, col_hbm, zr_hbm, raw_hbm,
                   rowv, colv, gv, zv, acc, *sems):
        c = lax.axis_index("c")
        s = lax.axis_index("s")
        gsem = sems[:2]
        ssem = sems[2:]
        pltpu.sync_copy(zr_hbm, zv)

        def pass_body(p, r):
            f = c * CPC + p
            pltpu.sync_copy(zv, acc.at[pl.ds(s * WPS, WPS)])

            @pl.when(s == 0)
            def _():
                pltpu.sync_copy(zv.at[pl.ds(0, 8)], acc.at[pl.ds(THIRD, 8)])

            pltpu.sync_copy(col_hbm.at[r, s], colv)
            pltpu.sync_copy(row_hbm.at[f, s], rowv)
            for k in range(2):
                pltpu.make_async_copy(u_hbm.at[rowv.at[k]], gv.at[k],
                                      gsem[k]).start()
            plsc.subcore_barrier()

            @pl.loop(0, NJ, step=2)
            def _(j):
                for k in range(2):
                    pltpu.make_async_copy(u_hbm.at[rowv.at[j + k]], gv.at[k],
                                          gsem[k]).wait()
                    pltpu.async_copy(gv.at[k], acc.at[colv.at[j + k]],
                                     ssem[k], add=True)

                @pl.when(j + 2 < NJ)
                def _():
                    for k in range(2):
                        pltpu.make_async_copy(gv.at[k], acc.at[colv.at[j + k]],
                                              ssem[k]).wait()
                        pltpu.make_async_copy(u_hbm.at[rowv.at[j + 2 + k]],
                                              gv.at[k], gsem[k]).start()

            for k in range(2):
                pltpu.make_async_copy(gv.at[k], acc.at[colv.at[NJ - 2 + k]],
                                      ssem[k]).wait()

            plsc.subcore_barrier()
            pltpu.sync_copy(acc.at[pl.ds(s * WPS, WPS)],
                            raw_hbm.at[f, pl.ds(r * THIRD + s * WPS, WPS)])
            plsc.subcore_barrier()

        for p in range(CPC):
            for r in range(NR):
                pass_body(p, r)

    return agg_kernel(u_flat, row3, col3r, zeros)


def _vec_spec(d):
    return pl.BlockSpec((1, d), lambda i: (0, 0))


def _chunked(un_ref, un):
    for k in range(NCHUNK):
        un_ref[k] = un[:, k * CH:(k + 1) * CH]


def _tc_prep(x, degp, fg, fb, g0, b0, W0):

    def body(x_ref, deg_ref, fg_ref, fb_ref, g0_ref, b0_ref, w_ref,
             u0_ref, dinv_ref):
        d = deg_ref[0, :, 0:1] + deg_ref[1, :, 0:1] + 1.0
        dinv = lax.rsqrt(jnp.maximum(d, 1.0))
        t0 = g0_ref[...] * ((fg_ref[...] * (x_ref[...] * SINV) + fb_ref[...]) * SINV) + b0_ref[...]
        z0 = jnp.dot(t0, w_ref[...], preferred_element_type=_F32,
                     precision=lax.Precision.HIGHEST)
        _chunked(u0_ref, z0 * dinv)
        dinv_ref[...] = dinv

    return pl.pallas_call(
        body,
        grid=(GRID,),
        in_specs=[
            pl.BlockSpec((NB, IN_DIM), lambda i: (i, 0)),
            pl.BlockSpec((NCORE, NB, CH), lambda i: (0, i, 0)),
            _vec_spec(IN_DIM), _vec_spec(IN_DIM), _vec_spec(IN_DIM), _vec_spec(IN_DIM),
            pl.BlockSpec((IN_DIM, HID), lambda i: (0, 0)),
        ],
        out_specs=[
            pl.BlockSpec((NCHUNK, NB, CH), lambda i: (0, i, 0)),
            pl.BlockSpec((NB, 1), lambda i: (i, 0)),
        ],
        out_shape=[
            jax.ShapeDtypeStruct((NCHUNK, N, CH), _F32),
            jax.ShapeDtypeStruct((N, 1), _F32),
        ],
    )(x, degp, fg, fb, g0, b0, W0)


def _tc_mid(raw, u, hprev, dinv, bias_prev, W, bng, bnb):

    def body(raw_ref, u_ref, hp_ref, dinv_ref, bp_ref, w_ref, g_ref, bb_ref,
             h_ref, un_ref):
        dinv = dinv_ref[...]
        z = jnp.concatenate(
            [dinv * (raw_ref[k] + u_ref[k]) for k in range(NCHUNK)], axis=1)
        h = jnp.maximum(z + bp_ref[...], 0.0) + hp_ref[...]
        h_ref[...] = h
        t = g_ref[...] * (h * SINV) + bb_ref[...]
        zn = jnp.dot(t, w_ref[...], preferred_element_type=_F32,
                     precision=lax.Precision.HIGHEST)
        _chunked(un_ref, zn * dinv)

    return pl.pallas_call(
        body,
        grid=(GRID,),
        in_specs=[
            pl.BlockSpec((NCHUNK, NB, CH), lambda i: (0, i, 0)),
            pl.BlockSpec((NCHUNK, NB, CH), lambda i: (0, i, 0)),
            pl.BlockSpec((NB, HID), lambda i: (i, 0)),
            pl.BlockSpec((NB, 1), lambda i: (i, 0)),
            _vec_spec(HID),
            pl.BlockSpec((HID, HID), lambda i: (0, 0)),
            _vec_spec(HID), _vec_spec(HID),
        ],
        out_specs=[
            pl.BlockSpec((NB, HID), lambda i: (i, 0)),
            pl.BlockSpec((NCHUNK, NB, CH), lambda i: (0, i, 0)),
        ],
        out_shape=[
            jax.ShapeDtypeStruct((N, HID), _F32),
            jax.ShapeDtypeStruct((NCHUNK, N, CH), _F32),
        ],
    )(raw, u, hprev, dinv, bias_prev, W, bng, bnb)


def _tc_last(h4, batch2, fcg, fcb, Wfc, bfc, bhg, bhb, Wcls, bcls):

    def body(h_ref, batch_ref,
             fcg_ref, fcb_ref, wfc_ref, bfc_ref, bhg_ref, bhb_ref,
             wcls_ref, bcls_ref, out_ref, pool_acc, cnt_acc):
        i = pl.program_id(0)

        @pl.when(i == 0)
        def _():
            pool_acc[...] = jnp.zeros_like(pool_acc)
            cnt_acc[...] = jnp.zeros_like(cnt_acc)

        h = h_ref[...]
        gids = lax.broadcasted_iota(jnp.int32, (1, GRAPHS), 1)
        onehot = (batch_ref[...] == gids).astype(_F32)
        dn = (((0,), (0,)), ((), ()))
        pool_acc[...] += lax.dot_general(onehot, h, dn,
                                         preferred_element_type=_F32,
                                         precision=lax.Precision.HIGHEST)
        cnt_acc[...] += lax.dot_general(onehot, jnp.ones((NB, CH), _F32), dn,
                                        preferred_element_type=_F32,
                                        precision=lax.Precision.HIGHEST)

        @pl.when(i == GRID - 1)
        def _():
            cnt = cnt_acc[:, 0:1]
            hp = pool_acc[...] / jnp.maximum(cnt, 1.0)
            h_ = fcg_ref[...] * (hp * SINV) + fcb_ref[...]
            h_ = jnp.dot(h_, wfc_ref[...], preferred_element_type=_F32,
                         precision=lax.Precision.HIGHEST) + bfc_ref[...]
            hp = hp + jnp.maximum(h_, 0.0)
            hh = bhg_ref[...] * (hp * SINV) + bhb_ref[...]
            o = jnp.dot(hh, wcls_ref[...], preferred_element_type=_F32,
                        precision=lax.Precision.HIGHEST) + bcls_ref[...]
            m = jnp.max(o, axis=1, keepdims=True)
            lse = m + jnp.log(jnp.sum(jnp.exp(o - m), axis=1, keepdims=True))
            out_ref[...] = o - lse

    return pl.pallas_call(
        body,
        grid=(GRID,),
        in_specs=[
            pl.BlockSpec((NB, HID), lambda i: (i, 0)),
            pl.BlockSpec((NB, 1), lambda i: (i, 0)),
            _vec_spec(HID), _vec_spec(HID),
            pl.BlockSpec((HID, HID), lambda i: (0, 0)),
            _vec_spec(HID), _vec_spec(HID), _vec_spec(HID),
            pl.BlockSpec((HID, OUT), lambda i: (0, 0)),
            _vec_spec(OUT),
        ],
        out_specs=pl.BlockSpec((GRAPHS, OUT), lambda i: (0, 0)),
        out_shape=jax.ShapeDtypeStruct((GRAPHS, OUT), _F32),
        scratch_shapes=[
            pltpu.VMEM((GRAPHS, HID), _F32),
            pltpu.VMEM((GRAPHS, CH), _F32),
        ],
    )(h4, batch2, fcg, fcb, Wfc, bfc, bhg, bhb, Wcls, bcls)


def kernel(x, edge_index, batch, bn_feat_g, bn_feat_b,
           bn0_g, bn0_b, W0, b0, bn1_g, bn1_b, W1, b1,
           bn2_g, bn2_b, W2, b2, bn3_g, bn3_b, W3, b3,
           bnfc_g, bnfc_b, Wfc, bfc, bnh_g, bnh_b, Wcls, bcls):
    v = lambda a: a.reshape(1, -1)
    row = edge_index[0].astype(jnp.int32)
    col = edge_index[1].astype(jnp.int32)
    pad = EPAD - E
    rowp = jnp.concatenate([row, jnp.zeros((pad,), jnp.int32)])
    colp = jnp.concatenate([col, jnp.full((pad,), N, jnp.int32)])
    chs = [jnp.where((colp >= r * THIRD) & (colp < (r + 1) * THIRD),
                     colp - r * THIRD, THIRD) for r in range(NR)]
    col3r = jnp.stack(chs).reshape(NR, NSUB, NJ, CH)
    col_degr = jnp.stack(chs).reshape(
        NR, NCORE, NSUB, EPAD // (NCORE * NSUB * CH), CH)
    row3 = (rowp[None, :] + (jnp.arange(NCHUNK, dtype=jnp.int32) * N)[:, None]
            ).reshape(NCHUNK, NSUB, NJ, CH)
    zerosw = jnp.zeros((WPS, CH), _F32)
    onesw = jnp.ones((CH, CH), _F32)

    degp = _sc_degree(col_degr, onesw, zerosw)
    u0, dinv = _tc_prep(x, degp, v(bn_feat_g), v(bn_feat_b), v(bn0_g), v(bn0_b), W0)

    wstack = jnp.stack([W1, W2, W3, W3])
    bstack = jnp.stack([v(b0), v(b1), v(b2), v(b3)])
    gstack = jnp.stack([v(bn1_g), v(bn2_g), v(bn3_g), v(bn3_g)])
    bbstack = jnp.stack([v(bn1_b), v(bn2_b), v(bn3_b), v(bn3_b)])

    n_it = jnp.where(jnp.max(batch) > jnp.int32(1 << 30), 5, 4).astype(jnp.int32)

    def stage(state):
        i, hprev, u = state
        raw = _sc_aggregate(u.reshape(NCHUNK * N, CH), row3, col3r, zerosw)
        Wn = lax.dynamic_index_in_dim(wstack, i, keepdims=False)
        bp = lax.dynamic_index_in_dim(bstack, i, keepdims=False)
        gn = lax.dynamic_index_in_dim(gstack, i, keepdims=False)
        bbn = lax.dynamic_index_in_dim(bbstack, i, keepdims=False)
        h, u_next = _tc_mid(raw, u, hprev, dinv, bp, Wn, gn, bbn)
        return (i + 1, h, u_next)

    _, h4, _ = lax.while_loop(lambda st: st[0] < n_it, stage,
                              (jnp.int32(0), jnp.zeros((N, HID), _F32), u0))
    return _tc_last(h4, batch.reshape(N, 1),
                    v(bnfc_g), v(bnfc_b), Wfc, v(bfc),
                    v(bnh_g), v(bnh_b), Wcls, v(bcls))

# --- scband reference (transcript-rebuilt; emitter-appended) ---
"""Pipeline reference for scband-gnn-79663053406795 (READ-ONLY COPY).

The authoritative reference and input builder live on the scoring server;
editing this copy changes nothing except your own understanding.
"""

import jax, jax.numpy as jnp
import numpy as np

N = 10000
E = 160000
IN_DIM = 256
HID = 512
OUT = 128
GRAPHS = 64
EPS = 1e-5


def _bn(x, g, b):
    # eval-mode BatchNorm1d with running_mean=0, running_var=1
    return g * (x / jnp.sqrt(1.0 + EPS)) + b


def _gcn(x, row, col, W, bias):
    # PyG-style GCNConv (self-loops already appended to row/col)
    deg = jnp.zeros((N,), x.dtype).at[col].add(1.0)
    dinv = jax.lax.rsqrt(jnp.maximum(deg, 1.0))
    norm = dinv[row] * dinv[col]
    h = x @ W
    out = jnp.zeros((N, W.shape[1]), x.dtype).at[col].add(h[row] * norm[:, None])
    return out + bias


def setup_inputs(seed: int = 0) -> dict:
    key = jax.random.key(seed)
    ks = jax.random.split(key, 32)
    inp = {}
    inp["x"] = jax.random.normal(ks[0], (N, IN_DIM), jnp.float32)
    inp["edge_index"] = jax.random.randint(ks[1], (2, E), 0, N, dtype=jnp.int32)
    inp["batch"] = jnp.sort(jax.random.randint(ks[2], (N,), 0, GRAPHS, dtype=jnp.int32))
    # parameters
    inp["bn_feat_g"] = jnp.ones((IN_DIM,), jnp.float32)
    inp["bn_feat_b"] = jnp.zeros((IN_DIM,), jnp.float32)
    dims = [IN_DIM, HID, HID, HID]
    for l in range(4):
        d_in = dims[l]
        inp[f"bn{l}_g"] = jnp.ones((d_in,), jnp.float32)
        inp[f"bn{l}_b"] = jnp.zeros((d_in,), jnp.float32)
        inp[f"W{l}"] = jax.random.normal(ks[3 + l], (d_in, HID), jnp.float32) * (1.0 / np.sqrt(d_in))
        inp[f"b{l}"] = jnp.zeros((HID,), jnp.float32)
    inp["bnfc_g"] = jnp.ones((HID,), jnp.float32)
    inp["bnfc_b"] = jnp.zeros((HID,), jnp.float32)
    inp["Wfc"] = jax.random.normal(ks[10], (HID, HID), jnp.float32) * (1.0 / np.sqrt(HID))
    inp["bfc"] = jnp.zeros((HID,), jnp.float32)
    inp["bnh_g"] = jnp.ones((HID,), jnp.float32)
    inp["bnh_b"] = jnp.zeros((HID,), jnp.float32)
    inp["Wcls"] = jax.random.normal(ks[11], (HID, OUT), jnp.float32) * (1.0 / np.sqrt(HID))
    inp["bcls"] = jnp.zeros((OUT,), jnp.float32)
    return inp


def reference(x, edge_index, batch, bn_feat_g, bn_feat_b,
              bn0_g, bn0_b, W0, b0, bn1_g, bn1_b, W1, b1,
              bn2_g, bn2_b, W2, b2, bn3_g, bn3_b, W3, b3,
              bnfc_g, bnfc_b, Wfc, bfc, bnh_g, bnh_b, Wcls, bcls):
    loop = jnp.arange(N, dtype=edge_index.dtype)
    row = jnp.concatenate([edge_index[0], loop])
    col = jnp.concatenate([edge_index[1], loop])
    h = _bn(x, bn_feat_g, bn_feat_b)
    xs = [h]
    layer_params = [(bn0_g, bn0_b, W0, b0), (bn1_g, bn1_b, W1, b1),
                    (bn2_g, bn2_b, W2, b2), (bn3_g, bn3_b, W3, b3)]
    for i, (g, b, W, bias) in enumerate(layer_params):
        t = _bn(xs[-1], g, b)
        t = _gcn(t, row, col, W, bias)
        t = jax.nn.relu(t)
        # dropout p=0.0 / eval mode -> identity
        if i > 0:  # residual only when len(xs) > 1 (node_encoder == 0)
            t = t + xs[-1]
        xs.append(t)
    h = xs[-1]  # concat=False, sum_x=False, start_idx=1
    # global_mean_pool
    counts = jnp.zeros((GRAPHS,), h.dtype).at[batch].add(1.0)
    pooled = jnp.zeros((GRAPHS, h.shape[1]), h.dtype).at[batch].add(h)
    h = pooled / jnp.maximum(counts, 1.0)[:, None]
    # fc block (num_fc=2 -> one hidden fc with residual, then classifier)
    h_ = _bn(h, bnfc_g, bnfc_b)
    h_ = jax.nn.relu(h_ @ Wfc + bfc)
    h = h + h_
    h = _bn(h, bnh_g, bnh_b)
    h = h @ Wcls + bcls
    return jax.nn.log_softmax(h, axis=-1)

if __name__ == "__main__":
    import jax
    _d = setup_inputs()
    print(jax.jit(kernel)(*tuple(_d.values())))

</pallas_src>

<mosaic_0001>
#map = affine_map<(d0, d1) -> (0, 0, 0, 0, 0)>
#map1 = affine_map<(d0, d1) -> (0, 0)>
#map2 = affine_map<(d0, d1) -> (0, 0, 0)>
module attributes {stable_mosaic.version = 14 : i64} {
  func.func @deg_kernel(%arg0: i32, %arg1: i32, %arg2: memref<3x2x16x40x128xi32, #tpu.memory_space<hbm>>, %arg3: memref<128x128xf32, #tpu.memory_space<hbm>>, %arg4: memref<216x128xf32, #tpu.memory_space<hbm>>, %arg5: memref<2x10368x128xf32, #tpu.memory_space<hbm>>, %arg6: memref<40x128xi32, #tpu.memory_space<vmem>>, %arg7: memref<128x128xf32, #tpu.memory_space<vmem>>, %arg8: memref<216x128xf32, #tpu.memory_space<vmem>>, %arg9: memref<3464x128xf32, #tpu.memory_space<vmem_shared>>) attributes {dimension_semantics = [#tpu.dimension_semantics<core_parallel>, #tpu.dimension_semantics<subcore_parallel>], iteration_bounds = array<i64: 2, 16>, scalar_prefetch = 0 : i64, scratch_operands = 4 : i64, tpu.core_type = #tpu.core_type<sc_vector_subcore>, window_params = [{transform_indices = #map}, {transform_indices = #map1}, {transform_indices = #map1}, {transform_indices = #map2}]} {
    "tpu.region"() ({
      %run_scoped3A_58 = tpu.sem_alloc : memref<!tpu.dma_semaphore, #tpu.memory_space<semaphore_mem>>
      tpu.enqueue_dma source(%arg3 : memref<128x128xf32, #tpu.memory_space<hbm>>) target(%arg7 : memref<128x128xf32, #tpu.memory_space<vmem>>) target_semaphore(%run_scoped3A_58 : memref<!tpu.dma_semaphore, #tpu.memory_space<semaphore_mem>>)
      tpu.wait_dma2 semaphore(%run_scoped3A_58 : memref<!tpu.dma_semaphore, #tpu.memory_space<semaphore_mem>>) src(%arg3 : memref<128x128xf32, #tpu.memory_space<hbm>>) dst(%arg7 : memref<128x128xf32, #tpu.memory_space<vmem>>)
      tpu.yield
    }) : () -> ()
    "tpu.region"() ({
      %run_scoped3A_58 = tpu.sem_alloc : memref<!tpu.dma_semaphore, #tpu.memory_space<semaphore_mem>>
      tpu.enqueue_dma source(%arg4 : memref<216x128xf32, #tpu.memory_space<hbm>>) target(%arg8 : memref<216x128xf32, #tpu.memory_space<vmem>>) target_semaphore(%run_scoped3A_58 : memref<!tpu.dma_semaphore, #tpu.memory_space<semaphore_mem>>)
      tpu.wait_dma2 semaphore(%run_scoped3A_58 : memref<!tpu.dma_semaphore, #tpu.memory_space<semaphore_mem>>) src(%arg4 : memref<216x128xf32, #tpu.memory_space<hbm>>) dst(%arg8 : memref<216x128xf32, #tpu.memory_space<vmem>>)
      tpu.yield
    }) : () -> ()
    %mul3A = arith.constant 216 : i32
    %mul3A_0 = arith.muli %arg1, %mul3A : i32
    "tpu.region"() ({
      %run_scoped3A_58 = tpu.sem_alloc : memref<!tpu.dma_semaphore, #tpu.memory_space<semaphore_mem>>
      %dma_start3A = arith.constant 0 : i32
      %dma_start3A_59 = tpu.memref_slice %arg9[%mul3A_0, %dma_start3A] : memref<3464x128xf32, #tpu.memory_space<vmem_shared>> -> memref<216x128xf32, #tpu.memory_space<vmem_shared>>
      %dma_start3A_60 = arith.constant 0 : i32
      %dma_start3A_61 = tpu.memref_slice %arg9[%mul3A_0, %dma_start3A_60] : memref<3464x128xf32, #tpu.memory_space<vmem_shared>> -> memref<216x128xf32, #tpu.memory_space<vmem_shared>>
      tpu.enqueue_dma source(%arg8 : memref<216x128xf32, #tpu.memory_space<vmem>>) target(%dma_start3A_61 : memref<216x128xf32, #tpu.memory_space<vmem_shared>>) target_semaphore(%run_scoped3A_58 : memref<!tpu.dma_semaphore, #tpu.memory_space<semaphore_mem>>)
      %dma_wait3A = arith.constant 0 : i32
      %dma_wait3A_62 = tpu.memref_slice %arg9[%mul3A_0, %dma_wait3A] : memref<3464x128xf32, #tpu.memory_space<vmem_shared>> -> memref<216x128xf32, #tpu.memory_space<vmem_shared>>
      %dma_wait3A_63 = arith.constant 0 : i32
      %dma_wait3A_64 = tpu.memref_slice %arg9[%mul3A_0, %dma_wait3A_63] : memref<3464x128xf32, #tpu.memory_space<vmem_shared>> -> memref<216x128xf32, #tpu.memory_space<vmem_shared>>
      tpu.wait_dma2 semaphore(%run_scoped3A_58 : memref<!tpu.dma_semaphore, #tpu.memory_space<semaphore_mem>>) src(%arg8 : memref<216x128xf32, #tpu.memory_space<vmem>>) dst(%dma_wait3A_64 : memref<216x128xf32, #tpu.memory_space<vmem_shared>>)
      tpu.yield
    }) : () -> ()
    %eq3A = arith.constant 0 : i32
    %eq3A_1 = arith.cmpi eq, %arg1, %eq3A : i32
    %convert_element_type3A = arith.extui %eq3A_1 : i1 to i32
    %cond3A = arith.constant 0 : i32
    %cond3A_2 = arith.cmpi ne, %convert_element_type3A, %cond3A : i32
    scf.if %cond3A_2 {
      "tpu.region"() ({
        %run_scoped3A_58 = tpu.sem_alloc : memref<!tpu.dma_semaphore, #tpu.memory_space<semaphore_mem>>
        %dma_start3A = arith.constant 0 : i32
        %dma_start3A_59 = arith.constant 0 : i32
        %dma_start3A_60 = tpu.memref_slice %arg8[%dma_start3A, %dma_start3A_59] : memref<216x128xf32, #tpu.memory_space<vmem>> -> memref<8x128xf32, #tpu.memory_space<vmem>>
        %dma_start3A_61 = arith.constant 3456 : i32
        %dma_start3A_62 = arith.constant 0 : i32
        %dma_start3A_63 = tpu.memref_slice %arg9[%dma_start3A_61, %dma_start3A_62] : memref<3464x128xf32, #tpu.memory_space<vmem_shared>> -> memref<8x128xf32, #tpu.memory_space<vmem_shared>>
        %dma_start3A_64 = arith.constant 3456 : i32
        %dma_start3A_65 = arith.constant 0 : i32
        %dma_start3A_66 = tpu.memref_slice %arg9[%dma_start3A_64, %dma_start3A_65] : memref<3464x128xf32, #tpu.memory_space<vmem_shared>> -> memref<8x128xf32, #tpu.memory_space<vmem_shared>>
        %dma_start3A_67 = arith.constant 0 : i32
        %dma_start3A_68 = arith.constant 0 : i32
        %dma_start3A_69 = tpu.memref_slice %arg8[%dma_start3A_67, %dma_start3A_68] : memref<216x128xf32, #tpu.memory_space<vmem>> -> memref<8x128xf32, #tpu.memory_space<vmem>>
        tpu.enqueue_dma source(%dma_start3A_69 : memref<8x128xf32, #tpu.memory_space<vmem>>) target(%dma_start3A_66 : memref<8x128xf32, #tpu.memory_space<vmem_shared>>) target_semaphore(%run_scoped3A_58 : memref<!tpu.dma_semaphore, #tpu.memory_space<semaphore_mem>>)
        %dma_wait3A = arith.constant 0 : i32
        %dma_wait3A_70 = arith.constant 0 : i32
        %dma_wait3A_71 = tpu.memref_slice %arg8[%dma_wait3A, %dma_wait3A_70] : memref<216x128xf32, #tpu.memory_space<vmem>> -> memref<8x128xf32, #tpu.memory_space<vmem>>
        %dma_wait3A_72 = arith.constant 3456 : i32
        %dma_wait3A_73 = arith.constant 0 : i32
        %dma_wait3A_74 = tpu.memref_slice %arg9[%dma_wait3A_72, %dma_wait3A_73] : memref<3464x128xf32, #tpu.memory_space<vmem_shared>> -> memref<8x128xf32, #tpu.memory_space<vmem_shared>>
        %dma_wait3A_75 = arith.constant 3456 : i32
        %dma_wait3A_76 = arith.constant 0 : i32
        %dma_wait3A_77 = tpu.memref_slice %arg9[%dma_wait3A_75, %dma_wait3A_76] : memref<3464x128xf32, #tpu.memory_space<vmem_shared>> -> memref<8x128xf32, #tpu.memory_space<vmem_shared>>
        %dma_wait3A_78 = arith.constant 0 : i32
        %dma_wait3A_79 = arith.constant 0 : i32
        %dma_wait3A_80 = tpu.memref_slice %arg8[%dma_wait3A_78, %dma_wait3A_79] : memref<216x128xf32, #tpu.memory_space<vmem>> -> memref<8x128xf32, #tpu.memory_space<vmem>>
        tpu.wait_dma2 semaphore(%run_scoped3A_58 : memref<!tpu.dma_semaphore, #tpu.memory_space<semaphore_mem>>) src(%dma_wait3A_80 : memref<8x128xf32, #tpu.memory_space<vmem>>) dst(%dma_wait3A_77 : memref<8x128xf32, #tpu.memory_space<vmem_shared>>)
        tpu.yield
      }) : () -> ()
    } else {
    }
    %run_scoped3A = arith.constant 0 : i32
    "tpu.region"() ({
      %run_scoped3A_58 = tpu.sem_alloc : memref<!tpu.dma_semaphore, #tpu.memory_space<semaphore_mem>>
      %dma_start3A = arith.constant 0 : i32
      %dma_start3A_59 = arith.constant 0 : i32
      %dma_start3A_60 = tpu.memref_slice %arg2[%run_scoped3A, %arg0, %arg1, %dma_start3A, %dma_start3A_59] : memref<3x2x16x40x128xi32, #tpu.memory_space<hbm>> -> memref<1x1x1x40x128xi32, #tpu.memory_space<hbm>>
      %dma_start3A_61 = tpu.memref_squeeze %dma_start3A_60 : memref<1x1x1x40x128xi32, #tpu.memory_space<hbm>> -> memref<40x128xi32, #tpu.memory_space<hbm>>
      %dma_start3A_62 = arith.constant 0 : i32
      %dma_start3A_63 = arith.constant 0 : i32
      %dma_start3A_64 = tpu.memref_slice %arg2[%run_scoped3A, %arg0, %arg1, %dma_start3A_62, %dma_start3A_63] : memref<3x2x16x40x128xi32, #tpu.memory_space<hbm>> -> memref<1x1x1x40x128xi32, #tpu.memory_space<hbm>>
      %dma_start3A_65 = tpu.memref_squeeze %dma_start3A_64 : memref<1x1x1x40x128xi32, #tpu.memory_space<hbm>> -> memref<40x128xi32, #tpu.memory_space<hbm>>
      tpu.enqueue_dma source(%dma_start3A_65 : memref<40x128xi32, #tpu.memory_space<hbm>>) target(%arg6 : memref<40x128xi32, #tpu.memory_space<vmem>>) target_semaphore(%run_scoped3A_58 : memref<!tpu.dma_semaphore, #tpu.memory_space<semaphore_mem>>)
      %dma_wait3A = arith.constant 0 : i32
      %dma_wait3A_66 = arith.constant 0 : i32
      %dma_wait3A_67 = tpu.memref_slice %arg2[%run_scoped3A, %arg0, %arg1, %dma_wait3A, %dma_wait3A_66] : memref<3x2x16x40x128xi32, #tpu.memory_space<hbm>> -> memref<1x1x1x40x128xi32, #tpu.memory_space<hbm>>
      %dma_wait3A_68 = tpu.memref_squeeze %dma_wait3A_67 : memref<1x1x1x40x128xi32, #tpu.memory_space<hbm>> -> memref<40x128xi32, #tpu.memory_space<hbm>>
      %dma_wait3A_69 = arith.constant 0 : i32
      %dma_wait3A_70 = arith.constant 0 : i32
      %dma_wait3A_71 = tpu.memref_slice %arg2[%run_scoped3A, %arg0, %arg1, %dma_wait3A_69, %dma_wait3A_70] : memref<3x2x16x40x128xi32, #tpu.memory_space<hbm>> -> memref<1x1x1x40x128xi32, #tpu.memory_space<hbm>>
      %dma_wait3A_72 = tpu.memref_squeeze %dma_wait3A_71 : memref<1x1x1x40x128xi32, #tpu.memory_space<hbm>> -> memref<40x128xi32, #tpu.memory_space<hbm>>
      tpu.wait_dma2 semaphore(%run_scoped3A_58 : memref<!tpu.dma_semaphore, #tpu.memory_space<semaphore_mem>>) src(%dma_wait3A_72 : memref<40x128xi32, #tpu.memory_space<hbm>>) dst(%arg6 : memref<40x128xi32, #tpu.memory_space<vmem>>)
      tpu.yield
    }) : () -> ()
    %barrier3A = arith.constant 0 : index
    tpu.barrier barrier_id(%barrier3A)
    %scan3A = arith.constant 0 : i32
    %scan3A_3 = arith.constant 40 : i32
    %scan3A_4 = arith.addi %scan3A, %scan3A_3 : i32
    %scan3A_5 = arith.constant 1 : i32
    scf.for %scan3A_58 = %scan3A to %scan3A_4 step %scan3A_5  : i32 {
      %mul3A_59 = arith.constant 1 : i32
      %mul3A_60 = arith.muli %scan3A_58, %mul3A_59 : i32
      %add3A_61 = arith.constant 0 : i32
      %add3A_62 = arith.addi %add3A_61, %mul3A_60 : i32
      "tpu.region"() ({
        %run_scoped3A_63 = tpu.sem_alloc : memref<!tpu.dma_semaphore, #tpu.memory_space<semaphore_mem>>
        %dma_start3A = arith.constant 0 : i32
        %dma_start3A_64 = tpu.memref_slice %arg6[%add3A_62, %dma_start3A] : memref<40x128xi32, #tpu.memory_space<vmem>> -> memref<1x128xi32, #tpu.memory_space<vmem>>
        %dma_start3A_65 = tpu.memref_squeeze %dma_start3A_64 : memref<1x128xi32, #tpu.memory_space<vmem>> -> memref<128xi32, #tpu.memory_space<vmem>>
        %dma_start3A_66 = arith.constant 0 : i32
        %dma_start3A_67 = arith.constant 0 : i32
        %dma_start3A_68 = tpu.memref_slice %arg9[%dma_start3A_66, %dma_start3A_67] : memref<3464x128xf32, #tpu.memory_space<vmem_shared>> -> memref<3464x128xf32, #tpu.memory_space<vmem_shared>>
        tpu.enqueue_indirect_dma source(%arg7 : memref<128x128xf32, #tpu.memory_space<vmem>>) target(%dma_start3A_68 : memref<3464x128xf32, #tpu.memory_space<vmem_shared>>) offsets(%dma_start3A_65 : memref<128xi32, #tpu.memory_space<vmem>>) semaphore(%run_scoped3A_63 : memref<!tpu.dma_semaphore, #tpu.memory_space<semaphore_mem>>) {add = true}
        %dma_wait3A = arith.constant 0 : i32
        %dma_wait3A_69 = tpu.memref_slice %arg6[%add3A_62, %dma_wait3A] : memref<40x128xi32, #tpu.memory_space<vmem>> -> memref<1x128xi32, #tpu.memory_space<vmem>>
        %dma_wait3A_70 = tpu.memref_squeeze %dma_wait3A_69 : memref<1x128xi32, #tpu.memory_space<vmem>> -> memref<128xi32, #tpu.memory_space<vmem>>
        %dma_wait3A_71 = arith.constant 0 : i32
        %dma_wait3A_72 = arith.constant 0 : i32
        %dma_wait3A_73 = tpu.memref_slice %arg9[%dma_wait3A_71, %dma_wait3A_72] : memref<3464x128xf32, #tpu.memory_space<vmem_shared>> -> memref<3464x128xf32, #tpu.memory_space<vmem_shared>>
        tpu.wait_indirect_dma semaphore(%run_scoped3A_63 : memref<!tpu.dma_semaphore, #tpu.memory_space<semaphore_mem>>) src(%arg7 : memref<128x128xf32, #tpu.memory_space<vmem>>) dst(%dma_wait3A_73 : memref<3464x128xf32, #tpu.memory_space<vmem_shared>>)
        tpu.yield
      }) : () -> ()
    }
    %scan3A_6 = arith.constant 40 : i32
    %barrier3A_7 = arith.constant 0 : index
    tpu.barrier barrier_id(%barrier3A_7)
    %mul3A_8 = arith.constant 216 : i32
    %mul3A_9 = arith.muli %arg1, %mul3A_8 : i32
    %mul3A_10 = arith.constant 216 : i32
    %mul3A_11 = arith.muli %arg1, %mul3A_10 : i32
    %add3A = arith.constant 0 : i32
    %add3A_12 = arith.addi %add3A, %mul3A_11 : i32
    "tpu.region"() ({
      %run_scoped3A_58 = tpu.sem_alloc : memref<!tpu.dma_semaphore, #tpu.memory_space<semaphore_mem>>
      %dma_start3A = arith.constant 0 : i32
      %dma_start3A_59 = tpu.memref_slice %arg5[%arg0, %add3A_12, %dma_start3A] : memref<2x10368x128xf32, #tpu.memory_space<hbm>> -> memref<1x216x128xf32, #tpu.memory_space<hbm>>
      %dma_start3A_60 = tpu.memref_squeeze %dma_start3A_59 : memref<1x216x128xf32, #tpu.memory_space<hbm>> -> memref<216x128xf32, #tpu.memory_space<hbm>>
      %dma_start3A_61 = arith.constant 0 : i32
      %dma_start3A_62 = tpu.memref_slice %arg9[%mul3A_9, %dma_start3A_61] : memref<3464x128xf32, #tpu.memory_space<vmem_shared>> -> memref<216x128xf32, #tpu.memory_space<vmem_shared>>
      tpu.enqueue_dma source(%dma_start3A_62 : memref<216x128xf32, #tpu.memory_space<vmem_shared>>) target(%dma_start3A_60 : memref<216x128xf32, #tpu.memory_space<hbm>>) target_semaphore(%run_scoped3A_58 : memref<!tpu.dma_semaphore, #tpu.memory_space<semaphore_mem>>)
      %dma_wait3A = arith.constant 0 : i32
      %dma_wait3A_63 = tpu.memref_slice %arg5[%arg0, %add3A_12, %dma_wait3A] : memref<2x10368x128xf32, #tpu.memory_space<hbm>> -> memref<1x216x128xf32, #tpu.memory_space<hbm>>
      %dma_wait3A_64 = tpu.memref_squeeze %dma_wait3A_63 : memref<1x216x128xf32, #tpu.memory_space<hbm>> -> memref<216x128xf32, #tpu.memory_space<hbm>>
      %dma_wait3A_65 = arith.constant 0 : i32
      %dma_wait3A_66 = tpu.memref_slice %arg9[%mul3A_9, %dma_wait3A_65] : memref<3464x128xf32, #tpu.memory_space<vmem_shared>> -> memref<216x128xf32, #tpu.memory_space<vmem_shared>>
      tpu.wait_dma2 semaphore(%run_scoped3A_58 : memref<!tpu.dma_semaphore, #tpu.memory_space<semaphore_mem>>) src(%dma_wait3A_66 : memref<216x128xf32, #tpu.memory_space<vmem_shared>>) dst(%dma_wait3A_64 : memref<216x128xf32, #tpu.memory_space<hbm>>)
      tpu.yield
    }) : () -> ()
    %barrier3A_13 = arith.constant 0 : index
    tpu.barrier barrier_id(%barrier3A_13)
    %mul3A_14 = arith.constant 216 : i32
    %mul3A_15 = arith.muli %arg1, %mul3A_14 : i32
    "tpu.region"() ({
      %run_scoped3A_58 = tpu.sem_alloc : memref<!tpu.dma_semaphore, #tpu.memory_space<semaphore_mem>>
      %dma_start3A = arith.constant 0 : i32
      %dma_start3A_59 = tpu.memref_slice %arg9[%mul3A_15, %dma_start3A] : memref<3464x128xf32, #tpu.memory_space<vmem_shared>> -> memref<216x128xf32, #tpu.memory_space<vmem_shared>>
      %dma_start3A_60 = arith.constant 0 : i32
      %dma_start3A_61 = tpu.memref_slice %arg9[%mul3A_15, %dma_start3A_60] : memref<3464x128xf32, #tpu.memory_space<vmem_shared>> -> memref<216x128xf32, #tpu.memory_space<vmem_shared>>
      tpu.enqueue_dma source(%arg8 : memref<216x128xf32, #tpu.memory_space<vmem>>) target(%dma_start3A_61 : memref<216x128xf32, #tpu.memory_space<vmem_shared>>) target_semaphore(%run_scoped3A_58 : memref<!tpu.dma_semaphore, #tpu.memory_space<semaphore_mem>>)
      %dma_wait3A = arith.constant 0 : i32
      %dma_wait3A_62 = tpu.memref_slice %arg9[%mul3A_15, %dma_wait3A] : memref<3464x128xf32, #tpu.memory_space<vmem_shared>> -> memref<216x128xf32, #tpu.memory_space<vmem_shared>>
      %dma_wait3A_63 = arith.constant 0 : i32
      %dma_wait3A_64 = tpu.memref_slice %arg9[%mul3A_15, %dma_wait3A_63] : memref<3464x128xf32, #tpu.memory_space<vmem_shared>> -> memref<216x128xf32, #tpu.memory_space<vmem_shared>>
      tpu.wait_dma2 semaphore(%run_scoped3A_58 : memref<!tpu.dma_semaphore, #tpu.memory_space<semaphore_mem>>) src(%arg8 : memref<216x128xf32, #tpu.memory_space<vmem>>) dst(%dma_wait3A_64 : memref<216x128xf32, #tpu.memory_space<vmem_shared>>)
      tpu.yield
    }) : () -> ()
    %eq3A_16 = arith.constant 0 : i32
    %eq3A_17 = arith.cmpi eq, %arg1, %eq3A_16 : i32
    %convert_element_type3A_18 = arith.extui %eq3A_17 : i1 to i32
    %cond3A_19 = arith.constant 0 : i32
    %cond3A_20 = arith.cmpi ne, %convert_element_type3A_18, %cond3A_19 : i32
    scf.if %cond3A_20 {
      "tpu.region"() ({
        %run_scoped3A_58 = tpu.sem_alloc : memref<!tpu.dma_semaphore, #tpu.memory_space<semaphore_mem>>
        %dma_start3A = arith.constant 0 : i32
        %dma_start3A_59 = arith.constant 0 : i32
        %dma_start3A_60 = tpu.memref_slice %arg8[%dma_start3A, %dma_start3A_59] : memref<216x128xf32, #tpu.memory_space<vmem>> -> memref<8x128xf32, #tpu.memory_space<vmem>>
        %dma_start3A_61 = arith.constant 3456 : i32
        %dma_start3A_62 = arith.constant 0 : i32
        %dma_start3A_63 = tpu.memref_slice %arg9[%dma_start3A_61, %dma_start3A_62] : memref<3464x128xf32, #tpu.memory_space<vmem_shared>> -> memref<8x128xf32, #tpu.memory_space<vmem_shared>>
        %dma_start3A_64 = arith.constant 3456 : i32
        %dma_start3A_65 = arith.constant 0 : i32
        %dma_start3A_66 = tpu.memref_slice %arg9[%dma_start3A_64, %dma_start3A_65] : memref<3464x128xf32, #tpu.memory_space<vmem_shared>> -> memref<8x128xf32, #tpu.memory_space<vmem_shared>>
        %dma_start3A_67 = arith.constant 0 : i32
        %dma_start3A_68 = arith.constant 0 : i32
        %dma_start3A_69 = tpu.memref_slice %arg8[%dma_start3A_67, %dma_start3A_68] : memref<216x128xf32, #tpu.memory_space<vmem>> -> memref<8x128xf32, #tpu.memory_space<vmem>>
        tpu.enqueue_dma source(%dma_start3A_69 : memref<8x128xf32, #tpu.memory_space<vmem>>) target(%dma_start3A_66 : memref<8x128xf32, #tpu.memory_space<vmem_shared>>) target_semaphore(%run_scoped3A_58 : memref<!tpu.dma_semaphore, #tpu.memory_space<semaphore_mem>>)
        %dma_wait3A = arith.constant 0 : i32
        %dma_wait3A_70 = arith.constant 0 : i32
        %dma_wait3A_71 = tpu.memref_slice %arg8[%dma_wait3A, %dma_wait3A_70] : memref<216x128xf32, #tpu.memory_space<vmem>> -> memref<8x128xf32, #tpu.memory_space<vmem>>
        %dma_wait3A_72 = arith.constant 3456 : i32
        %dma_wait3A_73 = arith.constant 0 : i32
        %dma_wait3A_74 = tpu.memref_slice %arg9[%dma_wait3A_72, %dma_wait3A_73] : memref<3464x128xf32, #tpu.memory_space<vmem_shared>> -> memref<8x128xf32, #tpu.memory_space<vmem_shared>>
        %dma_wait3A_75 = arith.constant 3456 : i32
        %dma_wait3A_76 = arith.constant 0 : i32
        %dma_wait3A_77 = tpu.memref_slice %arg9[%dma_wait3A_75, %dma_wait3A_76] : memref<3464x128xf32, #tpu.memory_space<vmem_shared>> -> memref<8x128xf32, #tpu.memory_space<vmem_shared>>
        %dma_wait3A_78 = arith.constant 0 : i32
        %dma_wait3A_79 = arith.constant 0 : i32
        %dma_wait3A_80 = tpu.memref_slice %arg8[%dma_wait3A_78, %dma_wait3A_79] : memref<216x128xf32, #tpu.memory_space<vmem>> -> memref<8x128xf32, #tpu.memory_space<vmem>>
        tpu.wait_dma2 semaphore(%run_scoped3A_58 : memref<!tpu.dma_semaphore, #tpu.memory_space<semaphore_mem>>) src(%dma_wait3A_80 : memref<8x128xf32, #tpu.memory_space<vmem>>) dst(%dma_wait3A_77 : memref<8x128xf32, #tpu.memory_space<vmem_shared>>)
        tpu.yield
      }) : () -> ()
    } else {
    }
    %run_scoped3A_21 = arith.constant 1 : i32
    "tpu.region"() ({
      %run_scoped3A_58 = tpu.sem_alloc : memref<!tpu.dma_semaphore, #tpu.memory_space<semaphore_mem>>
      %dma_start3A = arith.constant 0 : i32
      %dma_start3A_59 = arith.constant 0 : i32
      %dma_start3A_60 = tpu.memref_slice %arg2[%run_scoped3A_21, %arg0, %arg1, %dma_start3A, %dma_start3A_59] : memref<3x2x16x40x128xi32, #tpu.memory_space<hbm>> -> memref<1x1x1x40x128xi32, #tpu.memory_space<hbm>>
      %dma_start3A_61 = tpu.memref_squeeze %dma_start3A_60 : memref<1x1x1x40x128xi32, #tpu.memory_space<hbm>> -> memref<40x128xi32, #tpu.memory_space<hbm>>
      %dma_start3A_62 = arith.constant 0 : i32
      %dma_start3A_63 = arith.constant 0 : i32
      %dma_start3A_64 = tpu.memref_slice %arg2[%run_scoped3A_21, %arg0, %arg1, %dma_start3A_62, %dma_start3A_63] : memref<3x2x16x40x128xi32, #tpu.memory_space<hbm>> -> memref<1x1x1x40x128xi32, #tpu.memory_space<hbm>>
      %dma_start3A_65 = tpu.memref_squeeze %dma_start3A_64 : memref<1x1x1x40x128xi32, #tpu.memory_space<hbm>> -> memref<40x128xi32, #tpu.memory_space<hbm>>
      tpu.enqueue_dma source(%dma_start3A_65 : memref<40x128xi32, #tpu.memory_space<hbm>>) target(%arg6 : memref<40x128xi32, #tpu.memory_space<vmem>>) target_semaphore(%run_scoped3A_58 : memref<!tpu.dma_semaphore, #tpu.memory_space<semaphore_mem>>)
      %dma_wait3A = arith.constant 0 : i32
      %dma_wait3A_66 = arith.constant 0 : i32
      %dma_wait3A_67 = tpu.memref_slice %arg2[%run_scoped3A_21, %arg0, %arg1, %dma_wait3A, %dma_wait3A_66] : memref<3x2x16x40x128xi32, #tpu.memory_space<hbm>> -> memref<1x1x1x40x128xi32, #tpu.memory_space<hbm>>
      %dma_wait3A_68 = tpu.memref_squeeze %dma_wait3A_67 : memref<1x1x1x40x128xi32, #tpu.memory_space<hbm>> -> memref<40x128xi32, #tpu.memory_space<hbm>>
      %dma_wait3A_69 = arith.constant 0 : i32
      %dma_wait3A_70 = arith.constant 0 : i32
      %dma_wait3A_71 = tpu.memref_slice %arg2[%run_scoped3A_21, %arg0, %arg1, %dma_wait3A_69, %dma_wait3A_70] : memref<3x2x16x40x128xi32, #tpu.memory_space<hbm>> -> memref<1x1x1x40x128xi32, #tpu.memory_space<hbm>>
      %dma_wait3A_72 = tpu.memref_squeeze %dma_wait3A_71 : memref<1x1x1x40x128xi32, #tpu.memory_space<hbm>> -> memref<40x128xi32, #tpu.memory_space<hbm>>
      tpu.wait_dma2 semaphore(%run_scoped3A_58 : memref<!tpu.dma_semaphore, #tpu.memory_space<semaphore_mem>>) src(%dma_wait3A_72 : memref<40x128xi32, #tpu.memory_space<hbm>>) dst(%arg6 : memref<40x128xi32, #tpu.memory_space<vmem>>)
      tpu.yield
    }) : () -> ()
    %barrier3A_22 = arith.constant 0 : index
    tpu.barrier barrier_id(%barrier3A_22)
    %scan3A_23 = arith.constant 0 : i32
    %scan3A_24 = arith.constant 40 : i32
    %scan3A_25 = arith.addi %scan3A_23, %scan3A_24 : i32
    %scan3A_26 = arith.constant 1 : i32
    scf.for %scan3A_58 = %scan3A_23 to %scan3A_25 step %scan3A_26  : i32 {
      %mul3A_59 = arith.constant 1 : i32
      %mul3A_60 = arith.muli %scan3A_58, %mul3A_59 : i32
      %add3A_61 = arith.constant 0 : i32
      %add3A_62 = arith.addi %add3A_61, %mul3A_60 : i32
      "tpu.region"() ({
        %run_scoped3A_63 = tpu.sem_alloc : memref<!tpu.dma_semaphore, #tpu.memory_space<semaphore_mem>>
        %dma_start3A = arith.constant 0 : i32
        %dma_start3A_64 = tpu.memref_slice %arg6[%add3A_62, %dma_start3A] : memref<40x128xi32, #tpu.memory_space<vmem>> -> memref<1x128xi32, #tpu.memory_space<vmem>>
        %dma_start3A_65 = tpu.memref_squeeze %dma_start3A_64 : memref<1x128xi32, #tpu.memory_space<vmem>> -> memref<128xi32, #tpu.memory_space<vmem>>
        %dma_start3A_66 = arith.constant 0 : i32
        %dma_start3A_67 = arith.constant 0 : i32
        %dma_start3A_68 = tpu.memref_slice %arg9[%dma_start3A_66, %dma_start3A_67] : memref<3464x128xf32, #tpu.memory_space<vmem_shared>> -> memref<3464x128xf32, #tpu.memory_space<vmem_shared>>
        tpu.enqueue_indirect_dma source(%arg7 : memref<128x128xf32, #tpu.memory_space<vmem>>) target(%dma_start3A_68 : memref<3464x128xf32, #tpu.memory_space<vmem_shared>>) offsets(%dma_start3A_65 : memref<128xi32, #tpu.memory_space<vmem>>) semaphore(%run_scoped3A_63 : memref<!tpu.dma_semaphore, #tpu.memory_space<semaphore_mem>>) {add = true}
        %dma_wait3A = arith.constant 0 : i32
        %dma_wait3A_69 = tpu.memref_slice %arg6[%add3A_62, %dma_wait3A] : memref<40x128xi32, #tpu.memory_space<vmem>> -> memref<1x128xi32, #tpu.memory_space<vmem>>
        %dma_wait3A_70 = tpu.memref_squeeze %dma_wait3A_69 : memref<1x128xi32, #tpu.memory_space<vmem>> -> memref<128xi32, #tpu.memory_space<vmem>>
        %dma_wait3A_71 = arith.constant 0 : i32
        %dma_wait3A_72 = arith.constant 0 : i32
        %dma_wait3A_73 = tpu.memref_slice %arg9[%dma_wait3A_71, %dma_wait3A_72] : memref<3464x128xf32, #tpu.memory_space<vmem_shared>> -> memref<3464x128xf32, #tpu.memory_space<vmem_shared>>
        tpu.wait_indirect_dma semaphore(%run_scoped3A_63 : memref<!tpu.dma_semaphore, #tpu.memory_space<semaphore_mem>>) src(%arg7 : memref<128x128xf32, #tpu.memory_space<vmem>>) dst(%dma_wait3A_73 : memref<3464x128xf32, #tpu.memory_space<vmem_shared>>)
        tpu.yield
      }) : () -> ()
    }
    %scan3A_27 = arith.constant 40 : i32
    %barrier3A_28 = arith.constant 0 : index
    tpu.barrier barrier_id(%barrier3A_28)
    %mul3A_29 = arith.constant 216 : i32
    %mul3A_30 = arith.muli %arg1, %mul3A_29 : i32
    %mul3A_31 = arith.constant 216 : i32
    %mul3A_32 = arith.muli %arg1, %mul3A_31 : i32
    %add3A_33 = arith.constant 3456 : i32
    %add3A_34 = arith.addi %add3A_33, %mul3A_32 : i32
    "tpu.region"() ({
      %run_scoped3A_58 = tpu.sem_alloc : memref<!tpu.dma_semaphore, #tpu.memory_space<semaphore_mem>>
      %dma_start3A = arith.constant 0 : i32
      %dma_start3A_59 = tpu.memref_slice %arg5[%arg0, %add3A_34, %dma_start3A] : memref<2x10368x128xf32, #tpu.memory_space<hbm>> -> memref<1x216x128xf32, #tpu.memory_space<hbm>>
      %dma_start3A_60 = tpu.memref_squeeze %dma_start3A_59 : memref<1x216x128xf32, #tpu.memory_space<hbm>> -> memref<216x128xf32, #tpu.memory_space<hbm>>
      %dma_start3A_61 = arith.constant 0 : i32
      %dma_start3A_62 = tpu.memref_slice %arg9[%mul3A_30, %dma_start3A_61] : memref<3464x128xf32, #tpu.memory_space<vmem_shared>> -> memref<216x128xf32, #tpu.memory_space<vmem_shared>>
      tpu.enqueue_dma source(%dma_start3A_62 : memref<216x128xf32, #tpu.memory_space<vmem_shared>>) target(%dma_start3A_60 : memref<216x128xf32, #tpu.memory_space<hbm>>) target_semaphore(%run_scoped3A_58 : memref<!tpu.dma_semaphore, #tpu.memory_space<semaphore_mem>>)
      %dma_wait3A = arith.constant 0 : i32
      %dma_wait3A_63 = tpu.memref_slice %arg5[%arg0, %add3A_34, %dma_wait3A] : memref<2x10368x128xf32, #tpu.memory_space<hbm>> -> memref<1x216x128xf32, #tpu.memory_space<hbm>>
      %dma_wait3A_64 = tpu.memref_squeeze %dma_wait3A_63 : memref<1x216x128xf32, #tpu.memory_space<hbm>> -> memref<216x128xf32, #tpu.memory_space<hbm>>
      %dma_wait3A_65 = arith.constant 0 : i32
      %dma_wait3A_66 = tpu.memref_slice %arg9[%mul3A_30, %dma_wait3A_65] : memref<3464x128xf32, #tpu.memory_space<vmem_shared>> -> memref<216x128xf32, #tpu.memory_space<vmem_shared>>
      tpu.wait_dma2 semaphore(%run_scoped3A_58 : memref<!tpu.dma_semaphore, #tpu.memory_space<semaphore_mem>>) src(%dma_wait3A_66 : memref<216x128xf32, #tpu.memory_space<vmem_shared>>) dst(%dma_wait3A_64 : memref<216x128xf32, #tpu.memory_space<hbm>>)
      tpu.yield
    }) : () -> ()
    %barrier3A_35 = arith.constant 0 : index
    tpu.barrier barrier_id(%barrier3A_35)
    %mul3A_36 = arith.constant 216 : i32
    %mul3A_37 = arith.muli %arg1, %mul3A_36 : i32
    "tpu.region"() ({
      %run_scoped3A_58 = tpu.sem_alloc : memref<!tpu.dma_semaphore, #tpu.memory_space<semaphore_mem>>
      %dma_start3A = arith.constant 0 : i32
      %dma_start3A_59 = tpu.memref_slice %arg9[%mul3A_37, %dma_start3A] : memref<3464x128xf32, #tpu.memory_space<vmem_shared>> -> memref<216x128xf32, #tpu.memory_space<vmem_shared>>
      %dma_start3A_60 = arith.constant 0 : i32
      %dma_start3A_61 = tpu.memref_slice %arg9[%mul3A_37, %dma_start3A_60] : memref<3464x128xf32, #tpu.memory_space<vmem_shared>> -> memref<216x128xf32, #tpu.memory_space<vmem_shared>>
      tpu.enqueue_dma source(%arg8 : memref<216x128xf32, #tpu.memory_space<vmem>>) target(%dma_start3A_61 : memref<216x128xf32, #tpu.memory_space<vmem_shared>>) target_semaphore(%run_scoped3A_58 : memref<!tpu.dma_semaphore, #tpu.memory_space<semaphore_mem>>)
      %dma_wait3A = arith.constant 0 : i32
      %dma_wait3A_62 = tpu.memref_slice %arg9[%mul3A_37, %dma_wait3A] : memref<3464x128xf32, #tpu.memory_space<vmem_shared>> -> memref<216x128xf32, #tpu.memory_space<vmem_shared>>
      %dma_wait3A_63 = arith.constant 0 : i32
      %dma_wait3A_64 = tpu.memref_slice %arg9[%mul3A_37, %dma_wait3A_63] : memref<3464x128xf32, #tpu.memory_space<vmem_shared>> -> memref<216x128xf32, #tpu.memory_space<vmem_shared>>
      tpu.wait_dma2 semaphore(%run_scoped3A_58 : memref<!tpu.dma_semaphore, #tpu.memory_space<semaphore_mem>>) src(%arg8 : memref<216x128xf32, #tpu.memory_space<vmem>>) dst(%dma_wait3A_64 : memref<216x128xf32, #tpu.memory_space<vmem_shared>>)
      tpu.yield
    }) : () -> ()
    %eq3A_38 = arith.constant 0 : i32
    %eq3A_39 = arith.cmpi eq, %arg1, %eq3A_38 : i32
    %convert_element_type3A_40 = arith.extui %eq3A_39 : i1 to i32
    %cond3A_41 = arith.constant 0 : i32
    %cond3A_42 = arith.cmpi ne, %convert_element_type3A_40, %cond3A_41 : i32
    scf.if %cond3A_42 {
      "tpu.region"() ({
        %run_scoped3A_58 = tpu.sem_alloc : memref<!tpu.dma_semaphore, #tpu.memory_space<semaphore_mem>>
        %dma_start3A = arith.constant 0 : i32
        %dma_start3A_59 = arith.constant 0 : i32
        %dma_start3A_60 = tpu.memref_slice %arg8[%dma_start3A, %dma_start3A_59] : memref<216x128xf32, #tpu.memory_space<vmem>> -> memref<8x128xf32, #tpu.memory_space<vmem>>
        %dma_start3A_61 = arith.constant 3456 : i32
        %dma_start3A_62 = arith.constant 0 : i32
        %dma_start3A_63 = tpu.memref_slice %arg9[%dma_start3A_61, %dma_start3A_62] : memref<3464x128xf32, #tpu.memory_space<vmem_shared>> -> memref<8x128xf32, #tpu.memory_space<vmem_shared>>
        %dma_start3A_64 = arith.constant 3456 : i32
        %dma_start3A_65 = arith.constant 0 : i32
        %dma_start3A_66 = tpu.memref_slice %arg9[%dma_start3A_64, %dma_start3A_65] : memref<3464x128xf32, #tpu.memory_space<vmem_shared>> -> memref<8x128xf32, #tpu.memory_space<vmem_shared>>
        %dma_start3A_67 = arith.constant 0 : i32
        %dma_start3A_68 = arith.constant 0 : i32
        %dma_start3A_69 = tpu.memref_slice %arg8[%dma_start3A_67, %dma_start3A_68] : memref<216x128xf32, #tpu.memory_space<vmem>> -> memref<8x128xf32, #tpu.memory_space<vmem>>
        tpu.enqueue_dma source(%dma_start3A_69 : memref<8x128xf32, #tpu.memory_space<vmem>>) target(%dma_start3A_66 : memref<8x128xf32, #tpu.memory_space<vmem_shared>>) target_semaphore(%run_scoped3A_58 : memref<!tpu.dma_semaphore, #tpu.memory_space<semaphore_mem>>)
        %dma_wait3A = arith.constant 0 : i32
        %dma_wait3A_70 = arith.constant 0 : i32
        %dma_wait3A_71 = tpu.memref_slice %arg8[%dma_wait3A, %dma_wait3A_70] : memref<216x128xf32, #tpu.memory_space<vmem>> -> memref<8x128xf32, #tpu.memory_space<vmem>>
        %dma_wait3A_72 = arith.constant 3456 : i32
        %dma_wait3A_73 = arith.constant 0 : i32
        %dma_wait3A_74 = tpu.memref_slice %arg9[%dma_wait3A_72, %dma_wait3A_73] : memref<3464x128xf32, #tpu.memory_space<vmem_shared>> -> memref<8x128xf32, #tpu.memory_space<vmem_shared>>
        %dma_wait3A_75 = arith.constant 3456 : i32
        %dma_wait3A_76 = arith.constant 0 : i32
        %dma_wait3A_77 = tpu.memref_slice %arg9[%dma_wait3A_75, %dma_wait3A_76] : memref<3464x128xf32, #tpu.memory_space<vmem_shared>> -> memref<8x128xf32, #tpu.memory_space<vmem_shared>>
        %dma_wait3A_78 = arith.constant 0 : i32
        %dma_wait3A_79 = arith.constant 0 : i32
        %dma_wait3A_80 = tpu.memref_slice %arg8[%dma_wait3A_78, %dma_wait3A_79] : memref<216x128xf32, #tpu.memory_space<vmem>> -> memref<8x128xf32, #tpu.memory_space<vmem>>
        tpu.wait_dma2 semaphore(%run_scoped3A_58 : memref<!tpu.dma_semaphore, #tpu.memory_space<semaphore_mem>>) src(%dma_wait3A_80 : memref<8x128xf32, #tpu.memory_space<vmem>>) dst(%dma_wait3A_77 : memref<8x128xf32, #tpu.memory_space<vmem_shared>>)
        tpu.yield
      }) : () -> ()
    } else {
    }
    %run_scoped3A_43 = arith.constant 2 : i32
    "tpu.region"() ({
      %run_scoped3A_58 = tpu.sem_alloc : memref<!tpu.dma_semaphore, #tpu.memory_space<semaphore_mem>>
      %dma_start3A = arith.constant 0 : i32
      %dma_start3A_59 = arith.constant 0 : i32
      %dma_start3A_60 = tpu.memref_slice %arg2[%run_scoped3A_43, %arg0, %arg1, %dma_start3A, %dma_start3A_59] : memref<3x2x16x40x128xi32, #tpu.memory_space<hbm>> -> memref<1x1x1x40x128xi32, #tpu.memory_space<hbm>>
      %dma_start3A_61 = tpu.memref_squeeze %dma_start3A_60 : memref<1x1x1x40x128xi32, #tpu.memory_space<hbm>> -> memref<40x128xi32, #tpu.memory_space<hbm>>
      %dma_start3A_62 = arith.constant 0 : i32
      %dma_start3A_63 = arith.constant 0 : i32
      %dma_start3A_64 = tpu.memref_slice %arg2[%run_scoped3A_43, %arg0, %arg1, %dma_start3A_62, %dma_start3A_63] : memref<3x2x16x40x128xi32, #tpu.memory_space<hbm>> -> memref<1x1x1x40x128xi32, #tpu.memory_space<hbm>>
      %dma_start3A_65 = tpu.memref_squeeze %dma_start3A_64 : memref<1x1x1x40x128xi32, #tpu.memory_space<hbm>> -> memref<40x128xi32, #tpu.memory_space<hbm>>
      tpu.enqueue_dma source(%dma_start3A_65 : memref<40x128xi32, #tpu.memory_space<hbm>>) target(%arg6 : memref<40x128xi32, #tpu.memory_space<vmem>>) target_semaphore(%run_scoped3A_58 : memref<!tpu.dma_semaphore, #tpu.memory_space<semaphore_mem>>)
      %dma_wait3A = arith.constant 0 : i32
      %dma_wait3A_66 = arith.constant 0 : i32
      %dma_wait3A_67 = tpu.memref_slice %arg2[%run_scoped3A_43, %arg0, %arg1, %dma_wait3A, %dma_wait3A_66] : memref<3x2x16x40x128xi32, #tpu.memory_space<hbm>> -> memref<1x1x1x40x128xi32, #tpu.memory_space<hbm>>
      %dma_wait3A_68 = tpu.memref_squeeze %dma_wait3A_67 : memref<1x1x1x40x128xi32, #tpu.memory_space<hbm>> -> memref<40x128xi32, #tpu.memory_space<hbm>>
      %dma_wait3A_69 = arith.constant 0 : i32
      %dma_wait3A_70 = arith.constant 0 : i32
      %dma_wait3A_71 = tpu.memref_slice %arg2[%run_scoped3A_43, %arg0, %arg1, %dma_wait3A_69, %dma_wait3A_70] : memref<3x2x16x40x128xi32, #tpu.memory_space<hbm>> -> memref<1x1x1x40x128xi32, #tpu.memory_space<hbm>>
      %dma_wait3A_72 = tpu.memref_squeeze %dma_wait3A_71 : memref<1x1x1x40x128xi32, #tpu.memory_space<hbm>> -> memref<40x128xi32, #tpu.memory_space<hbm>>
      tpu.wait_dma2 semaphore(%run_scoped3A_58 : memref<!tpu.dma_semaphore, #tpu.memory_space<semaphore_mem>>) src(%dma_wait3A_72 : memref<40x128xi32, #tpu.memory_space<hbm>>) dst(%arg6 : memref<40x128xi32, #tpu.memory_space<vmem>>)
      tpu.yield
    }) : () -> ()
    %barrier3A_44 = arith.constant 0 : index
    tpu.barrier barrier_id(%barrier3A_44)
    %scan3A_45 = arith.constant 0 : i32
    %scan3A_46 = arith.constant 40 : i32
    %scan3A_47 = arith.addi %scan3A_45, %scan3A_46 : i32
    %scan3A_48 = arith.constant 1 : i32
    scf.for %scan3A_58 = %scan3A_45 to %scan3A_47 step %scan3A_48  : i32 {
      %mul3A_59 = arith.constant 1 : i32
      %mul3A_60 = arith.muli %scan3A_58, %mul3A_59 : i32
      %add3A_61 = arith.constant 0 : i32
      %add3A_62 = arith.addi %add3A_61, %mul3A_60 : i32
      "tpu.region"() ({
        %run_scoped3A_63 = tpu.sem_alloc : memref<!tpu.dma_semaphore, #tpu.memory_space<semaphore_mem>>
        %dma_start3A = arith.constant 0 : i32
        %dma_start3A_64 = tpu.memref_slice %arg6[%add3A_62, %dma_start3A] : memref<40x128xi32, #tpu.memory_space<vmem>> -> memref<1x128xi32, #tpu.memory_space<vmem>>
        %dma_start3A_65 = tpu.memref_squeeze %dma_start3A_64 : memref<1x128xi32, #tpu.memory_space<vmem>> -> memref<128xi32, #tpu.memory_space<vmem>>
        %dma_start3A_66 = arith.constant 0 : i32
        %dma_start3A_67 = arith.constant 0 : i32
        %dma_start3A_68 = tpu.memref_slice %arg9[%dma_start3A_66, %dma_start3A_67] : memref<3464x128xf32, #tpu.memory_space<vmem_shared>> -> memref<3464x128xf32, #tpu.memory_space<vmem_shared>>
        tpu.enqueue_indirect_dma source(%arg7 : memref<128x128xf32, #tpu.memory_space<vmem>>) target(%dma_start3A_68 : memref<3464x128xf32, #tpu.memory_space<vmem_shared>>) offsets(%dma_start3A_65 : memref<128xi32, #tpu.memory_space<vmem>>) semaphore(%run_scoped3A_63 : memref<!tpu.dma_semaphore, #tpu.memory_space<semaphore_mem>>) {add = true}
        %dma_wait3A = arith.constant 0 : i32
        %dma_wait3A_69 = tpu.memref_slice %arg6[%add3A_62, %dma_wait3A] : memref<40x128xi32, #tpu.memory_space<vmem>> -> memref<1x128xi32, #tpu.memory_space<vmem>>
        %dma_wait3A_70 = tpu.memref_squeeze %dma_wait3A_69 : memref<1x128xi32, #tpu.memory_space<vmem>> -> memref<128xi32, #tpu.memory_space<vmem>>
        %dma_wait3A_71 = arith.constant 0 : i32
        %dma_wait3A_72 = arith.constant 0 : i32
        %dma_wait3A_73 = tpu.memref_slice %arg9[%dma_wait3A_71, %dma_wait3A_72] : memref<3464x128xf32, #tpu.memory_space<vmem_shared>> -> memref<3464x128xf32, #tpu.memory_space<vmem_shared>>
        tpu.wait_indirect_dma semaphore(%run_scoped3A_63 : memref<!tpu.dma_semaphore, #tpu.memory_space<semaphore_mem>>) src(%arg7 : memref<128x128xf32, #tpu.memory_space<vmem>>) dst(%dma_wait3A_73 : memref<3464x128xf32, #tpu.memory_space<vmem_shared>>)
        tpu.yield
      }) : () -> ()
    }
    %scan3A_49 = arith.constant 40 : i32
    %barrier3A_50 = arith.constant 0 : index
    tpu.barrier barrier_id(%barrier3A_50)
    %mul3A_51 = arith.constant 216 : i32
    %mul3A_52 = arith.muli %arg1, %mul3A_51 : i32
    %mul3A_53 = arith.constant 216 : i32
    %mul3A_54 = arith.muli %arg1, %mul3A_53 : i32
    %add3A_55 = arith.constant 6912 : i32
    %add3A_56 = arith.addi %add3A_55, %mul3A_54 : i32
    "tpu.region"() ({
      %run_scoped3A_58 = tpu.sem_alloc : memref<!tpu.dma_semaphore, #tpu.memory_space<semaphore_mem>>
      %dma_start3A = arith.constant 0 : i32
      %dma_start3A_59 = tpu.memref_slice %arg5[%arg0, %add3A_56, %dma_start3A] : memref<2x10368x128xf32, #tpu.memory_space<hbm>> -> memref<1x216x128xf32, #tpu.memory_space<hbm>>
      %dma_start3A_60 = tpu.memref_squeeze %dma_start3A_59 : memref<1x216x128xf32, #tpu.memory_space<hbm>> -> memref<216x128xf32, #tpu.memory_space<hbm>>
      %dma_start3A_61 = arith.constant 0 : i32
      %dma_start3A_62 = tpu.memref_slice %arg9[%mul3A_52, %dma_start3A_61] : memref<3464x128xf32, #tpu.memory_space<vmem_shared>> -> memref<216x128xf32, #tpu.memory_space<vmem_shared>>
      tpu.enqueue_dma source(%dma_start3A_62 : memref<216x128xf32, #tpu.memory_space<vmem_shared>>) target(%dma_start3A_60 : memref<216x128xf32, #tpu.memory_space<hbm>>) target_semaphore(%run_scoped3A_58 : memref<!tpu.dma_semaphore, #tpu.memory_space<semaphore_mem>>)
      %dma_wait3A = arith.constant 0 : i32
      %dma_wait3A_63 = tpu.memref_slice %arg5[%arg0, %add3A_56, %dma_wait3A] : memref<2x10368x128xf32, #tpu.memory_space<hbm>> -> memref<1x216x128xf32, #tpu.memory_space<hbm>>
      %dma_wait3A_64 = tpu.memref_squeeze %dma_wait3A_63 : memref<1x216x128xf32, #tpu.memory_space<hbm>> -> memref<216x128xf32, #tpu.memory_space<hbm>>
      %dma_wait3A_65 = arith.constant 0 : i32
      %dma_wait3A_66 = tpu.memref_slice %arg9[%mul3A_52, %dma_wait3A_65] : memref<3464x128xf32, #tpu.memory_space<vmem_shared>> -> memref<216x128xf32, #tpu.memory_space<vmem_shared>>
      tpu.wait_dma2 semaphore(%run_scoped3A_58 : memref<!tpu.dma_semaphore, #tpu.memory_space<semaphore_mem>>) src(%dma_wait3A_66 : memref<216x128xf32, #tpu.memory_space<vmem_shared>>) dst(%dma_wait3A_64 : memref<216x128xf32, #tpu.memory_space<hbm>>)
      tpu.yield
    }) : () -> ()
    %barrier3A_57 = arith.constant 0 : index
    tpu.barrier barrier_id(%barrier3A_57)
    return
  }
}

#map = affine_map<(d0, d1) -> (0, 0)>
#map1 = affine_map<(d0, d1) -> (0, 0, 0, 0)>
#map2 = affine_map<(d0, d1) -> (0, 0, 0)>
module attributes {stable_mosaic.version = 14 : i64} {
  func.func @agg_kernel(%arg0: i32, %arg1: i32, %arg2: memref<40000x128xf32, #tpu.memory_space<hbm>>, %arg3: memref<4x16x80x128xi32, #tpu.memory_space<hbm>>, %arg4: memref<3x16x80x128xi32, #tpu.memory_space<hbm>>, %arg5: memref<216x128xf32, #tpu.memory_space<hbm>>, %arg6: memref<4x10368x128xf32, #tpu.memory_space<hbm>>, %arg7: memref<80x128xi32, #tpu.memory_space<vmem>>, %arg8: memref<80x128xi32, #tpu.memory_space<vmem>>, %arg9: memref<2x128x128xf32, #tpu.memory_space<vmem>>, %arg10: memref<216x128xf32, #tpu.memory_space<vmem>>, %arg11: memref<3464x128xf32, #tpu.memory_space<vmem_shared>>, %arg12: memref<!tpu.dma_semaphore, #tpu.memory_space<semaphore_mem>>, %arg13: memref<!tpu.dma_semaphore, #tpu.memory_space<semaphore_mem>>, %arg14: memref<!tpu.dma_semaphore, #tpu.memory_space<semaphore_mem>>, %arg15: memref<!tpu.dma_semaphore, #tpu.memory_space<semaphore_mem>>) attributes {dimension_semantics = [#tpu.dimension_semantics<core_parallel>, #tpu.dimension_semantics<subcore_parallel>], iteration_bounds = array<i64: 2, 16>, scalar_prefetch = 0 : i64, scratch_operands = 9 : i64, tpu.core_type = #tpu.core_type<sc_vector_subcore>, window_params = [{transform_indices = #map}, {transform_indices = #map1}, {transform_indices = #map1}, {transform_indices = #map}, {transform_indices = #map2}]} {
    "tpu.region"() ({
      %run_scoped3A_434 = tpu.sem_alloc : memref<!tpu.dma_semaphore, #tpu.memory_space<semaphore_mem>>
      tpu.enqueue_dma source(%arg5 : memref<216x128xf32, #tpu.memory_space<hbm>>) target(%arg10 : memref<216x128xf32, #tpu.memory_space<vmem>>) target_semaphore(%run_scoped3A_434 : memref<!tpu.dma_semaphore, #tpu.memory_space<semaphore_mem>>)
      tpu.wait_dma2 semaphore(%run_scoped3A_434 : memref<!tpu.dma_semaphore, #tpu.memory_space<semaphore_mem>>) src(%arg5 : memref<216x128xf32, #tpu.memory_space<hbm>>) dst(%arg10 : memref<216x128xf32, #tpu.memory_space<vmem>>)
      tpu.yield
    }) : () -> ()
    %mul3A = arith.constant 2 : i32
    %mul3A_0 = arith.muli %arg0, %mul3A : i32
    %add3A = arith.constant 0 : i32
    %add3A_1 = arith.addi %mul3A_0, %add3A : i32
    %mul3A_2 = arith.constant 216 : i32
    %mul3A_3 = arith.muli %arg1, %mul3A_2 : i32
    "tpu.region"() ({
      %run_scoped3A_434 = tpu.sem_alloc : memref<!tpu.dma_semaphore, #tpu.memory_space<semaphore_mem>>
      %dma_start3A_435 = arith.constant 0 : i32
      %dma_start3A_436 = tpu.memref_slice %arg11[%mul3A_3, %dma_start3A_435] : memref<3464x128xf32, #tpu.memory_space<vmem_shared>> -> memref<216x128xf32, #tpu.memory_space<vmem_shared>>
      %dma_start3A_437 = arith.constant 0 : i32
      %dma_start3A_438 = tpu.memref_slice %arg11[%mul3A_3, %dma_start3A_437] : memref<3464x128xf32, #tpu.memory_space<vmem_shared>> -> memref<216x128xf32, #tpu.memory_space<vmem_shared>>
      tpu.enqueue_dma source(%arg10 : memref<216x128xf32, #tpu.memory_space<vmem>>) target(%dma_start3A_438 : memref<216x128xf32, #tpu.memory_space<vmem_shared>>) target_semaphore(%run_scoped3A_434 : memref<!tpu.dma_semaphore, #tpu.memory_space<semaphore_mem>>)
      %dma_wait3A_439 = arith.constant 0 : i32
      %dma_wait3A_440 = tpu.memref_slice %arg11[%mul3A_3, %dma_wait3A_439] : memref<3464x128xf32, #tpu.memory_space<vmem_shared>> -> memref<216x128xf32, #tpu.memory_space<vmem_shared>>
      %dma_wait3A_441 = arith.constant 0 : i32
      %dma_wait3A_442 = tpu.memref_slice %arg11[%mul3A_3, %dma_wait3A_441] : memref<3464x128xf32, #tpu.memory_space<vmem_shared>> -> memref<216x128xf32, #tpu.memory_space<vmem_shared>>
      tpu.wait_dma2 semaphore(%run_scoped3A_434 : memref<!tpu.dma_semaphore, #tpu.memory_space<semaphore_mem>>) src(%arg10 : memref<216x128xf32, #tpu.memory_space<vmem>>) dst(%dma_wait3A_442 : memref<216x128xf32, #tpu.memory_space<vmem_shared>>)
      tpu.yield
    }) : () -> ()
    %eq3A = arith.constant 0 : i32
    %eq3A_4 = arith.cmpi eq, %arg1, %eq3A : i32
    %convert_element_type3A = arith.extui %eq3A_4 : i1 to i32
    %cond3A = arith.constant 0 : i32
    %cond3A_5 = arith.cmpi ne, %convert_element_type3A, %cond3A : i32
    scf.if %cond3A_5 {
      "tpu.region"() ({
        %run_scoped3A_434 = tpu.sem_alloc : memref<!tpu.dma_semaphore, #tpu.memory_space<semaphore_mem>>
        %dma_start3A_435 = arith.constant 0 : i32
        %dma_start3A_436 = arith.constant 0 : i32
        %dma_start3A_437 = tpu.memref_slice %arg10[%dma_start3A_435, %dma_start3A_436] : memref<216x128xf32, #tpu.memory_space<vmem>> -> memref<8x128xf32, #tpu.memory_space<vmem>>
        %dma_start3A_438 = arith.constant 3456 : i32
        %dma_start3A_439 = arith.constant 0 : i32
        %dma_start3A_440 = tpu.memref_slice %arg11[%dma_start3A_438, %dma_start3A_439] : memref<3464x128xf32, #tpu.memory_space<vmem_shared>> -> memref<8x128xf32, #tpu.memory_space<vmem_shared>>
        %dma_start3A_441 = arith.constant 3456 : i32
        %dma_start3A_442 = arith.constant 0 : i32
        %dma_start3A_443 = tpu.memref_slice %arg11[%dma_start3A_441, %dma_start3A_442] : memref<3464x128xf32, #tpu.memory_space<vmem_shared>> -> memref<8x128xf32, #tpu.memory_space<vmem_shared>>
        %dma_start3A_444 = arith.constant 0 : i32
        %dma_start3A_445 = arith.constant 0 : i32
        %dma_start3A_446 = tpu.memref_slice %arg10[%dma_start3A_444, %dma_start3A_445] : memref<216x128xf32, #tpu.memory_space<vmem>> -> memref<8x128xf32, #tpu.memory_space<vmem>>
        tpu.enqueue_dma source(%dma_start3A_446 : memref<8x128xf32, #tpu.memory_space<vmem>>) target(%dma_start3A_443 : memref<8x128xf32, #tpu.memory_space<vmem_shared>>) target_semaphore(%run_scoped3A_434 : memref<!tpu.dma_semaphore, #tpu.memory_space<semaphore_mem>>)
        %dma_wait3A_447 = arith.constant 0 : i32
        %dma_wait3A_448 = arith.constant 0 : i32
        %dma_wait3A_449 = tpu.memref_slice %arg10[%dma_wait3A_447, %dma_wait3A_448] : memref<216x128xf32, #tpu.memory_space<vmem>> -> memref<8x128xf32, #tpu.memory_space<vmem>>
        %dma_wait3A_450 = arith.constant 3456 : i32
        %dma_wait3A_451 = arith.constant 0 : i32
        %dma_wait3A_452 = tpu.memref_slice %arg11[%dma_wait3A_450, %dma_wait3A_451] : memref<3464x128xf32, #tpu.memory_space<vmem_shared>> -> memref<8x128xf32, #tpu.memory_space<vmem_shared>>
        %dma_wait3A_453 = arith.constant 3456 : i32
        %dma_wait3A_454 = arith.constant 0 : i32
        %dma_wait3A_455 = tpu.memref_slice %arg11[%dma_wait3A_453, %dma_wait3A_454] : memref<3464x128xf32, #tpu.memory_space<vmem_shared>> -> memref<8x128xf32, #tpu.memory_space<vmem_shared>>
        %dma_wait3A_456 = arith.constant 0 : i32
        %dma_wait3A_457 = arith.constant 0 : i32
        %dma_wait3A_458 = tpu.memref_slice %arg10[%dma_wait3A_456, %dma_wait3A_457] : memref<216x128xf32, #tpu.memory_space<vmem>> -> memref<8x128xf32, #tpu.memory_space<vmem>>
        tpu.wait_dma2 semaphore(%run_scoped3A_434 : memref<!tpu.dma_semaphore, #tpu.memory_space<semaphore_mem>>) src(%dma_wait3A_458 : memref<8x128xf32, #tpu.memory_space<vmem>>) dst(%dma_wait3A_455 : memref<8x128xf32, #tpu.memory_space<vmem_shared>>)
        tpu.yield
      }) : () -> ()
    } else {
    }
    %run_scoped3A = arith.constant 0 : i32
    "tpu.region"() ({
      %run_scoped3A_434 = tpu.sem_alloc : memref<!tpu.dma_semaphore, #tpu.memory_space<semaphore_mem>>
      %dma_start3A_435 = arith.constant 0 : i32
      %dma_start3A_436 = arith.constant 0 : i32
      %dma_start3A_437 = tpu.memref_slice %arg4[%run_scoped3A, %arg1, %dma_start3A_435, %dma_start3A_436] : memref<3x16x80x128xi32, #tpu.memory_space<hbm>> -> memref<1x1x80x128xi32, #tpu.memory_space<hbm>>
      %dma_start3A_438 = tpu.memref_squeeze %dma_start3A_437 : memref<1x1x80x128xi32, #tpu.memory_space<hbm>> -> memref<80x128xi32, #tpu.memory_space<hbm>>
      %dma_start3A_439 = arith.constant 0 : i32
      %dma_start3A_440 = arith.constant 0 : i32
      %dma_start3A_441 = tpu.memref_slice %arg4[%run_scoped3A, %arg1, %dma_start3A_439, %dma_start3A_440] : memref<3x16x80x128xi32, #tpu.memory_space<hbm>> -> memref<1x1x80x128xi32, #tpu.memory_space<hbm>>
      %dma_start3A_442 = tpu.memref_squeeze %dma_start3A_441 : memref<1x1x80x128xi32, #tpu.memory_space<hbm>> -> memref<80x128xi32, #tpu.memory_space<hbm>>
      tpu.enqueue_dma source(%dma_start3A_442 : memref<80x128xi32, #tpu.memory_space<hbm>>) target(%arg8 : memref<80x128xi32, #tpu.memory_space<vmem>>) target_semaphore(%run_scoped3A_434 : memref<!tpu.dma_semaphore, #tpu.memory_space<semaphore_mem>>)
      %dma_wait3A_443 = arith.constant 0 : i32
      %dma_wait3A_444 = arith.constant 0 : i32
      %dma_wait3A_445 = tpu.memref_slice %arg4[%run_scoped3A, %arg1, %dma_wait3A_443, %dma_wait3A_444] : memref<3x16x80x128xi32, #tpu.memory_space<hbm>> -> memref<1x1x80x128xi32, #tpu.memory_space<hbm>>
      %dma_wait3A_446 = tpu.memref_squeeze %dma_wait3A_445 : memref<1x1x80x128xi32, #tpu.memory_space<hbm>> -> memref<80x128xi32, #tpu.memory_space<hbm>>
      %dma_wait3A_447 = arith.constant 0 : i32
      %dma_wait3A_448 = arith.constant 0 : i32
      %dma_wait3A_449 = tpu.memref_slice %arg4[%run_scoped3A, %arg1, %dma_wait3A_447, %dma_wait3A_448] : memref<3x16x80x128xi32, #tpu.memory_space<hbm>> -> memref<1x1x80x128xi32, #tpu.memory_space<hbm>>
      %dma_wait3A_450 = tpu.memref_squeeze %dma_wait3A_449 : memref<1x1x80x128xi32, #tpu.memory_space<hbm>> -> memref<80x128xi32, #tpu.memory_space<hbm>>
      tpu.wait_dma2 semaphore(%run_scoped3A_434 : memref<!tpu.dma_semaphore, #tpu.memory_space<semaphore_mem>>) src(%dma_wait3A_450 : memref<80x128xi32, #tpu.memory_space<hbm>>) dst(%arg8 : memref<80x128xi32, #tpu.memory_space<vmem>>)
      tpu.yield
    }) : () -> ()
    "tpu.region"() ({
      %run_scoped3A_434 = tpu.sem_alloc : memref<!tpu.dma_semaphore, #tpu.memory_space<semaphore_mem>>
      %dma_start3A_435 = arith.constant 0 : i32
      %dma_start3A_436 = arith.constant 0 : i32
      %dma_start3A_437 = tpu.memref_slice %arg3[%add3A_1, %arg1, %dma_start3A_435, %dma_start3A_436] : memref<4x16x80x128xi32, #tpu.memory_space<hbm>> -> memref<1x1x80x128xi32, #tpu.memory_space<hbm>>
      %dma_start3A_438 = tpu.memref_squeeze %dma_start3A_437 : memref<1x1x80x128xi32, #tpu.memory_space<hbm>> -> memref<80x128xi32, #tpu.memory_space<hbm>>
      %dma_start3A_439 = arith.constant 0 : i32
      %dma_start3A_440 = arith.constant 0 : i32
      %dma_start3A_441 = tpu.memref_slice %arg3[%add3A_1, %arg1, %dma_start3A_439, %dma_start3A_440] : memref<4x16x80x128xi32, #tpu.memory_space<hbm>> -> memref<1x1x80x128xi32, #tpu.memory_space<hbm>>
      %dma_start3A_442 = tpu.memref_squeeze %dma_start3A_441 : memref<1x1x80x128xi32, #tpu.memory_space<hbm>> -> memref<80x128xi32, #tpu.memory_space<hbm>>
      tpu.enqueue_dma source(%dma_start3A_442 : memref<80x128xi32, #tpu.memory_space<hbm>>) target(%arg7 : memref<80x128xi32, #tpu.memory_space<vmem>>) target_semaphore(%run_scoped3A_434 : memref<!tpu.dma_semaphore, #tpu.memory_space<semaphore_mem>>)
      %dma_wait3A_443 = arith.constant 0 : i32
      %dma_wait3A_444 = arith.constant 0 : i32
      %dma_wait3A_445 = tpu.memref_slice %arg3[%add3A_1, %arg1, %dma_wait3A_443, %dma_wait3A_444] : memref<4x16x80x128xi32, #tpu.memory_space<hbm>> -> memref<1x1x80x128xi32, #tpu.memory_space<hbm>>
      %dma_wait3A_446 = tpu.memref_squeeze %dma_wait3A_445 : memref<1x1x80x128xi32, #tpu.memory_space<hbm>> -> memref<80x128xi32, #tpu.memory_space<hbm>>
      %dma_wait3A_447 = arith.constant 0 : i32
      %dma_wait3A_448 = arith.constant 0 : i32
      %dma_wait3A_449 = tpu.memref_slice %arg3[%add3A_1, %arg1, %dma_wait3A_447, %dma_wait3A_448] : memref<4x16x80x128xi32, #tpu.memory_space<hbm>> -> memref<1x1x80x128xi32, #tpu.memory_space<hbm>>
      %dma_wait3A_450 = tpu.memref_squeeze %dma_wait3A_449 : memref<1x1x80x128xi32, #tpu.memory_space<hbm>> -> memref<80x128xi32, #tpu.memory_space<hbm>>
      tpu.wait_dma2 semaphore(%run_scoped3A_434 : memref<!tpu.dma_semaphore, #tpu.memory_space<semaphore_mem>>) src(%dma_wait3A_450 : memref<80x128xi32, #tpu.memory_space<hbm>>) dst(%arg7 : memref<80x128xi32, #tpu.memory_space<vmem>>)
      tpu.yield
    }) : () -> ()
    %dma_start3A = arith.constant 0 : i32
    %dma_start3A_6 = arith.constant 0 : i32
    %dma_start3A_7 = arith.constant 0 : i32
    %dma_start3A_8 = arith.constant 0 : i32
    %dma_start3A_9 = tpu.memref_slice %arg9[%dma_start3A_6, %dma_start3A_7, %dma_start3A_8] : memref<2x128x128xf32, #tpu.memory_space<vmem>> -> memref<1x128x128xf32, #tpu.memory_space<vmem>>
    %dma_start3A_10 = tpu.memref_squeeze %dma_start3A_9 : memref<1x128x128xf32, #tpu.memory_space<vmem>> -> memref<128x128xf32, #tpu.memory_space<vmem>>
    %dma_start3A_11 = arith.constant 0 : i32
    %dma_start3A_12 = tpu.memref_slice %arg7[%dma_start3A, %dma_start3A_11] : memref<80x128xi32, #tpu.memory_space<vmem>> -> memref<1x128xi32, #tpu.memory_space<vmem>>
    %dma_start3A_13 = tpu.memref_squeeze %dma_start3A_12 : memref<1x128xi32, #tpu.memory_space<vmem>> -> memref<128xi32, #tpu.memory_space<vmem>>
    %dma_start3A_14 = arith.constant 0 : i32
    %dma_start3A_15 = arith.constant 0 : i32
    %dma_start3A_16 = tpu.memref_slice %arg2[%dma_start3A_14, %dma_start3A_15] : memref<40000x128xf32, #tpu.memory_space<hbm>> -> memref<40000x128xf32, #tpu.memory_space<hbm>>
    tpu.enqueue_indirect_dma source(%dma_start3A_16 : memref<40000x128xf32, #tpu.memory_space<hbm>>) target(%dma_start3A_10 : memref<128x128xf32, #tpu.memory_space<vmem>>) offsets(%dma_start3A_13 : memref<128xi32, #tpu.memory_space<vmem>>) semaphore(%arg12 : memref<!tpu.dma_semaphore, #tpu.memory_space<semaphore_mem>>)
    %dma_start3A_17 = arith.constant 1 : i32
    %dma_start3A_18 = arith.constant 1 : i32
    %dma_start3A_19 = arith.constant 0 : i32
    %dma_start3A_20 = arith.constant 0 : i32
    %dma_start3A_21 = tpu.memref_slice %arg9[%dma_start3A_18, %dma_start3A_19, %dma_start3A_20] : memref<2x128x128xf32, #tpu.memory_space<vmem>> -> memref<1x128x128xf32, #tpu.memory_space<vmem>>
    %dma_start3A_22 = tpu.memref_squeeze %dma_start3A_21 : memref<1x128x128xf32, #tpu.memory_space<vmem>> -> memref<128x128xf32, #tpu.memory_space<vmem>>
    %dma_start3A_23 = arith.constant 0 : i32
    %dma_start3A_24 = tpu.memref_slice %arg7[%dma_start3A_17, %dma_start3A_23] : memref<80x128xi32, #tpu.memory_space<vmem>> -> memref<1x128xi32, #tpu.memory_space<vmem>>
    %dma_start3A_25 = tpu.memref_squeeze %dma_start3A_24 : memref<1x128xi32, #tpu.memory_space<vmem>> -> memref<128xi32, #tpu.memory_space<vmem>>
    %dma_start3A_26 = arith.constant 0 : i32
    %dma_start3A_27 = arith.constant 0 : i32
    %dma_start3A_28 = tpu.memref_slice %arg2[%dma_start3A_26, %dma_start3A_27] : memref<40000x128xf32, #tpu.memory_space<hbm>> -> memref<40000x128xf32, #tpu.memory_space<hbm>>
    tpu.enqueue_indirect_dma source(%dma_start3A_28 : memref<40000x128xf32, #tpu.memory_space<hbm>>) target(%dma_start3A_22 : memref<128x128xf32, #tpu.memory_space<vmem>>) offsets(%dma_start3A_25 : memref<128xi32, #tpu.memory_space<vmem>>) semaphore(%arg13 : memref<!tpu.dma_semaphore, #tpu.memory_space<semaphore_mem>>)
    %barrier3A = arith.constant 0 : index
    tpu.barrier barrier_id(%barrier3A)
    %scan3A = arith.constant 0 : i32
    %scan3A_29 = arith.constant 40 : i32
    %scan3A_30 = arith.addi %scan3A, %scan3A_29 : i32
    %scan3A_31 = arith.constant 1 : i32
    scf.for %scan3A_434 = %scan3A to %scan3A_30 step %scan3A_31  : i32 {
      %mul3A_435 = arith.constant 2 : i32
      %mul3A_436 = arith.muli %scan3A_434, %mul3A_435 : i32
      %add3A_437 = arith.constant 0 : i32
      %add3A_438 = arith.addi %add3A_437, %mul3A_436 : i32
      %add3A_439 = arith.constant 0 : i32
      %add3A_440 = arith.addi %add3A_438, %add3A_439 : i32
      %dma_wait3A_441 = arith.constant 0 : i32
      %dma_wait3A_442 = arith.constant 0 : i32
      %dma_wait3A_443 = arith.constant 0 : i32
      %dma_wait3A_444 = tpu.memref_slice %arg9[%dma_wait3A_441, %dma_wait3A_442, %dma_wait3A_443] : memref<2x128x128xf32, #tpu.memory_space<vmem>> -> memref<1x128x128xf32, #tpu.memory_space<vmem>>
      %dma_wait3A_445 = tpu.memref_squeeze %dma_wait3A_444 : memref<1x128x128xf32, #tpu.memory_space<vmem>> -> memref<128x128xf32, #tpu.memory_space<vmem>>
      %dma_wait3A_446 = arith.constant 0 : i32
      %dma_wait3A_447 = tpu.memref_slice %arg7[%add3A_440, %dma_wait3A_446] : memref<80x128xi32, #tpu.memory_space<vmem>> -> memref<1x128xi32, #tpu.memory_space<vmem>>
      %dma_wait3A_448 = tpu.memref_squeeze %dma_wait3A_447 : memref<1x128xi32, #tpu.memory_space<vmem>> -> memref<128xi32, #tpu.memory_space<vmem>>
      %dma_wait3A_449 = arith.constant 0 : i32
      %dma_wait3A_450 = arith.constant 0 : i32
      %dma_wait3A_451 = tpu.memref_slice %arg2[%dma_wait3A_449, %dma_wait3A_450] : memref<40000x128xf32, #tpu.memory_space<hbm>> -> memref<40000x128xf32, #tpu.memory_space<hbm>>
      tpu.wait_indirect_dma semaphore(%arg12 : memref<!tpu.dma_semaphore, #tpu.memory_space<semaphore_mem>>) src(%dma_wait3A_451 : memref<40000x128xf32, #tpu.memory_space<hbm>>) dst(%dma_wait3A_445 : memref<128x128xf32, #tpu.memory_space<vmem>>)
      %add3A_452 = arith.constant 0 : i32
      %add3A_453 = arith.addi %add3A_438, %add3A_452 : i32
      %dma_start3A_454 = arith.constant 0 : i32
      %dma_start3A_455 = arith.constant 0 : i32
      %dma_start3A_456 = arith.constant 0 : i32
      %dma_start3A_457 = tpu.memref_slice %arg9[%dma_start3A_454, %dma_start3A_455, %dma_start3A_456] : memref<2x128x128xf32, #tpu.memory_space<vmem>> -> memref<1x128x128xf32, #tpu.memory_space<vmem>>
      %dma_start3A_458 = tpu.memref_squeeze %dma_start3A_457 : memref<1x128x128xf32, #tpu.memory_space<vmem>> -> memref<128x128xf32, #tpu.memory_space<vmem>>
      %dma_start3A_459 = arith.constant 0 : i32
      %dma_start3A_460 = tpu.memref_slice %arg8[%add3A_453, %dma_start3A_459] : memref<80x128xi32, #tpu.memory_space<vmem>> -> memref<1x128xi32, #tpu.memory_space<vmem>>
      %dma_start3A_461 = tpu.memref_squeeze %dma_start3A_460 : memref<1x128xi32, #tpu.memory_space<vmem>> -> memref<128xi32, #tpu.memory_space<vmem>>
      %dma_start3A_462 = arith.constant 0 : i32
      %dma_start3A_463 = arith.constant 0 : i32
      %dma_start3A_464 = tpu.memref_slice %arg11[%dma_start3A_462, %dma_start3A_463] : memref<3464x128xf32, #tpu.memory_space<vmem_shared>> -> memref<3464x128xf32, #tpu.memory_space<vmem_shared>>
      tpu.enqueue_indirect_dma source(%dma_start3A_458 : memref<128x128xf32, #tpu.memory_space<vmem>>) target(%dma_start3A_464 : memref<3464x128xf32, #tpu.memory_space<vmem_shared>>) offsets(%dma_start3A_461 : memref<128xi32, #tpu.memory_space<vmem>>) semaphore(%arg14 : memref<!tpu.dma_semaphore, #tpu.memory_space<semaphore_mem>>) {add = true}
      %add3A_465 = arith.constant 1 : i32
      %add3A_466 = arith.addi %add3A_438, %add3A_465 : i32
      %dma_wait3A_467 = arith.constant 1 : i32
      %dma_wait3A_468 = arith.constant 0 : i32
      %dma_wait3A_469 = arith.constant 0 : i32
      %dma_wait3A_470 = tpu.memref_slice %arg9[%dma_wait3A_467, %dma_wait3A_468, %dma_wait3A_469] : memref<2x128x128xf32, #tpu.memory_space<vmem>> -> memref<1x128x128xf32, #tpu.memory_space<vmem>>
      %dma_wait3A_471 = tpu.memref_squeeze %dma_wait3A_470 : memref<1x128x128xf32, #tpu.memory_space<vmem>> -> memref<128x128xf32, #tpu.memory_space<vmem>>
      %dma_wait3A_472 = arith.constant 0 : i32
      %dma_wait3A_473 = tpu.memref_slice %arg7[%add3A_466, %dma_wait3A_472] : memref<80x128xi32, #tpu.memory_space<vmem>> -> memref<1x128xi32, #tpu.memory_space<vmem>>
      %dma_wait3A_474 = tpu.memref_squeeze %dma_wait3A_473 : memref<1x128xi32, #tpu.memory_space<vmem>> -> memref<128xi32, #tpu.memory_space<vmem>>
      %dma_wait3A_475 = arith.constant 0 : i32
      %dma_wait3A_476 = arith.constant 0 : i32
      %dma_wait3A_477 = tpu.memref_slice %arg2[%dma_wait3A_475, %dma_wait3A_476] : memref<40000x128xf32, #tpu.memory_space<hbm>> -> memref<40000x128xf32, #tpu.memory_space<hbm>>
      tpu.wait_indirect_dma semaphore(%arg13 : memref<!tpu.dma_semaphore, #tpu.memory_space<semaphore_mem>>) src(%dma_wait3A_477 : memref<40000x128xf32, #tpu.memory_space<hbm>>) dst(%dma_wait3A_471 : memref<128x128xf32, #tpu.memory_space<vmem>>)
      %add3A_478 = arith.constant 1 : i32
      %add3A_479 = arith.addi %add3A_438, %add3A_478 : i32
      %dma_start3A_480 = arith.constant 1 : i32
      %dma_start3A_481 = arith.constant 0 : i32
      %dma_start3A_482 = arith.constant 0 : i32
      %dma_start3A_483 = tpu.memref_slice %arg9[%dma_start3A_480, %dma_start3A_481, %dma_start3A_482] : memref<2x128x128xf32, #tpu.memory_space<vmem>> -> memref<1x128x128xf32, #tpu.memory_space<vmem>>
      %dma_start3A_484 = tpu.memref_squeeze %dma_start3A_483 : memref<1x128x128xf32, #tpu.memory_space<vmem>> -> memref<128x128xf32, #tpu.memory_space<vmem>>
      %dma_start3A_485 = arith.constant 0 : i32
      %dma_start3A_486 = tpu.memref_slice %arg8[%add3A_479, %dma_start3A_485] : memref<80x128xi32, #tpu.memory_space<vmem>> -> memref<1x128xi32, #tpu.memory_space<vmem>>
      %dma_start3A_487 = tpu.memref_squeeze %dma_start3A_486 : memref<1x128xi32, #tpu.memory_space<vmem>> -> memref<128xi32, #tpu.memory_space<vmem>>
      %dma_start3A_488 = arith.constant 0 : i32
      %dma_start3A_489 = arith.constant 0 : i32
      %dma_start3A_490 = tpu.memref_slice %arg11[%dma_start3A_488, %dma_start3A_489] : memref<3464x128xf32, #tpu.memory_space<vmem_shared>> -> memref<3464x128xf32, #tpu.memory_space<vmem_shared>>
      tpu.enqueue_indirect_dma source(%dma_start3A_484 : memref<128x128xf32, #tpu.memory_space<vmem>>) target(%dma_start3A_490 : memref<3464x128xf32, #tpu.memory_space<vmem_shared>>) offsets(%dma_start3A_487 : memref<128xi32, #tpu.memory_space<vmem>>) semaphore(%arg15 : memref<!tpu.dma_semaphore, #tpu.memory_space<semaphore_mem>>) {add = true}
      %add3A_491 = arith.constant 2 : i32
      %add3A_492 = arith.addi %add3A_438, %add3A_491 : i32
      %lt3A = arith.constant 80 : i32
      %lt3A_493 = arith.cmpi slt, %add3A_492, %lt3A : i32
      %convert_element_type3A_494 = arith.extui %lt3A_493 : i1 to i32
      %cond3A_495 = arith.constant 0 : i32
      %cond3A_496 = arith.cmpi ne, %convert_element_type3A_494, %cond3A_495 : i32
      scf.if %cond3A_496 {
        %add3A_497 = arith.constant 0 : i32
        %add3A_498 = arith.addi %add3A_438, %add3A_497 : i32
        %dma_wait3A_499 = arith.constant 0 : i32
        %dma_wait3A_500 = arith.constant 0 : i32
        %dma_wait3A_501 = arith.constant 0 : i32
        %dma_wait3A_502 = tpu.memref_slice %arg9[%dma_wait3A_499, %dma_wait3A_500, %dma_wait3A_501] : memref<2x128x128xf32, #tpu.memory_space<vmem>> -> memref<1x128x128xf32, #tpu.memory_space<vmem>>
        %dma_wait3A_503 = tpu.memref_squeeze %dma_wait3A_502 : memref<1x128x128xf32, #tpu.memory_space<vmem>> -> memref<128x128xf32, #tpu.memory_space<vmem>>
        %dma_wait3A_504 = arith.constant 0 : i32
        %dma_wait3A_505 = tpu.memref_slice %arg8[%add3A_498, %dma_wait3A_504] : memref<80x128xi32, #tpu.memory_space<vmem>> -> memref<1x128xi32, #tpu.memory_space<vmem>>
        %dma_wait3A_506 = tpu.memref_squeeze %dma_wait3A_505 : memref<1x128xi32, #tpu.memory_space<vmem>> -> memref<128xi32, #tpu.memory_space<vmem>>
        %dma_wait3A_507 = arith.constant 0 : i32
        %dma_wait3A_508 = arith.constant 0 : i32
        %dma_wait3A_509 = tpu.memref_slice %arg11[%dma_wait3A_507, %dma_wait3A_508] : memref<3464x128xf32, #tpu.memory_space<vmem_shared>> -> memref<3464x128xf32, #tpu.memory_space<vmem_shared>>
        tpu.wait_indirect_dma semaphore(%arg14 : memref<!tpu.dma_semaphore, #tpu.memory_space<semaphore_mem>>) src(%dma_wait3A_503 : memref<128x128xf32, #tpu.memory_space<vmem>>) dst(%dma_wait3A_509 : memref<3464x128xf32, #tpu.memory_space<vmem_shared>>)
        %add3A_510 = arith.constant 2 : i32
        %add3A_511 = arith.addi %add3A_438, %add3A_510 : i32
        %add3A_512 = arith.constant 0 : i32
        %add3A_513 = arith.addi %add3A_511, %add3A_512 : i32
        %dma_start3A_514 = arith.constant 0 : i32
        %dma_start3A_515 = arith.constant 0 : i32
        %dma_start3A_516 = arith.constant 0 : i32
        %dma_start3A_517 = tpu.memref_slice %arg9[%dma_start3A_514, %dma_start3A_515, %dma_start3A_516] : memref<2x128x128xf32, #tpu.memory_space<vmem>> -> memref<1x128x128xf32, #tpu.memory_space<vmem>>
        %dma_start3A_518 = tpu.memref_squeeze %dma_start3A_517 : memref<1x128x128xf32, #tpu.memory_space<vmem>> -> memref<128x128xf32, #tpu.memory_space<vmem>>
        %dma_start3A_519 = arith.constant 0 : i32
        %dma_start3A_520 = tpu.memref_slice %arg7[%add3A_513, %dma_start3A_519] : memref<80x128xi32, #tpu.memory_space<vmem>> -> memref<1x128xi32, #tpu.memory_space<vmem>>
        %dma_start3A_521 = tpu.memref_squeeze %dma_start3A_520 : memref<1x128xi32, #tpu.memory_space<vmem>> -> memref<128xi32, #tpu.memory_space<vmem>>
        %dma_start3A_522 = arith.constant 0 : i32
        %dma_start3A_523 = arith.constant 0 : i32
        %dma_start3A_524 = tpu.memref_slice %arg2[%dma_start3A_522, %dma_start3A_523] : memref<40000x128xf32, #tpu.memory_space<hbm>> -> memref<40000x128xf32, #tpu.memory_space<hbm>>
        tpu.enqueue_indirect_dma source(%dma_start3A_524 : memref<40000x128xf32, #tpu.memory_space<hbm>>) target(%dma_start3A_518 : memref<128x128xf32, #tpu.memory_space<vmem>>) offsets(%dma_start3A_521 : memref<128xi32, #tpu.memory_space<vmem>>) semaphore(%arg12 : memref<!tpu.dma_semaphore, #tpu.memory_space<semaphore_mem>>)
        %add3A_525 = arith.constant 1 : i32
        %add3A_526 = arith.addi %add3A_438, %add3A_525 : i32
        %dma_wait3A_527 = arith.constant 1 : i32
        %dma_wait3A_528 = arith.constant 0 : i32
        %dma_wait3A_529 = arith.constant 0 : i32
        %dma_wait3A_530 = tpu.memref_slice %arg9[%dma_wait3A_527, %dma_wait3A_528, %dma_wait3A_529] : memref<2x128x128xf32, #tpu.memory_space<vmem>> -> memref<1x128x128xf32, #tpu.memory_space<vmem>>
        %dma_wait3A_531 = tpu.memref_squeeze %dma_wait3A_530 : memref<1x128x128xf32, #tpu.memory_space<vmem>> -> memref<128x128xf32, #tpu.memory_space<vmem>>
        %dma_wait3A_532 = arith.constant 0 : i32
        %dma_wait3A_533 = tpu.memref_slice %arg8[%add3A_526, %dma_wait3A_532] : memref<80x128xi32, #tpu.memory_space<vmem>> -> memref<1x128xi32, #tpu.memory_space<vmem>>
        %dma_wait3A_534 = tpu.memref_squeeze %dma_wait3A_533 : memref<1x128xi32, #tpu.memory_space<vmem>> -> memref<128xi32, #tpu.memory_space<vmem>>
        %dma_wait3A_535 = arith.constant 0 : i32
        %dma_wait3A_536 = arith.constant 0 : i32
        %dma_wait3A_537 = tpu.memref_slice %arg11[%dma_wait3A_535, %dma_wait3A_536] : memref<3464x128xf32, #tpu.memory_space<vmem_shared>> -> memref<3464x128xf32, #tpu.memory_space<vmem_shared>>
        tpu.wait_indirect_dma semaphore(%arg15 : memref<!tpu.dma_semaphore, #tpu.memory_space<semaphore_mem>>) src(%dma_wait3A_531 : memref<128x128xf32, #tpu.memory_space<vmem>>) dst(%dma_wait3A_537 : memref<3464x128xf32, #tpu.memory_space<vmem_shared>>)
        %add3A_538 = arith.constant 2 : i32
        %add3A_539 = arith.addi %add3A_438, %add3A_538 : i32
        %add3A_540 = arith.constant 1 : i32
        %add3A_541 = arith.addi %add3A_539, %add3A_540 : i32
        %dma_start3A_542 = arith.constant 1 : i32
        %dma_start3A_543 = arith.constant 0 : i32
        %dma_start3A_544 = arith.constant 0 : i32
        %dma_start3A_545 = tpu.memref_slice %arg9[%dma_start3A_542, %dma_start3A_543, %dma_start3A_544] : memref<2x128x128xf32, #tpu.memory_space<vmem>> -> memref<1x128x128xf32, #tpu.memory_space<vmem>>
        %dma_start3A_546 = tpu.memref_squeeze %dma_start3A_545 : memref<1x128x128xf32, #tpu.memory_space<vmem>> -> memref<128x128xf32, #tpu.memory_space<vmem>>
        %dma_start3A_547 = arith.constant 0 : i32
        %dma_start3A_548 = tpu.memref_slice %arg7[%add3A_541, %dma_start3A_547] : memref<80x128xi32, #tpu.memory_space<vmem>> -> memref<1x128xi32, #tpu.memory_space<vmem>>
        %dma_start3A_549 = tpu.memref_squeeze %dma_start3A_548 : memref<1x128xi32, #tpu.memory_space<vmem>> -> memref<128xi32, #tpu.memory_space<vmem>>
        %dma_start3A_550 = arith.constant 0 : i32
        %dma_start3A_551 = arith.constant 0 : i32
        %dma_start3A_552 = tpu.memref_slice %arg2[%dma_start3A_550, %dma_start3A_551] : memref<40000x128xf32, #tpu.memory_space<hbm>> -> memref<40000x128xf32, #tpu.memory_space<hbm>>
        tpu.enqueue_indirect_dma source(%dma_start3A_552 : memref<40000x128xf32, #tpu.memory_space<hbm>>) target(%dma_start3A_546 : memref<128x128xf32, #tpu.memory_space<vmem>>) offsets(%dma_start3A_549 : memref<128xi32, #tpu.memory_space<vmem>>) semaphore(%arg13 : memref<!tpu.dma_semaphore, #tpu.memory_space<semaphore_mem>>)
      } else {
      }
    }
    %scan3A_32 = arith.constant 40 : i32
    %dma_wait3A = arith.constant 0 : i32
    %dma_wait3A_33 = arith.constant 78 : i32
    %dma_wait3A_34 = arith.constant 0 : i32
    %dma_wait3A_35 = arith.constant 0 : i32
    %dma_wait3A_36 = tpu.memref_slice %arg9[%dma_wait3A, %dma_wait3A_34, %dma_wait3A_35] : memref<2x128x128xf32, #tpu.memory_space<vmem>> -> memref<1x128x128xf32, #tpu.memory_space<vmem>>
    %dma_wait3A_37 = tpu.memref_squeeze %dma_wait3A_36 : memref<1x128x128xf32, #tpu.memory_space<vmem>> -> memref<128x128xf32, #tpu.memory_space<vmem>>
    %dma_wait3A_38 = arith.constant 0 : i32
    %dma_wait3A_39 = tpu.memref_slice %arg8[%dma_wait3A_33, %dma_wait3A_38] : memref<80x128xi32, #tpu.memory_space<vmem>> -> memref<1x128xi32, #tpu.memory_space<vmem>>
    %dma_wait3A_40 = tpu.memref_squeeze %dma_wait3A_39 : memref<1x128xi32, #tpu.memory_space<vmem>> -> memref<128xi32, #tpu.memory_space<vmem>>
    %dma_wait3A_41 = arith.constant 0 : i32
    %dma_wait3A_42 = arith.constant 0 : i32
    %dma_wait3A_43 = tpu.memref_slice %arg11[%dma_wait3A_41, %dma_wait3A_42] : memref<3464x128xf32, #tpu.memory_space<vmem_shared>> -> memref<3464x128xf32, #tpu.memory_space<vmem_shared>>
    tpu.wait_indirect_dma semaphore(%arg14 : memref<!tpu.dma_semaphore, #tpu.memory_space<semaphore_mem>>) src(%dma_wait3A_37 : memref<128x128xf32, #tpu.memory_space<vmem>>) dst(%dma_wait3A_43 : memref<3464x128xf32, #tpu.memory_space<vmem_shared>>)
    %dma_wait3A_44 = arith.constant 1 : i32
    %dma_wait3A_45 = arith.constant 79 : i32
    %dma_wait3A_46 = arith.constant 0 : i32
    %dma_wait3A_47 = arith.constant 0 : i32
    %dma_wait3A_48 = tpu.memref_slice %arg9[%dma_wait3A_44, %dma_wait3A_46, %dma_wait3A_47] : memref<2x128x128xf32, #tpu.memory_space<vmem>> -> memref<1x128x128xf32, #tpu.memory_space<vmem>>
    %dma_wait3A_49 = tpu.memref_squeeze %dma_wait3A_48 : memref<1x128x128xf32, #tpu.memory_space<vmem>> -> memref<128x128xf32, #tpu.memory_space<vmem>>
    %dma_wait3A_50 = arith.constant 0 : i32
    %dma_wait3A_51 = tpu.memref_slice %arg8[%dma_wait3A_45, %dma_wait3A_50] : memref<80x128xi32, #tpu.memory_space<vmem>> -> memref<1x128xi32, #tpu.memory_space<vmem>>
    %dma_wait3A_52 = tpu.memref_squeeze %dma_wait3A_51 : memref<1x128xi32, #tpu.memory_space<vmem>> -> memref<128xi32, #tpu.memory_space<vmem>>
    %dma_wait3A_53 = arith.constant 0 : i32
    %dma_wait3A_54 = arith.constant 0 : i32
    %dma_wait3A_55 = tpu.memref_slice %arg11[%dma_wait3A_53, %dma_wait3A_54] : memref<3464x128xf32, #tpu.memory_space<vmem_shared>> -> memref<3464x128xf32, #tpu.memory_space<vmem_shared>>
    tpu.wait_indirect_dma semaphore(%arg15 : memref<!tpu.dma_semaphore, #tpu.memory_space<semaphore_mem>>) src(%dma_wait3A_49 : memref<128x128xf32, #tpu.memory_space<vmem>>) dst(%dma_wait3A_55 : memref<3464x128xf32, #tpu.memory_space<vmem_shared>>)
    %barrier3A_56 = arith.constant 0 : index
    tpu.barrier barrier_id(%barrier3A_56)
    %mul3A_57 = arith.constant 216 : i32
    %mul3A_58 = arith.muli %arg1, %mul3A_57 : i32
    %mul3A_59 = arith.constant 216 : i32
    %mul3A_60 = arith.muli %arg1, %mul3A_59 : i32
    %add3A_61 = arith.constant 0 : i32
    %add3A_62 = arith.addi %add3A_61, %mul3A_60 : i32
    "tpu.region"() ({
      %run_scoped3A_434 = tpu.sem_alloc : memref<!tpu.dma_semaphore, #tpu.memory_space<semaphore_mem>>
      %dma_start3A_435 = arith.constant 0 : i32
      %dma_start3A_436 = tpu.memref_slice %arg6[%add3A_1, %add3A_62, %dma_start3A_435] : memref<4x10368x128xf32, #tpu.memory_space<hbm>> -> memref<1x216x128xf32, #tpu.memory_space<hbm>>
      %dma_start3A_437 = tpu.memref_squeeze %dma_start3A_436 : memref<1x216x128xf32, #tpu.memory_space<hbm>> -> memref<216x128xf32, #tpu.memory_space<hbm>>
      %dma_start3A_438 = arith.constant 0 : i32
      %dma_start3A_439 = tpu.memref_slice %arg11[%mul3A_58, %dma_start3A_438] : memref<3464x128xf32, #tpu.memory_space<vmem_shared>> -> memref<216x128xf32, #tpu.memory_space<vmem_shared>>
      tpu.enqueue_dma source(%dma_start3A_439 : memref<216x128xf32, #tpu.memory_space<vmem_shared>>) target(%dma_start3A_437 : memref<216x128xf32, #tpu.memory_space<hbm>>) target_semaphore(%run_scoped3A_434 : memref<!tpu.dma_semaphore, #tpu.memory_space<semaphore_mem>>)
      %dma_wait3A_440 = arith.constant 0 : i32
      %dma_wait3A_441 = tpu.memref_slice %arg6[%add3A_1, %add3A_62, %dma_wait3A_440] : memref<4x10368x128xf32, #tpu.memory_space<hbm>> -> memref<1x216x128xf32, #tpu.memory_space<hbm>>
      %dma_wait3A_442 = tpu.memref_squeeze %dma_wait3A_441 : memref<1x216x128xf32, #tpu.memory_space<hbm>> -> memref<216x128xf32, #tpu.memory_space<hbm>>
      %dma_wait3A_443 = arith.constant 0 : i32
      %dma_wait3A_444 = tpu.memref_slice %arg11[%mul3A_58, %dma_wait3A_443] : memref<3464x128xf32, #tpu.memory_space<vmem_shared>> -> memref<216x128xf32, #tpu.memory_space<vmem_shared>>
      tpu.wait_dma2 semaphore(%run_scoped3A_434 : memref<!tpu.dma_semaphore, #tpu.memory_space<semaphore_mem>>) src(%dma_wait3A_444 : memref<216x128xf32, #tpu.memory_space<vmem_shared>>) dst(%dma_wait3A_442 : memref<216x128xf32, #tpu.memory_space<hbm>>)
      tpu.yield
    }) : () -> ()
    %barrier3A_63 = arith.constant 0 : index
    tpu.barrier barrier_id(%barrier3A_63)
    %mul3A_64 = arith.constant 2 : i32
    %mul3A_65 = arith.muli %arg0, %mul3A_64 : i32
    %add3A_66 = arith.constant 0 : i32
    %add3A_67 = arith.addi %mul3A_65, %add3A_66 : i32
    %mul3A_68 = arith.constant 216 : i32
    %mul3A_69 = arith.muli %arg1, %mul3A_68 : i32
    "tpu.region"() ({
      %run_scoped3A_434 = tpu.sem_alloc : memref<!tpu.dma_semaphore, #tpu.memory_space<semaphore_mem>>
      %dma_start3A_435 = arith.constant 0 : i32
      %dma_start3A_436 = tpu.memref_slice %arg11[%mul3A_69, %dma_start3A_435] : memref<3464x128xf32, #tpu.memory_space<vmem_shared>> -> memref<216x128xf32, #tpu.memory_space<vmem_shared>>
      %dma_start3A_437 = arith.constant 0 : i32
      %dma_start3A_438 = tpu.memref_slice %arg11[%mul3A_69, %dma_start3A_437] : memref<3464x128xf32, #tpu.memory_space<vmem_shared>> -> memref<216x128xf32, #tpu.memory_space<vmem_shared>>
      tpu.enqueue_dma source(%arg10 : memref<216x128xf32, #tpu.memory_space<vmem>>) target(%dma_start3A_438 : memref<216x128xf32, #tpu.memory_space<vmem_shared>>) target_semaphore(%run_scoped3A_434 : memref<!tpu.dma_semaphore, #tpu.memory_space<semaphore_mem>>)
      %dma_wait3A_439 = arith.constant 0 : i32
      %dma_wait3A_440 = tpu.memref_slice %arg11[%mul3A_69, %dma_wait3A_439] : memref<3464x128xf32, #tpu.memory_space<vmem_shared>> -> memref<216x128xf32, #tpu.memory_space<vmem_shared>>
      %dma_wait3A_441 = arith.constant 0 : i32
      %dma_wait3A_442 = tpu.memref_slice %arg11[%mul3A_69, %dma_wait3A_441] : memref<3464x128xf32, #tpu.memory_space<vmem_shared>> -> memref<216x128xf32, #tpu.memory_space<vmem_shared>>
      tpu.wait_dma2 semaphore(%run_scoped3A_434 : memref<!tpu.dma_semaphore, #tpu.memory_space<semaphore_mem>>) src(%arg10 : memref<216x128xf32, #tpu.memory_space<vmem>>) dst(%dma_wait3A_442 : memref<216x128xf32, #tpu.memory_space<vmem_shared>>)
      tpu.yield
    }) : () -> ()
    %eq3A_70 = arith.constant 0 : i32
    %eq3A_71 = arith.cmpi eq, %arg1, %eq3A_70 : i32
    %convert_element_type3A_72 = arith.extui %eq3A_71 : i1 to i32
    %cond3A_73 = arith.constant 0 : i32
    %cond3A_74 = arith.cmpi ne, %convert_element_type3A_72, %cond3A_73 : i32
    scf.if %cond3A_74 {
      "tpu.region"() ({
        %run_scoped3A_434 = tpu.sem_alloc : memref<!tpu.dma_semaphore, #tpu.memory_space<semaphore_mem>>
        %dma_start3A_435 = arith.constant 0 : i32
        %dma_start3A_436 = arith.constant 0 : i32
        %dma_start3A_437 = tpu.memref_slice %arg10[%dma_start3A_435, %dma_start3A_436] : memref<216x128xf32, #tpu.memory_space<vmem>> -> memref<8x128xf32, #tpu.memory_space<vmem>>
        %dma_start3A_438 = arith.constant 3456 : i32
        %dma_start3A_439 = arith.constant 0 : i32
        %dma_start3A_440 = tpu.memref_slice %arg11[%dma_start3A_438, %dma_start3A_439] : memref<3464x128xf32, #tpu.memory_space<vmem_shared>> -> memref<8x128xf32, #tpu.memory_space<vmem_shared>>
        %dma_start3A_441 = arith.constant 3456 : i32
        %dma_start3A_442 = arith.constant 0 : i32
        %dma_start3A_443 = tpu.memref_slice %arg11[%dma_start3A_441, %dma_start3A_442] : memref<3464x128xf32, #tpu.memory_space<vmem_shared>> -> memref<8x128xf32, #tpu.memory_space<vmem_shared>>
        %dma_start3A_444 = arith.constant 0 : i32
        %dma_start3A_445 = arith.constant 0 : i32
        %dma_start3A_446 = tpu.memref_slice %arg10[%dma_start3A_444, %dma_start3A_445] : memref<216x128xf32, #tpu.memory_space<vmem>> -> memref<8x128xf32, #tpu.memory_space<vmem>>
        tpu.enqueue_dma source(%dma_start3A_446 : memref<8x128xf32, #tpu.memory_space<vmem>>) target(%dma_start3A_443 : memref<8x128xf32, #tpu.memory_space<vmem_shared>>) target_semaphore(%run_scoped3A_434 : memref<!tpu.dma_semaphore, #tpu.memory_space<semaphore_mem>>)
        %dma_wait3A_447 = arith.constant 0 : i32
        %dma_wait3A_448 = arith.constant 0 : i32
        %dma_wait3A_449 = tpu.memref_slice %arg10[%dma_wait3A_447, %dma_wait3A_448] : memref<216x128xf32, #tpu.memory_space<vmem>> -> memref<8x128xf32, #tpu.memory_space<vmem>>
        %dma_wait3A_450 = arith.constant 3456 : i32
        %dma_wait3A_451 = arith.constant 0 : i32
        %dma_wait3A_452 = tpu.memref_slice %arg11[%dma_wait3A_450, %dma_wait3A_451] : memref<3464x128xf32, #tpu.memory_space<vmem_shared>> -> memref<8x128xf32, #tpu.memory_space<vmem_shared>>
        %dma_wait3A_453 = arith.constant 3456 : i32
        %dma_wait3A_454 = arith.constant 0 : i32
        %dma_wait3A_455 = tpu.memref_slice %arg11[%dma_wait3A_453, %dma_wait3A_454] : memref<3464x128xf32, #tpu.memory_space<vmem_shared>> -> memref<8x128xf32, #tpu.memory_space<vmem_shared>>
        %dma_wait3A_456 = arith.constant 0 : i32
        %dma_wait3A_457 = arith.constant 0 : i32
        %dma_wait3A_458 = tpu.memref_slice %arg10[%dma_wait3A_456, %dma_wait3A_457] : memref<216x128xf32, #tpu.memory_space<vmem>> -> memref<8x128xf32, #tpu.memory_space<vmem>>
        tpu.wait_dma2 semaphore(%run_scoped3A_434 : memref<!tpu.dma_semaphore, #tpu.memory_space<semaphore_mem>>) src(%dma_wait3A_458 : memref<8x128xf32, #tpu.memory_space<vmem>>) dst(%dma_wait3A_455 : memref<8x128xf32, #tpu.memory_space<vmem_shared>>)
        tpu.yield
      }) : () -> ()
    } else {
    }
    %run_scoped3A_75 = arith.constant 1 : i32
    "tpu.region"() ({
      %run_scoped3A_434 = tpu.sem_alloc : memref<!tpu.dma_semaphore, #tpu.memory_space<semaphore_mem>>
      %dma_start3A_435 = arith.constant 0 : i32
      %dma_start3A_436 = arith.constant 0 : i32
      %dma_start3A_437 = tpu.memref_slice %arg4[%run_scoped3A_75, %arg1, %dma_start3A_435, %dma_start3A_436] : memref<3x16x80x128xi32, #tpu.memory_space<hbm>> -> memref<1x1x80x128xi32, #tpu.memory_space<hbm>>
      %dma_start3A_438 = tpu.memref_squeeze %dma_start3A_437 : memref<1x1x80x128xi32, #tpu.memory_space<hbm>> -> memref<80x128xi32, #tpu.memory_space<hbm>>
      %dma_start3A_439 = arith.constant 0 : i32
      %dma_start3A_440 = arith.constant 0 : i32
      %dma_start3A_441 = tpu.memref_slice %arg4[%run_scoped3A_75, %arg1, %dma_start3A_439, %dma_start3A_440] : memref<3x16x80x128xi32, #tpu.memory_space<hbm>> -> memref<1x1x80x128xi32, #tpu.memory_space<hbm>>
      %dma_start3A_442 = tpu.memref_squeeze %dma_start3A_441 : memref<1x1x80x128xi32, #tpu.memory_space<hbm>> -> memref<80x128xi32, #tpu.memory_space<hbm>>
      tpu.enqueue_dma source(%dma_start3A_442 : memref<80x128xi32, #tpu.memory_space<hbm>>) target(%arg8 : memref<80x128xi32, #tpu.memory_space<vmem>>) target_semaphore(%run_scoped3A_434 : memref<!tpu.dma_semaphore, #tpu.memory_space<semaphore_mem>>)
      %dma_wait3A_443 = arith.constant 0 : i32
      %dma_wait3A_444 = arith.constant 0 : i32
      %dma_wait3A_445 = tpu.memref_slice %arg4[%run_scoped3A_75, %arg1, %dma_wait3A_443, %dma_wait3A_444] : memref<3x16x80x128xi32, #tpu.memory_space<hbm>> -> memref<1x1x80x128xi32, #tpu.memory_space<hbm>>
      %dma_wait3A_446 = tpu.memref_squeeze %dma_wait3A_445 : memref<1x1x80x128xi32, #tpu.memory_space<hbm>> -> memref<80x128xi32, #tpu.memory_space<hbm>>
      %dma_wait3A_447 = arith.constant 0 : i32
      %dma_wait3A_448 = arith.constant 0 : i32
      %dma_wait3A_449 = tpu.memref_slice %arg4[%run_scoped3A_75, %arg1, %dma_wait3A_447, %dma_wait3A_448] : memref<3x16x80x128xi32, #tpu.memory_space<hbm>> -> memref<1x1x80x128xi32, #tpu.memory_space<hbm>>
      %dma_wait3A_450 = tpu.memref_squeeze %dma_wait3A_449 : memref<1x1x80x128xi32, #tpu.memory_space<hbm>> -> memref<80x128xi32, #tpu.memory_space<hbm>>
      tpu.wait_dma2 semaphore(%run_scoped3A_434 : memref<!tpu.dma_semaphore, #tpu.memory_space<semaphore_mem>>) src(%dma_wait3A_450 : memref<80x128xi32, #tpu.memory_space<hbm>>) dst(%arg8 : memref<80x128xi32, #tpu.memory_space<vmem>>)
      tpu.yield
    }) : () -> ()
    "tpu.region"() ({
      %run_scoped3A_434 = tpu.sem_alloc : memref<!tpu.dma_semaphore, #tpu.memory_space<semaphore_mem>>
      %dma_start3A_435 = arith.constant 0 : i32
      %dma_start3A_436 = arith.constant 0 : i32
      %dma_start3A_437 = tpu.memref_slice %arg3[%add3A_67, %arg1, %dma_start3A_435, %dma_start3A_436] : memref<4x16x80x128xi32, #tpu.memory_space<hbm>> -> memref<1x1x80x128xi32, #tpu.memory_space<hbm>>
      %dma_start3A_438 = tpu.memref_squeeze %dma_start3A_437 : memref<1x1x80x128xi32, #tpu.memory_space<hbm>> -> memref<80x128xi32, #tpu.memory_space<hbm>>
      %dma_start3A_439 = arith.constant 0 : i32
      %dma_start3A_440 = arith.constant 0 : i32
      %dma_start3A_441 = tpu.memref_slice %arg3[%add3A_67, %arg1, %dma_start3A_439, %dma_start3A_440] : memref<4x16x80x128xi32, #tpu.memory_space<hbm>> -> memref<1x1x80x128xi32, #tpu.memory_space<hbm>>
      %dma_start3A_442 = tpu.memref_squeeze %dma_start3A_441 : memref<1x1x80x128xi32, #tpu.memory_space<hbm>> -> memref<80x128xi32, #tpu.memory_space<hbm>>
      tpu.enqueue_dma source(%dma_start3A_442 : memref<80x128xi32, #tpu.memory_space<hbm>>) target(%arg7 : memref<80x128xi32, #tpu.memory_space<vmem>>) target_semaphore(%run_scoped3A_434 : memref<!tpu.dma_semaphore, #tpu.memory_space<semaphore_mem>>)
      %dma_wait3A_443 = arith.constant 0 : i32
      %dma_wait3A_444 = arith.constant 0 : i32
      %dma_wait3A_445 = tpu.memref_slice %arg3[%add3A_67, %arg1, %dma_wait3A_443, %dma_wait3A_444] : memref<4x16x80x128xi32, #tpu.memory_space<hbm>> -> memref<1x1x80x128xi32, #tpu.memory_space<hbm>>
      %dma_wait3A_446 = tpu.memref_squeeze %dma_wait3A_445 : memref<1x1x80x128xi32, #tpu.memory_space<hbm>> -> memref<80x128xi32, #tpu.memory_space<hbm>>
      %dma_wait3A_447 = arith.constant 0 : i32
      %dma_wait3A_448 = arith.constant 0 : i32
      %dma_wait3A_449 = tpu.memref_slice %arg3[%add3A_67, %arg1, %dma_wait3A_447, %dma_wait3A_448] : memref<4x16x80x128xi32, #tpu.memory_space<hbm>> -> memref<1x1x80x128xi32, #tpu.memory_space<hbm>>
      %dma_wait3A_450 = tpu.memref_squeeze %dma_wait3A_449 : memref<1x1x80x128xi32, #tpu.memory_space<hbm>> -> memref<80x128xi32, #tpu.memory_space<hbm>>
      tpu.wait_dma2 semaphore(%run_scoped3A_434 : memref<!tpu.dma_semaphore, #tpu.memory_space<semaphore_mem>>) src(%dma_wait3A_450 : memref<80x128xi32, #tpu.memory_space<hbm>>) dst(%arg7 : memref<80x128xi32, #tpu.memory_space<vmem>>)
      tpu.yield
    }) : () -> ()
    %dma_start3A_76 = arith.constant 0 : i32
    %dma_start3A_77 = arith.constant 0 : i32
    %dma_start3A_78 = arith.constant 0 : i32
    %dma_start3A_79 = arith.constant 0 : i32
    %dma_start3A_80 = tpu.memref_slice %arg9[%dma_start3A_77, %dma_start3A_78, %dma_start3A_79] : memref<2x128x128xf32, #tpu.memory_space<vmem>> -> memref<1x128x128xf32, #tpu.memory_space<vmem>>
    %dma_start3A_81 = tpu.memref_squeeze %dma_start3A_80 : memref<1x128x128xf32, #tpu.memory_space<vmem>> -> memref<128x128xf32, #tpu.memory_space<vmem>>
    %dma_start3A_82 = arith.constant 0 : i32
    %dma_start3A_83 = tpu.memref_slice %arg7[%dma_start3A_76, %dma_start3A_82] : memref<80x128xi32, #tpu.memory_space<vmem>> -> memref<1x128xi32, #tpu.memory_space<vmem>>
    %dma_start3A_84 = tpu.memref_squeeze %dma_start3A_83 : memref<1x128xi32, #tpu.memory_space<vmem>> -> memref<128xi32, #tpu.memory_space<vmem>>
    %dma_start3A_85 = arith.constant 0 : i32
    %dma_start3A_86 = arith.constant 0 : i32
    %dma_start3A_87 = tpu.memref_slice %arg2[%dma_start3A_85, %dma_start3A_86] : memref<40000x128xf32, #tpu.memory_space<hbm>> -> memref<40000x128xf32, #tpu.memory_space<hbm>>
    tpu.enqueue_indirect_dma source(%dma_start3A_87 : memref<40000x128xf32, #tpu.memory_space<hbm>>) target(%dma_start3A_81 : memref<128x128xf32, #tpu.memory_space<vmem>>) offsets(%dma_start3A_84 : memref<128xi32, #tpu.memory_space<vmem>>) semaphore(%arg12 : memref<!tpu.dma_semaphore, #tpu.memory_space<semaphore_mem>>)
    %dma_start3A_88 = arith.constant 1 : i32
    %dma_start3A_89 = arith.constant 1 : i32
    %dma_start3A_90 = arith.constant 0 : i32
    %dma_start3A_91 = arith.constant 0 : i32
    %dma_start3A_92 = tpu.memref_slice %arg9[%dma_start3A_89, %dma_start3A_90, %dma_start3A_91] : memref<2x128x128xf32, #tpu.memory_space<vmem>> -> memref<1x128x128xf32, #tpu.memory_space<vmem>>
    %dma_start3A_93 = tpu.memref_squeeze %dma_start3A_92 : memref<1x128x128xf32, #tpu.memory_space<vmem>> -> memref<128x128xf32, #tpu.memory_space<vmem>>
    %dma_start3A_94 = arith.constant 0 : i32
    %dma_start3A_95 = tpu.memref_slice %arg7[%dma_start3A_88, %dma_start3A_94] : memref<80x128xi32, #tpu.memory_space<vmem>> -> memref<1x128xi32, #tpu.memory_space<vmem>>
    %dma_start3A_96 = tpu.memref_squeeze %dma_start3A_95 : memref<1x128xi32, #tpu.memory_space<vmem>> -> memref<128xi32, #tpu.memory_space<vmem>>
    %dma_start3A_97 = arith.constant 0 : i32
    %dma_start3A_98 = arith.constant 0 : i32
    %dma_start3A_99 = tpu.memref_slice %arg2[%dma_start3A_97, %dma_start3A_98] : memref<40000x128xf32, #tpu.memory_space<hbm>> -> memref<40000x128xf32, #tpu.memory_space<hbm>>
    tpu.enqueue_indirect_dma source(%dma_start3A_99 : memref<40000x128xf32, #tpu.memory_space<hbm>>) target(%dma_start3A_93 : memref<128x128xf32, #tpu.memory_space<vmem>>) offsets(%dma_start3A_96 : memref<128xi32, #tpu.memory_space<vmem>>) semaphore(%arg13 : memref<!tpu.dma_semaphore, #tpu.memory_space<semaphore_mem>>)
    %barrier3A_100 = arith.constant 0 : index
    tpu.barrier barrier_id(%barrier3A_100)
    %scan3A_101 = arith.constant 0 : i32
    %scan3A_102 = arith.constant 40 : i32
    %scan3A_103 = arith.addi %scan3A_101, %scan3A_102 : i32
    %scan3A_104 = arith.constant 1 : i32
    scf.for %scan3A_434 = %scan3A_101 to %scan3A_103 step %scan3A_104  : i32 {
      %mul3A_435 = arith.constant 2 : i32
      %mul3A_436 = arith.muli %scan3A_434, %mul3A_435 : i32
      %add3A_437 = arith.constant 0 : i32
      %add3A_438 = arith.addi %add3A_437, %mul3A_436 : i32
      %add3A_439 = arith.constant 0 : i32
      %add3A_440 = arith.addi %add3A_438, %add3A_439 : i32
      %dma_wait3A_441 = arith.constant 0 : i32
      %dma_wait3A_442 = arith.constant 0 : i32
      %dma_wait3A_443 = arith.constant 0 : i32
      %dma_wait3A_444 = tpu.memref_slice %arg9[%dma_wait3A_441, %dma_wait3A_442, %dma_wait3A_443] : memref<2x128x128xf32, #tpu.memory_space<vmem>> -> memref<1x128x128xf32, #tpu.memory_space<vmem>>
      %dma_wait3A_445 = tpu.memref_squeeze %dma_wait3A_444 : memref<1x128x128xf32, #tpu.memory_space<vmem>> -> memref<128x128xf32, #tpu.memory_space<vmem>>
      %dma_wait3A_446 = arith.constant 0 : i32
      %dma_wait3A_447 = tpu.memref_slice %arg7[%add3A_440, %dma_wait3A_446] : memref<80x128xi32, #tpu.memory_space<vmem>> -> memref<1x128xi32, #tpu.memory_space<vmem>>
      %dma_wait3A_448 = tpu.memref_squeeze %dma_wait3A_447 : memref<1x128xi32, #tpu.memory_space<vmem>> -> memref<128xi32, #tpu.memory_space<vmem>>
      %dma_wait3A_449 = arith.constant 0 : i32
      %dma_wait3A_450 = arith.constant 0 : i32
      %dma_wait3A_451 = tpu.memref_slice %arg2[%dma_wait3A_449, %dma_wait3A_450] : memref<40000x128xf32, #tpu.memory_space<hbm>> -> memref<40000x128xf32, #tpu.memory_space<hbm>>
      tpu.wait_indirect_dma semaphore(%arg12 : memref<!tpu.dma_semaphore, #tpu.memory_space<semaphore_mem>>) src(%dma_wait3A_451 : memref<40000x128xf32, #tpu.memory_space<hbm>>) dst(%dma_wait3A_445 : memref<128x128xf32, #tpu.memory_space<vmem>>)
      %add3A_452 = arith.constant 0 : i32
      %add3A_453 = arith.addi %add3A_438, %add3A_452 : i32
      %dma_start3A_454 = arith.constant 0 : i32
      %dma_start3A_455 = arith.constant 0 : i32
      %dma_start3A_456 = arith.constant 0 : i32
      %dma_start3A_457 = tpu.memref_slice %arg9[%dma_start3A_454, %dma_start3A_455, %dma_start3A_456] : memref<2x128x128xf32, #tpu.memory_space<vmem>> -> memref<1x128x128xf32, #tpu.memory_space<vmem>>
      %dma_start3A_458 = tpu.memref_squeeze %dma_start3A_457 : memref<1x128x128xf32, #tpu.memory_space<vmem>> -> memref<128x128xf32, #tpu.memory_space<vmem>>
      %dma_start3A_459 = arith.constant 0 : i32
      %dma_start3A_460 = tpu.memref_slice %arg8[%add3A_453, %dma_start3A_459] : memref<80x128xi32, #tpu.memory_space<vmem>> -> memref<1x128xi32, #tpu.memory_space<vmem>>
      %dma_start3A_461 = tpu.memref_squeeze %dma_start3A_460 : memref<1x128xi32, #tpu.memory_space<vmem>> -> memref<128xi32, #tpu.memory_space<vmem>>
      %dma_start3A_462 = arith.constant 0 : i32
      %dma_start3A_463 = arith.constant 0 : i32
      %dma_start3A_464 = tpu.memref_slice %arg11[%dma_start3A_462, %dma_start3A_463] : memref<3464x128xf32, #tpu.memory_space<vmem_shared>> -> memref<3464x128xf32, #tpu.memory_space<vmem_shared>>
      tpu.enqueue_indirect_dma source(%dma_start3A_458 : memref<128x128xf32, #tpu.memory_space<vmem>>) target(%dma_start3A_464 : memref<3464x128xf32, #tpu.memory_space<vmem_shared>>) offsets(%dma_start3A_461 : memref<128xi32, #tpu.memory_space<vmem>>) semaphore(%arg14 : memref<!tpu.dma_semaphore, #tpu.memory_space<semaphore_mem>>) {add = true}
      %add3A_465 = arith.constant 1 : i32
      %add3A_466 = arith.addi %add3A_438, %add3A_465 : i32
      %dma_wait3A_467 = arith.constant 1 : i32
      %dma_wait3A_468 = arith.constant 0 : i32
      %dma_wait3A_469 = arith.constant 0 : i32
      %dma_wait3A_470 = tpu.memref_slice %arg9[%dma_wait3A_467, %dma_wait3A_468, %dma_wait3A_469] : memref<2x128x128xf32, #tpu.memory_space<vmem>> -> memref<1x128x128xf32, #tpu.memory_space<vmem>>
      %dma_wait3A_471 = tpu.memref_squeeze %dma_wait3A_470 : memref<1x128x128xf32, #tpu.memory_space<vmem>> -> memref<128x128xf32, #tpu.memory_space<vmem>>
      %dma_wait3A_472 = arith.constant 0 : i32
      %dma_wait3A_473 = tpu.memref_slice %arg7[%add3A_466, %dma_wait3A_472] : memref<80x128xi32, #tpu.memory_space<vmem>> -> memref<1x128xi32, #tpu.memory_space<vmem>>
      %dma_wait3A_474 = tpu.memref_squeeze %dma_wait3A_473 : memref<1x128xi32, #tpu.memory_space<vmem>> -> memref<128xi32, #tpu.memory_space<vmem>>
      %dma_wait3A_475 = arith.constant 0 : i32
      %dma_wait3A_476 = arith.constant 0 : i32
      %dma_wait3A_477 = tpu.memref_slice %arg2[%dma_wait3A_475, %dma_wait3A_476] : memref<40000x128xf32, #tpu.memory_space<hbm>> -> memref<40000x128xf32, #tpu.memory_space<hbm>>
      tpu.wait_indirect_dma semaphore(%arg13 : memref<!tpu.dma_semaphore, #tpu.memory_space<semaphore_mem>>) src(%dma_wait3A_477 : memref<40000x128xf32, #tpu.memory_space<hbm>>) dst(%dma_wait3A_471 : memref<128x128xf32, #tpu.memory_space<vmem>>)
      %add3A_478 = arith.constant 1 : i32
      %add3A_479 = arith.addi %add3A_438, %add3A_478 : i32
      %dma_start3A_480 = arith.constant 1 : i32
      %dma_start3A_481 = arith.constant 0 : i32
      %dma_start3A_482 = arith.constant 0 : i32
      %dma_start3A_483 = tpu.memref_slice %arg9[%dma_start3A_480, %dma_start3A_481, %dma_start3A_482] : memref<2x128x128xf32, #tpu.memory_space<vmem>> -> memref<1x128x128xf32, #tpu.memory_space<vmem>>
      %dma_start3A_484 = tpu.memref_squeeze %dma_start3A_483 : memref<1x128x128xf32, #tpu.memory_space<vmem>> -> memref<128x128xf32, #tpu.memory_space<vmem>>
      %dma_start3A_485 = arith.constant 0 : i32
      %dma_start3A_486 = tpu.memref_slice %arg8[%add3A_479, %dma_start3A_485] : memref<80x128xi32, #tpu.memory_space<vmem>> -> memref<1x128xi32, #tpu.memory_space<vmem>>
      %dma_start3A_487 = tpu.memref_squeeze %dma_start3A_486 : memref<1x128xi32, #tpu.memory_space<vmem>> -> memref<128xi32, #tpu.memory_space<vmem>>
      %dma_start3A_488 = arith.constant 0 : i32
      %dma_start3A_489 = arith.constant 0 : i32
      %dma_start3A_490 = tpu.memref_slice %arg11[%dma_start3A_488, %dma_start3A_489] : memref<3464x128xf32, #tpu.memory_space<vmem_shared>> -> memref<3464x128xf32, #tpu.memory_space<vmem_shared>>
      tpu.enqueue_indirect_dma source(%dma_start3A_484 : memref<128x128xf32, #tpu.memory_space<vmem>>) target(%dma_start3A_490 : memref<3464x128xf32, #tpu.memory_space<vmem_shared>>) offsets(%dma_start3A_487 : memref<128xi32, #tpu.memory_space<vmem>>) semaphore(%arg15 : memref<!tpu.dma_semaphore, #tpu.memory_space<semaphore_mem>>) {add = true}
      %add3A_491 = arith.constant 2 : i32
      %add3A_492 = arith.addi %add3A_438, %add3A_491 : i32
      %lt3A = arith.constant 80 : i32
      %lt3A_493 = arith.cmpi slt, %add3A_492, %lt3A : i32
      %convert_element_type3A_494 = arith.extui %lt3A_493 : i1 to i32
      %cond3A_495 = arith.constant 0 : i32
      %cond3A_496 = arith.cmpi ne, %convert_element_type3A_494, %cond3A_495 : i32
      scf.if %cond3A_496 {
        %add3A_497 = arith.constant 0 : i32
        %add3A_498 = arith.addi %add3A_438, %add3A_497 : i32
        %dma_wait3A_499 = arith.constant 0 : i32
        %dma_wait3A_500 = arith.constant 0 : i32
        %dma_wait3A_501 = arith.constant 0 : i32
        %dma_wait3A_502 = tpu.memref_slice %arg9[%dma_wait3A_499, %dma_wait3A_500, %dma_wait3A_501] : memref<2x128x128xf32, #tpu.memory_space<vmem>> -> memref<1x128x128xf32, #tpu.memory_space<vmem>>
        %dma_wait3A_503 = tpu.memref_squeeze %dma_wait3A_502 : memref<1x128x128xf32, #tpu.memory_space<vmem>> -> memref<128x128xf32, #tpu.memory_space<vmem>>
        %dma_wait3A_504 = arith.constant 0 : i32
        %dma_wait3A_505 = tpu.memref_slice %arg8[%add3A_498, %dma_wait3A_504] : memref<80x128xi32, #tpu.memory_space<vmem>> -> memref<1x128xi32, #tpu.memory_space<vmem>>
        %dma_wait3A_506 = tpu.memref_squeeze %dma_wait3A_505 : memref<1x128xi32, #tpu.memory_space<vmem>> -> memref<128xi32, #tpu.memory_space<vmem>>
        %dma_wait3A_507 = arith.constant 0 : i32
        %dma_wait3A_508 = arith.constant 0 : i32
        %dma_wait3A_509 = tpu.memref_slice %arg11[%dma_wait3A_507, %dma_wait3A_508] : memref<3464x128xf32, #tpu.memory_space<vmem_shared>> -> memref<3464x128xf32, #tpu.memory_space<vmem_shared>>
        tpu.wait_indirect_dma semaphore(%arg14 : memref<!tpu.dma_semaphore, #tpu.memory_space<semaphore_mem>>) src(%dma_wait3A_503 : memref<128x128xf32, #tpu.memory_space<vmem>>) dst(%dma_wait3A_509 : memref<3464x128xf32, #tpu.memory_space<vmem_shared>>)
        %add3A_510 = arith.constant 2 : i32
        %add3A_511 = arith.addi %add3A_438, %add3A_510 : i32
        %add3A_512 = arith.constant 0 : i32
        %add3A_513 = arith.addi %add3A_511, %add3A_512 : i32
        %dma_start3A_514 = arith.constant 0 : i32
        %dma_start3A_515 = arith.constant 0 : i32
        %dma_start3A_516 = arith.constant 0 : i32
        %dma_start3A_517 = tpu.memref_slice %arg9[%dma_start3A_514, %dma_start3A_515, %dma_start3A_516] : memref<2x128x128xf32, #tpu.memory_space<vmem>> -> memref<1x128x128xf32, #tpu.memory_space<vmem>>
        %dma_start3A_518 = tpu.memref_squeeze %dma_start3A_517 : memref<1x128x128xf32, #tpu.memory_space<vmem>> -> memref<128x128xf32, #tpu.memory_space<vmem>>
        %dma_start3A_519 = arith.constant 0 : i32
        %dma_start3A_520 = tpu.memref_slice %arg7[%add3A_513, %dma_start3A_519] : memref<80x128xi32, #tpu.memory_space<vmem>> -> memref<1x128xi32, #tpu.memory_space<vmem>>
        %dma_start3A_521 = tpu.memref_squeeze %dma_start3A_520 : memref<1x128xi32, #tpu.memory_space<vmem>> -> memref<128xi32, #tpu.memory_space<vmem>>
        %dma_start3A_522 = arith.constant 0 : i32
        %dma_start3A_523 = arith.constant 0 : i32
        %dma_start3A_524 = tpu.memref_slice %arg2[%dma_start3A_522, %dma_start3A_523] : memref<40000x128xf32, #tpu.memory_space<hbm>> -> memref<40000x128xf32, #tpu.memory_space<hbm>>
        tpu.enqueue_indirect_dma source(%dma_start3A_524 : memref<40000x128xf32, #tpu.memory_space<hbm>>) target(%dma_start3A_518 : memref<128x128xf32, #tpu.memory_space<vmem>>) offsets(%dma_start3A_521 : memref<128xi32, #tpu.memory_space<vmem>>) semaphore(%arg12 : memref<!tpu.dma_semaphore, #tpu.memory_space<semaphore_mem>>)
        %add3A_525 = arith.constant 1 : i32
        %add3A_526 = arith.addi %add3A_438, %add3A_525 : i32
        %dma_wait3A_527 = arith.constant 1 : i32
        %dma_wait3A_528 = arith.constant 0 : i32
        %dma_wait3A_529 = arith.constant 0 : i32
        %dma_wait3A_530 = tpu.memref_slice %arg9[%dma_wait3A_527, %dma_wait3A_528, %dma_wait3A_529] : memref<2x128x128xf32, #tpu.memory_space<vmem>> -> memref<1x128x128xf32, #tpu.memory_space<vmem>>
        %dma_wait3A_531 = tpu.memref_squeeze %dma_wait3A_530 : memref<1x128x128xf32, #tpu.memory_space<vmem>> -> memref<128x128xf32, #tpu.memory_space<vmem>>
        %dma_wait3A_532 = arith.constant 0 : i32
        %dma_wait3A_533 = tpu.memref_slice %arg8[%add3A_526, %dma_wait3A_532] : memref<80x128xi32, #tpu.memory_space<vmem>> -> memref<1x128xi32, #tpu.memory_space<vmem>>
        %dma_wait3A_534 = tpu.memref_squeeze %dma_wait3A_533 : memref<1x128xi32, #tpu.memory_space<vmem>> -> memref<128xi32, #tpu.memory_space<vmem>>
        %dma_wait3A_535 = arith.constant 0 : i32
        %dma_wait3A_536 = arith.constant 0 : i32
        %dma_wait3A_537 = tpu.memref_slice %arg11[%dma_wait3A_535, %dma_wait3A_536] : memref<3464x128xf32, #tpu.memory_space<vmem_shared>> -> memref<3464x128xf32, #tpu.memory_space<vmem_shared>>
        tpu.wait_indirect_dma semaphore(%arg15 : memref<!tpu.dma_semaphore, #tpu.memory_space<semaphore_mem>>) src(%dma_wait3A_531 : memref<128x128xf32, #tpu.memory_space<vmem>>) dst(%dma_wait3A_537 : memref<3464x128xf32, #tpu.memory_space<vmem_shared>>)
        %add3A_538 = arith.constant 2 : i32
        %add3A_539 = arith.addi %add3A_438, %add3A_538 : i32
        %add3A_540 = arith.constant 1 : i32
        %add3A_541 = arith.addi %add3A_539, %add3A_540 : i32
        %dma_start3A_542 = arith.constant 1 : i32
        %dma_start3A_543 = arith.constant 0 : i32
        %dma_start3A_544 = arith.constant 0 : i32
        %dma_start3A_545 = tpu.memref_slice %arg9[%dma_start3A_542, %dma_start3A_543, %dma_start3A_544] : memref<2x128x128xf32, #tpu.memory_space<vmem>> -> memref<1x128x128xf32, #tpu.memory_space<vmem>>
        %dma_start3A_546 = tpu.memref_squeeze %dma_start3A_545 : memref<1x128x128xf32, #tpu.memory_space<vmem>> -> memref<128x128xf32, #tpu.memory_space<vmem>>
        %dma_start3A_547 = arith.constant 0 : i32
        %dma_start3A_548 = tpu.memref_slice %arg7[%add3A_541, %dma_start3A_547] : memref<80x128xi32, #tpu.memory_space<vmem>> -> memref<1x128xi32, #tpu.memory_space<vmem>>
        %dma_start3A_549 = tpu.memref_squeeze %dma_start3A_548 : memref<1x128xi32, #tpu.memory_space<vmem>> -> memref<128xi32, #tpu.memory_space<vmem>>
        %dma_start3A_550 = arith.constant 0 : i32
        %dma_start3A_551 = arith.constant 0 : i32
        %dma_start3A_552 = tpu.memref_slice %arg2[%dma_start3A_550, %dma_start3A_551] : memref<40000x128xf32, #tpu.memory_space<hbm>> -> memref<40000x128xf32, #tpu.memory_space<hbm>>
        tpu.enqueue_indirect_dma source(%dma_start3A_552 : memref<40000x128xf32, #tpu.memory_space<hbm>>) target(%dma_start3A_546 : memref<128x128xf32, #tpu.memory_space<vmem>>) offsets(%dma_start3A_549 : memref<128xi32, #tpu.memory_space<vmem>>) semaphore(%arg13 : memref<!tpu.dma_semaphore, #tpu.memory_space<semaphore_mem>>)
      } else {
      }
    }
    %scan3A_105 = arith.constant 40 : i32
    %dma_wait3A_106 = arith.constant 0 : i32
    %dma_wait3A_107 = arith.constant 78 : i32
    %dma_wait3A_108 = arith.constant 0 : i32
    %dma_wait3A_109 = arith.constant 0 : i32
    %dma_wait3A_110 = tpu.memref_slice %arg9[%dma_wait3A_106, %dma_wait3A_108, %dma_wait3A_109] : memref<2x128x128xf32, #tpu.memory_space<vmem>> -> memref<1x128x128xf32, #tpu.memory_space<vmem>>
    %dma_wait3A_111 = tpu.memref_squeeze %dma_wait3A_110 : memref<1x128x128xf32, #tpu.memory_space<vmem>> -> memref<128x128xf32, #tpu.memory_space<vmem>>
    %dma_wait3A_112 = arith.constant 0 : i32
    %dma_wait3A_113 = tpu.memref_slice %arg8[%dma_wait3A_107, %dma_wait3A_112] : memref<80x128xi32, #tpu.memory_space<vmem>> -> memref<1x128xi32, #tpu.memory_space<vmem>>
    %dma_wait3A_114 = tpu.memref_squeeze %dma_wait3A_113 : memref<1x128xi32, #tpu.memory_space<vmem>> -> memref<128xi32, #tpu.memory_space<vmem>>
    %dma_wait3A_115 = arith.constant 0 : i32
    %dma_wait3A_116 = arith.constant 0 : i32
    %dma_wait3A_117 = tpu.memref_slice %arg11[%dma_wait3A_115, %dma_wait3A_116] : memref<3464x128xf32, #tpu.memory_space<vmem_shared>> -> memref<3464x128xf32, #tpu.memory_space<vmem_shared>>
    tpu.wait_indirect_dma semaphore(%arg14 : memref<!tpu.dma_semaphore, #tpu.memory_space<semaphore_mem>>) src(%dma_wait3A_111 : memref<128x128xf32, #tpu.memory_space<vmem>>) dst(%dma_wait3A_117 : memref<3464x128xf32, #tpu.memory_space<vmem_shared>>)
    %dma_wait3A_118 = arith.constant 1 : i32
    %dma_wait3A_119 = arith.constant 79 : i32
    %dma_wait3A_120 = arith.constant 0 : i32
    %dma_wait3A_121 = arith.constant 0 : i32
    %dma_wait3A_122 = tpu.memref_slice %arg9[%dma_wait3A_118, %dma_wait3A_120, %dma_wait3A_121] : memref<2x128x128xf32, #tpu.memory_space<vmem>> -> memref<1x128x128xf32, #tpu.memory_space<vmem>>
    %dma_wait3A_123 = tpu.memref_squeeze %dma_wait3A_122 : memref<1x128x128xf32, #tpu.memory_space<vmem>> -> memref<128x128xf32, #tpu.memory_space<vmem>>
    %dma_wait3A_124 = arith.constant 0 : i32
    %dma_wait3A_125 = tpu.memref_slice %arg8[%dma_wait3A_119, %dma_wait3A_124] : memref<80x128xi32, #tpu.memory_space<vmem>> -> memref<1x128xi32, #tpu.memory_space<vmem>>
    %dma_wait3A_126 = tpu.memref_squeeze %dma_wait3A_125 : memref<1x128xi32, #tpu.memory_space<vmem>> -> memref<128xi32, #tpu.memory_space<vmem>>
    %dma_wait3A_127 = arith.constant 0 : i32
    %dma_wait3A_128 = arith.constant 0 : i32
    %dma_wait3A_129 = tpu.memref_slice %arg11[%dma_wait3A_127, %dma_wait3A_128] : memref<3464x128xf32, #tpu.memory_space<vmem_shared>> -> memref<3464x128xf32, #tpu.memory_space<vmem_shared>>
    tpu.wait_indirect_dma semaphore(%arg15 : memref<!tpu.dma_semaphore, #tpu.memory_space<semaphore_mem>>) src(%dma_wait3A_123 : memref<128x128xf32, #tpu.memory_space<vmem>>) dst(%dma_wait3A_129 : memref<3464x128xf32, #tpu.memory_space<vmem_shared>>)
    %barrier3A_130 = arith.constant 0 : index
    tpu.barrier barrier_id(%barrier3A_130)
    %mul3A_131 = arith.constant 216 : i32
    %mul3A_132 = arith.muli %arg1, %mul3A_131 : i32
    %mul3A_133 = arith.constant 216 : i32
    %mul3A_134 = arith.muli %arg1, %mul3A_133 : i32
    %add3A_135 = arith.constant 3456 : i32
    %add3A_136 = arith.addi %add3A_135, %mul3A_134 : i32
    "tpu.region"() ({
      %run_scoped3A_434 = tpu.sem_alloc : memref<!tpu.dma_semaphore, #tpu.memory_space<semaphore_mem>>
      %dma_start3A_435 = arith.constant 0 : i32
      %dma_start3A_436 = tpu.memref_slice %arg6[%add3A_67, %add3A_136, %dma_start3A_435] : memref<4x10368x128xf32, #tpu.memory_space<hbm>> -> memref<1x216x128xf32, #tpu.memory_space<hbm>>
      %dma_start3A_437 = tpu.memref_squeeze %dma_start3A_436 : memref<1x216x128xf32, #tpu.memory_space<hbm>> -> memref<216x128xf32, #tpu.memory_space<hbm>>
      %dma_start3A_438 = arith.constant 0 : i32
      %dma_start3A_439 = tpu.memref_slice %arg11[%mul3A_132, %dma_start3A_438] : memref<3464x128xf32, #tpu.memory_space<vmem_shared>> -> memref<216x128xf32, #tpu.memory_space<vmem_shared>>
      tpu.enqueue_dma source(%dma_start3A_439 : memref<216x128xf32, #tpu.memory_space<vmem_shared>>) target(%dma_start3A_437 : memref<216x128xf32, #tpu.memory_space<hbm>>) target_semaphore(%run_scoped3A_434 : memref<!tpu.dma_semaphore, #tpu.memory_space<semaphore_mem>>)
      %dma_wait3A_440 = arith.constant 0 : i32
      %dma_wait3A_441 = tpu.memref_slice %arg6[%add3A_67, %add3A_136, %dma_wait3A_440] : memref<4x10368x128xf32, #tpu.memory_space<hbm>> -> memref<1x216x128xf32, #tpu.memory_space<hbm>>
      %dma_wait3A_442 = tpu.memref_squeeze %dma_wait3A_441 : memref<1x216x128xf32, #tpu.memory_space<hbm>> -> memref<216x128xf32, #tpu.memory_space<hbm>>
      %dma_wait3A_443 = arith.constant 0 : i32
      %dma_wait3A_444 = tpu.memref_slice %arg11[%mul3A_132, %dma_wait3A_443] : memref<3464x128xf32, #tpu.memory_space<vmem_shared>> -> memref<216x128xf32, #tpu.memory_space<vmem_shared>>
      tpu.wait_dma2 semaphore(%run_scoped3A_434 : memref<!tpu.dma_semaphore, #tpu.memory_space<semaphore_mem>>) src(%dma_wait3A_444 : memref<216x128xf32, #tpu.memory_space<vmem_shared>>) dst(%dma_wait3A_442 : memref<216x128xf32, #tpu.memory_space<hbm>>)
      tpu.yield
    }) : () -> ()
    %barrier3A_137 = arith.constant 0 : index
    tpu.barrier barrier_id(%barrier3A_137)
    %mul3A_138 = arith.constant 2 : i32
    %mul3A_139 = arith.muli %arg0, %mul3A_138 : i32
    %add3A_140 = arith.constant 0 : i32
    %add3A_141 = arith.addi %mul3A_139, %add3A_140 : i32
    %mul3A_142 = arith.constant 216 : i32
    %mul3A_143 = arith.muli %arg1, %mul3A_142 : i32
    "tpu.region"() ({
      %run_scoped3A_434 = tpu.sem_alloc : memref<!tpu.dma_semaphore, #tpu.memory_space<semaphore_mem>>
      %dma_start3A_435 = arith.constant 0 : i32
      %dma_start3A_436 = tpu.memref_slice %arg11[%mul3A_143, %dma_start3A_435] : memref<3464x128xf32, #tpu.memory_space<vmem_shared>> -> memref<216x128xf32, #tpu.memory_space<vmem_shared>>
      %dma_start3A_437 = arith.constant 0 : i32
      %dma_start3A_438 = tpu.memref_slice %arg11[%mul3A_143, %dma_start3A_437] : memref<3464x128xf32, #tpu.memory_space<vmem_shared>> -> memref<216x128xf32, #tpu.memory_space<vmem_shared>>
      tpu.enqueue_dma source(%arg10 : memref<216x128xf32, #tpu.memory_space<vmem>>) target(%dma_start3A_438 : memref<216x128xf32, #tpu.memory_space<vmem_shared>>) target_semaphore(%run_scoped3A_434 : memref<!tpu.dma_semaphore, #tpu.memory_space<semaphore_mem>>)
      %dma_wait3A_439 = arith.constant 0 : i32
      %dma_wait3A_440 = tpu.memref_slice %arg11[%mul3A_143, %dma_wait3A_439] : memref<3464x128xf32, #tpu.memory_space<vmem_shared>> -> memref<216x128xf32, #tpu.memory_space<vmem_shared>>
      %dma_wait3A_441 = arith.constant 0 : i32
      %dma_wait3A_442 = tpu.memref_slice %arg11[%mul3A_143, %dma_wait3A_441] : memref<3464x128xf32, #tpu.memory_space<vmem_shared>> -> memref<216x128xf32, #tpu.memory_space<vmem_shared>>
      tpu.wait_dma2 semaphore(%run_scoped3A_434 : memref<!tpu.dma_semaphore, #tpu.memory_space<semaphore_mem>>) src(%arg10 : memref<216x128xf32, #tpu.memory_space<vmem>>) dst(%dma_wait3A_442 : memref<216x128xf32, #tpu.memory_space<vmem_shared>>)
      tpu.yield
    }) : () -> ()
    %eq3A_144 = arith.constant 0 : i32
    %eq3A_145 = arith.cmpi eq, %arg1, %eq3A_144 : i32
    %convert_element_type3A_146 = arith.extui %eq3A_145 : i1 to i32
    %cond3A_147 = arith.constant 0 : i32
    %cond3A_148 = arith.cmpi ne, %convert_element_type3A_146, %cond3A_147 : i32
    scf.if %cond3A_148 {
      "tpu.region"() ({
        %run_scoped3A_434 = tpu.sem_alloc : memref<!tpu.dma_semaphore, #tpu.memory_space<semaphore_mem>>
        %dma_start3A_435 = arith.constant 0 : i32
        %dma_start3A_436 = arith.constant 0 : i32
        %dma_start3A_437 = tpu.memref_slice %arg10[%dma_start3A_435, %dma_start3A_436] : memref<216x128xf32, #tpu.memory_space<vmem>> -> memref<8x128xf32, #tpu.memory_space<vmem>>
        %dma_start3A_438 = arith.constant 3456 : i32
        %dma_start3A_439 = arith.constant 0 : i32
        %dma_start3A_440 = tpu.memref_slice %arg11[%dma_start3A_438, %dma_start3A_439] : memref<3464x128xf32, #tpu.memory_space<vmem_shared>> -> memref<8x128xf32, #tpu.memory_space<vmem_shared>>
        %dma_start3A_441 = arith.constant 3456 : i32
        %dma_start3A_442 = arith.constant 0 : i32
        %dma_start3A_443 = tpu.memref_slice %arg11[%dma_start3A_441, %dma_start3A_442] : memref<3464x128xf32, #tpu.memory_space<vmem_shared>> -> memref<8x128xf32, #tpu.memory_space<vmem_shared>>
        %dma_start3A_444 = arith.constant 0 : i32
        %dma_start3A_445 = arith.constant 0 : i32
        %dma_start3A_446 = tpu.memref_slice %arg10[%dma_start3A_444, %dma_start3A_445] : memref<216x128xf32, #tpu.memory_space<vmem>> -> memref<8x128xf32, #tpu.memory_space<vmem>>
        tpu.enqueue_dma source(%dma_start3A_446 : memref<8x128xf32, #tpu.memory_space<vmem>>) target(%dma_start3A_443 : memref<8x128xf32, #tpu.memory_space<vmem_shared>>) target_semaphore(%run_scoped3A_434 : memref<!tpu.dma_semaphore, #tpu.memory_space<semaphore_mem>>)
        %dma_wait3A_447 = arith.constant 0 : i32
        %dma_wait3A_448 = arith.constant 0 : i32
        %dma_wait3A_449 = tpu.memref_slice %arg10[%dma_wait3A_447, %dma_wait3A_448] : memref<216x128xf32, #tpu.memory_space<vmem>> -> memref<8x128xf32, #tpu.memory_space<vmem>>
        %dma_wait3A_450 = arith.constant 3456 : i32
        %dma_wait3A_451 = arith.constant 0 : i32
        %dma_wait3A_452 = tpu.memref_slice %arg11[%dma_wait3A_450, %dma_wait3A_451] : memref<3464x128xf32, #tpu.memory_space<vmem_shared>> -> memref<8x128xf32, #tpu.memory_space<vmem_shared>>
        %dma_wait3A_453 = arith.constant 3456 : i32
        %dma_wait3A_454 = arith.constant 0 : i32
        %dma_wait3A_455 = tpu.memref_slice %arg11[%dma_wait3A_453, %dma_wait3A_454] : memref<3464x128xf32, #tpu.memory_space<vmem_shared>> -> memref<8x128xf32, #tpu.memory_space<vmem_shared>>
        %dma_wait3A_456 = arith.constant 0 : i32
        %dma_wait3A_457 = arith.constant 0 : i32
        %dma_wait3A_458 = tpu.memref_slice %arg10[%dma_wait3A_456, %dma_wait3A_457] : memref<216x128xf32, #tpu.memory_space<vmem>> -> memref<8x128xf32, #tpu.memory_space<vmem>>
        tpu.wait_dma2 semaphore(%run_scoped3A_434 : memref<!tpu.dma_semaphore, #tpu.memory_space<semaphore_mem>>) src(%dma_wait3A_458 : memref<8x128xf32, #tpu.memory_space<vmem>>) dst(%dma_wait3A_455 : memref<8x128xf32, #tpu.memory_space<vmem_shared>>)
        tpu.yield
      }) : () -> ()
    } else {
    }
    %run_scoped3A_149 = arith.constant 2 : i32
    "tpu.region"() ({
      %run_scoped3A_434 = tpu.sem_alloc : memref<!tpu.dma_semaphore, #tpu.memory_space<semaphore_mem>>
      %dma_start3A_435 = arith.constant 0 : i32
      %dma_start3A_436 = arith.constant 0 : i32
      %dma_start3A_437 = tpu.memref_slice %arg4[%run_scoped3A_149, %arg1, %dma_start3A_435, %dma_start3A_436] : memref<3x16x80x128xi32, #tpu.memory_space<hbm>> -> memref<1x1x80x128xi32, #tpu.memory_space<hbm>>
      %dma_start3A_438 = tpu.memref_squeeze %dma_start3A_437 : memref<1x1x80x128xi32, #tpu.memory_space<hbm>> -> memref<80x128xi32, #tpu.memory_space<hbm>>
      %dma_start3A_439 = arith.constant 0 : i32
      %dma_start3A_440 = arith.constant 0 : i32
      %dma_start3A_441 = tpu.memref_slice %arg4[%run_scoped3A_149, %arg1, %dma_start3A_439, %dma_start3A_440] : memref<3x16x80x128xi32, #tpu.memory_space<hbm>> -> memref<1x1x80x128xi32, #tpu.memory_space<hbm>>
      %dma_start3A_442 = tpu.memref_squeeze %dma_start3A_441 : memref<1x1x80x128xi32, #tpu.memory_space<hbm>> -> memref<80x128xi32, #tpu.memory_space<hbm>>
      tpu.enqueue_dma source(%dma_start3A_442 : memref<80x128xi32, #tpu.memory_space<hbm>>) target(%arg8 : memref<80x128xi32, #tpu.memory_space<vmem>>) target_semaphore(%run_scoped3A_434 : memref<!tpu.dma_semaphore, #tpu.memory_space<semaphore_mem>>)
      %dma_wait3A_443 = arith.constant 0 : i32
      %dma_wait3A_444 = arith.constant 0 : i32
      %dma_wait3A_445 = tpu.memref_slice %arg4[%run_scoped3A_149, %arg1, %dma_wait3A_443, %dma_wait3A_444] : memref<3x16x80x128xi32, #tpu.memory_space<hbm>> -> memref<1x1x80x128xi32, #tpu.memory_space<hbm>>
      %dma_wait3A_446 = tpu.memref_squeeze %dma_wait3A_445 : memref<1x1x80x128xi32, #tpu.memory_space<hbm>> -> memref<80x128xi32, #tpu.memory_space<hbm>>
      %dma_wait3A_447 = arith.constant 0 : i32
      %dma_wait3A_448 = arith.constant 0 : i32
      %dma_wait3A_449 = tpu.memref_slice %arg4[%run_scoped3A_149, %arg1, %dma_wait3A_447, %dma_wait3A_448] : memref<3x16x80x128xi32, #tpu.memory_space<hbm>> -> memref<1x1x80x128xi32, #tpu.memory_space<hbm>>
      %dma_wait3A_450 = tpu.memref_squeeze %dma_wait3A_449 : memref<1x1x80x128xi32, #tpu.memory_space<hbm>> -> memref<80x128xi32, #tpu.memory_space<hbm>>
      tpu.wait_dma2 semaphore(%run_scoped3A_434 : memref<!tpu.dma_semaphore, #tpu.memory_space<semaphore_mem>>) src(%dma_wait3A_450 : memref<80x128xi32, #tpu.memory_space<hbm>>) dst(%arg8 : memref<80x128xi32, #tpu.memory_space<vmem>>)
      tpu.yield
    }) : () -> ()
    "tpu.region"() ({
      %run_scoped3A_434 = tpu.sem_alloc : memref<!tpu.dma_semaphore, #tpu.memory_space<semaphore_mem>>
      %dma_start3A_435 = arith.constant 0 : i32
      %dma_start3A_436 = arith.constant 0 : i32
      %dma_start3A_437 = tpu.memref_slice %arg3[%add3A_141, %arg1, %dma_start3A_435, %dma_start3A_436] : memref<4x16x80x128xi32, #tpu.memory_space<hbm>> -> memref<1x1x80x128xi32, #tpu.memory_space<hbm>>
      %dma_start3A_438 = tpu.memref_squeeze %dma_start3A_437 : memref<1x1x80x128xi32, #tpu.memory_space<hbm>> -> memref<80x128xi32, #tpu.memory_space<hbm>>
      %dma_start3A_439 = arith.constant 0 : i32
      %dma_start3A_440 = arith.constant 0 : i32
      %dma_start3A_441 = tpu.memref_slice %arg3[%add3A_141, %arg1, %dma_start3A_439, %dma_start3A_440] : memref<4x16x80x128xi32, #tpu.memory_space<hbm>> -> memref<1x1x80x128xi32, #tpu.memory_space<hbm>>
      %dma_start3A_442 = tpu.memref_squeeze %dma_start3A_441 : memref<1x1x80x128xi32, #tpu.memory_space<hbm>> -> memref<80x128xi32, #tpu.memory_space<hbm>>
      tpu.enqueue_dma source(%dma_start3A_442 : memref<80x128xi32, #tpu.memory_space<hbm>>) target(%arg7 : memref<80x128xi32, #tpu.memory_space<vmem>>) target_semaphore(%run_scoped3A_434 : memref<!tpu.dma_semaphore, #tpu.memory_space<semaphore_mem>>)
      %dma_wait3A_443 = arith.constant 0 : i32
      %dma_wait3A_444 = arith.constant 0 : i32
      %dma_wait3A_445 = tpu.memref_slice %arg3[%add3A_141, %arg1, %dma_wait3A_443, %dma_wait3A_444] : memref<4x16x80x128xi32, #tpu.memory_space<hbm>> -> memref<1x1x80x128xi32, #tpu.memory_space<hbm>>
      %dma_wait3A_446 = tpu.memref_squeeze %dma_wait3A_445 : memref<1x1x80x128xi32, #tpu.memory_space<hbm>> -> memref<80x128xi32, #tpu.memory_space<hbm>>
      %dma_wait3A_447 = arith.constant 0 : i32
      %dma_wait3A_448 = arith.constant 0 : i32
      %dma_wait3A_449 = tpu.memref_slice %arg3[%add3A_141, %arg1, %dma_wait3A_447, %dma_wait3A_448] : memref<4x16x80x128xi32, #tpu.memory_space<hbm>> -> memref<1x1x80x128xi32, #tpu.memory_space<hbm>>
      %dma_wait3A_450 = tpu.memref_squeeze %dma_wait3A_449 : memref<1x1x80x128xi32, #tpu.memory_space<hbm>> -> memref<80x128xi32, #tpu.memory_space<hbm>>
      tpu.wait_dma2 semaphore(%run_scoped3A_434 : memref<!tpu.dma_semaphore, #tpu.memory_space<semaphore_mem>>) src(%dma_wait3A_450 : memref<80x128xi32, #tpu.memory_space<hbm>>) dst(%arg7 : memref<80x128xi32, #tpu.memory_space<vmem>>)
      tpu.yield
    }) : () -> ()
    %dma_start3A_150 = arith.constant 0 : i32
    %dma_start3A_151 = arith.constant 0 : i32
    %dma_start3A_152 = arith.constant 0 : i32
    %dma_start3A_153 = arith.constant 0 : i32
    %dma_start3A_154 = tpu.memref_slice %arg9[%dma_start3A_151, %dma_start3A_152, %dma_start3A_153] : memref<2x128x128xf32, #tpu.memory_space<vmem>> -> memref<1x128x128xf32, #tpu.memory_space<vmem>>
    %dma_start3A_155 = tpu.memref_squeeze %dma_start3A_154 : memref<1x128x128xf32, #tpu.memory_space<vmem>> -> memref<128x128xf32, #tpu.memory_space<vmem>>
    %dma_start3A_156 = arith.constant 0 : i32
    %dma_start3A_157 = tpu.memref_slice %arg7[%dma_start3A_150, %dma_start3A_156] : memref<80x128xi32, #tpu.memory_space<vmem>> -> memref<1x128xi32, #tpu.memory_space<vmem>>
    %dma_start3A_158 = tpu.memref_squeeze %dma_start3A_157 : memref<1x128xi32, #tpu.memory_space<vmem>> -> memref<128xi32, #tpu.memory_space<vmem>>
    %dma_start3A_159 = arith.constant 0 : i32
    %dma_start3A_160 = arith.constant 0 : i32
    %dma_start3A_161 = tpu.memref_slice %arg2[%dma_start3A_159, %dma_start3A_160] : memref<40000x128xf32, #tpu.memory_space<hbm>> -> memref<40000x128xf32, #tpu.memory_space<hbm>>
    tpu.enqueue_indirect_dma source(%dma_start3A_161 : memref<40000x128xf32, #tpu.memory_space<hbm>>) target(%dma_start3A_155 : memref<128x128xf32, #tpu.memory_space<vmem>>) offsets(%dma_start3A_158 : memref<128xi32, #tpu.memory_space<vmem>>) semaphore(%arg12 : memref<!tpu.dma_semaphore, #tpu.memory_space<semaphore_mem>>)
    %dma_start3A_162 = arith.constant 1 : i32
    %dma_start3A_163 = arith.constant 1 : i32
    %dma_start3A_164 = arith.constant 0 : i32
    %dma_start3A_165 = arith.constant 0 : i32
    %dma_start3A_166 = tpu.memref_slice %arg9[%dma_start3A_163, %dma_start3A_164, %dma_start3A_165] : memref<2x128x128xf32, #tpu.memory_space<vmem>> -> memref<1x128x128xf32, #tpu.memory_space<vmem>>
    %dma_start3A_167 = tpu.memref_squeeze %dma_start3A_166 : memref<1x128x128xf32, #tpu.memory_space<vmem>> -> memref<128x128xf32, #tpu.memory_space<vmem>>
    %dma_start3A_168 = arith.constant 0 : i32
    %dma_start3A_169 = tpu.memref_slice %arg7[%dma_start3A_162, %dma_start3A_168] : memref<80x128xi32, #tpu.memory_space<vmem>> -> memref<1x128xi32, #tpu.memory_space<vmem>>
    %dma_start3A_170 = tpu.memref_squeeze %dma_start3A_169 : memref<1x128xi32, #tpu.memory_space<vmem>> -> memref<128xi32, #tpu.memory_space<vmem>>
    %dma_start3A_171 = arith.constant 0 : i32
    %dma_start3A_172 = arith.constant 0 : i32
    %dma_start3A_173 = tpu.memref_slice %arg2[%dma_start3A_171, %dma_start3A_172] : memref<40000x128xf32, #tpu.memory_space<hbm>> -> memref<40000x128xf32, #tpu.memory_space<hbm>>
    tpu.enqueue_indirect_dma source(%dma_start3A_173 : memref<40000x128xf32, #tpu.memory_space<hbm>>) target(%dma_start3A_167 : memref<128x128xf32, #tpu.memory_space<vmem>>) offsets(%dma_start3A_170 : memref<128xi32, #tpu.memory_space<vmem>>) semaphore(%arg13 : memref<!tpu.dma_semaphore, #tpu.memory_space<semaphore_mem>>)
    %barrier3A_174 = arith.constant 0 : index
    tpu.barrier barrier_id(%barrier3A_174)
    %scan3A_175 = arith.constant 0 : i32
    %scan3A_176 = arith.constant 40 : i32
    %scan3A_177 = arith.addi %scan3A_175, %scan3A_176 : i32
    %scan3A_178 = arith.constant 1 : i32
    scf.for %scan3A_434 = %scan3A_175 to %scan3A_177 step %scan3A_178  : i32 {
      %mul3A_435 = arith.constant 2 : i32
      %mul3A_436 = arith.muli %scan3A_434, %mul3A_435 : i32
      %add3A_437 = arith.constant 0 : i32
      %add3A_438 = arith.addi %add3A_437, %mul3A_436 : i32
      %add3A_439 = arith.constant 0 : i32
      %add3A_440 = arith.addi %add3A_438, %add3A_439 : i32
      %dma_wait3A_441 = arith.constant 0 : i32
      %dma_wait3A_442 = arith.constant 0 : i32
      %dma_wait3A_443 = arith.constant 0 : i32
      %dma_wait3A_444 = tpu.memref_slice %arg9[%dma_wait3A_441, %dma_wait3A_442, %dma_wait3A_443] : memref<2x128x128xf32, #tpu.memory_space<vmem>> -> memref<1x128x128xf32, #tpu.memory_space<vmem>>
      %dma_wait3A_445 = tpu.memref_squeeze %dma_wait3A_444 : memref<1x128x128xf32, #tpu.memory_space<vmem>> -> memref<128x128xf32, #tpu.memory_space<vmem>>
      %dma_wait3A_446 = arith.constant 0 : i32
      %dma_wait3A_447 = tpu.memref_slice %arg7[%add3A_440, %dma_wait3A_446] : memref<80x128xi32, #tpu.memory_space<vmem>> -> memref<1x128xi32, #tpu.memory_space<vmem>>
      %dma_wait3A_448 = tpu.memref_squeeze %dma_wait3A_447 : memref<1x128xi32, #tpu.memory_space<vmem>> -> memref<128xi32, #tpu.memory_space<vmem>>
      %dma_wait3A_449 = arith.constant 0 : i32
      %dma_wait3A_450 = arith.constant 0 : i32
      %dma_wait3A_451 = tpu.memref_slice %arg2[%dma_wait3A_449, %dma_wait3A_450] : memref<40000x128xf32, #tpu.memory_space<hbm>> -> memref<40000x128xf32, #tpu.memory_space<hbm>>
      tpu.wait_indirect_dma semaphore(%arg12 : memref<!tpu.dma_semaphore, #tpu.memory_space<semaphore_mem>>) src(%dma_wait3A_451 : memref<40000x128xf32, #tpu.memory_space<hbm>>) dst(%dma_wait3A_445 : memref<128x128xf32, #tpu.memory_space<vmem>>)
      %add3A_452 = arith.constant 0 : i32
      %add3A_453 = arith.addi %add3A_438, %add3A_452 : i32
      %dma_start3A_454 = arith.constant 0 : i32
      %dma_start3A_455 = arith.constant 0 : i32
      %dma_start3A_456 = arith.constant 0 : i32
      %dma_start3A_457 = tpu.memref_slice %arg9[%dma_start3A_454, %dma_start3A_455, %dma_start3A_456] : memref<2x128x128xf32, #tpu.memory_space<vmem>> -> memref<1x128x128xf32, #tpu.memory_space<vmem>>
      %dma_start3A_458 = tpu.memref_squeeze %dma_start3A_457 : memref<1x128x128xf32, #tpu.memory_space<vmem>> -> memref<128x128xf32, #tpu.memory_space<vmem>>
      %dma_start3A_459 = arith.constant 0 : i32
      %dma_start3A_460 = tpu.memref_slice %arg8[%add3A_453, %dma_start3A_459] : memref<80x128xi32, #tpu.memory_space<vmem>> -> memref<1x128xi32, #tpu.memory_space<vmem>>
      %dma_start3A_461 = tpu.memref_squeeze %dma_start3A_460 : memref<1x128xi32, #tpu.memory_space<vmem>> -> memref<128xi32, #tpu.memory_space<vmem>>
      %dma_start3A_462 = arith.constant 0 : i32
      %dma_start3A_463 = arith.constant 0 : i32
      %dma_start3A_464 = tpu.memref_slice %arg11[%dma_start3A_462, %dma_start3A_463] : memref<3464x128xf32, #tpu.memory_space<vmem_shared>> -> memref<3464x128xf32, #tpu.memory_space<vmem_shared>>
      tpu.enqueue_indirect_dma source(%dma_start3A_458 : memref<128x128xf32, #tpu.memory_space<vmem>>) target(%dma_start3A_464 : memref<3464x128xf32, #tpu.memory_space<vmem_shared>>) offsets(%dma_start3A_461 : memref<128xi32, #tpu.memory_space<vmem>>) semaphore(%arg14 : memref<!tpu.dma_semaphore, #tpu.memory_space<semaphore_mem>>) {add = true}
      %add3A_465 = arith.constant 1 : i32
      %add3A_466 = arith.addi %add3A_438, %add3A_465 : i32
      %dma_wait3A_467 = arith.constant 1 : i32
      %dma_wait3A_468 = arith.constant 0 : i32
      %dma_wait3A_469 = arith.constant 0 : i32
      %dma_wait3A_470 = tpu.memref_slice %arg9[%dma_wait3A_467, %dma_wait3A_468, %dma_wait3A_469] : memref<2x128x128xf32, #tpu.memory_space<vmem>> -> memref<1x128x128xf32, #tpu.memory_space<vmem>>
      %dma_wait3A_471 = tpu.memref_squeeze %dma_wait3A_470 : memref<1x128x128xf32, #tpu.memory_space<vmem>> -> memref<128x128xf32, #tpu.memory_space<vmem>>
      %dma_wait3A_472 = arith.constant 0 : i32
      %dma_wait3A_473 = tpu.memref_slice %arg7[%add3A_466, %dma_wait3A_472] : memref<80x128xi32, #tpu.memory_space<vmem>> -> memref<1x128xi32, #tpu.memory_space<vmem>>
      %dma_wait3A_474 = tpu.memref_squeeze %dma_wait3A_473 : memref<1x128xi32, #tpu.memory_space<vmem>> -> memref<128xi32, #tpu.memory_space<vmem>>
      %dma_wait3A_475 = arith.constant 0 : i32
      %dma_wait3A_476 = arith.constant 0 : i32
      %dma_wait3A_477 = tpu.memref_slice %arg2[%dma_wait3A_475, %dma_wait3A_476] : memref<40000x128xf32, #tpu.memory_space<hbm>> -> memref<40000x128xf32, #tpu.memory_space<hbm>>
      tpu.wait_indirect_dma semaphore(%arg13 : memref<!tpu.dma_semaphore, #tpu.memory_space<semaphore_mem>>) src(%dma_wait3A_477 : memref<40000x128xf32, #tpu.memory_space<hbm>>) dst(%dma_wait3A_471 : memref<128x128xf32, #tpu.memory_space<vmem>>)
      %add3A_478 = arith.constant 1 : i32
      %add3A_479 = arith.addi %add3A_438, %add3A_478 : i32
      %dma_start3A_480 = arith.constant 1 : i32
      %dma_start3A_481 = arith.constant 0 : i32
      %dma_start3A_482 = arith.constant 0 : i32
      %dma_start3A_483 = tpu.memref_slice %arg9[%dma_start3A_480, %dma_start3A_481, %dma_start3A_482] : memref<2x128x128xf32, #tpu.memory_space<vmem>> -> memref<1x128x128xf32, #tpu.memory_space<vmem>>
      %dma_start3A_484 = tpu.memref_squeeze %dma_start3A_483 : memref<1x128x128xf32, #tpu.memory_space<vmem>> -> memref<128x128xf32, #tpu.memory_space<vmem>>
      %dma_start3A_485 = arith.constant 0 : i32
      %dma_start3A_486 = tpu.memref_slice %arg8[%add3A_479, %dma_start3A_485] : memref<80x128xi32, #tpu.memory_space<vmem>> -> memref<1x128xi32, #tpu.memory_space<vmem>>
      %dma_start3A_487 = tpu.memref_squeeze %dma_start3A_486 : memref<1x128xi32, #tpu.memory_space<vmem>> -> memref<128xi32, #tpu.memory_space<vmem>>
      %dma_start3A_488 = arith.constant 0 : i32
      %dma_start3A_489 = arith.constant 0 : i32
      %dma_start3A_490 = tpu.memref_slice %arg11[%dma_start3A_488, %dma_start3A_489] : memref<3464x128xf32, #tpu.memory_space<vmem_shared>> -> memref<3464x128xf32, #tpu.memory_space<vmem_shared>>
      tpu.enqueue_indirect_dma source(%dma_start3A_484 : memref<128x128xf32, #tpu.memory_space<vmem>>) target(%dma_start3A_490 : memref<3464x128xf32, #tpu.memory_space<vmem_shared>>) offsets(%dma_start3A_487 : memref<128xi32, #tpu.memory_space<vmem>>) semaphore(%arg15 : memref<!tpu.dma_semaphore, #tpu.memory_space<semaphore_mem>>) {add = true}
      %add3A_491 = arith.constant 2 : i32
      %add3A_492 = arith.addi %add3A_438, %add3A_491 : i32
      %lt3A = arith.constant 80 : i32
      %lt3A_493 = arith.cmpi slt, %add3A_492, %lt3A : i32
      %convert_element_type3A_494 = arith.extui %lt3A_493 : i1 to i32
      %cond3A_495 = arith.constant 0 : i32
      %cond3A_496 = arith.cmpi ne, %convert_element_type3A_494, %cond3A_495 : i32
      scf.if %cond3A_496 {
        %add3A_497 = arith.constant 0 : i32
        %add3A_498 = arith.addi %add3A_438, %add3A_497 : i32
        %dma_wait3A_499 = arith.constant 0 : i32
        %dma_wait3A_500 = arith.constant 0 : i32
        %dma_wait3A_501 = arith.constant 0 : i32
        %dma_wait3A_502 = tpu.memref_slice %arg9[%dma_wait3A_499, %dma_wait3A_500, %dma_wait3A_501] : memref<2x128x128xf32, #tpu.memory_space<vmem>> -> memref<1x128x128xf32, #tpu.memory_space<vmem>>
        %dma_wait3A_503 = tpu.memref_squeeze %dma_wait3A_502 : memref<1x128x128xf32, #tpu.memory_space<vmem>> -> memref<128x128xf32, #tpu.memory_space<vmem>>
        %dma_wait3A_504 = arith.constant 0 : i32
        %dma_wait3A_505 = tpu.memref_slice %arg8[%add3A_498, %dma_wait3A_504] : memref<80x128xi32, #tpu.memory_space<vmem>> -> memref<1x128xi32, #tpu.memory_space<vmem>>
        %dma_wait3A_506 = tpu.memref_squeeze %dma_wait3A_505 : memref<1x128xi32, #tpu.memory_space<vmem>> -> memref<128xi32, #tpu.memory_space<vmem>>
        %dma_wait3A_507 = arith.constant 0 : i32
        %dma_wait3A_508 = arith.constant 0 : i32
        %dma_wait3A_509 = tpu.memref_slice %arg11[%dma_wait3A_507, %dma_wait3A_508] : memref<3464x128xf32, #tpu.memory_space<vmem_shared>> -> memref<3464x128xf32, #tpu.memory_space<vmem_shared>>
        tpu.wait_indirect_dma semaphore(%arg14 : memref<!tpu.dma_semaphore, #tpu.memory_space<semaphore_mem>>) src(%dma_wait3A_503 : memref<128x128xf32, #tpu.memory_space<vmem>>) dst(%dma_wait3A_509 : memref<3464x128xf32, #tpu.memory_space<vmem_shared>>)
        %add3A_510 = arith.constant 2 : i32
        %add3A_511 = arith.addi %add3A_438, %add3A_510 : i32
        %add3A_512 = arith.constant 0 : i32
        %add3A_513 = arith.addi %add3A_511, %add3A_512 : i32
        %dma_start3A_514 = arith.constant 0 : i32
        %dma_start3A_515 = arith.constant 0 : i32
        %dma_start3A_516 = arith.constant 0 : i32
        %dma_start3A_517 = tpu.memref_slice %arg9[%dma_start3A_514, %dma_start3A_515, %dma_start3A_516] : memref<2x128x128xf32, #tpu.memory_space<vmem>> -> memref<1x128x128xf32, #tpu.memory_space<vmem>>
        %dma_start3A_518 = tpu.memref_squeeze %dma_start3A_517 : memref<1x128x128xf32, #tpu.memory_space<vmem>> -> memref<128x128xf32, #tpu.memory_space<vmem>>
        %dma_start3A_519 = arith.constant 0 : i32
        %dma_start3A_520 = tpu.memref_slice %arg7[%add3A_513, %dma_start3A_519] : memref<80x128xi32, #tpu.memory_space<vmem>> -> memref<1x128xi32, #tpu.memory_space<vmem>>
        %dma_start3A_521 = tpu.memref_squeeze %dma_start3A_520 : memref<1x128xi32, #tpu.memory_space<vmem>> -> memref<128xi32, #tpu.memory_space<vmem>>
        %dma_start3A_522 = arith.constant 0 : i32
        %dma_start3A_523 = arith.constant 0 : i32
        %dma_start3A_524 = tpu.memref_slice %arg2[%dma_start3A_522, %dma_start3A_523] : memref<40000x128xf32, #tpu.memory_space<hbm>> -> memref<40000x128xf32, #tpu.memory_space<hbm>>
        tpu.enqueue_indirect_dma source(%dma_start3A_524 : memref<40000x128xf32, #tpu.memory_space<hbm>>) target(%dma_start3A_518 : memref<128x128xf32, #tpu.memory_space<vmem>>) offsets(%dma_start3A_521 : memref<128xi32, #tpu.memory_space<vmem>>) semaphore(%arg12 : memref<!tpu.dma_semaphore, #tpu.memory_space<semaphore_mem>>)
        %add3A_525 = arith.constant 1 : i32
        %add3A_526 = arith.addi %add3A_438, %add3A_525 : i32
        %dma_wait3A_527 = arith.constant 1 : i32
        %dma_wait3A_528 = arith.constant 0 : i32
        %dma_wait3A_529 = arith.constant 0 : i32
        %dma_wait3A_530 = tpu.memref_slice %arg9[%dma_wait3A_527, %dma_wait3A_528, %dma_wait3A_529] : memref<2x128x128xf32, #tpu.memory_space<vmem>> -> memref<1x128x128xf32, #tpu.memory_space<vmem>>
        %dma_wait3A_531 = tpu.memref_squeeze %dma_wait3A_530 : memref<1x128x128xf32, #tpu.memory_space<vmem>> -> memref<128x128xf32, #tpu.memory_space<vmem>>
        %dma_wait3A_532 = arith.constant 0 : i32
        %dma_wait3A_533 = tpu.memref_slice %arg8[%add3A_526, %dma_wait3A_532] : memref<80x128xi32, #tpu.memory_space<vmem>> -> memref<1x128xi32, #tpu.memory_space<vmem>>
        %dma_wait3A_534 = tpu.memref_squeeze %dma_wait3A_533 : memref<1x128xi32, #tpu.memory_space<vmem>> -> memref<128xi32, #tpu.memory_space<vmem>>
        %dma_wait3A_535 = arith.constant 0 : i32
        %dma_wait3A_536 = arith.constant 0 : i32
        %dma_wait3A_537 = tpu.memref_slice %arg11[%dma_wait3A_535, %dma_wait3A_536] : memref<3464x128xf32, #tpu.memory_space<vmem_shared>> -> memref<3464x128xf32, #tpu.memory_space<vmem_shared>>
        tpu.wait_indirect_dma semaphore(%arg15 : memref<!tpu.dma_semaphore, #tpu.memory_space<semaphore_mem>>) src(%dma_wait3A_531 : memref<128x128xf32, #tpu.memory_space<vmem>>) dst(%dma_wait3A_537 : memref<3464x128xf32, #tpu.memory_space<vmem_shared>>)
        %add3A_538 = arith.constant 2 : i32
        %add3A_539 = arith.addi %add3A_438, %add3A_538 : i32
        %add3A_540 = arith.constant 1 : i32
        %add3A_541 = arith.addi %add3A_539, %add3A_540 : i32
        %dma_start3A_542 = arith.constant 1 : i32
        %dma_start3A_543 = arith.constant 0 : i32
        %dma_start3A_544 = arith.constant 0 : i32
        %dma_start3A_545 = tpu.memref_slice %arg9[%dma_start3A_542, %dma_start3A_543, %dma_start3A_544] : memref<2x128x128xf32, #tpu.memory_space<vmem>> -> memref<1x128x128xf32, #tpu.memory_space<vmem>>
        %dma_start3A_546 = tpu.memref_squeeze %dma_start3A_545 : memref<1x128x128xf32, #tpu.memory_space<vmem>> -> memref<128x128xf32, #tpu.memory_space<vmem>>
        %dma_start3A_547 = arith.constant 0 : i32
        %dma_start3A_548 = tpu.memref_slice %arg7[%add3A_541, %dma_start3A_547] : memref<80x128xi32, #tpu.memory_space<vmem>> -> memref<1x128xi32, #tpu.memory_space<vmem>>
        %dma_start3A_549 = tpu.memref_squeeze %dma_start3A_548 : memref<1x128xi32, #tpu.memory_space<vmem>> -> memref<128xi32, #tpu.memory_space<vmem>>
        %dma_start3A_550 = arith.constant 0 : i32
        %dma_start3A_551 = arith.constant 0 : i32
        %dma_start3A_552 = tpu.memref_slice %arg2[%dma_start3A_550, %dma_start3A_551] : memref<40000x128xf32, #tpu.memory_space<hbm>> -> memref<40000x128xf32, #tpu.memory_space<hbm>>
        tpu.enqueue_indirect_dma source(%dma_start3A_552 : memref<40000x128xf32, #tpu.memory_space<hbm>>) target(%dma_start3A_546 : memref<128x128xf32, #tpu.memory_space<vmem>>) offsets(%dma_start3A_549 : memref<128xi32, #tpu.memory_space<vmem>>) semaphore(%arg13 : memref<!tpu.dma_semaphore, #tpu.memory_space<semaphore_mem>>)
      } else {
      }
    }
    %scan3A_179 = arith.constant 40 : i32
    %dma_wait3A_180 = arith.constant 0 : i32
    %dma_wait3A_181 = arith.constant 78 : i32
    %dma_wait3A_182 = arith.constant 0 : i32
    %dma_wait3A_183 = arith.constant 0 : i32
    %dma_wait3A_184 = tpu.memref_slice %arg9[%dma_wait3A_180, %dma_wait3A_182, %dma_wait3A_183] : memref<2x128x128xf32, #tpu.memory_space<vmem>> -> memref<1x128x128xf32, #tpu.memory_space<vmem>>
    %dma_wait3A_185 = tpu.memref_squeeze %dma_wait3A_184 : memref<1x128x128xf32, #tpu.memory_space<vmem>> -> memref<128x128xf32, #tpu.memory_space<vmem>>
    %dma_wait3A_186 = arith.constant 0 : i32
    %dma_wait3A_187 = tpu.memref_slice %arg8[%dma_wait3A_181, %dma_wait3A_186] : memref<80x128xi32, #tpu.memory_space<vmem>> -> memref<1x128xi32, #tpu.memory_space<vmem>>
    %dma_wait3A_188 = tpu.memref_squeeze %dma_wait3A_187 : memref<1x128xi32, #tpu.memory_space<vmem>> -> memref<128xi32, #tpu.memory_space<vmem>>
    %dma_wait3A_189 = arith.constant 0 : i32
    %dma_wait3A_190 = arith.constant 0 : i32
    %dma_wait3A_191 = tpu.memref_slice %arg11[%dma_wait3A_189, %dma_wait3A_190] : memref<3464x128xf32, #tpu.memory_space<vmem_shared>> -> memref<3464x128xf32, #tpu.memory_space<vmem_shared>>
    tpu.wait_indirect_dma semaphore(%arg14 : memref<!tpu.dma_semaphore, #tpu.memory_space<semaphore_mem>>) src(%dma_wait3A_185 : memref<128x128xf32, #tpu.memory_space<vmem>>) dst(%dma_wait3A_191 : memref<3464x128xf32, #tpu.memory_space<vmem_shared>>)
    %dma_wait3A_192 = arith.constant 1 : i32
    %dma_wait3A_193 = arith.constant 79 : i32
    %dma_wait3A_194 = arith.constant 0 : i32
    %dma_wait3A_195 = arith.constant 0 : i32
    %dma_wait3A_196 = tpu.memref_slice %arg9[%dma_wait3A_192, %dma_wait3A_194, %dma_wait3A_195] : memref<2x128x128xf32, #tpu.memory_space<vmem>> -> memref<1x128x128xf32, #tpu.memory_space<vmem>>
    %dma_wait3A_197 = tpu.memref_squeeze %dma_wait3A_196 : memref<1x128x128xf32, #tpu.memory_space<vmem>> -> memref<128x128xf32, #tpu.memory_space<vmem>>
    %dma_wait3A_198 = arith.constant 0 : i32
    %dma_wait3A_199 = tpu.memref_slice %arg8[%dma_wait3A_193, %dma_wait3A_198] : memref<80x128xi32, #tpu.memory_space<vmem>> -> memref<1x128xi32, #tpu.memory_space<vmem>>
    %dma_wait3A_200 = tpu.memref_squeeze %dma_wait3A_199 : memref<1x128xi32, #tpu.memory_space<vmem>> -> memref<128xi32, #tpu.memory_space<vmem>>
    %dma_wait3A_201 = arith.constant 0 : i32
    %dma_wait3A_202 = arith.constant 0 : i32
    %dma_wait3A_203 = tpu.memref_slice %arg11[%dma_wait3A_201, %dma_wait3A_202] : memref<3464x128xf32, #tpu.memory_space<vmem_shared>> -> memref<3464x128xf32, #tpu.memory_space<vmem_shared>>
    tpu.wait_indirect_dma semaphore(%arg15 : memref<!tpu.dma_semaphore, #tpu.memory_space<semaphore_mem>>) src(%dma_wait3A_197 : memref<128x128xf32, #tpu.memory_space<vmem>>) dst(%dma_wait3A_203 : memref<3464x128xf32, #tpu.memory_space<vmem_shared>>)
    %barrier3A_204 = arith.constant 0 : index
    tpu.barrier barrier_id(%barrier3A_204)
    %mul3A_205 = arith.constant 216 : i32
    %mul3A_206 = arith.muli %arg1, %mul3A_205 : i32
    %mul3A_207 = arith.constant 216 : i32
    %mul3A_208 = arith.muli %arg1, %mul3A_207 : i32
    %add3A_209 = arith.constant 6912 : i32
    %add3A_210 = arith.addi %add3A_209, %mul3A_208 : i32
    "tpu.region"() ({
      %run_scoped3A_434 = tpu.sem_alloc : memref<!tpu.dma_semaphore, #tpu.memory_space<semaphore_mem>>
      %dma_start3A_435 = arith.constant 0 : i32
      %dma_start3A_436 = tpu.memref_slice %arg6[%add3A_141, %add3A_210, %dma_start3A_435] : memref<4x10368x128xf32, #tpu.memory_space<hbm>> -> memref<1x216x128xf32, #tpu.memory_space<hbm>>
      %dma_start3A_437 = tpu.memref_squeeze %dma_start3A_436 : memref<1x216x128xf32, #tpu.memory_space<hbm>> -> memref<216x128xf32, #tpu.memory_space<hbm>>
      %dma_start3A_438 = arith.constant 0 : i32
      %dma_start3A_439 = tpu.memref_slice %arg11[%mul3A_206, %dma_start3A_438] : memref<3464x128xf32, #tpu.memory_space<vmem_shared>> -> memref<216x128xf32, #tpu.memory_space<vmem_shared>>
      tpu.enqueue_dma source(%dma_start3A_439 : memref<216x128xf32, #tpu.memory_space<vmem_shared>>) target(%dma_start3A_437 : memref<216x128xf32, #tpu.memory_space<hbm>>) target_semaphore(%run_scoped3A_434 : memref<!tpu.dma_semaphore, #tpu.memory_space<semaphore_mem>>)
      %dma_wait3A_440 = arith.constant 0 : i32
      %dma_wait3A_441 = tpu.memref_slice %arg6[%add3A_141, %add3A_210, %dma_wait3A_440] : memref<4x10368x128xf32, #tpu.memory_space<hbm>> -> memref<1x216x128xf32, #tpu.memory_space<hbm>>
      %dma_wait3A_442 = tpu.memref_squeeze %dma_wait3A_441 : memref<1x216x128xf32, #tpu.memory_space<hbm>> -> memref<216x128xf32, #tpu.memory_space<hbm>>
      %dma_wait3A_443 = arith.constant 0 : i32
      %dma_wait3A_444 = tpu.memref_slice %arg11[%mul3A_206, %dma_wait3A_443] : memref<3464x128xf32, #tpu.memory_space<vmem_shared>> -> memref<216x128xf32, #tpu.memory_space<vmem_shared>>
      tpu.wait_dma2 semaphore(%run_scoped3A_434 : memref<!tpu.dma_semaphore, #tpu.memory_space<semaphore_mem>>) src(%dma_wait3A_444 : memref<216x128xf32, #tpu.memory_space<vmem_shared>>) dst(%dma_wait3A_442 : memref<216x128xf32, #tpu.memory_space<hbm>>)
      tpu.yield
    }) : () -> ()
    %barrier3A_211 = arith.constant 0 : index
    tpu.barrier barrier_id(%barrier3A_211)
    %mul3A_212 = arith.constant 2 : i32
    %mul3A_213 = arith.muli %arg0, %mul3A_212 : i32
    %add3A_214 = arith.constant 1 : i32
    %add3A_215 = arith.addi %mul3A_213, %add3A_214 : i32
    %mul3A_216 = arith.constant 216 : i32
    %mul3A_217 = arith.muli %arg1, %mul3A_216 : i32
    "tpu.region"() ({
      %run_scoped3A_434 = tpu.sem_alloc : memref<!tpu.dma_semaphore, #tpu.memory_space<semaphore_mem>>
      %dma_start3A_435 = arith.constant 0 : i32
      %dma_start3A_436 = tpu.memref_slice %arg11[%mul3A_217, %dma_start3A_435] : memref<3464x128xf32, #tpu.memory_space<vmem_shared>> -> memref<216x128xf32, #tpu.memory_space<vmem_shared>>
      %dma_start3A_437 = arith.constant 0 : i32
      %dma_start3A_438 = tpu.memref_slice %arg11[%mul3A_217, %dma_start3A_437] : memref<3464x128xf32, #tpu.memory_space<vmem_shared>> -> memref<216x128xf32, #tpu.memory_space<vmem_shared>>
      tpu.enqueue_dma source(%arg10 : memref<216x128xf32, #tpu.memory_space<vmem>>) target(%dma_start3A_438 : memref<216x128xf32, #tpu.memory_space<vmem_shared>>) target_semaphore(%run_scoped3A_434 : memref<!tpu.dma_semaphore, #tpu.memory_space<semaphore_mem>>)
      %dma_wait3A_439 = arith.constant 0 : i32
      %dma_wait3A_440 = tpu.memref_slice %arg11[%mul3A_217, %dma_wait3A_439] : memref<3464x128xf32, #tpu.memory_space<vmem_shared>> -> memref<216x128xf32, #tpu.memory_space<vmem_shared>>
      %dma_wait3A_441 = arith.constant 0 : i32
      %dma_wait3A_442 = tpu.memref_slice %arg11[%mul3A_217, %dma_wait3A_441] : memref<3464x128xf32, #tpu.memory_space<vmem_shared>> -> memref<216x128xf32, #tpu.memory_space<vmem_shared>>
      tpu.wait_dma2 semaphore(%run_scoped3A_434 : memref<!tpu.dma_semaphore, #tpu.memory_space<semaphore_mem>>) src(%arg10 : memref<216x128xf32, #tpu.memory_space<vmem>>) dst(%dma_wait3A_442 : memref<216x128xf32, #tpu.memory_space<vmem_shared>>)
      tpu.yield
    }) : () -> ()
    %eq3A_218 = arith.constant 0 : i32
    %eq3A_219 = arith.cmpi eq, %arg1, %eq3A_218 : i32
    %convert_element_type3A_220 = arith.extui %eq3A_219 : i1 to i32
    %cond3A_221 = arith.constant 0 : i32
    %cond3A_222 = arith.cmpi ne, %convert_element_type3A_220, %cond3A_221 : i32
    scf.if %cond3A_222 {
      "tpu.region"() ({
        %run_scoped3A_434 = tpu.sem_alloc : memref<!tpu.dma_semaphore, #tpu.memory_space<semaphore_mem>>
        %dma_start3A_435 = arith.constant 0 : i32
        %dma_start3A_436 = arith.constant 0 : i32
        %dma_start3A_437 = tpu.memref_slice %arg10[%dma_start3A_435, %dma_start3A_436] : memref<216x128xf32, #tpu.memory_space<vmem>> -> memref<8x128xf32, #tpu.memory_space<vmem>>
        %dma_start3A_438 = arith.constant 3456 : i32
        %dma_start3A_439 = arith.constant 0 : i32
        %dma_start3A_440 = tpu.memref_slice %arg11[%dma_start3A_438, %dma_start3A_439] : memref<3464x128xf32, #tpu.memory_space<vmem_shared>> -> memref<8x128xf32, #tpu.memory_space<vmem_shared>>
        %dma_start3A_441 = arith.constant 3456 : i32
        %dma_start3A_442 = arith.constant 0 : i32
        %dma_start3A_443 = tpu.memref_slice %arg11[%dma_start3A_441, %dma_start3A_442] : memref<3464x128xf32, #tpu.memory_space<vmem_shared>> -> memref<8x128xf32, #tpu.memory_space<vmem_shared>>
        %dma_start3A_444 = arith.constant 0 : i32
        %dma_start3A_445 = arith.constant 0 : i32
        %dma_start3A_446 = tpu.memref_slice %arg10[%dma_start3A_444, %dma_start3A_445] : memref<216x128xf32, #tpu.memory_space<vmem>> -> memref<8x128xf32, #tpu.memory_space<vmem>>
        tpu.enqueue_dma source(%dma_start3A_446 : memref<8x128xf32, #tpu.memory_space<vmem>>) target(%dma_start3A_443 : memref<8x128xf32, #tpu.memory_space<vmem_shared>>) target_semaphore(%run_scoped3A_434 : memref<!tpu.dma_semaphore, #tpu.memory_space<semaphore_mem>>)
        %dma_wait3A_447 = arith.constant 0 : i32
        %dma_wait3A_448 = arith.constant 0 : i32
        %dma_wait3A_449 = tpu.memref_slice %arg10[%dma_wait3A_447, %dma_wait3A_448] : memref<216x128xf32, #tpu.memory_space<vmem>> -> memref<8x128xf32, #tpu.memory_space<vmem>>
        %dma_wait3A_450 = arith.constant 3456 : i32
        %dma_wait3A_451 = arith.constant 0 : i32
        %dma_wait3A_452 = tpu.memref_slice %arg11[%dma_wait3A_450, %dma_wait3A_451] : memref<3464x128xf32, #tpu.memory_space<vmem_shared>> -> memref<8x128xf32, #tpu.memory_space<vmem_shared>>
        %dma_wait3A_453 = arith.constant 3456 : i32
        %dma_wait3A_454 = arith.constant 0 : i32
        %dma_wait3A_455 = tpu.memref_slice %arg11[%dma_wait3A_453, %dma_wait3A_454] : memref<3464x128xf32, #tpu.memory_space<vmem_shared>> -> memref<8x128xf32, #tpu.memory_space<vmem_shared>>
        %dma_wait3A_456 = arith.constant 0 : i32
        %dma_wait3A_457 = arith.constant 0 : i32
        %dma_wait3A_458 = tpu.memref_slice %arg10[%dma_wait3A_456, %dma_wait3A_457] : memref<216x128xf32, #tpu.memory_space<vmem>> -> memref<8x128xf32, #tpu.memory_space<vmem>>
        tpu.wait_dma2 semaphore(%run_scoped3A_434 : memref<!tpu.dma_semaphore, #tpu.memory_space<semaphore_mem>>) src(%dma_wait3A_458 : memref<8x128xf32, #tpu.memory_space<vmem>>) dst(%dma_wait3A_455 : memref<8x128xf32, #tpu.memory_space<vmem_shared>>)
        tpu.yield
      }) : () -> ()
    } else {
    }
    %run_scoped3A_223 = arith.constant 0 : i32
    "tpu.region"() ({
      %run_scoped3A_434 = tpu.sem_alloc : memref<!tpu.dma_semaphore, #tpu.memory_space<semaphore_mem>>
      %dma_start3A_435 = arith.constant 0 : i32
      %dma_start3A_436 = arith.constant 0 : i32
      %dma_start3A_437 = tpu.memref_slice %arg4[%run_scoped3A_223, %arg1, %dma_start3A_435, %dma_start3A_436] : memref<3x16x80x128xi32, #tpu.memory_space<hbm>> -> memref<1x1x80x128xi32, #tpu.memory_space<hbm>>
      %dma_start3A_438 = tpu.memref_squeeze %dma_start3A_437 : memref<1x1x80x128xi32, #tpu.memory_space<hbm>> -> memref<80x128xi32, #tpu.memory_space<hbm>>
      %dma_start3A_439 = arith.constant 0 : i32
      %dma_start3A_440 = arith.constant 0 : i32
      %dma_start3A_441 = tpu.memref_slice %arg4[%run_scoped3A_223, %arg1, %dma_start3A_439, %dma_start3A_440] : memref<3x16x80x128xi32, #tpu.memory_space<hbm>> -> memref<1x1x80x128xi32, #tpu.memory_space<hbm>>
      %dma_start3A_442 = tpu.memref_squeeze %dma_start3A_441 : memref<1x1x80x128xi32, #tpu.memory_space<hbm>> -> memref<80x128xi32, #tpu.memory_space<hbm>>
      tpu.enqueue_dma source(%dma_start3A_442 : memref<80x128xi32, #tpu.memory_space<hbm>>) target(%arg8 : memref<80x128xi32, #tpu.memory_space<vmem>>) target_semaphore(%run_scoped3A_434 : memref<!tpu.dma_semaphore, #tpu.memory_space<semaphore_mem>>)
      %dma_wait3A_443 = arith.constant 0 : i32
      %dma_wait3A_444 = arith.constant 0 : i32
      %dma_wait3A_445 = tpu.memref_slice %arg4[%run_scoped3A_223, %arg1, %dma_wait3A_443, %dma_wait3A_444] : memref<3x16x80x128xi32, #tpu.memory_space<hbm>> -> memref<1x1x80x128xi32, #tpu.memory_space<hbm>>
      %dma_wait3A_446 = tpu.memref_squeeze %dma_wait3A_445 : memref<1x1x80x128xi32, #tpu.memory_space<hbm>> -> memref<80x128xi32, #tpu.memory_space<hbm>>
      %dma_wait3A_447 = arith.constant 0 : i32
      %dma_wait3A_448 = arith.constant 0 : i32
      %dma_wait3A_449 = tpu.memref_slice %arg4[%run_scoped3A_223, %arg1, %dma_wait3A_447, %dma_wait3A_448] : memref<3x16x80x128xi32, #tpu.memory_space<hbm>> -> memref<1x1x80x128xi32, #tpu.memory_space<hbm>>
      %dma_wait3A_450 = tpu.memref_squeeze %dma_wait3A_449 : memref<1x1x80x128xi32, #tpu.memory_space<hbm>> -> memref<80x128xi32, #tpu.memory_space<hbm>>
      tpu.wait_dma2 semaphore(%run_scoped3A_434 : memref<!tpu.dma_semaphore, #tpu.memory_space<semaphore_mem>>) src(%dma_wait3A_450 : memref<80x128xi32, #tpu.memory_space<hbm>>) dst(%arg8 : memref<80x128xi32, #tpu.memory_space<vmem>>)
      tpu.yield
    }) : () -> ()
    "tpu.region"() ({
      %run_scoped3A_434 = tpu.sem_alloc : memref<!tpu.dma_semaphore, #tpu.memory_space<semaphore_mem>>
      %dma_start3A_435 = arith.constant 0 : i32
      %dma_start3A_436 = arith.constant 0 : i32
      %dma_start3A_437 = tpu.memref_slice %arg3[%add3A_215, %arg1, %dma_start3A_435, %dma_start3A_436] : memref<4x16x80x128xi32, #tpu.memory_space<hbm>> -> memref<1x1x80x128xi32, #tpu.memory_space<hbm>>
      %dma_start3A_438 = tpu.memref_squeeze %dma_start3A_437 : memref<1x1x80x128xi32, #tpu.memory_space<hbm>> -> memref<80x128xi32, #tpu.memory_space<hbm>>
      %dma_start3A_439 = arith.constant 0 : i32
      %dma_start3A_440 = arith.constant 0 : i32
      %dma_start3A_441 = tpu.memref_slice %arg3[%add3A_215, %arg1, %dma_start3A_439, %dma_start3A_440] : memref<4x16x80x128xi32, #tpu.memory_space<hbm>> -> memref<1x1x80x128xi32, #tpu.memory_space<hbm>>
      %dma_start3A_442 = tpu.memref_squeeze %dma_start3A_441 : memref<1x1x80x128xi32, #tpu.memory_space<hbm>> -> memref<80x128xi32, #tpu.memory_space<hbm>>
      tpu.enqueue_dma source(%dma_start3A_442 : memref<80x128xi32, #tpu.memory_space<hbm>>) target(%arg7 : memref<80x128xi32, #tpu.memory_space<vmem>>) target_semaphore(%run_scoped3A_434 : memref<!tpu.dma_semaphore, #tpu.memory_space<semaphore_mem>>)
      %dma_wait3A_443 = arith.constant 0 : i32
      %dma_wait3A_444 = arith.constant 0 : i32
      %dma_wait3A_445 = tpu.memref_slice %arg3[%add3A_215, %arg1, %dma_wait3A_443, %dma_wait3A_444] : memref<4x16x80x128xi32, #tpu.memory_space<hbm>> -> memref<1x1x80x128xi32, #tpu.memory_space<hbm>>
      %dma_wait3A_446 = tpu.memref_squeeze %dma_wait3A_445 : memref<1x1x80x128xi32, #tpu.memory_space<hbm>> -> memref<80x128xi32, #tpu.memory_space<hbm>>
      %dma_wait3A_447 = arith.constant 0 : i32
      %dma_wait3A_448 = arith.constant 0 : i32
      %dma_wait3A_449 = tpu.memref_slice %arg3[%add3A_215, %arg1, %dma_wait3A_447, %dma_wait3A_448] : memref<4x16x80x128xi32, #tpu.memory_space<hbm>> -> memref<1x1x80x128xi32, #tpu.memory_space<hbm>>
      %dma_wait3A_450 = tpu.memref_squeeze %dma_wait3A_449 : memref<1x1x80x128xi32, #tpu.memory_space<hbm>> -> memref<80x128xi32, #tpu.memory_space<hbm>>
      tpu.wait_dma2 semaphore(%run_scoped3A_434 : memref<!tpu.dma_semaphore, #tpu.memory_space<semaphore_mem>>) src(%dma_wait3A_450 : memref<80x128xi32, #tpu.memory_space<hbm>>) dst(%arg7 : memref<80x128xi32, #tpu.memory_space<vmem>>)
      tpu.yield
    }) : () -> ()
    %dma_start3A_224 = arith.constant 0 : i32
    %dma_start3A_225 = arith.constant 0 : i32
    %dma_start3A_226 = arith.constant 0 : i32
    %dma_start3A_227 = arith.constant 0 : i32
    %dma_start3A_228 = tpu.memref_slice %arg9[%dma_start3A_225, %dma_start3A_226, %dma_start3A_227] : memref<2x128x128xf32, #tpu.memory_space<vmem>> -> memref<1x128x128xf32, #tpu.memory_space<vmem>>
    %dma_start3A_229 = tpu.memref_squeeze %dma_start3A_228 : memref<1x128x128xf32, #tpu.memory_space<vmem>> -> memref<128x128xf32, #tpu.memory_space<vmem>>
    %dma_start3A_230 = arith.constant 0 : i32
    %dma_start3A_231 = tpu.memref_slice %arg7[%dma_start3A_224, %dma_start3A_230] : memref<80x128xi32, #tpu.memory_space<vmem>> -> memref<1x128xi32, #tpu.memory_space<vmem>>
    %dma_start3A_232 = tpu.memref_squeeze %dma_start3A_231 : memref<1x128xi32, #tpu.memory_space<vmem>> -> memref<128xi32, #tpu.memory_space<vmem>>
    %dma_start3A_233 = arith.constant 0 : i32
    %dma_start3A_234 = arith.constant 0 : i32
    %dma_start3A_235 = tpu.memref_slice %arg2[%dma_start3A_233, %dma_start3A_234] : memref<40000x128xf32, #tpu.memory_space<hbm>> -> memref<40000x128xf32, #tpu.memory_space<hbm>>
    tpu.enqueue_indirect_dma source(%dma_start3A_235 : memref<40000x128xf32, #tpu.memory_space<hbm>>) target(%dma_start3A_229 : memref<128x128xf32, #tpu.memory_space<vmem>>) offsets(%dma_start3A_232 : memref<128xi32, #tpu.memory_space<vmem>>) semaphore(%arg12 : memref<!tpu.dma_semaphore, #tpu.memory_space<semaphore_mem>>)
    %dma_start3A_236 = arith.constant 1 : i32
    %dma_start3A_237 = arith.constant 1 : i32
    %dma_start3A_238 = arith.constant 0 : i32
    %dma_start3A_239 = arith.constant 0 : i32
    %dma_start3A_240 = tpu.memref_slice %arg9[%dma_start3A_237, %dma_start3A_238, %dma_start3A_239] : memref<2x128x128xf32, #tpu.memory_space<vmem>> -> memref<1x128x128xf32, #tpu.memory_space<vmem>>
    %dma_start3A_241 = tpu.memref_squeeze %dma_start3A_240 : memref<1x128x128xf32, #tpu.memory_space<vmem>> -> memref<128x128xf32, #tpu.memory_space<vmem>>
    %dma_start3A_242 = arith.constant 0 : i32
    %dma_start3A_243 = tpu.memref_slice %arg7[%dma_start3A_236, %dma_start3A_242] : memref<80x128xi32, #tpu.memory_space<vmem>> -> memref<1x128xi32, #tpu.memory_space<vmem>>
    %dma_start3A_244 = tpu.memref_squeeze %dma_start3A_243 : memref<1x128xi32, #tpu.memory_space<vmem>> -> memref<128xi32, #tpu.memory_space<vmem>>
    %dma_start3A_245 = arith.constant 0 : i32
    %dma_start3A_246 = arith.constant 0 : i32
    %dma_start3A_247 = tpu.memref_slice %arg2[%dma_start3A_245, %dma_start3A_246] : memref<40000x128xf32, #tpu.memory_space<hbm>> -> memref<40000x128xf32, #tpu.memory_space<hbm>>
    tpu.enqueue_indirect_dma source(%dma_start3A_247 : memref<40000x128xf32, #tpu.memory_space<hbm>>) target(%dma_start3A_241 : memref<128x128xf32, #tpu.memory_space<vmem>>) offsets(%dma_start3A_244 : memref<128xi32, #tpu.memory_space<vmem>>) semaphore(%arg13 : memref<!tpu.dma_semaphore, #tpu.memory_space<semaphore_mem>>)
    %barrier3A_248 = arith.constant 0 : index
    tpu.barrier barrier_id(%barrier3A_248)
    %scan3A_249 = arith.constant 0 : i32
    %scan3A_250 = arith.constant 40 : i32
    %scan3A_251 = arith.addi %scan3A_249, %scan3A_250 : i32
    %scan3A_252 = arith.constant 1 : i32
    scf.for %scan3A_434 = %scan3A_249 to %scan3A_251 step %scan3A_252  : i32 {
      %mul3A_435 = arith.constant 2 : i32
      %mul3A_436 = arith.muli %scan3A_434, %mul3A_435 : i32
      %add3A_437 = arith.constant 0 : i32
      %add3A_438 = arith.addi %add3A_437, %mul3A_436 : i32
      %add3A_439 = arith.constant 0 : i32
      %add3A_440 = arith.addi %add3A_438, %add3A_439 : i32
      %dma_wait3A_441 = arith.constant 0 : i32
      %dma_wait3A_442 = arith.constant 0 : i32
      %dma_wait3A_443 = arith.constant 0 : i32
      %dma_wait3A_444 = tpu.memref_slice %arg9[%dma_wait3A_441, %dma_wait3A_442, %dma_wait3A_443] : memref<2x128x128xf32, #tpu.memory_space<vmem>> -> memref<1x128x128xf32, #tpu.memory_space<vmem>>
      %dma_wait3A_445 = tpu.memref_squeeze %dma_wait3A_444 : memref<1x128x128xf32, #tpu.memory_space<vmem>> -> memref<128x128xf32, #tpu.memory_space<vmem>>
      %dma_wait3A_446 = arith.constant 0 : i32
      %dma_wait3A_447 = tpu.memref_slice %arg7[%add3A_440, %dma_wait3A_446] : memref<80x128xi32, #tpu.memory_space<vmem>> -> memref<1x128xi32, #tpu.memory_space<vmem>>
      %dma_wait3A_448 = tpu.memref_squeeze %dma_wait3A_447 : memref<1x128xi32, #tpu.memory_space<vmem>> -> memref<128xi32, #tpu.memory_space<vmem>>
      %dma_wait3A_449 = arith.constant 0 : i32
      %dma_wait3A_450 = arith.constant 0 : i32
      %dma_wait3A_451 = tpu.memref_slice %arg2[%dma_wait3A_449, %dma_wait3A_450] : memref<40000x128xf32, #tpu.memory_space<hbm>> -> memref<40000x128xf32, #tpu.memory_space<hbm>>
      tpu.wait_indirect_dma semaphore(%arg12 : memref<!tpu.dma_semaphore, #tpu.memory_space<semaphore_mem>>) src(%dma_wait3A_451 : memref<40000x128xf32, #tpu.memory_space<hbm>>) dst(%dma_wait3A_445 : memref<128x128xf32, #tpu.memory_space<vmem>>)
      %add3A_452 = arith.constant 0 : i32
      %add3A_453 = arith.addi %add3A_438, %add3A_452 : i32
      %dma_start3A_454 = arith.constant 0 : i32
      %dma_start3A_455 = arith.constant 0 : i32
      %dma_start3A_456 = arith.constant 0 : i32
      %dma_start3A_457 = tpu.memref_slice %arg9[%dma_start3A_454, %dma_start3A_455, %dma_start3A_456] : memref<2x128x128xf32, #tpu.memory_space<vmem>> -> memref<1x128x128xf32, #tpu.memory_space<vmem>>
      %dma_start3A_458 = tpu.memref_squeeze %dma_start3A_457 : memref<1x128x128xf32, #tpu.memory_space<vmem>> -> memref<128x128xf32, #tpu.memory_space<vmem>>
      %dma_start3A_459 = arith.constant 0 : i32
      %dma_start3A_460 = tpu.memref_slice %arg8[%add3A_453, %dma_start3A_459] : memref<80x128xi32, #tpu.memory_space<vmem>> -> memref<1x128xi32, #tpu.memory_space<vmem>>
      %dma_start3A_461 = tpu.memref_squeeze %dma_start3A_460 : memref<1x128xi32, #tpu.memory_space<vmem>> -> memref<128xi32, #tpu.memory_space<vmem>>
      %dma_start3A_462 = arith.constant 0 : i32
      %dma_start3A_463 = arith.constant 0 : i32
      %dma_start3A_464 = tpu.memref_slice %arg11[%dma_start3A_462, %dma_start3A_463] : memref<3464x128xf32, #tpu.memory_space<vmem_shared>> -> memref<3464x128xf32, #tpu.memory_space<vmem_shared>>
      tpu.enqueue_indirect_dma source(%dma_start3A_458 : memref<128x128xf32, #tpu.memory_space<vmem>>) target(%dma_start3A_464 : memref<3464x128xf32, #tpu.memory_space<vmem_shared>>) offsets(%dma_start3A_461 : memref<128xi32, #tpu.memory_space<vmem>>) semaphore(%arg14 : memref<!tpu.dma_semaphore, #tpu.memory_space<semaphore_mem>>) {add = true}
      %add3A_465 = arith.constant 1 : i32
      %add3A_466 = arith.addi %add3A_438, %add3A_465 : i32
      %dma_wait3A_467 = arith.constant 1 : i32
      %dma_wait3A_468 = arith.constant 0 : i32
      %dma_wait3A_469 = arith.constant 0 : i32
      %dma_wait3A_470 = tpu.memref_slice %arg9[%dma_wait3A_467, %dma_wait3A_468, %dma_wait3A_469] : memref<2x128x128xf32, #tpu.memory_space<vmem>> -> memref<1x128x128xf32, #tpu.memory_space<vmem>>
      %dma_wait3A_471 = tpu.memref_squeeze %dma_wait3A_470 : memref<1x128x128xf32, #tpu.memory_space<vmem>> -> memref<128x128xf32, #tpu.memory_space<vmem>>
      %dma_wait3A_472 = arith.constant 0 : i32
      %dma_wait3A_473 = tpu.memref_slice %arg7[%add3A_466, %dma_wait3A_472] : memref<80x128xi32, #tpu.memory_space<vmem>> -> memref<1x128xi32, #tpu.memory_space<vmem>>
      %dma_wait3A_474 = tpu.memref_squeeze %dma_wait3A_473 : memref<1x128xi32, #tpu.memory_space<vmem>> -> memref<128xi32, #tpu.memory_space<vmem>>
      %dma_wait3A_475 = arith.constant 0 : i32
      %dma_wait3A_476 = arith.constant 0 : i32
      %dma_wait3A_477 = tpu.memref_slice %arg2[%dma_wait3A_475, %dma_wait3A_476] : memref<40000x128xf32, #tpu.memory_space<hbm>> -> memref<40000x128xf32, #tpu.memory_space<hbm>>
      tpu.wait_indirect_dma semaphore(%arg13 : memref<!tpu.dma_semaphore, #tpu.memory_space<semaphore_mem>>) src(%dma_wait3A_477 : memref<40000x128xf32, #tpu.memory_space<hbm>>) dst(%dma_wait3A_471 : memref<128x128xf32, #tpu.memory_space<vmem>>)
      %add3A_478 = arith.constant 1 : i32
      %add3A_479 = arith.addi %add3A_438, %add3A_478 : i32
      %dma_start3A_480 = arith.constant 1 : i32
      %dma_start3A_481 = arith.constant 0 : i32
      %dma_start3A_482 = arith.constant 0 : i32
      %dma_start3A_483 = tpu.memref_slice %arg9[%dma_start3A_480, %dma_start3A_481, %dma_start3A_482] : memref<2x128x128xf32, #tpu.memory_space<vmem>> -> memref<1x128x128xf32, #tpu.memory_space<vmem>>
      %dma_start3A_484 = tpu.memref_squeeze %dma_start3A_483 : memref<1x128x128xf32, #tpu.memory_space<vmem>> -> memref<128x128xf32, #tpu.memory_space<vmem>>
      %dma_start3A_485 = arith.constant 0 : i32
      %dma_start3A_486 = tpu.memref_slice %arg8[%add3A_479, %dma_start3A_485] : memref<80x128xi32, #tpu.memory_space<vmem>> -> memref<1x128xi32, #tpu.memory_space<vmem>>
      %dma_start3A_487 = tpu.memref_squeeze %dma_start3A_486 : memref<1x128xi32, #tpu.memory_space<vmem>> -> memref<128xi32, #tpu.memory_space<vmem>>
      %dma_start3A_488 = arith.constant 0 : i32
      %dma_start3A_489 = arith.constant 0 : i32
      %dma_start3A_490 = tpu.memref_slice %arg11[%dma_start3A_488, %dma_start3A_489] : memref<3464x128xf32, #tpu.memory_space<vmem_shared>> -> memref<3464x128xf32, #tpu.memory_space<vmem_shared>>
      tpu.enqueue_indirect_dma source(%dma_start3A_484 : memref<128x128xf32, #tpu.memory_space<vmem>>) target(%dma_start3A_490 : memref<3464x128xf32, #tpu.memory_space<vmem_shared>>) offsets(%dma_start3A_487 : memref<128xi32, #tpu.memory_space<vmem>>) semaphore(%arg15 : memref<!tpu.dma_semaphore, #tpu.memory_space<semaphore_mem>>) {add = true}
      %add3A_491 = arith.constant 2 : i32
      %add3A_492 = arith.addi %add3A_438, %add3A_491 : i32
      %lt3A = arith.constant 80 : i32
      %lt3A_493 = arith.cmpi slt, %add3A_492, %lt3A : i32
      %convert_element_type3A_494 = arith.extui %lt3A_493 : i1 to i32
      %cond3A_495 = arith.constant 0 : i32
      %cond3A_496 = arith.cmpi ne, %convert_element_type3A_494, %cond3A_495 : i32
      scf.if %cond3A_496 {
        %add3A_497 = arith.constant 0 : i32
        %add3A_498 = arith.addi %add3A_438, %add3A_497 : i32
        %dma_wait3A_499 = arith.constant 0 : i32
        %dma_wait3A_500 = arith.constant 0 : i32
        %dma_wait3A_501 = arith.constant 0 : i32
        %dma_wait3A_502 = tpu.memref_slice %arg9[%dma_wait3A_499, %dma_wait3A_500, %dma_wait3A_501] : memref<2x128x128xf32, #tpu.memory_space<vmem>> -> memref<1x128x128xf32, #tpu.memory_space<vmem>>
        %dma_wait3A_503 = tpu.memref_squeeze %dma_wait3A_502 : memref<1x128x128xf32, #tpu.memory_space<vmem>> -> memref<128x128xf32, #tpu.memory_space<vmem>>
        %dma_wait3A_504 = arith.constant 0 : i32
        %dma_wait3A_505 = tpu.memref_slice %arg8[%add3A_498, %dma_wait3A_504] : memref<80x128xi32, #tpu.memory_space<vmem>> -> memref<1x128xi32, #tpu.memory_space<vmem>>
        %dma_wait3A_506 = tpu.memref_squeeze %dma_wait3A_505 : memref<1x128xi32, #tpu.memory_space<vmem>> -> memref<128xi32, #tpu.memory_space<vmem>>
        %dma_wait3A_507 = arith.constant 0 : i32
        %dma_wait3A_508 = arith.constant 0 : i32
        %dma_wait3A_509 = tpu.memref_slice %arg11[%dma_wait3A_507, %dma_wait3A_508] : memref<3464x128xf32, #tpu.memory_space<vmem_shared>> -> memref<3464x128xf32, #tpu.memory_space<vmem_shared>>
        tpu.wait_indirect_dma semaphore(%arg14 : memref<!tpu.dma_semaphore, #tpu.memory_space<semaphore_mem>>) src(%dma_wait3A_503 : memref<128x128xf32, #tpu.memory_space<vmem>>) dst(%dma_wait3A_509 : memref<3464x128xf32, #tpu.memory_space<vmem_shared>>)
        %add3A_510 = arith.constant 2 : i32
        %add3A_511 = arith.addi %add3A_438, %add3A_510 : i32
        %add3A_512 = arith.constant 0 : i32
        %add3A_513 = arith.addi %add3A_511, %add3A_512 : i32
        %dma_start3A_514 = arith.constant 0 : i32
        %dma_start3A_515 = arith.constant 0 : i32
        %dma_start3A_516 = arith.constant 0 : i32
        %dma_start3A_517 = tpu.memref_slice %arg9[%dma_start3A_514, %dma_start3A_515, %dma_start3A_516] : memref<2x128x128xf32, #tpu.memory_space<vmem>> -> memref<1x128x128xf32, #tpu.memory_space<vmem>>
        %dma_start3A_518 = tpu.memref_squeeze %dma_start3A_517 : memref<1x128x128xf32, #tpu.memory_space<vmem>> -> memref<128x128xf32, #tpu.memory_space<vmem>>
        %dma_start3A_519 = arith.constant 0 : i32
        %dma_start3A_520 = tpu.memref_slice %arg7[%add3A_513, %dma_start3A_519] : memref<80x128xi32, #tpu.memory_space<vmem>> -> memref<1x128xi32, #tpu.memory_space<vmem>>
        %dma_start3A_521 = tpu.memref_squeeze %dma_start3A_520 : memref<1x128xi32, #tpu.memory_space<vmem>> -> memref<128xi32, #tpu.memory_space<vmem>>
        %dma_start3A_522 = arith.constant 0 : i32
        %dma_start3A_523 = arith.constant 0 : i32
        %dma_start3A_524 = tpu.memref_slice %arg2[%dma_start3A_522, %dma_start3A_523] : memref<40000x128xf32, #tpu.memory_space<hbm>> -> memref<40000x128xf32, #tpu.memory_space<hbm>>
        tpu.enqueue_indirect_dma source(%dma_start3A_524 : memref<40000x128xf32, #tpu.memory_space<hbm>>) target(%dma_start3A_518 : memref<128x128xf32, #tpu.memory_space<vmem>>) offsets(%dma_start3A_521 : memref<128xi32, #tpu.memory_space<vmem>>) semaphore(%arg12 : memref<!tpu.dma_semaphore, #tpu.memory_space<semaphore_mem>>)
        %add3A_525 = arith.constant 1 : i32
        %add3A_526 = arith.addi %add3A_438, %add3A_525 : i32
        %dma_wait3A_527 = arith.constant 1 : i32
        %dma_wait3A_528 = arith.constant 0 : i32
        %dma_wait3A_529 = arith.constant 0 : i32
        %dma_wait3A_530 = tpu.memref_slice %arg9[%dma_wait3A_527, %dma_wait3A_528, %dma_wait3A_529] : memref<2x128x128xf32, #tpu.memory_space<vmem>> -> memref<1x128x128xf32, #tpu.memory_space<vmem>>
        %dma_wait3A_531 = tpu.memref_squeeze %dma_wait3A_530 : memref<1x128x128xf32, #tpu.memory_space<vmem>> -> memref<128x128xf32, #tpu.memory_space<vmem>>
        %dma_wait3A_532 = arith.constant 0 : i32
        %dma_wait3A_533 = tpu.memref_slice %arg8[%add3A_526, %dma_wait3A_532] : memref<80x128xi32, #tpu.memory_space<vmem>> -> memref<1x128xi32, #tpu.memory_space<vmem>>
        %dma_wait3A_534 = tpu.memref_squeeze %dma_wait3A_533 : memref<1x128xi32, #tpu.memory_space<vmem>> -> memref<128xi32, #tpu.memory_space<vmem>>
        %dma_wait3A_535 = arith.constant 0 : i32
        %dma_wait3A_536 = arith.constant 0 : i32
        %dma_wait3A_537 = tpu.memref_slice %arg11[%dma_wait3A_535, %dma_wait3A_536] : memref<3464x128xf32, #tpu.memory_space<vmem_shared>> -> memref<3464x128xf32, #tpu.memory_space<vmem_shared>>
        tpu.wait_indirect_dma semaphore(%arg15 : memref<!tpu.dma_semaphore, #tpu.memory_space<semaphore_mem>>) src(%dma_wait3A_531 : memref<128x128xf32, #tpu.memory_space<vmem>>) dst(%dma_wait3A_537 : memref<3464x128xf32, #tpu.memory_space<vmem_shared>>)
        %add3A_538 = arith.constant 2 : i32
        %add3A_539 = arith.addi %add3A_438, %add3A_538 : i32
        %add3A_540 = arith.constant 1 : i32
        %add3A_541 = arith.addi %add3A_539, %add3A_540 : i32
        %dma_start3A_542 = arith.constant 1 : i32
        %dma_start3A_543 = arith.constant 0 : i32
        %dma_start3A_544 = arith.constant 0 : i32
        %dma_start3A_545 = tpu.memref_slice %arg9[%dma_start3A_542, %dma_start3A_543, %dma_start3A_544] : memref<2x128x128xf32, #tpu.memory_space<vmem>> -> memref<1x128x128xf32, #tpu.memory_space<vmem>>
        %dma_start3A_546 = tpu.memref_squeeze %dma_start3A_545 : memref<1x128x128xf32, #tpu.memory_space<vmem>> -> memref<128x128xf32, #tpu.memory_space<vmem>>
        %dma_start3A_547 = arith.constant 0 : i32
        %dma_start3A_548 = tpu.memref_slice %arg7[%add3A_541, %dma_start3A_547] : memref<80x128xi32, #tpu.memory_space<vmem>> -> memref<1x128xi32, #tpu.memory_space<vmem>>
        %dma_start3A_549 = tpu.memref_squeeze %dma_start3A_548 : memref<1x128xi32, #tpu.memory_space<vmem>> -> memref<128xi32, #tpu.memory_space<vmem>>
        %dma_start3A_550 = arith.constant 0 : i32
        %dma_start3A_551 = arith.constant 0 : i32
        %dma_start3A_552 = tpu.memref_slice %arg2[%dma_start3A_550, %dma_start3A_551] : memref<40000x128xf32, #tpu.memory_space<hbm>> -> memref<40000x128xf32, #tpu.memory_space<hbm>>
        tpu.enqueue_indirect_dma source(%dma_start3A_552 : memref<40000x128xf32, #tpu.memory_space<hbm>>) target(%dma_start3A_546 : memref<128x128xf32, #tpu.memory_space<vmem>>) offsets(%dma_start3A_549 : memref<128xi32, #tpu.memory_space<vmem>>) semaphore(%arg13 : memref<!tpu.dma_semaphore, #tpu.memory_space<semaphore_mem>>)
      } else {
      }
    }
    %scan3A_253 = arith.constant 40 : i32
    %dma_wait3A_254 = arith.constant 0 : i32
    %dma_wait3A_255 = arith.constant 78 : i32
    %dma_wait3A_256 = arith.constant 0 : i32
    %dma_wait3A_257 = arith.constant 0 : i32
    %dma_wait3A_258 = tpu.memref_slice %arg9[%dma_wait3A_254, %dma_wait3A_256, %dma_wait3A_257] : memref<2x128x128xf32, #tpu.memory_space<vmem>> -> memref<1x128x128xf32, #tpu.memory_space<vmem>>
    %dma_wait3A_259 = tpu.memref_squeeze %dma_wait3A_258 : memref<1x128x128xf32, #tpu.memory_space<vmem>> -> memref<128x128xf32, #tpu.memory_space<vmem>>
    %dma_wait3A_260 = arith.constant 0 : i32
    %dma_wait3A_261 = tpu.memref_slice %arg8[%dma_wait3A_255, %dma_wait3A_260] : memref<80x128xi32, #tpu.memory_space<vmem>> -> memref<1x128xi32, #tpu.memory_space<vmem>>
    %dma_wait3A_262 = tpu.memref_squeeze %dma_wait3A_261 : memref<1x128xi32, #tpu.memory_space<vmem>> -> memref<128xi32, #tpu.memory_space<vmem>>
    %dma_wait3A_263 = arith.constant 0 : i32
    %dma_wait3A_264 = arith.constant 0 : i32
    %dma_wait3A_265 = tpu.memref_slice %arg11[%dma_wait3A_263, %dma_wait3A_264] : memref<3464x128xf32, #tpu.memory_space<vmem_shared>> -> memref<3464x128xf32, #tpu.memory_space<vmem_shared>>
    tpu.wait_indirect_dma semaphore(%arg14 : memref<!tpu.dma_semaphore, #tpu.memory_space<semaphore_mem>>) src(%dma_wait3A_259 : memref<128x128xf32, #tpu.memory_space<vmem>>) dst(%dma_wait3A_265 : memref<3464x128xf32, #tpu.memory_space<vmem_shared>>)
    %dma_wait3A_266 = arith.constant 1 : i32
    %dma_wait3A_267 = arith.constant 79 : i32
    %dma_wait3A_268 = arith.constant 0 : i32
    %dma_wait3A_269 = arith.constant 0 : i32
    %dma_wait3A_270 = tpu.memref_slice %arg9[%dma_wait3A_266, %dma_wait3A_268, %dma_wait3A_269] : memref<2x128x128xf32, #tpu.memory_space<vmem>> -> memref<1x128x128xf32, #tpu.memory_space<vmem>>
    %dma_wait3A_271 = tpu.memref_squeeze %dma_wait3A_270 : memref<1x128x128xf32, #tpu.memory_space<vmem>> -> memref<128x128xf32, #tpu.memory_space<vmem>>
    %dma_wait3A_272 = arith.constant 0 : i32
    %dma_wait3A_273 = tpu.memref_slice %arg8[%dma_wait3A_267, %dma_wait3A_272] : memref<80x128xi32, #tpu.memory_space<vmem>> -> memref<1x128xi32, #tpu.memory_space<vmem>>
    %dma_wait3A_274 = tpu.memref_squeeze %dma_wait3A_273 : memref<1x128xi32, #tpu.memory_space<vmem>> -> memref<128xi32, #tpu.memory_space<vmem>>
    %dma_wait3A_275 = arith.constant 0 : i32
    %dma_wait3A_276 = arith.constant 0 : i32
    %dma_wait3A_277 = tpu.memref_slice %arg11[%dma_wait3A_275, %dma_wait3A_276] : memref<3464x128xf32, #tpu.memory_space<vmem_shared>> -> memref<3464x128xf32, #tpu.memory_space<vmem_shared>>
    tpu.wait_indirect_dma semaphore(%arg15 : memref<!tpu.dma_semaphore, #tpu.memory_space<semaphore_mem>>) src(%dma_wait3A_271 : memref<128x128xf32, #tpu.memory_space<vmem>>) dst(%dma_wait3A_277 : memref<3464x128xf32, #tpu.memory_space<vmem_shared>>)
    %barrier3A_278 = arith.constant 0 : index
    tpu.barrier barrier_id(%barrier3A_278)
    %mul3A_279 = arith.constant 216 : i32
    %mul3A_280 = arith.muli %arg1, %mul3A_279 : i32
    %mul3A_281 = arith.constant 216 : i32
    %mul3A_282 = arith.muli %arg1, %mul3A_281 : i32
    %add3A_283 = arith.constant 0 : i32
    %add3A_284 = arith.addi %add3A_283, %mul3A_282 : i32
    "tpu.region"() ({
      %run_scoped3A_434 = tpu.sem_alloc : memref<!tpu.dma_semaphore, #tpu.memory_space<semaphore_mem>>
      %dma_start3A_435 = arith.constant 0 : i32
      %dma_start3A_436 = tpu.memref_slice %arg6[%add3A_215, %add3A_284, %dma_start3A_435] : memref<4x10368x128xf32, #tpu.memory_space<hbm>> -> memref<1x216x128xf32, #tpu.memory_space<hbm>>
      %dma_start3A_437 = tpu.memref_squeeze %dma_start3A_436 : memref<1x216x128xf32, #tpu.memory_space<hbm>> -> memref<216x128xf32, #tpu.memory_space<hbm>>
      %dma_start3A_438 = arith.constant 0 : i32
      %dma_start3A_439 = tpu.memref_slice %arg11[%mul3A_280, %dma_start3A_438] : memref<3464x128xf32, #tpu.memory_space<vmem_shared>> -> memref<216x128xf32, #tpu.memory_space<vmem_shared>>
      tpu.enqueue_dma source(%dma_start3A_439 : memref<216x128xf32, #tpu.memory_space<vmem_shared>>) target(%dma_start3A_437 : memref<216x128xf32, #tpu.memory_space<hbm>>) target_semaphore(%run_scoped3A_434 : memref<!tpu.dma_semaphore, #tpu.memory_space<semaphore_mem>>)
      %dma_wait3A_440 = arith.constant 0 : i32
      %dma_wait3A_441 = tpu.memref_slice %arg6[%add3A_215, %add3A_284, %dma_wait3A_440] : memref<4x10368x128xf32, #tpu.memory_space<hbm>> -> memref<1x216x128xf32, #tpu.memory_space<hbm>>
      %dma_wait3A_442 = tpu.memref_squeeze %dma_wait3A_441 : memref<1x216x128xf32, #tpu.memory_space<hbm>> -> memref<216x128xf32, #tpu.memory_space<hbm>>
      %dma_wait3A_443 = arith.constant 0 : i32
      %dma_wait3A_444 = tpu.memref_slice %arg11[%mul3A_280, %dma_wait3A_443] : memref<3464x128xf32, #tpu.memory_space<vmem_shared>> -> memref<216x128xf32, #tpu.memory_space<vmem_shared>>
      tpu.wait_dma2 semaphore(%run_scoped3A_434 : memref<!tpu.dma_semaphore, #tpu.memory_space<semaphore_mem>>) src(%dma_wait3A_444 : memref<216x128xf32, #tpu.memory_space<vmem_shared>>) dst(%dma_wait3A_442 : memref<216x128xf32, #tpu.memory_space<hbm>>)
      tpu.yield
    }) : () -> ()
    %barrier3A_285 = arith.constant 0 : index
    tpu.barrier barrier_id(%barrier3A_285)
    %mul3A_286 = arith.constant 2 : i32
    %mul3A_287 = arith.muli %arg0, %mul3A_286 : i32
    %add3A_288 = arith.constant 1 : i32
    %add3A_289 = arith.addi %mul3A_287, %add3A_288 : i32
    %mul3A_290 = arith.constant 216 : i32
    %mul3A_291 = arith.muli %arg1, %mul3A_290 : i32
    "tpu.region"() ({
      %run_scoped3A_434 = tpu.sem_alloc : memref<!tpu.dma_semaphore, #tpu.memory_space<semaphore_mem>>
      %dma_start3A_435 = arith.constant 0 : i32
      %dma_start3A_436 = tpu.memref_slice %arg11[%mul3A_291, %dma_start3A_435] : memref<3464x128xf32, #tpu.memory_space<vmem_shared>> -> memref<216x128xf32, #tpu.memory_space<vmem_shared>>
      %dma_start3A_437 = arith.constant 0 : i32
      %dma_start3A_438 = tpu.memref_slice %arg11[%mul3A_291, %dma_start3A_437] : memref<3464x128xf32, #tpu.memory_space<vmem_shared>> -> memref<216x128xf32, #tpu.memory_space<vmem_shared>>
      tpu.enqueue_dma source(%arg10 : memref<216x128xf32, #tpu.memory_space<vmem>>) target(%dma_start3A_438 : memref<216x128xf32, #tpu.memory_space<vmem_shared>>) target_semaphore(%run_scoped3A_434 : memref<!tpu.dma_semaphore, #tpu.memory_space<semaphore_mem>>)
      %dma_wait3A_439 = arith.constant 0 : i32
      %dma_wait3A_440 = tpu.memref_slice %arg11[%mul3A_291, %dma_wait3A_439] : memref<3464x128xf32, #tpu.memory_space<vmem_shared>> -> memref<216x128xf32, #tpu.memory_space<vmem_shared>>
      %dma_wait3A_441 = arith.constant 0 : i32
      %dma_wait3A_442 = tpu.memref_slice %arg11[%mul3A_291, %dma_wait3A_441] : memref<3464x128xf32, #tpu.memory_space<vmem_shared>> -> memref<216x128xf32, #tpu.memory_space<vmem_shared>>
      tpu.wait_dma2 semaphore(%run_scoped3A_434 : memref<!tpu.dma_semaphore, #tpu.memory_space<semaphore_mem>>) src(%arg10 : memref<216x128xf32, #tpu.memory_space<vmem>>) dst(%dma_wait3A_442 : memref<216x128xf32, #tpu.memory_space<vmem_shared>>)
      tpu.yield
    }) : () -> ()
    %eq3A_292 = arith.constant 0 : i32
    %eq3A_293 = arith.cmpi eq, %arg1, %eq3A_292 : i32
    %convert_element_type3A_294 = arith.extui %eq3A_293 : i1 to i32
    %cond3A_295 = arith.constant 0 : i32
    %cond3A_296 = arith.cmpi ne, %convert_element_type3A_294, %cond3A_295 : i32
    scf.if %cond3A_296 {
      "tpu.region"() ({
        %run_scoped3A_434 = tpu.sem_alloc : memref<!tpu.dma_semaphore, #tpu.memory_space<semaphore_mem>>
        %dma_start3A_435 = arith.constant 0 : i32
        %dma_start3A_436 = arith.constant 0 : i32
        %dma_start3A_437 = tpu.memref_slice %arg10[%dma_start3A_435, %dma_start3A_436] : memref<216x128xf32, #tpu.memory_space<vmem>> -> memref<8x128xf32, #tpu.memory_space<vmem>>
        %dma_start3A_438 = arith.constant 3456 : i32
        %dma_start3A_439 = arith.constant 0 : i32
        %dma_start3A_440 = tpu.memref_slice %arg11[%dma_start3A_438, %dma_start3A_439] : memref<3464x128xf32, #tpu.memory_space<vmem_shared>> -> memref<8x128xf32, #tpu.memory_space<vmem_shared>>
        %dma_start3A_441 = arith.constant 3456 : i32
        %dma_start3A_442 = arith.constant 0 : i32
        %dma_start3A_443 = tpu.memref_slice %arg11[%dma_start3A_441, %dma_start3A_442] : memref<3464x128xf32, #tpu.memory_space<vmem_shared>> -> memref<8x128xf32, #tpu.memory_space<vmem_shared>>
        %dma_start3A_444 = arith.constant 0 : i32
        %dma_start3A_445 = arith.constant 0 : i32
        %dma_start3A_446 = tpu.memref_slice %arg10[%dma_start3A_444, %dma_start3A_445] : memref<216x128xf32, #tpu.memory_space<vmem>> -> memref<8x128xf32, #tpu.memory_space<vmem>>
        tpu.enqueue_dma source(%dma_start3A_446 : memref<8x128xf32, #tpu.memory_space<vmem>>) target(%dma_start3A_443 : memref<8x128xf32, #tpu.memory_space<vmem_shared>>) target_semaphore(%run_scoped3A_434 : memref<!tpu.dma_semaphore, #tpu.memory_space<semaphore_mem>>)
        %dma_wait3A_447 = arith.constant 0 : i32
        %dma_wait3A_448 = arith.constant 0 : i32
        %dma_wait3A_449 = tpu.memref_slice %arg10[%dma_wait3A_447, %dma_wait3A_448] : memref<216x128xf32, #tpu.memory_space<vmem>> -> memref<8x128xf32, #tpu.memory_space<vmem>>
        %dma_wait3A_450 = arith.constant 3456 : i32
        %dma_wait3A_451 = arith.constant 0 : i32
        %dma_wait3A_452 = tpu.memref_slice %arg11[%dma_wait3A_450, %dma_wait3A_451] : memref<3464x128xf32, #tpu.memory_space<vmem_shared>> -> memref<8x128xf32, #tpu.memory_space<vmem_shared>>
        %dma_wait3A_453 = arith.constant 3456 : i32
        %dma_wait3A_454 = arith.constant 0 : i32
        %dma_wait3A_455 = tpu.memref_slice %arg11[%dma_wait3A_453, %dma_wait3A_454] : memref<3464x128xf32, #tpu.memory_space<vmem_shared>> -> memref<8x128xf32, #tpu.memory_space<vmem_shared>>
        %dma_wait3A_456 = arith.constant 0 : i32
        %dma_wait3A_457 = arith.constant 0 : i32
        %dma_wait3A_458 = tpu.memref_slice %arg10[%dma_wait3A_456, %dma_wait3A_457] : memref<216x128xf32, #tpu.memory_space<vmem>> -> memref<8x128xf32, #tpu.memory_space<vmem>>
        tpu.wait_dma2 semaphore(%run_scoped3A_434 : memref<!tpu.dma_semaphore, #tpu.memory_space<semaphore_mem>>) src(%dma_wait3A_458 : memref<8x128xf32, #tpu.memory_space<vmem>>) dst(%dma_wait3A_455 : memref<8x128xf32, #tpu.memory_space<vmem_shared>>)
        tpu.yield
      }) : () -> ()
    } else {
    }
    %run_scoped3A_297 = arith.constant 1 : i32
    "tpu.region"() ({
      %run_scoped3A_434 = tpu.sem_alloc : memref<!tpu.dma_semaphore, #tpu.memory_space<semaphore_mem>>
      %dma_start3A_435 = arith.constant 0 : i32
      %dma_start3A_436 = arith.constant 0 : i32
      %dma_start3A_437 = tpu.memref_slice %arg4[%run_scoped3A_297, %arg1, %dma_start3A_435, %dma_start3A_436] : memref<3x16x80x128xi32, #tpu.memory_space<hbm>> -> memref<1x1x80x128xi32, #tpu.memory_space<hbm>>
      %dma_start3A_438 = tpu.memref_squeeze %dma_start3A_437 : memref<1x1x80x128xi32, #tpu.memory_space<hbm>> -> memref<80x128xi32, #tpu.memory_space<hbm>>
      %dma_start3A_439 = arith.constant 0 : i32
      %dma_start3A_440 = arith.constant 0 : i32
      %dma_start3A_441 = tpu.memref_slice %arg4[%run_scoped3A_297, %arg1, %dma_start3A_439, %dma_start3A_440] : memref<3x16x80x128xi32, #tpu.memory_space<hbm>> -> memref<1x1x80x128xi32, #tpu.memory_space<hbm>>
      %dma_start3A_442 = tpu.memref_squeeze %dma_start3A_441 : memref<1x1x80x128xi32, #tpu.memory_space<hbm>> -> memref<80x128xi32, #tpu.memory_space<hbm>>
      tpu.enqueue_dma source(%dma_start3A_442 : memref<80x128xi32, #tpu.memory_space<hbm>>) target(%arg8 : memref<80x128xi32, #tpu.memory_space<vmem>>) target_semaphore(%run_scoped3A_434 : memref<!tpu.dma_semaphore, #tpu.memory_space<semaphore_mem>>)
      %dma_wait3A_443 = arith.constant 0 : i32
      %dma_wait3A_444 = arith.constant 0 : i32
      %dma_wait3A_445 = tpu.memref_slice %arg4[%run_scoped3A_297, %arg1, %dma_wait3A_443, %dma_wait3A_444] : memref<3x16x80x128xi32, #tpu.memory_space<hbm>> -> memref<1x1x80x128xi32, #tpu.memory_space<hbm>>
      %dma_wait3A_446 = tpu.memref_squeeze %dma_wait3A_445 : memref<1x1x80x128xi32, #tpu.memory_space<hbm>> -> memref<80x128xi32, #tpu.memory_space<hbm>>
      %dma_wait3A_447 = arith.constant 0 : i32
      %dma_wait3A_448 = arith.constant 0 : i32
      %dma_wait3A_449 = tpu.memref_slice %arg4[%run_scoped3A_297, %arg1, %dma_wait3A_447, %dma_wait3A_448] : memref<3x16x80x128xi32, #tpu.memory_space<hbm>> -> memref<1x1x80x128xi32, #tpu.memory_space<hbm>>
      %dma_wait3A_450 = tpu.memref_squeeze %dma_wait3A_449 : memref<1x1x80x128xi32, #tpu.memory_space<hbm>> -> memref<80x128xi32, #tpu.memory_space<hbm>>
      tpu.wait_dma2 semaphore(%run_scoped3A_434 : memref<!tpu.dma_semaphore, #tpu.memory_space<semaphore_mem>>) src(%dma_wait3A_450 : memref<80x128xi32, #tpu.memory_space<hbm>>) dst(%arg8 : memref<80x128xi32, #tpu.memory_space<vmem>>)
      tpu.yield
    }) : () -> ()
    "tpu.region"() ({
      %run_scoped3A_434 = tpu.sem_alloc : memref<!tpu.dma_semaphore, #tpu.memory_space<semaphore_mem>>
      %dma_start3A_435 = arith.constant 0 : i32
      %dma_start3A_436 = arith.constant 0 : i32
      %dma_start3A_437 = tpu.memref_slice %arg3[%add3A_289, %arg1, %dma_start3A_435, %dma_start3A_436] : memref<4x16x80x128xi32, #tpu.memory_space<hbm>> -> memref<1x1x80x128xi32, #tpu.memory_space<hbm>>
      %dma_start3A_438 = tpu.memref_squeeze %dma_start3A_437 : memref<1x1x80x128xi32, #tpu.memory_space<hbm>> -> memref<80x128xi32, #tpu.memory_space<hbm>>
      %dma_start3A_439 = arith.constant 0 : i32
      %dma_start3A_440 = arith.constant 0 : i32
      %dma_start3A_441 = tpu.memref_slice %arg3[%add3A_289, %arg1, %dma_start3A_439, %dma_start3A_440] : memref<4x16x80x128xi32, #tpu.memory_space<hbm>> -> memref<1x1x80x128xi32, #tpu.memory_space<hbm>>
      %dma_start3A_442 = tpu.memref_squeeze %dma_start3A_441 : memref<1x1x80x128xi32, #tpu.memory_space<hbm>> -> memref<80x128xi32, #tpu.memory_space<hbm>>
      tpu.enqueue_dma source(%dma_start3A_442 : memref<80x128xi32, #tpu.memory_space<hbm>>) target(%arg7 : memref<80x128xi32, #tpu.memory_space<vmem>>) target_semaphore(%run_scoped3A_434 : memref<!tpu.dma_semaphore, #tpu.memory_space<semaphore_mem>>)
      %dma_wait3A_443 = arith.constant 0 : i32
      %dma_wait3A_444 = arith.constant 0 : i32
      %dma_wait3A_445 = tpu.memref_slice %arg3[%add3A_289, %arg1, %dma_wait3A_443, %dma_wait3A_444] : memref<4x16x80x128xi32, #tpu.memory_space<hbm>> -> memref<1x1x80x128xi32, #tpu.memory_space<hbm>>
      %dma_wait3A_446 = tpu.memref_squeeze %dma_wait3A_445 : memref<1x1x80x128xi32, #tpu.memory_space<hbm>> -> memref<80x128xi32, #tpu.memory_space<hbm>>
      %dma_wait3A_447 = arith.constant 0 : i32
      %dma_wait3A_448 = arith.constant 0 : i32
      %dma_wait3A_449 = tpu.memref_slice %arg3[%add3A_289, %arg1, %dma_wait3A_447, %dma_wait3A_448] : memref<4x16x80x128xi32, #tpu.memory_space<hbm>> -> memref<1x1x80x128xi32, #tpu.memory_space<hbm>>
      %dma_wait3A_450 = tpu.memref_squeeze %dma_wait3A_449 : memref<1x1x80x128xi32, #tpu.memory_space<hbm>> -> memref<80x128xi32, #tpu.memory_space<hbm>>
      tpu.wait_dma2 semaphore(%run_scoped3A_434 : memref<!tpu.dma_semaphore, #tpu.memory_space<semaphore_mem>>) src(%dma_wait3A_450 : memref<80x128xi32, #tpu.memory_space<hbm>>) dst(%arg7 : memref<80x128xi32, #tpu.memory_space<vmem>>)
      tpu.yield
    }) : () -> ()
    %dma_start3A_298 = arith.constant 0 : i32
    %dma_start3A_299 = arith.constant 0 : i32
    %dma_start3A_300 = arith.constant 0 : i32
    %dma_start3A_301 = arith.constant 0 : i32
    %dma_start3A_302 = tpu.memref_slice %arg9[%dma_start3A_299, %dma_start3A_300, %dma_start3A_301] : memref<2x128x128xf32, #tpu.memory_space<vmem>> -> memref<1x128x128xf32, #tpu.memory_space<vmem>>
    %dma_start3A_303 = tpu.memref_squeeze %dma_start3A_302 : memref<1x128x128xf32, #tpu.memory_space<vmem>> -> memref<128x128xf32, #tpu.memory_space<vmem>>
    %dma_start3A_304 = arith.constant 0 : i32
    %dma_start3A_305 = tpu.memref_slice %arg7[%dma_start3A_298, %dma_start3A_304] : memref<80x128xi32, #tpu.memory_space<vmem>> -> memref<1x128xi32, #tpu.memory_space<vmem>>
    %dma_start3A_306 = tpu.memref_squeeze %dma_start3A_305 : memref<1x128xi32, #tpu.memory_space<vmem>> -> memref<128xi32, #tpu.memory_space<vmem>>
    %dma_start3A_307 = arith.constant 0 : i32
    %dma_start3A_308 = arith.constant 0 : i32
    %dma_start3A_309 = tpu.memref_slice %arg2[%dma_start3A_307, %dma_start3A_308] : memref<40000x128xf32, #tpu.memory_space<hbm>> -> memref<40000x128xf32, #tpu.memory_space<hbm>>
    tpu.enqueue_indirect_dma source(%dma_start3A_309 : memref<40000x128xf32, #tpu.memory_space<hbm>>) target(%dma_start3A_303 : memref<128x128xf32, #tpu.memory_space<vmem>>) offsets(%dma_start3A_306 : memref<128xi32, #tpu.memory_space<vmem>>) semaphore(%arg12 : memref<!tpu.dma_semaphore, #tpu.memory_space<semaphore_mem>>)
    %dma_start3A_310 = arith.constant 1 : i32
    %dma_start3A_311 = arith.constant 1 : i32
    %dma_start3A_312 = arith.constant 0 : i32
    %dma_start3A_313 = arith.constant 0 : i32
    %dma_start3A_314 = tpu.memref_slice %arg9[%dma_start3A_311, %dma_start3A_312, %dma_start3A_313] : memref<2x128x128xf32, #tpu.memory_space<vmem>> -> memref<1x128x128xf32, #tpu.memory_space<vmem>>
    %dma_start3A_315 = tpu.memref_squeeze %dma_start3A_314 : memref<1x128x128xf32, #tpu.memory_space<vmem>> -> memref<128x128xf32, #tpu.memory_space<vmem>>
    %dma_start3A_316 = arith.constant 0 : i32
    %dma_start3A_317 = tpu.memref_slice %arg7[%dma_start3A_310, %dma_start3A_316] : memref<80x128xi32, #tpu.memory_space<vmem>> -> memref<1x128xi32, #tpu.memory_space<vmem>>
    %dma_start3A_318 = tpu.memref_squeeze %dma_start3A_317 : memref<1x128xi32, #tpu.memory_space<vmem>> -> memref<128xi32, #tpu.memory_space<vmem>>
    %dma_start3A_319 = arith.constant 0 : i32
    %dma_start3A_320 = arith.constant 0 : i32
    %dma_start3A_321 = tpu.memref_slice %arg2[%dma_start3A_319, %dma_start3A_320] : memref<40000x128xf32, #tpu.memory_space<hbm>> -> memref<40000x128xf32, #tpu.memory_space<hbm>>
    tpu.enqueue_indirect_dma source(%dma_start3A_321 : memref<40000x128xf32, #tpu.memory_space<hbm>>) target(%dma_start3A_315 : memref<128x128xf32, #tpu.memory_space<vmem>>) offsets(%dma_start3A_318 : memref<128xi32, #tpu.memory_space<vmem>>) semaphore(%arg13 : memref<!tpu.dma_semaphore, #tpu.memory_space<semaphore_mem>>)
    %barrier3A_322 = arith.constant 0 : index
    tpu.barrier barrier_id(%barrier3A_322)
    %scan3A_323 = arith.constant 0 : i32
    %scan3A_324 = arith.constant 40 : i32
    %scan3A_325 = arith.addi %scan3A_323, %scan3A_324 : i32
    %scan3A_326 = arith.constant 1 : i32
    scf.for %scan3A_434 = %scan3A_323 to %scan3A_325 step %scan3A_326  : i32 {
      %mul3A_435 = arith.constant 2 : i32
      %mul3A_436 = arith.muli %scan3A_434, %mul3A_435 : i32
      %add3A_437 = arith.constant 0 : i32
      %add3A_438 = arith.addi %add3A_437, %mul3A_436 : i32
      %add3A_439 = arith.constant 0 : i32
      %add3A_440 = arith.addi %add3A_438, %add3A_439 : i32
      %dma_wait3A_441 = arith.constant 0 : i32
      %dma_wait3A_442 = arith.constant 0 : i32
      %dma_wait3A_443 = arith.constant 0 : i32
      %dma_wait3A_444 = tpu.memref_slice %arg9[%dma_wait3A_441, %dma_wait3A_442, %dma_wait3A_443] : memref<2x128x128xf32, #tpu.memory_space<vmem>> -> memref<1x128x128xf32, #tpu.memory_space<vmem>>
      %dma_wait3A_445 = tpu.memref_squeeze %dma_wait3A_444 : memref<1x128x128xf32, #tpu.memory_space<vmem>> -> memref<128x128xf32, #tpu.memory_space<vmem>>
      %dma_wait3A_446 = arith.constant 0 : i32
      %dma_wait3A_447 = tpu.memref_slice %arg7[%add3A_440, %dma_wait3A_446] : memref<80x128xi32, #tpu.memory_space<vmem>> -> memref<1x128xi32, #tpu.memory_space<vmem>>
      %dma_wait3A_448 = tpu.memref_squeeze %dma_wait3A_447 : memref<1x128xi32, #tpu.memory_space<vmem>> -> memref<128xi32, #tpu.memory_space<vmem>>
      %dma_wait3A_449 = arith.constant 0 : i32
      %dma_wait3A_450 = arith.constant 0 : i32
      %dma_wait3A_451 = tpu.memref_slice %arg2[%dma_wait3A_449, %dma_wait3A_450] : memref<40000x128xf32, #tpu.memory_space<hbm>> -> memref<40000x128xf32, #tpu.memory_space<hbm>>
      tpu.wait_indirect_dma semaphore(%arg12 : memref<!tpu.dma_semaphore, #tpu.memory_space<semaphore_mem>>) src(%dma_wait3A_451 : memref<40000x128xf32, #tpu.memory_space<hbm>>) dst(%dma_wait3A_445 : memref<128x128xf32, #tpu.memory_space<vmem>>)
      %add3A_452 = arith.constant 0 : i32
      %add3A_453 = arith.addi %add3A_438, %add3A_452 : i32
      %dma_start3A_454 = arith.constant 0 : i32
      %dma_start3A_455 = arith.constant 0 : i32
      %dma_start3A_456 = arith.constant 0 : i32
      %dma_start3A_457 = tpu.memref_slice %arg9[%dma_start3A_454, %dma_start3A_455, %dma_start3A_456] : memref<2x128x128xf32, #tpu.memory_space<vmem>> -> memref<1x128x128xf32, #tpu.memory_space<vmem>>
      %dma_start3A_458 = tpu.memref_squeeze %dma_start3A_457 : memref<1x128x128xf32, #tpu.memory_space<vmem>> -> memref<128x128xf32, #tpu.memory_space<vmem>>
      %dma_start3A_459 = arith.constant 0 : i32
      %dma_start3A_460 = tpu.memref_slice %arg8[%add3A_453, %dma_start3A_459] : memref<80x128xi32, #tpu.memory_space<vmem>> -> memref<1x128xi32, #tpu.memory_space<vmem>>
      %dma_start3A_461 = tpu.memref_squeeze %dma_start3A_460 : memref<1x128xi32, #tpu.memory_space<vmem>> -> memref<128xi32, #tpu.memory_space<vmem>>
      %dma_start3A_462 = arith.constant 0 : i32
      %dma_start3A_463 = arith.constant 0 : i32
      %dma_start3A_464 = tpu.memref_slice %arg11[%dma_start3A_462, %dma_start3A_463] : memref<3464x128xf32, #tpu.memory_space<vmem_shared>> -> memref<3464x128xf32, #tpu.memory_space<vmem_shared>>
      tpu.enqueue_indirect_dma source(%dma_start3A_458 : memref<128x128xf32, #tpu.memory_space<vmem>>) target(%dma_start3A_464 : memref<3464x128xf32, #tpu.memory_space<vmem_shared>>) offsets(%dma_start3A_461 : memref<128xi32, #tpu.memory_space<vmem>>) semaphore(%arg14 : memref<!tpu.dma_semaphore, #tpu.memory_space<semaphore_mem>>) {add = true}
      %add3A_465 = arith.constant 1 : i32
      %add3A_466 = arith.addi %add3A_438, %add3A_465 : i32
      %dma_wait3A_467 = arith.constant 1 : i32
      %dma_wait3A_468 = arith.constant 0 : i32
      %dma_wait3A_469 = arith.constant 0 : i32
      %dma_wait3A_470 = tpu.memref_slice %arg9[%dma_wait3A_467, %dma_wait3A_468, %dma_wait3A_469] : memref<2x128x128xf32, #tpu.memory_space<vmem>> -> memref<1x128x128xf32, #tpu.memory_space<vmem>>
      %dma_wait3A_471 = tpu.memref_squeeze %dma_wait3A_470 : memref<1x128x128xf32, #tpu.memory_space<vmem>> -> memref<128x128xf32, #tpu.memory_space<vmem>>
      %dma_wait3A_472 = arith.constant 0 : i32
      %dma_wait3A_473 = tpu.memref_slice %arg7[%add3A_466, %dma_wait3A_472] : memref<80x128xi32, #tpu.memory_space<vmem>> -> memref<1x128xi32, #tpu.memory_space<vmem>>
      %dma_wait3A_474 = tpu.memref_squeeze %dma_wait3A_473 : memref<1x128xi32, #tpu.memory_space<vmem>> -> memref<128xi32, #tpu.memory_space<vmem>>
      %dma_wait3A_475 = arith.constant 0 : i32
      %dma_wait3A_476 = arith.constant 0 : i32
      %dma_wait3A_477 = tpu.memref_slice %arg2[%dma_wait3A_475, %dma_wait3A_476] : memref<40000x128xf32, #tpu.memory_space<hbm>> -> memref<40000x128xf32, #tpu.memory_space<hbm>>
      tpu.wait_indirect_dma semaphore(%arg13 : memref<!tpu.dma_semaphore, #tpu.memory_space<semaphore_mem>>) src(%dma_wait3A_477 : memref<40000x128xf32, #tpu.memory_space<hbm>>) dst(%dma_wait3A_471 : memref<128x128xf32, #tpu.memory_space<vmem>>)
      %add3A_478 = arith.constant 1 : i32
      %add3A_479 = arith.addi %add3A_438, %add3A_478 : i32
      %dma_start3A_480 = arith.constant 1 : i32
      %dma_start3A_481 = arith.constant 0 : i32
      %dma_start3A_482 = arith.constant 0 : i32
      %dma_start3A_483 = tpu.memref_slice %arg9[%dma_start3A_480, %dma_start3A_481, %dma_start3A_482] : memref<2x128x128xf32, #tpu.memory_space<vmem>> -> memref<1x128x128xf32, #tpu.memory_space<vmem>>
      %dma_start3A_484 = tpu.memref_squeeze %dma_start3A_483 : memref<1x128x128xf32, #tpu.memory_space<vmem>> -> memref<128x128xf32, #tpu.memory_space<vmem>>
      %dma_start3A_485 = arith.constant 0 : i32
      %dma_start3A_486 = tpu.memref_slice %arg8[%add3A_479, %dma_start3A_485] : memref<80x128xi32, #tpu.memory_space<vmem>> -> memref<1x128xi32, #tpu.memory_space<vmem>>
      %dma_start3A_487 = tpu.memref_squeeze %dma_start3A_486 : memref<1x128xi32, #tpu.memory_space<vmem>> -> memref<128xi32, #tpu.memory_space<vmem>>
      %dma_start3A_488 = arith.constant 0 : i32
      %dma_start3A_489 = arith.constant 0 : i32
      %dma_start3A_490 = tpu.memref_slice %arg11[%dma_start3A_488, %dma_start3A_489] : memref<3464x128xf32, #tpu.memory_space<vmem_shared>> -> memref<3464x128xf32, #tpu.memory_space<vmem_shared>>
      tpu.enqueue_indirect_dma source(%dma_start3A_484 : memref<128x128xf32, #tpu.memory_space<vmem>>) target(%dma_start3A_490 : memref<3464x128xf32, #tpu.memory_space<vmem_shared>>) offsets(%dma_start3A_487 : memref<128xi32, #tpu.memory_space<vmem>>) semaphore(%arg15 : memref<!tpu.dma_semaphore, #tpu.memory_space<semaphore_mem>>) {add = true}
      %add3A_491 = arith.constant 2 : i32
      %add3A_492 = arith.addi %add3A_438, %add3A_491 : i32
      %lt3A = arith.constant 80 : i32
      %lt3A_493 = arith.cmpi slt, %add3A_492, %lt3A : i32
      %convert_element_type3A_494 = arith.extui %lt3A_493 : i1 to i32
      %cond3A_495 = arith.constant 0 : i32
      %cond3A_496 = arith.cmpi ne, %convert_element_type3A_494, %cond3A_495 : i32
      scf.if %cond3A_496 {
        %add3A_497 = arith.constant 0 : i32
        %add3A_498 = arith.addi %add3A_438, %add3A_497 : i32
        %dma_wait3A_499 = arith.constant 0 : i32
        %dma_wait3A_500 = arith.constant 0 : i32
        %dma_wait3A_501 = arith.constant 0 : i32
        %dma_wait3A_502 = tpu.memref_slice %arg9[%dma_wait3A_499, %dma_wait3A_500, %dma_wait3A_501] : memref<2x128x128xf32, #tpu.memory_space<vmem>> -> memref<1x128x128xf32, #tpu.memory_space<vmem>>
        %dma_wait3A_503 = tpu.memref_squeeze %dma_wait3A_502 : memref<1x128x128xf32, #tpu.memory_space<vmem>> -> memref<128x128xf32, #tpu.memory_space<vmem>>
        %dma_wait3A_504 = arith.constant 0 : i32
        %dma_wait3A_505 = tpu.memref_slice %arg8[%add3A_498, %dma_wait3A_504] : memref<80x128xi32, #tpu.memory_space<vmem>> -> memref<1x128xi32, #tpu.memory_space<vmem>>
        %dma_wait3A_506 = tpu.memref_squeeze %dma_wait3A_505 : memref<1x128xi32, #tpu.memory_space<vmem>> -> memref<128xi32, #tpu.memory_space<vmem>>
        %dma_wait3A_507 = arith.constant 0 : i32
        %dma_wait3A_508 = arith.constant 0 : i32
        %dma_wait3A_509 = tpu.memref_slice %arg11[%dma_wait3A_507, %dma_wait3A_508] : memref<3464x128xf32, #tpu.memory_space<vmem_shared>> -> memref<3464x128xf32, #tpu.memory_space<vmem_shared>>
        tpu.wait_indirect_dma semaphore(%arg14 : memref<!tpu.dma_semaphore, #tpu.memory_space<semaphore_mem>>) src(%dma_wait3A_503 : memref<128x128xf32, #tpu.memory_space<vmem>>) dst(%dma_wait3A_509 : memref<3464x128xf32, #tpu.memory_space<vmem_shared>>)
        %add3A_510 = arith.constant 2 : i32
        %add3A_511 = arith.addi %add3A_438, %add3A_510 : i32
        %add3A_512 = arith.constant 0 : i32
        %add3A_513 = arith.addi %add3A_511, %add3A_512 : i32
        %dma_start3A_514 = arith.constant 0 : i32
        %dma_start3A_515 = arith.constant 0 : i32
        %dma_start3A_516 = arith.constant 0 : i32
        %dma_start3A_517 = tpu.memref_slice %arg9[%dma_start3A_514, %dma_start3A_515, %dma_start3A_516] : memref<2x128x128xf32, #tpu.memory_space<vmem>> -> memref<1x128x128xf32, #tpu.memory_space<vmem>>
        %dma_start3A_518 = tpu.memref_squeeze %dma_start3A_517 : memref<1x128x128xf32, #tpu.memory_space<vmem>> -> memref<128x128xf32, #tpu.memory_space<vmem>>
        %dma_start3A_519 = arith.constant 0 : i32
        %dma_start3A_520 = tpu.memref_slice %arg7[%add3A_513, %dma_start3A_519] : memref<80x128xi32, #tpu.memory_space<vmem>> -> memref<1x128xi32, #tpu.memory_space<vmem>>
        %dma_start3A_521 = tpu.memref_squeeze %dma_start3A_520 : memref<1x128xi32, #tpu.memory_space<vmem>> -> memref<128xi32, #tpu.memory_space<vmem>>
        %dma_start3A_522 = arith.constant 0 : i32
        %dma_start3A_523 = arith.constant 0 : i32
        %dma_start3A_524 = tpu.memref_slice %arg2[%dma_start3A_522, %dma_start3A_523] : memref<40000x128xf32, #tpu.memory_space<hbm>> -> memref<40000x128xf32, #tpu.memory_space<hbm>>
        tpu.enqueue_indirect_dma source(%dma_start3A_524 : memref<40000x128xf32, #tpu.memory_space<hbm>>) target(%dma_start3A_518 : memref<128x128xf32, #tpu.memory_space<vmem>>) offsets(%dma_start3A_521 : memref<128xi32, #tpu.memory_space<vmem>>) semaphore(%arg12 : memref<!tpu.dma_semaphore, #tpu.memory_space<semaphore_mem>>)
        %add3A_525 = arith.constant 1 : i32
        %add3A_526 = arith.addi %add3A_438, %add3A_525 : i32
        %dma_wait3A_527 = arith.constant 1 : i32
        %dma_wait3A_528 = arith.constant 0 : i32
        %dma_wait3A_529 = arith.constant 0 : i32
        %dma_wait3A_530 = tpu.memref_slice %arg9[%dma_wait3A_527, %dma_wait3A_528, %dma_wait3A_529] : memref<2x128x128xf32, #tpu.memory_space<vmem>> -> memref<1x128x128xf32, #tpu.memory_space<vmem>>
        %dma_wait3A_531 = tpu.memref_squeeze %dma_wait3A_530 : memref<1x128x128xf32, #tpu.memory_space<vmem>> -> memref<128x128xf32, #tpu.memory_space<vmem>>
        %dma_wait3A_532 = arith.constant 0 : i32
        %dma_wait3A_533 = tpu.memref_slice %arg8[%add3A_526, %dma_wait3A_532] : memref<80x128xi32, #tpu.memory_space<vmem>> -> memref<1x128xi32, #tpu.memory_space<vmem>>
        %dma_wait3A_534 = tpu.memref_squeeze %dma_wait3A_533 : memref<1x128xi32, #tpu.memory_space<vmem>> -> memref<128xi32, #tpu.memory_space<vmem>>
        %dma_wait3A_535 = arith.constant 0 : i32
        %dma_wait3A_536 = arith.constant 0 : i32
        %dma_wait3A_537 = tpu.memref_slice %arg11[%dma_wait3A_535, %dma_wait3A_536] : memref<3464x128xf32, #tpu.memory_space<vmem_shared>> -> memref<3464x128xf32, #tpu.memory_space<vmem_shared>>
        tpu.wait_indirect_dma semaphore(%arg15 : memref<!tpu.dma_semaphore, #tpu.memory_space<semaphore_mem>>) src(%dma_wait3A_531 : memref<128x128xf32, #tpu.memory_space<vmem>>) dst(%dma_wait3A_537 : memref<3464x128xf32, #tpu.memory_space<vmem_shared>>)
        %add3A_538 = arith.constant 2 : i32
        %add3A_539 = arith.addi %add3A_438, %add3A_538 : i32
        %add3A_540 = arith.constant 1 : i32
        %add3A_541 = arith.addi %add3A_539, %add3A_540 : i32
        %dma_start3A_542 = arith.constant 1 : i32
        %dma_start3A_543 = arith.constant 0 : i32
        %dma_start3A_544 = arith.constant 0 : i32
        %dma_start3A_545 = tpu.memref_slice %arg9[%dma_start3A_542, %dma_start3A_543, %dma_start3A_544] : memref<2x128x128xf32, #tpu.memory_space<vmem>> -> memref<1x128x128xf32, #tpu.memory_space<vmem>>
        %dma_start3A_546 = tpu.memref_squeeze %dma_start3A_545 : memref<1x128x128xf32, #tpu.memory_space<vmem>> -> memref<128x128xf32, #tpu.memory_space<vmem>>
        %dma_start3A_547 = arith.constant 0 : i32
        %dma_start3A_548 = tpu.memref_slice %arg7[%add3A_541, %dma_start3A_547] : memref<80x128xi32, #tpu.memory_space<vmem>> -> memref<1x128xi32, #tpu.memory_space<vmem>>
        %dma_start3A_549 = tpu.memref_squeeze %dma_start3A_548 : memref<1x128xi32, #tpu.memory_space<vmem>> -> memref<128xi32, #tpu.memory_space<vmem>>
        %dma_start3A_550 = arith.constant 0 : i32
        %dma_start3A_551 = arith.constant 0 : i32
        %dma_start3A_552 = tpu.memref_slice %arg2[%dma_start3A_550, %dma_start3A_551] : memref<40000x128xf32, #tpu.memory_space<hbm>> -> memref<40000x128xf32, #tpu.memory_space<hbm>>
        tpu.enqueue_indirect_dma source(%dma_start3A_552 : memref<40000x128xf32, #tpu.memory_space<hbm>>) target(%dma_start3A_546 : memref<128x128xf32, #tpu.memory_space<vmem>>) offsets(%dma_start3A_549 : memref<128xi32, #tpu.memory_space<vmem>>) semaphore(%arg13 : memref<!tpu.dma_semaphore, #tpu.memory_space<semaphore_mem>>)
      } else {
      }
    }
    %scan3A_327 = arith.constant 40 : i32
    %dma_wait3A_328 = arith.constant 0 : i32
    %dma_wait3A_329 = arith.constant 78 : i32
    %dma_wait3A_330 = arith.constant 0 : i32
    %dma_wait3A_331 = arith.constant 0 : i32
    %dma_wait3A_332 = tpu.memref_slice %arg9[%dma_wait3A_328, %dma_wait3A_330, %dma_wait3A_331] : memref<2x128x128xf32, #tpu.memory_space<vmem>> -> memref<1x128x128xf32, #tpu.memory_space<vmem>>
    %dma_wait3A_333 = tpu.memref_squeeze %dma_wait3A_332 : memref<1x128x128xf32, #tpu.memory_space<vmem>> -> memref<128x128xf32, #tpu.memory_space<vmem>>
    %dma_wait3A_334 = arith.constant 0 : i32
    %dma_wait3A_335 = tpu.memref_slice %arg8[%dma_wait3A_329, %dma_wait3A_334] : memref<80x128xi32, #tpu.memory_space<vmem>> -> memref<1x128xi32, #tpu.memory_space<vmem>>
    %dma_wait3A_336 = tpu.memref_squeeze %dma_wait3A_335 : memref<1x128xi32, #tpu.memory_space<vmem>> -> memref<128xi32, #tpu.memory_space<vmem>>
    %dma_wait3A_337 = arith.constant 0 : i32
    %dma_wait3A_338 = arith.constant 0 : i32
    %dma_wait3A_339 = tpu.memref_slice %arg11[%dma_wait3A_337, %dma_wait3A_338] : memref<3464x128xf32, #tpu.memory_space<vmem_shared>> -> memref<3464x128xf32, #tpu.memory_space<vmem_shared>>
    tpu.wait_indirect_dma semaphore(%arg14 : memref<!tpu.dma_semaphore, #tpu.memory_space<semaphore_mem>>) src(%dma_wait3A_333 : memref<128x128xf32, #tpu.memory_space<vmem>>) dst(%dma_wait3A_339 : memref<3464x128xf32, #tpu.memory_space<vmem_shared>>)
    %dma_wait3A_340 = arith.constant 1 : i32
    %dma_wait3A_341 = arith.constant 79 : i32
    %dma_wait3A_342 = arith.constant 0 : i32
    %dma_wait3A_343 = arith.constant 0 : i32
    %dma_wait3A_344 = tpu.memref_slice %arg9[%dma_wait3A_340, %dma_wait3A_342, %dma_wait3A_343] : memref<2x128x128xf32, #tpu.memory_space<vmem>> -> memref<1x128x128xf32, #tpu.memory_space<vmem>>
    %dma_wait3A_345 = tpu.memref_squeeze %dma_wait3A_344 : memref<1x128x128xf32, #tpu.memory_space<vmem>> -> memref<128x128xf32, #tpu.memory_space<vmem>>
    %dma_wait3A_346 = arith.constant 0 : i32
    %dma_wait3A_347 = tpu.memref_slice %arg8[%dma_wait3A_341, %dma_wait3A_346] : memref<80x128xi32, #tpu.memory_space<vmem>> -> memref<1x128xi32, #tpu.memory_space<vmem>>
    %dma_wait3A_348 = tpu.memref_squeeze %dma_wait3A_347 : memref<1x128xi32, #tpu.memory_space<vmem>> -> memref<128xi32, #tpu.memory_space<vmem>>
    %dma_wait3A_349 = arith.constant 0 : i32
    %dma_wait3A_350 = arith.constant 0 : i32
    %dma_wait3A_351 = tpu.memref_slice %arg11[%dma_wait3A_349, %dma_wait3A_350] : memref<3464x128xf32, #tpu.memory_space<vmem_shared>> -> memref<3464x128xf32, #tpu.memory_space<vmem_shared>>
    tpu.wait_indirect_dma semaphore(%arg15 : memref<!tpu.dma_semaphore, #tpu.memory_space<semaphore_mem>>) src(%dma_wait3A_345 : memref<128x128xf32, #tpu.memory_space<vmem>>) dst(%dma_wait3A_351 : memref<3464x128xf32, #tpu.memory_space<vmem_shared>>)
    %barrier3A_352 = arith.constant 0 : index
    tpu.barrier barrier_id(%barrier3A_352)
    %mul3A_353 = arith.constant 216 : i32
    %mul3A_354 = arith.muli %arg1, %mul3A_353 : i32
    %mul3A_355 = arith.constant 216 : i32
    %mul3A_356 = arith.muli %arg1, %mul3A_355 : i32
    %add3A_357 = arith.constant 3456 : i32
    %add3A_358 = arith.addi %add3A_357, %mul3A_356 : i32
    "tpu.region"() ({
      %run_scoped3A_434 = tpu.sem_alloc : memref<!tpu.dma_semaphore, #tpu.memory_space<semaphore_mem>>
      %dma_start3A_435 = arith.constant 0 : i32
      %dma_start3A_436 = tpu.memref_slice %arg6[%add3A_289, %add3A_358, %dma_start3A_435] : memref<4x10368x128xf32, #tpu.memory_space<hbm>> -> memref<1x216x128xf32, #tpu.memory_space<hbm>>
      %dma_start3A_437 = tpu.memref_squeeze %dma_start3A_436 : memref<1x216x128xf32, #tpu.memory_space<hbm>> -> memref<216x128xf32, #tpu.memory_space<hbm>>
      %dma_start3A_438 = arith.constant 0 : i32
      %dma_start3A_439 = tpu.memref_slice %arg11[%mul3A_354, %dma_start3A_438] : memref<3464x128xf32, #tpu.memory_space<vmem_shared>> -> memref<216x128xf32, #tpu.memory_space<vmem_shared>>
      tpu.enqueue_dma source(%dma_start3A_439 : memref<216x128xf32, #tpu.memory_space<vmem_shared>>) target(%dma_start3A_437 : memref<216x128xf32, #tpu.memory_space<hbm>>) target_semaphore(%run_scoped3A_434 : memref<!tpu.dma_semaphore, #tpu.memory_space<semaphore_mem>>)
      %dma_wait3A_440 = arith.constant 0 : i32
      %dma_wait3A_441 = tpu.memref_slice %arg6[%add3A_289, %add3A_358, %dma_wait3A_440] : memref<4x10368x128xf32, #tpu.memory_space<hbm>> -> memref<1x216x128xf32, #tpu.memory_space<hbm>>
      %dma_wait3A_442 = tpu.memref_squeeze %dma_wait3A_441 : memref<1x216x128xf32, #tpu.memory_space<hbm>> -> memref<216x128xf32, #tpu.memory_space<hbm>>
      %dma_wait3A_443 = arith.constant 0 : i32
      %dma_wait3A_444 = tpu.memref_slice %arg11[%mul3A_354, %dma_wait3A_443] : memref<3464x128xf32, #tpu.memory_space<vmem_shared>> -> memref<216x128xf32, #tpu.memory_space<vmem_shared>>
      tpu.wait_dma2 semaphore(%run_scoped3A_434 : memref<!tpu.dma_semaphore, #tpu.memory_space<semaphore_mem>>) src(%dma_wait3A_444 : memref<216x128xf32, #tpu.memory_space<vmem_shared>>) dst(%dma_wait3A_442 : memref<216x128xf32, #tpu.memory_space<hbm>>)
      tpu.yield
    }) : () -> ()
    %barrier3A_359 = arith.constant 0 : index
    tpu.barrier barrier_id(%barrier3A_359)
    %mul3A_360 = arith.constant 2 : i32
    %mul3A_361 = arith.muli %arg0, %mul3A_360 : i32
    %add3A_362 = arith.constant 1 : i32
    %add3A_363 = arith.addi %mul3A_361, %add3A_362 : i32
    %mul3A_364 = arith.constant 216 : i32
    %mul3A_365 = arith.muli %arg1, %mul3A_364 : i32
    "tpu.region"() ({
      %run_scoped3A_434 = tpu.sem_alloc : memref<!tpu.dma_semaphore, #tpu.memory_space<semaphore_mem>>
      %dma_start3A_435 = arith.constant 0 : i32
      %dma_start3A_436 = tpu.memref_slice %arg11[%mul3A_365, %dma_start3A_435] : memref<3464x128xf32, #tpu.memory_space<vmem_shared>> -> memref<216x128xf32, #tpu.memory_space<vmem_shared>>
      %dma_start3A_437 = arith.constant 0 : i32
      %dma_start3A_438 = tpu.memref_slice %arg11[%mul3A_365, %dma_start3A_437] : memref<3464x128xf32, #tpu.memory_space<vmem_shared>> -> memref<216x128xf32, #tpu.memory_space<vmem_shared>>
      tpu.enqueue_dma source(%arg10 : memref<216x128xf32, #tpu.memory_space<vmem>>) target(%dma_start3A_438 : memref<216x128xf32, #tpu.memory_space<vmem_shared>>) target_semaphore(%run_scoped3A_434 : memref<!tpu.dma_semaphore, #tpu.memory_space<semaphore_mem>>)
      %dma_wait3A_439 = arith.constant 0 : i32
      %dma_wait3A_440 = tpu.memref_slice %arg11[%mul3A_365, %dma_wait3A_439] : memref<3464x128xf32, #tpu.memory_space<vmem_shared>> -> memref<216x128xf32, #tpu.memory_space<vmem_shared>>
      %dma_wait3A_441 = arith.constant 0 : i32
      %dma_wait3A_442 = tpu.memref_slice %arg11[%mul3A_365, %dma_wait3A_441] : memref<3464x128xf32, #tpu.memory_space<vmem_shared>> -> memref<216x128xf32, #tpu.memory_space<vmem_shared>>
      tpu.wait_dma2 semaphore(%run_scoped3A_434 : memref<!tpu.dma_semaphore, #tpu.memory_space<semaphore_mem>>) src(%arg10 : memref<216x128xf32, #tpu.memory_space<vmem>>) dst(%dma_wait3A_442 : memref<216x128xf32, #tpu.memory_space<vmem_shared>>)
      tpu.yield
    }) : () -> ()
    %eq3A_366 = arith.constant 0 : i32
    %eq3A_367 = arith.cmpi eq, %arg1, %eq3A_366 : i32
    %convert_element_type3A_368 = arith.extui %eq3A_367 : i1 to i32
    %cond3A_369 = arith.constant 0 : i32
    %cond3A_370 = arith.cmpi ne, %convert_element_type3A_368, %cond3A_369 : i32
    scf.if %cond3A_370 {
      "tpu.region"() ({
        %run_scoped3A_434 = tpu.sem_alloc : memref<!tpu.dma_semaphore, #tpu.memory_space<semaphore_mem>>
        %dma_start3A_435 = arith.constant 0 : i32
        %dma_start3A_436 = arith.constant 0 : i32
        %dma_start3A_437 = tpu.memref_slice %arg10[%dma_start3A_435, %dma_start3A_436] : memref<216x128xf32, #tpu.memory_space<vmem>> -> memref<8x128xf32, #tpu.memory_space<vmem>>
        %dma_start3A_438 = arith.constant 3456 : i32
        %dma_start3A_439 = arith.constant 0 : i32
        %dma_start3A_440 = tpu.memref_slice %arg11[%dma_start3A_438, %dma_start3A_439] : memref<3464x128xf32, #tpu.memory_space<vmem_shared>> -> memref<8x128xf32, #tpu.memory_space<vmem_shared>>
        %dma_start3A_441 = arith.constant 3456 : i32
        %dma_start3A_442 = arith.constant 0 : i32
        %dma_start3A_443 = tpu.memref_slice %arg11[%dma_start3A_441, %dma_start3A_442] : memref<3464x128xf32, #tpu.memory_space<vmem_shared>> -> memref<8x128xf32, #tpu.memory_space<vmem_shared>>
        %dma_start3A_444 = arith.constant 0 : i32
        %dma_start3A_445 = arith.constant 0 : i32
        %dma_start3A_446 = tpu.memref_slice %arg10[%dma_start3A_444, %dma_start3A_445] : memref<216x128xf32, #tpu.memory_space<vmem>> -> memref<8x128xf32, #tpu.memory_space<vmem>>
        tpu.enqueue_dma source(%dma_start3A_446 : memref<8x128xf32, #tpu.memory_space<vmem>>) target(%dma_start3A_443 : memref<8x128xf32, #tpu.memory_space<vmem_shared>>) target_semaphore(%run_scoped3A_434 : memref<!tpu.dma_semaphore, #tpu.memory_space<semaphore_mem>>)
        %dma_wait3A_447 = arith.constant 0 : i32
        %dma_wait3A_448 = arith.constant 0 : i32
        %dma_wait3A_449 = tpu.memref_slice %arg10[%dma_wait3A_447, %dma_wait3A_448] : memref<216x128xf32, #tpu.memory_space<vmem>> -> memref<8x128xf32, #tpu.memory_space<vmem>>
        %dma_wait3A_450 = arith.constant 3456 : i32
        %dma_wait3A_451 = arith.constant 0 : i32
        %dma_wait3A_452 = tpu.memref_slice %arg11[%dma_wait3A_450, %dma_wait3A_451] : memref<3464x128xf32, #tpu.memory_space<vmem_shared>> -> memref<8x128xf32, #tpu.memory_space<vmem_shared>>
        %dma_wait3A_453 = arith.constant 3456 : i32
        %dma_wait3A_454 = arith.constant 0 : i32
        %dma_wait3A_455 = tpu.memref_slice %arg11[%dma_wait3A_453, %dma_wait3A_454] : memref<3464x128xf32, #tpu.memory_space<vmem_shared>> -> memref<8x128xf32, #tpu.memory_space<vmem_shared>>
        %dma_wait3A_456 = arith.constant 0 : i32
        %dma_wait3A_457 = arith.constant 0 : i32
        %dma_wait3A_458 = tpu.memref_slice %arg10[%dma_wait3A_456, %dma_wait3A_457] : memref<216x128xf32, #tpu.memory_space<vmem>> -> memref<8x128xf32, #tpu.memory_space<vmem>>
        tpu.wait_dma2 semaphore(%run_scoped3A_434 : memref<!tpu.dma_semaphore, #tpu.memory_space<semaphore_mem>>) src(%dma_wait3A_458 : memref<8x128xf32, #tpu.memory_space<vmem>>) dst(%dma_wait3A_455 : memref<8x128xf32, #tpu.memory_space<vmem_shared>>)
        tpu.yield
      }) : () -> ()
    } else {
    }
    %run_scoped3A_371 = arith.constant 2 : i32
    "tpu.region"() ({
      %run_scoped3A_434 = tpu.sem_alloc : memref<!tpu.dma_semaphore, #tpu.memory_space<semaphore_mem>>
      %dma_start3A_435 = arith.constant 0 : i32
      %dma_start3A_436 = arith.constant 0 : i32
      %dma_start3A_437 = tpu.memref_slice %arg4[%run_scoped3A_371, %arg1, %dma_start3A_435, %dma_start3A_436] : memref<3x16x80x128xi32, #tpu.memory_space<hbm>> -> memref<1x1x80x128xi32, #tpu.memory_space<hbm>>
      %dma_start3A_438 = tpu.memref_squeeze %dma_start3A_437 : memref<1x1x80x128xi32, #tpu.memory_space<hbm>> -> memref<80x128xi32, #tpu.memory_space<hbm>>
      %dma_start3A_439 = arith.constant 0 : i32
      %dma_start3A_440 = arith.constant 0 : i32
      %dma_start3A_441 = tpu.memref_slice %arg4[%run_scoped3A_371, %arg1, %dma_start3A_439, %dma_start3A_440] : memref<3x16x80x128xi32, #tpu.memory_space<hbm>> -> memref<1x1x80x128xi32, #tpu.memory_space<hbm>>
      %dma_start3A_442 = tpu.memref_squeeze %dma_start3A_441 : memref<1x1x80x128xi32, #tpu.memory_space<hbm>> -> memref<80x128xi32, #tpu.memory_space<hbm>>
      tpu.enqueue_dma source(%dma_start3A_442 : memref<80x128xi32, #tpu.memory_space<hbm>>) target(%arg8 : memref<80x128xi32, #tpu.memory_space<vmem>>) target_semaphore(%run_scoped3A_434 : memref<!tpu.dma_semaphore, #tpu.memory_space<semaphore_mem>>)
      %dma_wait3A_443 = arith.constant 0 : i32
      %dma_wait3A_444 = arith.constant 0 : i32
      %dma_wait3A_445 = tpu.memref_slice %arg4[%run_scoped3A_371, %arg1, %dma_wait3A_443, %dma_wait3A_444] : memref<3x16x80x128xi32, #tpu.memory_space<hbm>> -> memref<1x1x80x128xi32, #tpu.memory_space<hbm>>
      %dma_wait3A_446 = tpu.memref_squeeze %dma_wait3A_445 : memref<1x1x80x128xi32, #tpu.memory_space<hbm>> -> memref<80x128xi32, #tpu.memory_space<hbm>>
      %dma_wait3A_447 = arith.constant 0 : i32
      %dma_wait3A_448 = arith.constant 0 : i32
      %dma_wait3A_449 = tpu.memref_slice %arg4[%run_scoped3A_371, %arg1, %dma_wait3A_447, %dma_wait3A_448] : memref<3x16x80x128xi32, #tpu.memory_space<hbm>> -> memref<1x1x80x128xi32, #tpu.memory_space<hbm>>
      %dma_wait3A_450 = tpu.memref_squeeze %dma_wait3A_449 : memref<1x1x80x128xi32, #tpu.memory_space<hbm>> -> memref<80x128xi32, #tpu.memory_space<hbm>>
      tpu.wait_dma2 semaphore(%run_scoped3A_434 : memref<!tpu.dma_semaphore, #tpu.memory_space<semaphore_mem>>) src(%dma_wait3A_450 : memref<80x128xi32, #tpu.memory_space<hbm>>) dst(%arg8 : memref<80x128xi32, #tpu.memory_space<vmem>>)
      tpu.yield
    }) : () -> ()
    "tpu.region"() ({
      %run_scoped3A_434 = tpu.sem_alloc : memref<!tpu.dma_semaphore, #tpu.memory_space<semaphore_mem>>
      %dma_start3A_435 = arith.constant 0 : i32
      %dma_start3A_436 = arith.constant 0 : i32
      %dma_start3A_437 = tpu.memref_slice %arg3[%add3A_363, %arg1, %dma_start3A_435, %dma_start3A_436] : memref<4x16x80x128xi32, #tpu.memory_space<hbm>> -> memref<1x1x80x128xi32, #tpu.memory_space<hbm>>
      %dma_start3A_438 = tpu.memref_squeeze %dma_start3A_437 : memref<1x1x80x128xi32, #tpu.memory_space<hbm>> -> memref<80x128xi32, #tpu.memory_space<hbm>>
      %dma_start3A_439 = arith.constant 0 : i32
      %dma_start3A_440 = arith.constant 0 : i32
      %dma_start3A_441 = tpu.memref_slice %arg3[%add3A_363, %arg1, %dma_start3A_439, %dma_start3A_440] : memref<4x16x80x128xi32, #tpu.memory_space<hbm>> -> memref<1x1x80x128xi32, #tpu.memory_space<hbm>>
      %dma_start3A_442 = tpu.memref_squeeze %dma_start3A_441 : memref<1x1x80x128xi32, #tpu.memory_space<hbm>> -> memref<80x128xi32, #tpu.memory_space<hbm>>
      tpu.enqueue_dma source(%dma_start3A_442 : memref<80x128xi32, #tpu.memory_space<hbm>>) target(%arg7 : memref<80x128xi32, #tpu.memory_space<vmem>>) target_semaphore(%run_scoped3A_434 : memref<!tpu.dma_semaphore, #tpu.memory_space<semaphore_mem>>)
      %dma_wait3A_443 = arith.constant 0 : i32
      %dma_wait3A_444 = arith.constant 0 : i32
      %dma_wait3A_445 = tpu.memref_slice %arg3[%add3A_363, %arg1, %dma_wait3A_443, %dma_wait3A_444] : memref<4x16x80x128xi32, #tpu.memory_space<hbm>> -> memref<1x1x80x128xi32, #tpu.memory_space<hbm>>
      %dma_wait3A_446 = tpu.memref_squeeze %dma_wait3A_445 : memref<1x1x80x128xi32, #tpu.memory_space<hbm>> -> memref<80x128xi32, #tpu.memory_space<hbm>>
      %dma_wait3A_447 = arith.constant 0 : i32
      %dma_wait3A_448 = arith.constant 0 : i32
      %dma_wait3A_449 = tpu.memref_slice %arg3[%add3A_363, %arg1, %dma_wait3A_447, %dma_wait3A_448] : memref<4x16x80x128xi32, #tpu.memory_space<hbm>> -> memref<1x1x80x128xi32, #tpu.memory_space<hbm>>
      %dma_wait3A_450 = tpu.memref_squeeze %dma_wait3A_449 : memref<1x1x80x128xi32, #tpu.memory_space<hbm>> -> memref<80x128xi32, #tpu.memory_space<hbm>>
      tpu.wait_dma2 semaphore(%run_scoped3A_434 : memref<!tpu.dma_semaphore, #tpu.memory_space<semaphore_mem>>) src(%dma_wait3A_450 : memref<80x128xi32, #tpu.memory_space<hbm>>) dst(%arg7 : memref<80x128xi32, #tpu.memory_space<vmem>>)
      tpu.yield
    }) : () -> ()
    %dma_start3A_372 = arith.constant 0 : i32
    %dma_start3A_373 = arith.constant 0 : i32
    %dma_start3A_374 = arith.constant 0 : i32
    %dma_start3A_375 = arith.constant 0 : i32
    %dma_start3A_376 = tpu.memref_slice %arg9[%dma_start3A_373, %dma_start3A_374, %dma_start3A_375] : memref<2x128x128xf32, #tpu.memory_space<vmem>> -> memref<1x128x128xf32, #tpu.memory_space<vmem>>
    %dma_start3A_377 = tpu.memref_squeeze %dma_start3A_376 : memref<1x128x128xf32, #tpu.memory_space<vmem>> -> memref<128x128xf32, #tpu.memory_space<vmem>>
    %dma_start3A_378 = arith.constant 0 : i32
    %dma_start3A_379 = tpu.memref_slice %arg7[%dma_start3A_372, %dma_start3A_378] : memref<80x128xi32, #tpu.memory_space<vmem>> -> memref<1x128xi32, #tpu.memory_space<vmem>>
    %dma_start3A_380 = tpu.memref_squeeze %dma_start3A_379 : memref<1x128xi32, #tpu.memory_space<vmem>> -> memref<128xi32, #tpu.memory_space<vmem>>
    %dma_start3A_381 = arith.constant 0 : i32
    %dma_start3A_382 = arith.constant 0 : i32
    %dma_start3A_383 = tpu.memref_slice %arg2[%dma_start3A_381, %dma_start3A_382] : memref<40000x128xf32, #tpu.memory_space<hbm>> -> memref<40000x128xf32, #tpu.memory_space<hbm>>
    tpu.enqueue_indirect_dma source(%dma_start3A_383 : memref<40000x128xf32, #tpu.memory_space<hbm>>) target(%dma_start3A_377 : memref<128x128xf32, #tpu.memory_space<vmem>>) offsets(%dma_start3A_380 : memref<128xi32, #tpu.memory_space<vmem>>) semaphore(%arg12 : memref<!tpu.dma_semaphore, #tpu.memory_space<semaphore_mem>>)
    %dma_start3A_384 = arith.constant 1 : i32
    %dma_start3A_385 = arith.constant 1 : i32
    %dma_start3A_386 = arith.constant 0 : i32
    %dma_start3A_387 = arith.constant 0 : i32
    %dma_start3A_388 = tpu.memref_slice %arg9[%dma_start3A_385, %dma_start3A_386, %dma_start3A_387] : memref<2x128x128xf32, #tpu.memory_space<vmem>> -> memref<1x128x128xf32, #tpu.memory_space<vmem>>
    %dma_start3A_389 = tpu.memref_squeeze %dma_start3A_388 : memref<1x128x128xf32, #tpu.memory_space<vmem>> -> memref<128x128xf32, #tpu.memory_space<vmem>>
    %dma_start3A_390 = arith.constant 0 : i32
    %dma_start3A_391 = tpu.memref_slice %arg7[%dma_start3A_384, %dma_start3A_390] : memref<80x128xi32, #tpu.memory_space<vmem>> -> memref<1x128xi32, #tpu.memory_space<vmem>>
    %dma_start3A_392 = tpu.memref_squeeze %dma_start3A_391 : memref<1x128xi32, #tpu.memory_space<vmem>> -> memref<128xi32, #tpu.memory_space<vmem>>
    %dma_start3A_393 = arith.constant 0 : i32
    %dma_start3A_394 = arith.constant 0 : i32
    %dma_start3A_395 = tpu.memref_slice %arg2[%dma_start3A_393, %dma_start3A_394] : memref<40000x128xf32, #tpu.memory_space<hbm>> -> memref<40000x128xf32, #tpu.memory_space<hbm>>
    tpu.enqueue_indirect_dma source(%dma_start3A_395 : memref<40000x128xf32, #tpu.memory_space<hbm>>) target(%dma_start3A_389 : memref<128x128xf32, #tpu.memory_space<vmem>>) offsets(%dma_start3A_392 : memref<128xi32, #tpu.memory_space<vmem>>) semaphore(%arg13 : memref<!tpu.dma_semaphore, #tpu.memory_space<semaphore_mem>>)
    %barrier3A_396 = arith.constant 0 : index
    tpu.barrier barrier_id(%barrier3A_396)
    %scan3A_397 = arith.constant 0 : i32
    %scan3A_398 = arith.constant 40 : i32
    %scan3A_399 = arith.addi %scan3A_397, %scan3A_398 : i32
    %scan3A_400 = arith.constant 1 : i32
    scf.for %scan3A_434 = %scan3A_397 to %scan3A_399 step %scan3A_400  : i32 {
      %mul3A_435 = arith.constant 2 : i32
      %mul3A_436 = arith.muli %scan3A_434, %mul3A_435 : i32
      %add3A_437 = arith.constant 0 : i32
      %add3A_438 = arith.addi %add3A_437, %mul3A_436 : i32
      %add3A_439 = arith.constant 0 : i32
      %add3A_440 = arith.addi %add3A_438, %add3A_439 : i32
      %dma_wait3A_441 = arith.constant 0 : i32
      %dma_wait3A_442 = arith.constant 0 : i32
      %dma_wait3A_443 = arith.constant 0 : i32
      %dma_wait3A_444 = tpu.memref_slice %arg9[%dma_wait3A_441, %dma_wait3A_442, %dma_wait3A_443] : memref<2x128x128xf32, #tpu.memory_space<vmem>> -> memref<1x128x128xf32, #tpu.memory_space<vmem>>
      %dma_wait3A_445 = tpu.memref_squeeze %dma_wait3A_444 : memref<1x128x128xf32, #tpu.memory_space<vmem>> -> memref<128x128xf32, #tpu.memory_space<vmem>>
      %dma_wait3A_446 = arith.constant 0 : i32
      %dma_wait3A_447 = tpu.memref_slice %arg7[%add3A_440, %dma_wait3A_446] : memref<80x128xi32, #tpu.memory_space<vmem>> -> memref<1x128xi32, #tpu.memory_space<vmem>>
      %dma_wait3A_448 = tpu.memref_squeeze %dma_wait3A_447 : memref<1x128xi32, #tpu.memory_space<vmem>> -> memref<128xi32, #tpu.memory_space<vmem>>
      %dma_wait3A_449 = arith.constant 0 : i32
      %dma_wait3A_450 = arith.constant 0 : i32
      %dma_wait3A_451 = tpu.memref_slice %arg2[%dma_wait3A_449, %dma_wait3A_450] : memref<40000x128xf32, #tpu.memory_space<hbm>> -> memref<40000x128xf32, #tpu.memory_space<hbm>>
      tpu.wait_indirect_dma semaphore(%arg12 : memref<!tpu.dma_semaphore, #tpu.memory_space<semaphore_mem>>) src(%dma_wait3A_451 : memref<40000x128xf32, #tpu.memory_space<hbm>>) dst(%dma_wait3A_445 : memref<128x128xf32, #tpu.memory_space<vmem>>)
      %add3A_452 = arith.constant 0 : i32
      %add3A_453 = arith.addi %add3A_438, %add3A_452 : i32
      %dma_start3A_454 = arith.constant 0 : i32
      %dma_start3A_455 = arith.constant 0 : i32
      %dma_start3A_456 = arith.constant 0 : i32
      %dma_start3A_457 = tpu.memref_slice %arg9[%dma_start3A_454, %dma_start3A_455, %dma_start3A_456] : memref<2x128x128xf32, #tpu.memory_space<vmem>> -> memref<1x128x128xf32, #tpu.memory_space<vmem>>
      %dma_start3A_458 = tpu.memref_squeeze %dma_start3A_457 : memref<1x128x128xf32, #tpu.memory_space<vmem>> -> memref<128x128xf32, #tpu.memory_space<vmem>>
      %dma_start3A_459 = arith.constant 0 : i32
      %dma_start3A_460 = tpu.memref_slice %arg8[%add3A_453, %dma_start3A_459] : memref<80x128xi32, #tpu.memory_space<vmem>> -> memref<1x128xi32, #tpu.memory_space<vmem>>
      %dma_start3A_461 = tpu.memref_squeeze %dma_start3A_460 : memref<1x128xi32, #tpu.memory_space<vmem>> -> memref<128xi32, #tpu.memory_space<vmem>>
      %dma_start3A_462 = arith.constant 0 : i32
      %dma_start3A_463 = arith.constant 0 : i32
      %dma_start3A_464 = tpu.memref_slice %arg11[%dma_start3A_462, %dma_start3A_463] : memref<3464x128xf32, #tpu.memory_space<vmem_shared>> -> memref<3464x128xf32, #tpu.memory_space<vmem_shared>>
      tpu.enqueue_indirect_dma source(%dma_start3A_458 : memref<128x128xf32, #tpu.memory_space<vmem>>) target(%dma_start3A_464 : memref<3464x128xf32, #tpu.memory_space<vmem_shared>>) offsets(%dma_start3A_461 : memref<128xi32, #tpu.memory_space<vmem>>) semaphore(%arg14 : memref<!tpu.dma_semaphore, #tpu.memory_space<semaphore_mem>>) {add = true}
      %add3A_465 = arith.constant 1 : i32
      %add3A_466 = arith.addi %add3A_438, %add3A_465 : i32
      %dma_wait3A_467 = arith.constant 1 : i32
      %dma_wait3A_468 = arith.constant 0 : i32
      %dma_wait3A_469 = arith.constant 0 : i32
      %dma_wait3A_470 = tpu.memref_slice %arg9[%dma_wait3A_467, %dma_wait3A_468, %dma_wait3A_469] : memref<2x128x128xf32, #tpu.memory_space<vmem>> -> memref<1x128x128xf32, #tpu.memory_space<vmem>>
      %dma_wait3A_471 = tpu.memref_squeeze %dma_wait3A_470 : memref<1x128x128xf32, #tpu.memory_space<vmem>> -> memref<128x128xf32, #tpu.memory_space<vmem>>
      %dma_wait3A_472 = arith.constant 0 : i32
      %dma_wait3A_473 = tpu.memref_slice %arg7[%add3A_466, %dma_wait3A_472] : memref<80x128xi32, #tpu.memory_space<vmem>> -> memref<1x128xi32, #tpu.memory_space<vmem>>
      %dma_wait3A_474 = tpu.memref_squeeze %dma_wait3A_473 : memref<1x128xi32, #tpu.memory_space<vmem>> -> memref<128xi32, #tpu.memory_space<vmem>>
      %dma_wait3A_475 = arith.constant 0 : i32
      %dma_wait3A_476 = arith.constant 0 : i32
      %dma_wait3A_477 = tpu.memref_slice %arg2[%dma_wait3A_475, %dma_wait3A_476] : memref<40000x128xf32, #tpu.memory_space<hbm>> -> memref<40000x128xf32, #tpu.memory_space<hbm>>
      tpu.wait_indirect_dma semaphore(%arg13 : memref<!tpu.dma_semaphore, #tpu.memory_space<semaphore_mem>>) src(%dma_wait3A_477 : memref<40000x128xf32, #tpu.memory_space<hbm>>) dst(%dma_wait3A_471 : memref<128x128xf32, #tpu.memory_space<vmem>>)
      %add3A_478 = arith.constant 1 : i32
      %add3A_479 = arith.addi %add3A_438, %add3A_478 : i32
      %dma_start3A_480 = arith.constant 1 : i32
      %dma_start3A_481 = arith.constant 0 : i32
      %dma_start3A_482 = arith.constant 0 : i32
      %dma_start3A_483 = tpu.memref_slice %arg9[%dma_start3A_480, %dma_start3A_481, %dma_start3A_482] : memref<2x128x128xf32, #tpu.memory_space<vmem>> -> memref<1x128x128xf32, #tpu.memory_space<vmem>>
      %dma_start3A_484 = tpu.memref_squeeze %dma_start3A_483 : memref<1x128x128xf32, #tpu.memory_space<vmem>> -> memref<128x128xf32, #tpu.memory_space<vmem>>
      %dma_start3A_485 = arith.constant 0 : i32
      %dma_start3A_486 = tpu.memref_slice %arg8[%add3A_479, %dma_start3A_485] : memref<80x128xi32, #tpu.memory_space<vmem>> -> memref<1x128xi32, #tpu.memory_space<vmem>>
      %dma_start3A_487 = tpu.memref_squeeze %dma_start3A_486 : memref<1x128xi32, #tpu.memory_space<vmem>> -> memref<128xi32, #tpu.memory_space<vmem>>
      %dma_start3A_488 = arith.constant 0 : i32
      %dma_start3A_489 = arith.constant 0 : i32
      %dma_start3A_490 = tpu.memref_slice %arg11[%dma_start3A_488, %dma_start3A_489] : memref<3464x128xf32, #tpu.memory_space<vmem_shared>> -> memref<3464x128xf32, #tpu.memory_space<vmem_shared>>
      tpu.enqueue_indirect_dma source(%dma_start3A_484 : memref<128x128xf32, #tpu.memory_space<vmem>>) target(%dma_start3A_490 : memref<3464x128xf32, #tpu.memory_space<vmem_shared>>) offsets(%dma_start3A_487 : memref<128xi32, #tpu.memory_space<vmem>>) semaphore(%arg15 : memref<!tpu.dma_semaphore, #tpu.memory_space<semaphore_mem>>) {add = true}
      %add3A_491 = arith.constant 2 : i32
      %add3A_492 = arith.addi %add3A_438, %add3A_491 : i32
      %lt3A = arith.constant 80 : i32
      %lt3A_493 = arith.cmpi slt, %add3A_492, %lt3A : i32
      %convert_element_type3A_494 = arith.extui %lt3A_493 : i1 to i32
      %cond3A_495 = arith.constant 0 : i32
      %cond3A_496 = arith.cmpi ne, %convert_element_type3A_494, %cond3A_495 : i32
      scf.if %cond3A_496 {
        %add3A_497 = arith.constant 0 : i32
        %add3A_498 = arith.addi %add3A_438, %add3A_497 : i32
        %dma_wait3A_499 = arith.constant 0 : i32
        %dma_wait3A_500 = arith.constant 0 : i32
        %dma_wait3A_501 = arith.constant 0 : i32
        %dma_wait3A_502 = tpu.memref_slice %arg9[%dma_wait3A_499, %dma_wait3A_500, %dma_wait3A_501] : memref<2x128x128xf32, #tpu.memory_space<vmem>> -> memref<1x128x128xf32, #tpu.memory_space<vmem>>
        %dma_wait3A_503 = tpu.memref_squeeze %dma_wait3A_502 : memref<1x128x128xf32, #tpu.memory_space<vmem>> -> memref<128x128xf32, #tpu.memory_space<vmem>>
        %dma_wait3A_504 = arith.constant 0 : i32
        %dma_wait3A_505 = tpu.memref_slice %arg8[%add3A_498, %dma_wait3A_504] : memref<80x128xi32, #tpu.memory_space<vmem>> -> memref<1x128xi32, #tpu.memory_space<vmem>>
        %dma_wait3A_506 = tpu.memref_squeeze %dma_wait3A_505 : memref<1x128xi32, #tpu.memory_space<vmem>> -> memref<128xi32, #tpu.memory_space<vmem>>
        %dma_wait3A_507 = arith.constant 0 : i32
        %dma_wait3A_508 = arith.constant 0 : i32
        %dma_wait3A_509 = tpu.memref_slice %arg11[%dma_wait3A_507, %dma_wait3A_508] : memref<3464x128xf32, #tpu.memory_space<vmem_shared>> -> memref<3464x128xf32, #tpu.memory_space<vmem_shared>>
        tpu.wait_indirect_dma semaphore(%arg14 : memref<!tpu.dma_semaphore, #tpu.memory_space<semaphore_mem>>) src(%dma_wait3A_503 : memref<128x128xf32, #tpu.memory_space<vmem>>) dst(%dma_wait3A_509 : memref<3464x128xf32, #tpu.memory_space<vmem_shared>>)
        %add3A_510 = arith.constant 2 : i32
        %add3A_511 = arith.addi %add3A_438, %add3A_510 : i32
        %add3A_512 = arith.constant 0 : i32
        %add3A_513 = arith.addi %add3A_511, %add3A_512 : i32
        %dma_start3A_514 = arith.constant 0 : i32
        %dma_start3A_515 = arith.constant 0 : i32
        %dma_start3A_516 = arith.constant 0 : i32
        %dma_start3A_517 = tpu.memref_slice %arg9[%dma_start3A_514, %dma_start3A_515, %dma_start3A_516] : memref<2x128x128xf32, #tpu.memory_space<vmem>> -> memref<1x128x128xf32, #tpu.memory_space<vmem>>
        %dma_start3A_518 = tpu.memref_squeeze %dma_start3A_517 : memref<1x128x128xf32, #tpu.memory_space<vmem>> -> memref<128x128xf32, #tpu.memory_space<vmem>>
        %dma_start3A_519 = arith.constant 0 : i32
        %dma_start3A_520 = tpu.memref_slice %arg7[%add3A_513, %dma_start3A_519] : memref<80x128xi32, #tpu.memory_space<vmem>> -> memref<1x128xi32, #tpu.memory_space<vmem>>
        %dma_start3A_521 = tpu.memref_squeeze %dma_start3A_520 : memref<1x128xi32, #tpu.memory_space<vmem>> -> memref<128xi32, #tpu.memory_space<vmem>>
        %dma_start3A_522 = arith.constant 0 : i32
        %dma_start3A_523 = arith.constant 0 : i32
        %dma_start3A_524 = tpu.memref_slice %arg2[%dma_start3A_522, %dma_start3A_523] : memref<40000x128xf32, #tpu.memory_space<hbm>> -> memref<40000x128xf32, #tpu.memory_space<hbm>>
        tpu.enqueue_indirect_dma source(%dma_start3A_524 : memref<40000x128xf32, #tpu.memory_space<hbm>>) target(%dma_start3A_518 : memref<128x128xf32, #tpu.memory_space<vmem>>) offsets(%dma_start3A_521 : memref<128xi32, #tpu.memory_space<vmem>>) semaphore(%arg12 : memref<!tpu.dma_semaphore, #tpu.memory_space<semaphore_mem>>)
        %add3A_525 = arith.constant 1 : i32
        %add3A_526 = arith.addi %add3A_438, %add3A_525 : i32
        %dma_wait3A_527 = arith.constant 1 : i32
        %dma_wait3A_528 = arith.constant 0 : i32
        %dma_wait3A_529 = arith.constant 0 : i32
        %dma_wait3A_530 = tpu.memref_slice %arg9[%dma_wait3A_527, %dma_wait3A_528, %dma_wait3A_529] : memref<2x128x128xf32, #tpu.memory_space<vmem>> -> memref<1x128x128xf32, #tpu.memory_space<vmem>>
        %dma_wait3A_531 = tpu.memref_squeeze %dma_wait3A_530 : memref<1x128x128xf32, #tpu.memory_space<vmem>> -> memref<128x128xf32, #tpu.memory_space<vmem>>
        %dma_wait3A_532 = arith.constant 0 : i32
        %dma_wait3A_533 = tpu.memref_slice %arg8[%add3A_526, %dma_wait3A_532] : memref<80x128xi32, #tpu.memory_space<vmem>> -> memref<1x128xi32, #tpu.memory_space<vmem>>
        %dma_wait3A_534 = tpu.memref_squeeze %dma_wait3A_533 : memref<1x128xi32, #tpu.memory_space<vmem>> -> memref<128xi32, #tpu.memory_space<vmem>>
        %dma_wait3A_535 = arith.constant 0 : i32
        %dma_wait3A_536 = arith.constant 0 : i32
        %dma_wait3A_537 = tpu.memref_slice %arg11[%dma_wait3A_535, %dma_wait3A_536] : memref<3464x128xf32, #tpu.memory_space<vmem_shared>> -> memref<3464x128xf32, #tpu.memory_space<vmem_shared>>
        tpu.wait_indirect_dma semaphore(%arg15 : memref<!tpu.dma_semaphore, #tpu.memory_space<semaphore_mem>>) src(%dma_wait3A_531 : memref<128x128xf32, #tpu.memory_space<vmem>>) dst(%dma_wait3A_537 : memref<3464x128xf32, #tpu.memory_space<vmem_shared>>)
        %add3A_538 = arith.constant 2 : i32
        %add3A_539 = arith.addi %add3A_438, %add3A_538 : i32
        %add3A_540 = arith.constant 1 : i32
        %add3A_541 = arith.addi %add3A_539, %add3A_540 : i32
        %dma_start3A_542 = arith.constant 1 : i32
        %dma_start3A_543 = arith.constant 0 : i32
        %dma_start3A_544 = arith.constant 0 : i32
        %dma_start3A_545 = tpu.memref_slice %arg9[%dma_start3A_542, %dma_start3A_543, %dma_start3A_544] : memref<2x128x128xf32, #tpu.memory_space<vmem>> -> memref<1x128x128xf32, #tpu.memory_space<vmem>>
        %dma_start3A_546 = tpu.memref_squeeze %dma_start3A_545 : memref<1x128x128xf32, #tpu.memory_space<vmem>> -> memref<128x128xf32, #tpu.memory_space<vmem>>
        %dma_start3A_547 = arith.constant 0 : i32
        %dma_start3A_548 = tpu.memref_slice %arg7[%add3A_541, %dma_start3A_547] : memref<80x128xi32, #tpu.memory_space<vmem>> -> memref<1x128xi32, #tpu.memory_space<vmem>>
        %dma_start3A_549 = tpu.memref_squeeze %dma_start3A_548 : memref<1x128xi32, #tpu.memory_space<vmem>> -> memref<128xi32, #tpu.memory_space<vmem>>
        %dma_start3A_550 = arith.constant 0 : i32
        %dma_start3A_551 = arith.constant 0 : i32
        %dma_start3A_552 = tpu.memref_slice %arg2[%dma_start3A_550, %dma_start3A_551] : memref<40000x128xf32, #tpu.memory_space<hbm>> -> memref<40000x128xf32, #tpu.memory_space<hbm>>
        tpu.enqueue_indirect_dma source(%dma_start3A_552 : memref<40000x128xf32, #tpu.memory_space<hbm>>) target(%dma_start3A_546 : memref<128x128xf32, #tpu.memory_space<vmem>>) offsets(%dma_start3A_549 : memref<128xi32, #tpu.memory_space<vmem>>) semaphore(%arg13 : memref<!tpu.dma_semaphore, #tpu.memory_space<semaphore_mem>>)
      } else {
      }
    }
    %scan3A_401 = arith.constant 40 : i32
    %dma_wait3A_402 = arith.constant 0 : i32
    %dma_wait3A_403 = arith.constant 78 : i32
    %dma_wait3A_404 = arith.constant 0 : i32
    %dma_wait3A_405 = arith.constant 0 : i32
    %dma_wait3A_406 = tpu.memref_slice %arg9[%dma_wait3A_402, %dma_wait3A_404, %dma_wait3A_405] : memref<2x128x128xf32, #tpu.memory_space<vmem>> -> memref<1x128x128xf32, #tpu.memory_space<vmem>>
    %dma_wait3A_407 = tpu.memref_squeeze %dma_wait3A_406 : memref<1x128x128xf32, #tpu.memory_space<vmem>> -> memref<128x128xf32, #tpu.memory_space<vmem>>
    %dma_wait3A_408 = arith.constant 0 : i32
    %dma_wait3A_409 = tpu.memref_slice %arg8[%dma_wait3A_403, %dma_wait3A_408] : memref<80x128xi32, #tpu.memory_space<vmem>> -> memref<1x128xi32, #tpu.memory_space<vmem>>
    %dma_wait3A_410 = tpu.memref_squeeze %dma_wait3A_409 : memref<1x128xi32, #tpu.memory_space<vmem>> -> memref<128xi32, #tpu.memory_space<vmem>>
    %dma_wait3A_411 = arith.constant 0 : i32
    %dma_wait3A_412 = arith.constant 0 : i32
    %dma_wait3A_413 = tpu.memref_slice %arg11[%dma_wait3A_411, %dma_wait3A_412] : memref<3464x128xf32, #tpu.memory_space<vmem_shared>> -> memref<3464x128xf32, #tpu.memory_space<vmem_shared>>
    tpu.wait_indirect_dma semaphore(%arg14 : memref<!tpu.dma_semaphore, #tpu.memory_space<semaphore_mem>>) src(%dma_wait3A_407 : memref<128x128xf32, #tpu.memory_space<vmem>>) dst(%dma_wait3A_413 : memref<3464x128xf32, #tpu.memory_space<vmem_shared>>)
    %dma_wait3A_414 = arith.constant 1 : i32
    %dma_wait3A_415 = arith.constant 79 : i32
    %dma_wait3A_416 = arith.constant 0 : i32
    %dma_wait3A_417 = arith.constant 0 : i32
    %dma_wait3A_418 = tpu.memref_slice %arg9[%dma_wait3A_414, %dma_wait3A_416, %dma_wait3A_417] : memref<2x128x128xf32, #tpu.memory_space<vmem>> -> memref<1x128x128xf32, #tpu.memory_space<vmem>>
    %dma_wait3A_419 = tpu.memref_squeeze %dma_wait3A_418 : memref<1x128x128xf32, #tpu.memory_space<vmem>> -> memref<128x128xf32, #tpu.memory_space<vmem>>
    %dma_wait3A_420 = arith.constant 0 : i32
    %dma_wait3A_421 = tpu.memref_slice %arg8[%dma_wait3A_415, %dma_wait3A_420] : memref<80x128xi32, #tpu.memory_space<vmem>> -> memref<1x128xi32, #tpu.memory_space<vmem>>
    %dma_wait3A_422 = tpu.memref_squeeze %dma_wait3A_421 : memref<1x128xi32, #tpu.memory_space<vmem>> -> memref<128xi32, #tpu.memory_space<vmem>>
    %dma_wait3A_423 = arith.constant 0 : i32
    %dma_wait3A_424 = arith.constant 0 : i32
    %dma_wait3A_425 = tpu.memref_slice %arg11[%dma_wait3A_423, %dma_wait3A_424] : memref<3464x128xf32, #tpu.memory_space<vmem_shared>> -> memref<3464x128xf32, #tpu.memory_space<vmem_shared>>
    tpu.wait_indirect_dma semaphore(%arg15 : memref<!tpu.dma_semaphore, #tpu.memory_space<semaphore_mem>>) src(%dma_wait3A_419 : memref<128x128xf32, #tpu.memory_space<vmem>>) dst(%dma_wait3A_425 : memref<3464x128xf32, #tpu.memory_space<vmem_shared>>)
    %barrier3A_426 = arith.constant 0 : index
    tpu.barrier barrier_id(%barrier3A_426)
    %mul3A_427 = arith.constant 216 : i32
    %mul3A_428 = arith.muli %arg1, %mul3A_427 : i32
    %mul3A_429 = arith.constant 216 : i32
    %mul3A_430 = arith.muli %arg1, %mul3A_429 : i32
    %add3A_431 = arith.constant 6912 : i32
    %add3A_432 = arith.addi %add3A_431, %mul3A_430 : i32
    "tpu.region"() ({
      %run_scoped3A_434 = tpu.sem_alloc : memref<!tpu.dma_semaphore, #tpu.memory_space<semaphore_mem>>
      %dma_start3A_435 = arith.constant 0 : i32
      %dma_start3A_436 = tpu.memref_slice %arg6[%add3A_363, %add3A_432, %dma_start3A_435] : memref<4x10368x128xf32, #tpu.memory_space<hbm>> -> memref<1x216x128xf32, #tpu.memory_space<hbm>>
      %dma_start3A_437 = tpu.memref_squeeze %dma_start3A_436 : memref<1x216x128xf32, #tpu.memory_space<hbm>> -> memref<216x128xf32, #tpu.memory_space<hbm>>
      %dma_start3A_438 = arith.constant 0 : i32
      %dma_start3A_439 = tpu.memref_slice %arg11[%mul3A_428, %dma_start3A_438] : memref<3464x128xf32, #tpu.memory_space<vmem_shared>> -> memref<216x128xf32, #tpu.memory_space<vmem_shared>>
      tpu.enqueue_dma source(%dma_start3A_439 : memref<216x128xf32, #tpu.memory_space<vmem_shared>>) target(%dma_start3A_437 : memref<216x128xf32, #tpu.memory_space<hbm>>) target_semaphore(%run_scoped3A_434 : memref<!tpu.dma_semaphore, #tpu.memory_space<semaphore_mem>>)
      %dma_wait3A_440 = arith.constant 0 : i32
      %dma_wait3A_441 = tpu.memref_slice %arg6[%add3A_363, %add3A_432, %dma_wait3A_440] : memref<4x10368x128xf32, #tpu.memory_space<hbm>> -> memref<1x216x128xf32, #tpu.memory_space<hbm>>
      %dma_wait3A_442 = tpu.memref_squeeze %dma_wait3A_441 : memref<1x216x128xf32, #tpu.memory_space<hbm>> -> memref<216x128xf32, #tpu.memory_space<hbm>>
      %dma_wait3A_443 = arith.constant 0 : i32
      %dma_wait3A_444 = tpu.memref_slice %arg11[%mul3A_428, %dma_wait3A_443] : memref<3464x128xf32, #tpu.memory_space<vmem_shared>> -> memref<216x128xf32, #tpu.memory_space<vmem_shared>>
      tpu.wait_dma2 semaphore(%run_scoped3A_434 : memref<!tpu.dma_semaphore, #tpu.memory_space<semaphore_mem>>) src(%dma_wait3A_444 : memref<216x128xf32, #tpu.memory_space<vmem_shared>>) dst(%dma_wait3A_442 : memref<216x128xf32, #tpu.memory_space<hbm>>)
      tpu.yield
    }) : () -> ()
    %barrier3A_433 = arith.constant 0 : index
    tpu.barrier barrier_id(%barrier3A_433)
    return
  }
}

module attributes {stable_mosaic.version = 14 : i64} {
  func.func @body(%arg0: i32, %arg1: memref<1000x256xf32, #tpu.memory_space<vmem>>, %arg2: memref<2x1000x128xf32, #tpu.memory_space<vmem>>, %arg3: memref<1x256xf32, #tpu.memory_space<vmem>>, %arg4: memref<1x256xf32, #tpu.memory_space<vmem>>, %arg5: memref<1x256xf32, #tpu.memory_space<vmem>>, %arg6: memref<1x256xf32, #tpu.memory_space<vmem>>, %arg7: memref<256x512xf32, #tpu.memory_space<vmem>>, %arg8: memref<4x1000x128xf32, #tpu.memory_space<vmem>>, %arg9: memref<1000x1xf32, #tpu.memory_space<vmem>>) attributes {dimension_semantics = [#tpu.dimension_semantics<arbitrary>], iteration_bounds = array<i64: 10>, scalar_prefetch = 0 : i64, scratch_operands = 0 : i64, tpu.core_type = #tpu.core_type<tc>, window_params = [{transform_indices = @transform_0, window_bounds = array<i64: 1000, 256>}, {transform_indices = @transform_1, window_bounds = array<i64: 2, 1000, 128>}, {pipeline_mode = #tpu.pipeline_mode<synchronous>, transform_indices = @transform_2, window_bounds = array<i64: 1, 256>}, {pipeline_mode = #tpu.pipeline_mode<synchronous>, transform_indices = @transform_3, window_bounds = array<i64: 1, 256>}, {pipeline_mode = #tpu.pipeline_mode<synchronous>, transform_indices = @transform_4, window_bounds = array<i64: 1, 256>}, {pipeline_mode = #tpu.pipeline_mode<synchronous>, transform_indices = @transform_5, window_bounds = array<i64: 1, 256>}, {pipeline_mode = #tpu.pipeline_mode<synchronous>, transform_indices = @transform_6, window_bounds = array<i64: 256, 512>}, {transform_indices = @transform_7, window_bounds = array<i64: 4, 1000, 128>}, {transform_indices = @transform_8, window_bounds = array<i64: 1000, 1>}]} {
    %get3A = arith.constant 0 : index
    %get3A_0 = arith.constant 0 : index
    %get3A_1 = arith.constant 0 : index
    %get3A_2 = vector.load %arg2[%get3A, %get3A_0, %get3A_1] : memref<2x1000x128xf32, #tpu.memory_space<vmem>>, vector<1x1000x1xf32>
    %get3A_3 = vector.shape_cast %get3A_2 : vector<1x1000x1xf32> to vector<1000x1xf32>
    %get3A_4 = arith.constant 1 : index
    %get3A_5 = arith.constant 0 : index
    %get3A_6 = arith.constant 0 : index
    %get3A_7 = vector.load %arg2[%get3A_4, %get3A_5, %get3A_6] : memref<2x1000x128xf32, #tpu.memory_space<vmem>>, vector<1x1000x1xf32>
    %get3A_8 = vector.shape_cast %get3A_7 : vector<1x1000x1xf32> to vector<1000x1xf32>
    %add3A = arith.addf %get3A_3, %get3A_8 : vector<1000x1xf32>
    %add3A_9 = arith.constant 1.000000e+00 : f32
    %add3A_10 = vector.broadcast %add3A_9 : f32 to vector<1000x1xf32>
    %add3A_11 = arith.addf %add3A, %add3A_10 : vector<1000x1xf32>
    %max3A = arith.constant 1.000000e+00 : f32
    %max3A_12 = vector.broadcast %max3A : f32 to vector<1000x1xf32>
    %max3A_13 = arith.maximumf %add3A_11, %max3A_12 : vector<1000x1xf32>
    %rsqrt3A = math.rsqrt %max3A_13 : vector<1000x1xf32>
    %get3A_14 = arith.constant 0 : index
    %get3A_15 = arith.constant 0 : index
    %get3A_16 = vector.load %arg5[%get3A_14, %get3A_15] : memref<1x256xf32, #tpu.memory_space<vmem>>, vector<1x256xf32>
    %get3A_17 = arith.constant 0 : index
    %get3A_18 = arith.constant 0 : index
    %get3A_19 = vector.load %arg3[%get3A_17, %get3A_18] : memref<1x256xf32, #tpu.memory_space<vmem>>, vector<1x256xf32>
    %get3A_20 = arith.constant 0 : index
    %get3A_21 = arith.constant 0 : index
    %get3A_22 = vector.load %arg1[%get3A_20, %get3A_21] : memref<1000x256xf32, #tpu.memory_space<vmem>>, vector<1000x256xf32>
    %mul3A = arith.constant 0.999994993 : f32
    %mul3A_23 = vector.broadcast %mul3A : f32 to vector<1000x256xf32>
    %mul3A_24 = arith.mulf %get3A_22, %mul3A_23 : vector<1000x256xf32>
    %mul3A_25 = vector.broadcast %get3A_19 : vector<1x256xf32> to vector<1000x256xf32>
    %mul3A_26 = arith.mulf %mul3A_25, %mul3A_24 : vector<1000x256xf32>
    %get3A_27 = arith.constant 0 : index
    %get3A_28 = arith.constant 0 : index
    %get3A_29 = vector.load %arg4[%get3A_27, %get3A_28] : memref<1x256xf32, #tpu.memory_space<vmem>>, vector<1x256xf32>
    %add3A_30 = vector.broadcast %get3A_29 : vector<1x256xf32> to vector<1000x256xf32>
    %add3A_31 = arith.addf %mul3A_26, %add3A_30 : vector<1000x256xf32>
    %mul3A_32 = arith.constant 0.999994993 : f32
    %mul3A_33 = vector.broadcast %mul3A_32 : f32 to vector<1000x256xf32>
    %mul3A_34 = arith.mulf %add3A_31, %mul3A_33 : vector<1000x256xf32>
    %mul3A_35 = vector.broadcast %get3A_16 : vector<1x256xf32> to vector<1000x256xf32>
    %mul3A_36 = arith.mulf %mul3A_35, %mul3A_34 : vector<1000x256xf32>
    %get3A_37 = arith.constant 0 : index
    %get3A_38 = arith.constant 0 : index
    %get3A_39 = vector.load %arg6[%get3A_37, %get3A_38] : memref<1x256xf32, #tpu.memory_space<vmem>>, vector<1x256xf32>
    %add3A_40 = vector.broadcast %get3A_39 : vector<1x256xf32> to vector<1000x256xf32>
    %add3A_41 = arith.addf %mul3A_36, %add3A_40 : vector<1000x256xf32>
    %get3A_42 = arith.constant 0 : index
    %get3A_43 = arith.constant 0 : index
    %get3A_44 = vector.load %arg7[%get3A_42, %get3A_43] : memref<256x512xf32, #tpu.memory_space<vmem>>, vector<256x512xf32>
    %dot_general3A = arith.constant dense<0.000000e+00> : vector<1000x512xf32>
    %dot_general3A_45 = tpu.matmul %add3A_41, %get3A_44, %dot_general3A {dimension_numbers = #tpu.dot_dimension_numbers<[1], [0], [0], [1], [0, 0, 1, 1], [], []>, precision = #tpu.contract_precision<fp32>, transpose_lhs_hint = false} : vector<1000x256xf32>, vector<256x512xf32>, vector<1000x512xf32> -> vector<1000x512xf32>
    %mul3A_46 = vector.broadcast %rsqrt3A : vector<1000x1xf32> to vector<1000x512xf32>
    %mul3A_47 = arith.mulf %dot_general3A_45, %mul3A_46 : vector<1000x512xf32>
    %slice3A = vector.extract_strided_slice %mul3A_47 {offsets = [0, 0], sizes = [1000, 128], strides = [1, 1]} : vector<1000x512xf32> to vector<1000x128xf32>
    %swap3A = arith.constant 0 : index
    %swap3A_48 = arith.constant 0 : index
    %swap3A_49 = arith.constant 0 : index
    %swap3A_50 = vector.load %arg8[%swap3A, %swap3A_48, %swap3A_49] : memref<4x1000x128xf32, #tpu.memory_space<vmem>>, vector<1x1000x128xf32>
    %swap3A_51 = vector.shape_cast %swap3A_50 : vector<1x1000x128xf32> to vector<1000x128xf32>
    %swap3A_52 = vector.shape_cast %slice3A : vector<1000x128xf32> to vector<1x1000x128xf32>
    tpu.vector_store %arg8[%swap3A, %swap3A_48, %swap3A_49], %swap3A_52 {strides = array<i32>} : memref<4x1000x128xf32, #tpu.memory_space<vmem>>, vector<1x1000x128xf32>,
    %slice3A_53 = vector.extract_strided_slice %mul3A_47 {offsets = [0, 128], sizes = [1000, 128], strides = [1, 1]} : vector<1000x512xf32> to vector<1000x128xf32>
    %swap3A_54 = arith.constant 1 : index
    %swap3A_55 = arith.constant 0 : index
    %swap3A_56 = arith.constant 0 : index
    %swap3A_57 = vector.load %arg8[%swap3A_54, %swap3A_55, %swap3A_56] : memref<4x1000x128xf32, #tpu.memory_space<vmem>>, vector<1x1000x128xf32>
    %swap3A_58 = vector.shape_cast %swap3A_57 : vector<1x1000x128xf32> to vector<1000x128xf32>
    %swap3A_59 = vector.shape_cast %slice3A_53 : vector<1000x128xf32> to vector<1x1000x128xf32>
    tpu.vector_store %arg8[%swap3A_54, %swap3A_55, %swap3A_56], %swap3A_59 {strides = array<i32>} : memref<4x1000x128xf32, #tpu.memory_space<vmem>>, vector<1x1000x128xf32>,
    %slice3A_60 = vector.extract_strided_slice %mul3A_47 {offsets = [0, 256], sizes = [1000, 128], strides = [1, 1]} : vector<1000x512xf32> to vector<1000x128xf32>
    %swap3A_61 = arith.constant 2 : index
    %swap3A_62 = arith.constant 0 : index
    %swap3A_63 = arith.constant 0 : index
    %swap3A_64 = vector.load %arg8[%swap3A_61, %swap3A_62, %swap3A_63] : memref<4x1000x128xf32, #tpu.memory_space<vmem>>, vector<1x1000x128xf32>
    %swap3A_65 = vector.shape_cast %swap3A_64 : vector<1x1000x128xf32> to vector<1000x128xf32>
    %swap3A_66 = vector.shape_cast %slice3A_60 : vector<1000x128xf32> to vector<1x1000x128xf32>
    tpu.vector_store %arg8[%swap3A_61, %swap3A_62, %swap3A_63], %swap3A_66 {strides = array<i32>} : memref<4x1000x128xf32, #tpu.memory_space<vmem>>, vector<1x1000x128xf32>,
    %slice3A_67 = vector.extract_strided_slice %mul3A_47 {offsets = [0, 384], sizes = [1000, 128], strides = [1, 1]} : vector<1000x512xf32> to vector<1000x128xf32>
    %swap3A_68 = arith.constant 3 : index
    %swap3A_69 = arith.constant 0 : index
    %swap3A_70 = arith.constant 0 : index
    %swap3A_71 = vector.load %arg8[%swap3A_68, %swap3A_69, %swap3A_70] : memref<4x1000x128xf32, #tpu.memory_space<vmem>>, vector<1x1000x128xf32>
    %swap3A_72 = vector.shape_cast %swap3A_71 : vector<1x1000x128xf32> to vector<1000x128xf32>
    %swap3A_73 = vector.shape_cast %slice3A_67 : vector<1000x128xf32> to vector<1x1000x128xf32>
    tpu.vector_store %arg8[%swap3A_68, %swap3A_69, %swap3A_70], %swap3A_73 {strides = array<i32>} : memref<4x1000x128xf32, #tpu.memory_space<vmem>>, vector<1x1000x128xf32>,
    %swap3A_74 = arith.constant 0 : index
    %swap3A_75 = arith.constant 0 : index
    %swap3A_76 = vector.load %arg9[%swap3A_74, %swap3A_75] : memref<1000x1xf32, #tpu.memory_space<vmem>>, vector<1000x1xf32>
    tpu.vector_store %arg9[%swap3A_74, %swap3A_75], %rsqrt3A {strides = array<i32>} : memref<1000x1xf32, #tpu.memory_space<vmem>>, vector<1000x1xf32>,
    return
  }
  func.func @transform_0(%arg0: i32) -> (i32, i32) {
    %c0_i32 = arith.constant 0 : i32
    %c0_i32_0 = arith.constant 0 : i32
    return %arg0, %c0_i32 : i32, i32
  }
  func.func @transform_1(%arg0: i32) -> (i32, i32, i32) {
    %c0_i32 = arith.constant 0 : i32
    %c0_i32_0 = arith.constant 0 : i32
    %c0_i32_1 = arith.constant 0 : i32
    return %c0_i32, %arg0, %c0_i32_0 : i32, i32, i32
  }
  func.func @transform_2(%arg0: i32) -> (i32, i32) {
    %c0_i32 = arith.constant 0 : i32
    %c0_i32_0 = arith.constant 0 : i32
    %c0_i32_1 = arith.constant 0 : i32
    return %c0_i32, %c0_i32_0 : i32, i32
  }
  func.func @transform_3(%arg0: i32) -> (i32, i32) {
    %c0_i32 = arith.constant 0 : i32
    %c0_i32_0 = arith.constant 0 : i32
    %c0_i32_1 = arith.constant 0 : i32
    return %c0_i32, %c0_i32_0 : i32, i32
  }
  func.func @transform_4(%arg0: i32) -> (i32, i32) {
    %c0_i32 = arith.constant 0 : i32
    %c0_i32_0 = arith.constant 0 : i32
    %c0_i32_1 = arith.constant 0 : i32
    return %c0_i32, %c0_i32_0 : i32, i32
  }
  func.func @transform_5(%arg0: i32) -> (i32, i32) {
    %c0_i32 = arith.constant 0 : i32
    %c0_i32_0 = arith.constant 0 : i32
    %c0_i32_1 = arith.constant 0 : i32
    return %c0_i32, %c0_i32_0 : i32, i32
  }
  func.func @transform_6(%arg0: i32) -> (i32, i32) {
    %c0_i32 = arith.constant 0 : i32
    %c0_i32_0 = arith.constant 0 : i32
    %c0_i32_1 = arith.constant 0 : i32
    return %c0_i32, %c0_i32_0 : i32, i32
  }
  func.func @transform_7(%arg0: i32) -> (i32, i32, i32) {
    %c0_i32 = arith.constant 0 : i32
    %c0_i32_0 = arith.constant 0 : i32
    %c0_i32_1 = arith.constant 0 : i32
    return %c0_i32, %arg0, %c0_i32_0 : i32, i32, i32
  }
  func.func @transform_8(%arg0: i32) -> (i32, i32) {
    %c0_i32 = arith.constant 0 : i32
    %c0_i32_0 = arith.constant 0 : i32
    return %arg0, %c0_i32 : i32, i32
  }
}

module attributes {stable_mosaic.version = 14 : i64} {
  func.func @body(%arg0: i32, %arg1: memref<4x1000x128xf32, #tpu.memory_space<vmem>>, %arg2: memref<4x1000x128xf32, #tpu.memory_space<vmem>>, %arg3: memref<1000x512xf32, #tpu.memory_space<vmem>>, %arg4: memref<1000x1xf32, #tpu.memory_space<vmem>>, %arg5: memref<1x512xf32, #tpu.memory_space<vmem>>, %arg6: memref<512x512xf32, #tpu.memory_space<vmem>>, %arg7: memref<1x512xf32, #tpu.memory_space<vmem>>, %arg8: memref<1x512xf32, #tpu.memory_space<vmem>>, %arg9: memref<1000x512xf32, #tpu.memory_space<vmem>>, %arg10: memref<4x1000x128xf32, #tpu.memory_space<vmem>>) attributes {dimension_semantics = [#tpu.dimension_semantics<arbitrary>], iteration_bounds = array<i64: 10>, scalar_prefetch = 0 : i64, scratch_operands = 0 : i64, tpu.core_type = #tpu.core_type<tc>, window_params = [{transform_indices = @transform_0, window_bounds = array<i64: 4, 1000, 128>}, {transform_indices = @transform_1, window_bounds = array<i64: 4, 1000, 128>}, {transform_indices = @transform_2, window_bounds = array<i64: 1000, 512>}, {transform_indices = @transform_3, window_bounds = array<i64: 1000, 1>}, {pipeline_mode = #tpu.pipeline_mode<synchronous>, transform_indices = @transform_4, window_bounds = array<i64: 1, 512>}, {pipeline_mode = #tpu.pipeline_mode<synchronous>, transform_indices = @transform_5, window_bounds = array<i64: 512, 512>}, {pipeline_mode = #tpu.pipeline_mode<synchronous>, transform_indices = @transform_6, window_bounds = array<i64: 1, 512>}, {pipeline_mode = #tpu.pipeline_mode<synchronous>, transform_indices = @transform_7, window_bounds = array<i64: 1, 512>}, {transform_indices = @transform_8, window_bounds = array<i64: 1000, 512>}, {transform_indices = @transform_9, window_bounds = array<i64: 4, 1000, 128>}]} {
    %get3A = arith.constant 0 : index
    %get3A_0 = arith.constant 0 : index
    %get3A_1 = vector.load %arg4[%get3A, %get3A_0] : memref<1000x1xf32, #tpu.memory_space<vmem>>, vector<1000x1xf32>
    %get3A_2 = arith.constant 0 : index
    %get3A_3 = arith.constant 0 : index
    %get3A_4 = arith.constant 0 : index
    %get3A_5 = vector.load %arg1[%get3A_2, %get3A_3, %get3A_4] : memref<4x1000x128xf32, #tpu.memory_space<vmem>>, vector<1x1000x128xf32>
    %get3A_6 = vector.shape_cast %get3A_5 : vector<1x1000x128xf32> to vector<1000x128xf32>
    %get3A_7 = arith.constant 0 : index
    %get3A_8 = arith.constant 0 : index
    %get3A_9 = arith.constant 0 : index
    %get3A_10 = vector.load %arg2[%get3A_7, %get3A_8, %get3A_9] : memref<4x1000x128xf32, #tpu.memory_space<vmem>>, vector<1x1000x128xf32>
    %get3A_11 = vector.shape_cast %get3A_10 : vector<1x1000x128xf32> to vector<1000x128xf32>
    %add3A = arith.addf %get3A_6, %get3A_11 : vector<1000x128xf32>
    %mul3A = vector.broadcast %get3A_1 : vector<1000x1xf32> to vector<1000x128xf32>
    %mul3A_12 = arith.mulf %mul3A, %add3A : vector<1000x128xf32>
    %get3A_13 = arith.constant 1 : index
    %get3A_14 = arith.constant 0 : index
    %get3A_15 = arith.constant 0 : index
    %get3A_16 = vector.load %arg1[%get3A_13, %get3A_14, %get3A_15] : memref<4x1000x128xf32, #tpu.memory_space<vmem>>, vector<1x1000x128xf32>
    %get3A_17 = vector.shape_cast %get3A_16 : vector<1x1000x128xf32> to vector<1000x128xf32>
    %get3A_18 = arith.constant 1 : index
    %get3A_19 = arith.constant 0 : index
    %get3A_20 = arith.constant 0 : index
    %get3A_21 = vector.load %arg2[%get3A_18, %get3A_19, %get3A_20] : memref<4x1000x128xf32, #tpu.memory_space<vmem>>, vector<1x1000x128xf32>
    %get3A_22 = vector.shape_cast %get3A_21 : vector<1x1000x128xf32> to vector<1000x128xf32>
    %add3A_23 = arith.addf %get3A_17, %get3A_22 : vector<1000x128xf32>
    %mul3A_24 = vector.broadcast %get3A_1 : vector<1000x1xf32> to vector<1000x128xf32>
    %mul3A_25 = arith.mulf %mul3A_24, %add3A_23 : vector<1000x128xf32>
    %get3A_26 = arith.constant 2 : index
    %get3A_27 = arith.constant 0 : index
    %get3A_28 = arith.constant 0 : index
    %get3A_29 = vector.load %arg1[%get3A_26, %get3A_27, %get3A_28] : memref<4x1000x128xf32, #tpu.memory_space<vmem>>, vector<1x1000x128xf32>
    %get3A_30 = vector.shape_cast %get3A_29 : vector<1x1000x128xf32> to vector<1000x128xf32>
    %get3A_31 = arith.constant 2 : index
    %get3A_32 = arith.constant 0 : index
    %get3A_33 = arith.constant 0 : index
    %get3A_34 = vector.load %arg2[%get3A_31, %get3A_32, %get3A_33] : memref<4x1000x128xf32, #tpu.memory_space<vmem>>, vector<1x1000x128xf32>
    %get3A_35 = vector.shape_cast %get3A_34 : vector<1x1000x128xf32> to vector<1000x128xf32>
    %add3A_36 = arith.addf %get3A_30, %get3A_35 : vector<1000x128xf32>
    %mul3A_37 = vector.broadcast %get3A_1 : vector<1000x1xf32> to vector<1000x128xf32>
    %mul3A_38 = arith.mulf %mul3A_37, %add3A_36 : vector<1000x128xf32>
    %get3A_39 = arith.constant 3 : index
    %get3A_40 = arith.constant 0 : index
    %get3A_41 = arith.constant 0 : index
    %get3A_42 = vector.load %arg1[%get3A_39, %get3A_40, %get3A_41] : memref<4x1000x128xf32, #tpu.memory_space<vmem>>, vector<1x1000x128xf32>
    %get3A_43 = vector.shape_cast %get3A_42 : vector<1x1000x128xf32> to vector<1000x128xf32>
    %get3A_44 = arith.constant 3 : index
    %get3A_45 = arith.constant 0 : index
    %get3A_46 = arith.constant 0 : index
    %get3A_47 = vector.load %arg2[%get3A_44, %get3A_45, %get3A_46] : memref<4x1000x128xf32, #tpu.memory_space<vmem>>, vector<1x1000x128xf32>
    %get3A_48 = vector.shape_cast %get3A_47 : vector<1x1000x128xf32> to vector<1000x128xf32>
    %add3A_49 = arith.addf %get3A_43, %get3A_48 : vector<1000x128xf32>
    %mul3A_50 = vector.broadcast %get3A_1 : vector<1000x1xf32> to vector<1000x128xf32>
    %mul3A_51 = arith.mulf %mul3A_50, %add3A_49 : vector<1000x128xf32>
    %concatenate3A = tpu.concatenate %mul3A_12, %mul3A_25, %mul3A_38, %mul3A_51 in 1 : vector<1000x128xf32>, vector<1000x128xf32>, vector<1000x128xf32>, vector<1000x128xf32> -> vector<1000x512xf32>
    %get3A_52 = arith.constant 0 : index
    %get3A_53 = arith.constant 0 : index
    %get3A_54 = vector.load %arg5[%get3A_52, %get3A_53] : memref<1x512xf32, #tpu.memory_space<vmem>>, vector<1x512xf32>
    %add3A_55 = vector.broadcast %get3A_54 : vector<1x512xf32> to vector<1000x512xf32>
    %add3A_56 = arith.addf %concatenate3A, %add3A_55 : vector<1000x512xf32>
    %max3A = arith.constant 0.000000e+00 : f32
    %max3A_57 = vector.broadcast %max3A : f32 to vector<1000x512xf32>
    %max3A_58 = arith.maximumf %add3A_56, %max3A_57 : vector<1000x512xf32>
    %get3A_59 = arith.constant 0 : index
    %get3A_60 = arith.constant 0 : index
    %get3A_61 = vector.load %arg3[%get3A_59, %get3A_60] : memref<1000x512xf32, #tpu.memory_space<vmem>>, vector<1000x512xf32>
    %add3A_62 = arith.addf %max3A_58, %get3A_61 : vector<1000x512xf32>
    %swap3A = arith.constant 0 : index
    %swap3A_63 = arith.constant 0 : index
    %swap3A_64 = vector.load %arg9[%swap3A, %swap3A_63] : memref<1000x512xf32, #tpu.memory_space<vmem>>, vector<1000x512xf32>
    tpu.vector_store %arg9[%swap3A, %swap3A_63], %add3A_62 {strides = array<i32>} : memref<1000x512xf32, #tpu.memory_space<vmem>>, vector<1000x512xf32>,
    %get3A_65 = arith.constant 0 : index
    %get3A_66 = arith.constant 0 : index
    %get3A_67 = vector.load %arg7[%get3A_65, %get3A_66] : memref<1x512xf32, #tpu.memory_space<vmem>>, vector<1x512xf32>
    %mul3A_68 = arith.constant 0.999994993 : f32
    %mul3A_69 = vector.broadcast %mul3A_68 : f32 to vector<1000x512xf32>
    %mul3A_70 = arith.mulf %add3A_62, %mul3A_69 : vector<1000x512xf32>
    %mul3A_71 = vector.broadcast %get3A_67 : vector<1x512xf32> to vector<1000x512xf32>
    %mul3A_72 = arith.mulf %mul3A_71, %mul3A_70 : vector<1000x512xf32>
    %get3A_73 = arith.constant 0 : index
    %get3A_74 = arith.constant 0 : index
    %get3A_75 = vector.load %arg8[%get3A_73, %get3A_74] : memref<1x512xf32, #tpu.memory_space<vmem>>, vector<1x512xf32>
    %add3A_76 = vector.broadcast %get3A_75 : vector<1x512xf32> to vector<1000x512xf32>
    %add3A_77 = arith.addf %mul3A_72, %add3A_76 : vector<1000x512xf32>
    %get3A_78 = arith.constant 0 : index
    %get3A_79 = arith.constant 0 : index
    %get3A_80 = vector.load %arg6[%get3A_78, %get3A_79] : memref<512x512xf32, #tpu.memory_space<vmem>>, vector<512x512xf32>
    %dot_general3A = arith.constant dense<0.000000e+00> : vector<1000x512xf32>
    %dot_general3A_81 = tpu.matmul %add3A_77, %get3A_80, %dot_general3A {dimension_numbers = #tpu.dot_dimension_numbers<[1], [0], [0], [1], [0, 0, 1, 1], [], []>, precision = #tpu.contract_precision<fp32>, transpose_lhs_hint = false} : vector<1000x512xf32>, vector<512x512xf32>, vector<1000x512xf32> -> vector<1000x512xf32>
    %mul3A_82 = vector.broadcast %get3A_1 : vector<1000x1xf32> to vector<1000x512xf32>
    %mul3A_83 = arith.mulf %dot_general3A_81, %mul3A_82 : vector<1000x512xf32>
    %slice3A = vector.extract_strided_slice %mul3A_83 {offsets = [0, 0], sizes = [1000, 128], strides = [1, 1]} : vector<1000x512xf32> to vector<1000x128xf32>
    %swap3A_84 = arith.constant 0 : index
    %swap3A_85 = arith.constant 0 : index
    %swap3A_86 = arith.constant 0 : index
    %swap3A_87 = vector.load %arg10[%swap3A_84, %swap3A_85, %swap3A_86] : memref<4x1000x128xf32, #tpu.memory_space<vmem>>, vector<1x1000x128xf32>
    %swap3A_88 = vector.shape_cast %swap3A_87 : vector<1x1000x128xf32> to vector<1000x128xf32>
    %swap3A_89 = vector.shape_cast %slice3A : vector<1000x128xf32> to vector<1x1000x128xf32>
    tpu.vector_store %arg10[%swap3A_84, %swap3A_85, %swap3A_86], %swap3A_89 {strides = array<i32>} : memref<4x1000x128xf32, #tpu.memory_space<vmem>>, vector<1x1000x128xf32>,
    %slice3A_90 = vector.extract_strided_slice %mul3A_83 {offsets = [0, 128], sizes = [1000, 128], strides = [1, 1]} : vector<1000x512xf32> to vector<1000x128xf32>
    %swap3A_91 = arith.constant 1 : index
    %swap3A_92 = arith.constant 0 : index
    %swap3A_93 = arith.constant 0 : index
    %swap3A_94 = vector.load %arg10[%swap3A_91, %swap3A_92, %swap3A_93] : memref<4x1000x128xf32, #tpu.memory_space<vmem>>, vector<1x1000x128xf32>
    %swap3A_95 = vector.shape_cast %swap3A_94 : vector<1x1000x128xf32> to vector<1000x128xf32>
    %swap3A_96 = vector.shape_cast %slice3A_90 : vector<1000x128xf32> to vector<1x1000x128xf32>
    tpu.vector_store %arg10[%swap3A_91, %swap3A_92, %swap3A_93], %swap3A_96 {strides = array<i32>} : memref<4x1000x128xf32, #tpu.memory_space<vmem>>, vector<1x1000x128xf32>,
    %slice3A_97 = vector.extract_strided_slice %mul3A_83 {offsets = [0, 256], sizes = [1000, 128], strides = [1, 1]} : vector<1000x512xf32> to vector<1000x128xf32>
    %swap3A_98 = arith.constant 2 : index
    %swap3A_99 = arith.constant 0 : index
    %swap3A_100 = arith.constant 0 : index
    %swap3A_101 = vector.load %arg10[%swap3A_98, %swap3A_99, %swap3A_100] : memref<4x1000x128xf32, #tpu.memory_space<vmem>>, vector<1x1000x128xf32>
    %swap3A_102 = vector.shape_cast %swap3A_101 : vector<1x1000x128xf32> to vector<1000x128xf32>
    %swap3A_103 = vector.shape_cast %slice3A_97 : vector<1000x128xf32> to vector<1x1000x128xf32>
    tpu.vector_store %arg10[%swap3A_98, %swap3A_99, %swap3A_100], %swap3A_103 {strides = array<i32>} : memref<4x1000x128xf32, #tpu.memory_space<vmem>>, vector<1x1000x128xf32>,
    %slice3A_104 = vector.extract_strided_slice %mul3A_83 {offsets = [0, 384], sizes = [1000, 128], strides = [1, 1]} : vector<1000x512xf32> to vector<1000x128xf32>
    %swap3A_105 = arith.constant 3 : index
    %swap3A_106 = arith.constant 0 : index
    %swap3A_107 = arith.constant 0 : index
    %swap3A_108 = vector.load %arg10[%swap3A_105, %swap3A_106, %swap3A_107] : memref<4x1000x128xf32, #tpu.memory_space<vmem>>, vector<1x1000x128xf32>
    %swap3A_109 = vector.shape_cast %swap3A_108 : vector<1x1000x128xf32> to vector<1000x128xf32>
    %swap3A_110 = vector.shape_cast %slice3A_104 : vector<1000x128xf32> to vector<1x1000x128xf32>
    tpu.vector_store %arg10[%swap3A_105, %swap3A_106, %swap3A_107], %swap3A_110 {strides = array<i32>} : memref<4x1000x128xf32, #tpu.memory_space<vmem>>, vector<1x1000x128xf32>,
    return
  }
  func.func @transform_0(%arg0: i32) -> (i32, i32, i32) {
    %c0_i32 = arith.constant 0 : i32
    %c0_i32_0 = arith.constant 0 : i32
    %c0_i32_1 = arith.constant 0 : i32
    return %c0_i32, %arg0, %c0_i32_0 : i32, i32, i32
  }
  func.func @transform_1(%arg0: i32) -> (i32, i32, i32) {
    %c0_i32 = arith.constant 0 : i32
    %c0_i32_0 = arith.constant 0 : i32
    %c0_i32_1 = arith.constant 0 : i32
    return %c0_i32, %arg0, %c0_i32_0 : i32, i32, i32
  }
  func.func @transform_2(%arg0: i32) -> (i32, i32) {
    %c0_i32 = arith.constant 0 : i32
    %c0_i32_0 = arith.constant 0 : i32
    return %arg0, %c0_i32 : i32, i32
  }
  func.func @transform_3(%arg0: i32) -> (i32, i32) {
    %c0_i32 = arith.constant 0 : i32
    %c0_i32_0 = arith.constant 0 : i32
    return %arg0, %c0_i32 : i32, i32
  }
  func.func @transform_4(%arg0: i32) -> (i32, i32) {
    %c0_i32 = arith.constant 0 : i32
    %c0_i32_0 = arith.constant 0 : i32
    %c0_i32_1 = arith.constant 0 : i32
    return %c0_i32, %c0_i32_0 : i32, i32
  }
  func.func @transform_5(%arg0: i32) -> (i32, i32) {
    %c0_i32 = arith.constant 0 : i32
    %c0_i32_0 = arith.constant 0 : i32
    %c0_i32_1 = arith.constant 0 : i32
    return %c0_i32, %c0_i32_0 : i32, i32
  }
  func.func @transform_6(%arg0: i32) -> (i32, i32) {
    %c0_i32 = arith.constant 0 : i32
    %c0_i32_0 = arith.constant 0 : i32
    %c0_i32_1 = arith.constant 0 : i32
    return %c0_i32, %c0_i32_0 : i32, i32
  }
  func.func @transform_7(%arg0: i32) -> (i32, i32) {
    %c0_i32 = arith.constant 0 : i32
    %c0_i32_0 = arith.constant 0 : i32
    %c0_i32_1 = arith.constant 0 : i32
    return %c0_i32, %c0_i32_0 : i32, i32
  }
  func.func @transform_8(%arg0: i32) -> (i32, i32) {
    %c0_i32 = arith.constant 0 : i32
    %c0_i32_0 = arith.constant 0 : i32
    return %arg0, %c0_i32 : i32, i32
  }
  func.func @transform_9(%arg0: i32) -> (i32, i32, i32) {
    %c0_i32 = arith.constant 0 : i32
    %c0_i32_0 = arith.constant 0 : i32
    %c0_i32_1 = arith.constant 0 : i32
    return %c0_i32, %arg0, %c0_i32_0 : i32, i32, i32
  }
}

module attributes {stable_mosaic.version = 14 : i64} {
  func.func @body(%arg0: i32, %arg1: memref<1000x512xf32, #tpu.memory_space<vmem>>, %arg2: memref<1000x1xi32, #tpu.memory_space<vmem>>, %arg3: memref<1x512xf32, #tpu.memory_space<vmem>>, %arg4: memref<1x512xf32, #tpu.memory_space<vmem>>, %arg5: memref<512x512xf32, #tpu.memory_space<vmem>>, %arg6: memref<1x512xf32, #tpu.memory_space<vmem>>, %arg7: memref<1x512xf32, #tpu.memory_space<vmem>>, %arg8: memref<1x512xf32, #tpu.memory_space<vmem>>, %arg9: memref<512x128xf32, #tpu.memory_space<vmem>>, %arg10: memref<1x128xf32, #tpu.memory_space<vmem>>, %arg11: memref<64x128xf32, #tpu.memory_space<vmem>>, %arg12: memref<64x512xf32, #tpu.memory_space<vmem>>, %arg13: memref<64x128xf32, #tpu.memory_space<vmem>>) attributes {dimension_semantics = [#tpu.dimension_semantics<arbitrary>], iteration_bounds = array<i64: 10>, scalar_prefetch = 0 : i64, scratch_operands = 2 : i64, tpu.core_type = #tpu.core_type<tc>, window_params = [{transform_indices = @transform_0, window_bounds = array<i64: 1000, 512>}, {transform_indices = @transform_1, window_bounds = array<i64: 1000, 1>}, {pipeline_mode = #tpu.pipeline_mode<synchronous>, transform_indices = @transform_2, window_bounds = array<i64: 1, 512>}, {pipeline_mode = #tpu.pipeline_mode<synchronous>, transform_indices = @transform_3, window_bounds = array<i64: 1, 512>}, {pipeline_mode = #tpu.pipeline_mode<synchronous>, transform_indices = @transform_4, window_bounds = array<i64: 512, 512>}, {pipeline_mode = #tpu.pipeline_mode<synchronous>, transform_indices = @transform_5, window_bounds = array<i64: 1, 512>}, {pipeline_mode = #tpu.pipeline_mode<synchronous>, transform_indices = @transform_6, window_bounds = array<i64: 1, 512>}, {pipeline_mode = #tpu.pipeline_mode<synchronous>, transform_indices = @transform_7, window_bounds = array<i64: 1, 512>}, {pipeline_mode = #tpu.pipeline_mode<synchronous>, transform_indices = @transform_8, window_bounds = array<i64: 512, 128>}, {pipeline_mode = #tpu.pipeline_mode<synchronous>, transform_indices = @transform_9, window_bounds = array<i64: 1, 128>}, {pipeline_mode = #tpu.pipeline_mode<synchronous>, transform_indices = @transform_10, window_bounds = array<i64: 64, 128>}]} {
    %eq3A = arith.constant 0 : i32
    %eq3A_0 = arith.cmpi eq, %arg0, %eq3A : i32
    %convert_element_type3A = arith.extui %eq3A_0 : i1 to i32
    %cond3A = arith.constant 0 : i32
    %cond3A_1 = arith.cmpi ne, %convert_element_type3A, %cond3A : i32
    scf.if %cond3A_1 {
      %broadcast_in_dim3A_33 = arith.constant 0.000000e+00 : f32
      %broadcast_in_dim3A_34 = vector.broadcast %broadcast_in_dim3A_33 : f32 to vector<64x512xf32>
      %swap3A_35 = arith.constant 0 : index
      %swap3A_36 = arith.constant 0 : index
      %swap3A_37 = vector.load %arg12[%swap3A_35, %swap3A_36] : memref<64x512xf32, #tpu.memory_space<vmem>>, vector<64x512xf32>
      tpu.vector_store %arg12[%swap3A_35, %swap3A_36], %broadcast_in_dim3A_34 {strides = array<i32>} : memref<64x512xf32, #tpu.memory_space<vmem>>, vector<64x512xf32>,
      %broadcast_in_dim3A_38 = arith.constant 0.000000e+00 : f32
      %broadcast_in_dim3A_39 = vector.broadcast %broadcast_in_dim3A_38 : f32 to vector<64x128xf32>
      %swap3A_40 = arith.constant 0 : index
      %swap3A_41 = arith.constant 0 : index
      %swap3A_42 = vector.load %arg13[%swap3A_40, %swap3A_41] : memref<64x128xf32, #tpu.memory_space<vmem>>, vector<64x128xf32>
      tpu.vector_store %arg13[%swap3A_40, %swap3A_41], %broadcast_in_dim3A_39 {strides = array<i32>} : memref<64x128xf32, #tpu.memory_space<vmem>>, vector<64x128xf32>,
    } else {
    }
    %get3A = arith.constant 0 : index
    %get3A_2 = arith.constant 0 : index
    %get3A_3 = vector.load %arg1[%get3A, %get3A_2] : memref<1000x512xf32, #tpu.memory_space<vmem>>, vector<1000x512xf32>
    %iota3A = tpu.iota {dimensions = array<i32: 1>} : vector<1x64xi32>
    %get3A_4 = arith.constant 0 : index
    %get3A_5 = arith.constant 0 : index
    %get3A_6 = vector.load %arg2[%get3A_4, %get3A_5] : memref<1000x1xi32, #tpu.memory_space<vmem>>, vector<1000x1xi32>
    %eq3A_7 = vector.broadcast %get3A_6 : vector<1000x1xi32> to vector<1000x64xi32>
    %eq3A_8 = vector.broadcast %iota3A : vector<1x64xi32> to vector<1000x64xi32>
    %eq3A_9 = arith.cmpi eq, %eq3A_7, %eq3A_8 : vector<1000x64xi32>
    %convert_element_type3A_10 = arith.extui %eq3A_9 : vector<1000x64xi1> to vector<1000x64xi32>
    %convert_element_type3A_11 = arith.sitofp %convert_element_type3A_10 : vector<1000x64xi32> to vector<1000x64xf32>
    %get3A_12 = arith.constant 0 : index
    %get3A_13 = arith.constant 0 : index
    %get3A_14 = vector.load %arg12[%get3A_12, %get3A_13] : memref<64x512xf32, #tpu.memory_space<vmem>>, vector<64x512xf32>
    %dot_general3A = arith.constant dense<0.000000e+00> : vector<64x512xf32>
    %dot_general3A_15 = tpu.matmul %convert_element_type3A_11, %get3A_3, %dot_general3A {dimension_numbers = #tpu.dot_dimension_numbers<[0], [0], [1], [1], [0, 1, 1, 1], [], []>, precision = #tpu.contract_precision<fp32>, transpose_lhs_hint = false} : vector<1000x64xf32>, vector<1000x512xf32>, vector<64x512xf32> -> vector<64x512xf32>
    %add3A = arith.addf %get3A_14, %dot_general3A_15 : vector<64x512xf32>
    %swap3A = arith.constant 0 : index
    %swap3A_16 = arith.constant 0 : index
    %swap3A_17 = vector.load %arg12[%swap3A, %swap3A_16] : memref<64x512xf32, #tpu.memory_space<vmem>>, vector<64x512xf32>
    tpu.vector_store %arg12[%swap3A, %swap3A_16], %add3A {strides = array<i32>} : memref<64x512xf32, #tpu.memory_space<vmem>>, vector<64x512xf32>,
    %get3A_18 = arith.constant 0 : index
    %get3A_19 = arith.constant 0 : index
    %get3A_20 = vector.load %arg13[%get3A_18, %get3A_19] : memref<64x128xf32, #tpu.memory_space<vmem>>, vector<64x128xf32>
    %broadcast_in_dim3A = arith.constant 1.000000e+00 : f32
    %broadcast_in_dim3A_21 = vector.broadcast %broadcast_in_dim3A : f32 to vector<1000x128xf32>
    %dot_general3A_22 = arith.constant dense<0.000000e+00> : vector<64x128xf32>
    %dot_general3A_23 = tpu.matmul %convert_element_type3A_11, %broadcast_in_dim3A_21, %dot_general3A_22 {dimension_numbers = #tpu.dot_dimension_numbers<[0], [0], [1], [1], [0, 1, 1, 1], [], []>, precision = #tpu.contract_precision<fp32>, transpose_lhs_hint = false} : vector<1000x64xf32>, vector<1000x128xf32>, vector<64x128xf32> -> vector<64x128xf32>
    %add3A_24 = arith.addf %get3A_20, %dot_general3A_23 : vector<64x128xf32>
    %swap3A_25 = arith.constant 0 : index
    %swap3A_26 = arith.constant 0 : index
    %swap3A_27 = vector.load %arg13[%swap3A_25, %swap3A_26] : memref<64x128xf32, #tpu.memory_space<vmem>>, vector<64x128xf32>
    tpu.vector_store %arg13[%swap3A_25, %swap3A_26], %add3A_24 {strides = array<i32>} : memref<64x128xf32, #tpu.memory_space<vmem>>, vector<64x128xf32>,
    %eq3A_28 = arith.constant 9 : i32
    %eq3A_29 = arith.cmpi eq, %arg0, %eq3A_28 : i32
    %convert_element_type3A_30 = arith.extui %eq3A_29 : i1 to i32
    %cond3A_31 = arith.constant 0 : i32
    %cond3A_32 = arith.cmpi ne, %convert_element_type3A_30, %cond3A_31 : i32
    scf.if %cond3A_32 {
      %get3A_33 = arith.constant 0 : index
      %get3A_34 = arith.constant 0 : index
      %get3A_35 = vector.load %arg13[%get3A_33, %get3A_34] : memref<64x128xf32, #tpu.memory_space<vmem>>, vector<64x1xf32>
      %get3A_36 = arith.constant 0 : index
      %get3A_37 = arith.constant 0 : index
      %get3A_38 = vector.load %arg12[%get3A_36, %get3A_37] : memref<64x512xf32, #tpu.memory_space<vmem>>, vector<64x512xf32>
      %max3A = arith.constant 1.000000e+00 : f32
      %max3A_39 = vector.broadcast %max3A : f32 to vector<64x1xf32>
      %max3A_40 = arith.maximumf %get3A_35, %max3A_39 : vector<64x1xf32>
      %div3A = vector.broadcast %max3A_40 : vector<64x1xf32> to vector<64x512xf32>
      %div3A_41 = arith.divf %get3A_38, %div3A : vector<64x512xf32>
      %get3A_42 = arith.constant 0 : index
      %get3A_43 = arith.constant 0 : index
      %get3A_44 = vector.load %arg3[%get3A_42, %get3A_43] : memref<1x512xf32, #tpu.memory_space<vmem>>, vector<1x512xf32>
      %mul3A = arith.constant 0.999994993 : f32
      %mul3A_45 = vector.broadcast %mul3A : f32 to vector<64x512xf32>
      %mul3A_46 = arith.mulf %div3A_41, %mul3A_45 : vector<64x512xf32>
      %mul3A_47 = vector.broadcast %get3A_44 : vector<1x512xf32> to vector<64x512xf32>
      %mul3A_48 = arith.mulf %mul3A_47, %mul3A_46 : vector<64x512xf32>
      %get3A_49 = arith.constant 0 : index
      %get3A_50 = arith.constant 0 : index
      %get3A_51 = vector.load %arg4[%get3A_49, %get3A_50] : memref<1x512xf32, #tpu.memory_space<vmem>>, vector<1x512xf32>
      %add3A_52 = vector.broadcast %get3A_51 : vector<1x512xf32> to vector<64x512xf32>
      %add3A_53 = arith.addf %mul3A_48, %add3A_52 : vector<64x512xf32>
      %get3A_54 = arith.constant 0 : index
      %get3A_55 = arith.constant 0 : index
      %get3A_56 = vector.load %arg5[%get3A_54, %get3A_55] : memref<512x512xf32, #tpu.memory_space<vmem>>, vector<512x512xf32>
      %dot_general3A_57 = arith.constant dense<0.000000e+00> : vector<64x512xf32>
      %dot_general3A_58 = tpu.matmul %add3A_53, %get3A_56, %dot_general3A_57 {dimension_numbers = #tpu.dot_dimension_numbers<[1], [0], [0], [1], [0, 0, 1, 1], [], []>, precision = #tpu.contract_precision<fp32>, transpose_lhs_hint = false} : vector<64x512xf32>, vector<512x512xf32>, vector<64x512xf32> -> vector<64x512xf32>
      %get3A_59 = arith.constant 0 : index
      %get3A_60 = arith.constant 0 : index
      %get3A_61 = vector.load %arg6[%get3A_59, %get3A_60] : memref<1x512xf32, #tpu.memory_space<vmem>>, vector<1x512xf32>
      %add3A_62 = vector.broadcast %get3A_61 : vector<1x512xf32> to vector<64x512xf32>
      %add3A_63 = arith.addf %dot_general3A_58, %add3A_62 : vector<64x512xf32>
      %max3A_64 = arith.constant 0.000000e+00 : f32
      %max3A_65 = vector.broadcast %max3A_64 : f32 to vector<64x512xf32>
      %max3A_66 = arith.maximumf %add3A_63, %max3A_65 : vector<64x512xf32>
      %add3A_67 = arith.addf %div3A_41, %max3A_66 : vector<64x512xf32>
      %get3A_68 = arith.constant 0 : index
      %get3A_69 = arith.constant 0 : index
      %get3A_70 = vector.load %arg7[%get3A_68, %get3A_69] : memref<1x512xf32, #tpu.memory_space<vmem>>, vector<1x512xf32>
      %mul3A_71 = arith.constant 0.999994993 : f32
      %mul3A_72 = vector.broadcast %mul3A_71 : f32 to vector<64x512xf32>
      %mul3A_73 = arith.mulf %add3A_67, %mul3A_72 : vector<64x512xf32>
      %mul3A_74 = vector.broadcast %get3A_70 : vector<1x512xf32> to vector<64x512xf32>
      %mul3A_75 = arith.mulf %mul3A_74, %mul3A_73 : vector<64x512xf32>
      %get3A_76 = arith.constant 0 : index
      %get3A_77 = arith.constant 0 : index
      %get3A_78 = vector.load %arg8[%get3A_76, %get3A_77] : memref<1x512xf32, #tpu.memory_space<vmem>>, vector<1x512xf32>
      %add3A_79 = vector.broadcast %get3A_78 : vector<1x512xf32> to vector<64x512xf32>
      %add3A_80 = arith.addf %mul3A_75, %add3A_79 : vector<64x512xf32>
      %get3A_81 = arith.constant 0 : index
      %get3A_82 = arith.constant 0 : index
      %get3A_83 = vector.load %arg9[%get3A_81, %get3A_82] : memref<512x128xf32, #tpu.memory_space<vmem>>, vector<512x128xf32>
      %dot_general3A_84 = arith.constant dense<0.000000e+00> : vector<64x128xf32>
      %dot_general3A_85 = tpu.matmul %add3A_80, %get3A_83, %dot_general3A_84 {dimension_numbers = #tpu.dot_dimension_numbers<[1], [0], [0], [1], [0, 0, 1, 1], [], []>, precision = #tpu.contract_precision<fp32>, transpose_lhs_hint = false} : vector<64x512xf32>, vector<512x128xf32>, vector<64x128xf32> -> vector<64x128xf32>
      %get3A_86 = arith.constant 0 : index
      %get3A_87 = arith.constant 0 : index
      %get3A_88 = vector.load %arg10[%get3A_86, %get3A_87] : memref<1x128xf32, #tpu.memory_space<vmem>>, vector<1x128xf32>
      %add3A_89 = vector.broadcast %get3A_88 : vector<1x128xf32> to vector<64x128xf32>
      %add3A_90 = arith.addf %dot_general3A_85, %add3A_89 : vector<64x128xf32>
      %reduce_max3A = arith.constant dense<0xFF800000> : vector<64xf32>
      %reduce_max3A_91 = vector.multi_reduction <maximumf>, %add3A_90, %reduce_max3A [1] : vector<64x128xf32> to vector<64xf32>
      %broadcast_in_dim3A_92 = vector.shape_cast %reduce_max3A_91 : vector<64xf32> to vector<64x1xf32>
      %sub3A = vector.broadcast %broadcast_in_dim3A_92 : vector<64x1xf32> to vector<64x128xf32>
      %sub3A_93 = arith.subf %add3A_90, %sub3A : vector<64x128xf32>
      %exp3A = math.exp %sub3A_93 : vector<64x128xf32>
      %reduce_sum3A = arith.constant dense<0.000000e+00> : vector<64xf32>
      %reduce_sum3A_94 = vector.multi_reduction <add>, %exp3A, %reduce_sum3A [1] : vector<64x128xf32> to vector<64xf32>
      %broadcast_in_dim3A_95 = vector.shape_cast %reduce_sum3A_94 : vector<64xf32> to vector<64x1xf32>
      %log3A = math.log %broadcast_in_dim3A_95 : vector<64x1xf32>
      %add3A_96 = arith.addf %broadcast_in_dim3A_92, %log3A : vector<64x1xf32>
      %sub3A_97 = vector.broadcast %add3A_96 : vector<64x1xf32> to vector<64x128xf32>
      %sub3A_98 = arith.subf %add3A_90, %sub3A_97 : vector<64x128xf32>
      %swap3A_99 = arith.constant 0 : index
      %swap3A_100 = arith.constant 0 : index
      %swap3A_101 = vector.load %arg11[%swap3A_99, %swap3A_100] : memref<64x128xf32, #tpu.memory_space<vmem>>, vector<64x128xf32>
      tpu.vector_store %arg11[%swap3A_99, %swap3A_100], %sub3A_98 {strides = array<i32>} : memref<64x128xf32, #tpu.memory_space<vmem>>, vector<64x128xf32>,
    } else {
    }
    return
  }
  func.func @transform_0(%arg0: i32) -> (i32, i32) {
    %c0_i32 = arith.constant 0 : i32
    %c0_i32_0 = arith.constant 0 : i32
    return %arg0, %c0_i32 : i32, i32
  }
  func.func @transform_1(%arg0: i32) -> (i32, i32) {
    %c0_i32 = arith.constant 0 : i32
    %c0_i32_0 = arith.constant 0 : i32
    return %arg0, %c0_i32 : i32, i32
  }
  func.func @transform_2(%arg0: i32) -> (i32, i32) {
    %c0_i32 = arith.constant 0 : i32
    %c0_i32_0 = arith.constant 0 : i32
    %c0_i32_1 = arith.constant 0 : i32
    return %c0_i32, %c0_i32_0 : i32, i32
  }
  func.func @transform_3(%arg0: i32) -> (i32, i32) {
    %c0_i32 = arith.constant 0 : i32
    %c0_i32_0 = arith.constant 0 : i32
    %c0_i32_1 = arith.constant 0 : i32
    return %c0_i32, %c0_i32_0 : i32, i32
  }
  func.func @transform_4(%arg0: i32) -> (i32, i32) {
    %c0_i32 = arith.constant 0 : i32
    %c0_i32_0 = arith.constant 0 : i32
    %c0_i32_1 = arith.constant 0 : i32
    return %c0_i32, %c0_i32_0 : i32, i32
  }
  func.func @transform_5(%arg0: i32) -> (i32, i32) {
    %c0_i32 = arith.constant 0 : i32
    %c0_i32_0 = arith.constant 0 : i32
    %c0_i32_1 = arith.constant 0 : i32
    return %c0_i32, %c0_i32_0 : i32, i32
  }
  func.func @transform_6(%arg0: i32) -> (i32, i32) {
    %c0_i32 = arith.constant 0 : i32
    %c0_i32_0 = arith.constant 0 : i32
    %c0_i32_1 = arith.constant 0 : i32
    return %c0_i32, %c0_i32_0 : i32, i32
  }
  func.func @transform_7(%arg0: i32) -> (i32, i32) {
    %c0_i32 = arith.constant 0 : i32
    %c0_i32_0 = arith.constant 0 : i32
    %c0_i32_1 = arith.constant 0 : i32
    return %c0_i32, %c0_i32_0 : i32, i32
  }
  func.func @transform_8(%arg0: i32) -> (i32, i32) {
    %c0_i32 = arith.constant 0 : i32
    %c0_i32_0 = arith.constant 0 : i32
    %c0_i32_1 = arith.constant 0 : i32
    return %c0_i32, %c0_i32_0 : i32, i32
  }
  func.func @transform_9(%arg0: i32) -> (i32, i32) {
    %c0_i32 = arith.constant 0 : i32
    %c0_i32_0 = arith.constant 0 : i32
    %c0_i32_1 = arith.constant 0 : i32
    return %c0_i32, %c0_i32_0 : i32, i32
  }
  func.func @transform_10(%arg0: i32) -> (i32, i32) {
    %c0_i32 = arith.constant 0 : i32
    %c0_i32_0 = arith.constant 0 : i32
    %c0_i32_1 = arith.constant 0 : i32
    return %c0_i32, %c0_i32_0 : i32, i32
  }
}

</mosaic_0001>

<sc_bundles>
// kernel: body.10.cloned.1.call-start
scs
__scs_entry_jumppad:
0x0: {  	(pc) =	sbr.rel $0x88, $3  }
0x1: {  	(tag) =	ssettag $0x0;
	lr =	simm.s32 $0x1  }
0x2: {  	[smem:$0x3F84] =	sst lr;
	_ =	strace $0xD0000000  }
0x3: {  	_ = 	snop  }
0x4: {  	_ = 	snop  }
0x5: {  	_ = 	snop  }
0x6: {  	_ = 	snop  }
0x7: {  	_ = 	snop  }
__scs_overlays_trampoline_lowered:
0x8: {  	[smem:$0x3F93] =	sst s0  }
0x9: {  	[smem:$0x3F94] =	sst s1  }
0xa: {  	[smem:$0x3F95] =	sst s2  }
0xb: {  	[smem:$0x3F96] =	sst s3  }
0xc: {  	[smem:$0x3F97] =	sst s4  }
0xd: {  	[smem:$0x3F98] =	sst s5  }
0xe: {  	[smem:$0x3F99] =	sst s6  }
0xf: {  	[smem:$0x3F9A] =	sst s7  }
0x10: {  	[smem:$0x3F9B] =	sst s8  }
0x11: {  	[smem:$0x3F9C] =	sst s9;
	s0 =	simm.s32 @!p0 $0x0  }
0x12: {  	s1 =	sld [smem:$0x3F82];
	s0 =	simm.s32 @p0 $0x1  }
0x13: {  	[smem:$0x3F9D] =	sst s0;
	s0 =	simm.s32 @!p1 $0x0  }
0x14: {  	s2 =	sld [smem:$0x3F81];
	s0 =	simm.s32 @p1 $0x1  }
0x15: {  	[smem:$0x3F9E] =	sst s0;
	s0 =	simm.s32 @!p2 $0x0  }
0x16: {  	s3 =	sld [smem:$0x3FDB];
	s0 =	simm.s32 @p2 $0x1  }
0x17: {  	s4 =	simm.s32 $0x1BF5;
	[smem:$0x3FA0] =	sst s0  }
0x18: {  	s0 =	sld [smem:$0x3F83];
	_ =	swait.ge [sflag:s4], $0x0  }
0x19: {  	s7 =	sld [smem:$0x3F84]  }
0x1a: {  	s8 =	sadd.s32 $0xFFFFE003, lr  }
0x1b: {  	s9 =	sadd.s32 $0xFFFFFEF7, lr;
	s5 =	simm.s32 $0xFFFFFFFF;
	p2 =	slt.u32 s8, $0xFFFFF086  }
0x1c: {  	p1 =	slt.u32 s9, $0xF7A;
	s5 =	simm.s32 @!p2 $0x0  }
0x1d: {  	s5 =	simm.s32 @p1 $0x1;
	p0 =	seq.s32 s7, s2  }
0x1e: {  	s7 =	smul.u32 @!p0 $0xF7A, s2;
	p2 =	seq.s32 @!p0 s5, $0x0  }
0x1f: {  	s9 =	smul.u32 $0xF7A, s1;
	s8 =	simm.s32 @!p0 $0x1BF5;
	p2 =	por !p2, p0  }
0x20: {  	[sflag:s8] =	ssyncset.s32 @!p0 $0xFFFFF086;
	s6 =	sadd.s32 @!p0 s3, s7;
	s7 =	simm.s32 @!p0 $0x108  }
0x21: {  	s3 =	sadd.s32 s3, s9;
	s6 =	sadd.s32 @!p0 $0x88, s6;
	s7 =	simm.s32 @p2 $0x1082  }
0x22: {  	[simem:s7], [sflag:s8] =	dma.local @!p0 [hbm:s6], $0xF7A  }
0x23: {  	s9 =	sor.u32 $0xD0000000, s2;
	s6 =	simm.s32 $0x108;
	_ =	swait.ge @!p0 [sflag:s8], $0x0  }
0x24: {  	s3 =	sadd.s32 $0x88, s3;
	s6 =	simm.s32 @!p1 $0x1082;
	[sflag:s4] =	ssyncset.s32 $0xFFFFF086  }
0x25: {  	[simem:s6], [sflag:s4] =	dma.local [hbm:s3], $0xF7A  }
0x26: {  	[smem:$0x3F84] =	sst s1;
	(tag) =	ssettag s2;
	_ =	strace s9  }
0x27: {  	s1 =	sld [smem:$0x3F94]  }
0x28: {  	s2 =	sld [smem:$0x3F95]  }
0x29: {  	s4 =	sld [smem:$0x3F97]  }
0x2a: {  	p0 =	seq.s32 s5, $0x0;
	s5 =	sld [smem:$0x3F98]  }
0x2b: {  	s6 =	sld [smem:$0x3F99]  }
0x2c: {  	s7 =	sld [smem:$0x3F9A]  }
0x2d: {  	s3 =	simm.s32 $0x108;
	s8 =	sld [smem:$0x3F9B]  }
0x2e: {  	s3 =	simm.s32 @!p0 $0x1082;
	s9 =	sld [smem:$0x3F9C]  }
0x2f: {  	lr =	sadd.s32 s0, s3;
	s0 =	sld [smem:$0x3F93]  }
0x30: {  	s3 =	sld [smem:$0x3F96]  }
0x31: {  	[smem:$0x3F9F] =	sst s10  }
0x32: {  	s10 =	sld [smem:$0x3F9D];
	_ =	sdelay $0x3  }
0x33: {  	p0 =	seq.s32 s10, $0x1;
	s10 =	sld [smem:$0x3F9F];
	_ =	sdelay $0x3  }
0x34: {  	[smem:$0x3F9F] =	sst s10  }
0x35: {  	s10 =	sld [smem:$0x3F9E];
	_ =	sdelay $0x3  }
0x36: {  	p1 =	seq.s32 s10, $0x1;
	s10 =	sld [smem:$0x3F9F];
	_ =	sdelay $0x3  }
0x37: {  	[smem:$0x3F9F] =	sst s10  }
0x38: {  	s10 =	sld [smem:$0x3FA0]  }
0x39: {  	_ = 	snop;
	(pc) =	sbr.ind lr, $3  }
0x3a: {  	_ = 	snop  }
0x3b: {  	_ = 	snop  }
0x3c: {  	p2 =	seq.s32 s10, $0x1;
	s10 =	sld [smem:$0x3F9F]  }
0x3d: {  	_ =	shalt  }
0x3e: {  	_ =	shalt  }
0x3f: {  	_ =	shalt  }
0x40: {  	_ =	shalt  }
0x41: {  	_ =	shalt  }
0x42: {  	_ =	shalt  }
0x43: {  	_ =	shalt  }
0x44: {  	_ =	shalt  }
0x45: {  	_ =	shalt  }
0x46: {  	_ =	shalt  }
0x47: {  	_ =	shalt  }
0x48: {  	_ =	shalt  }
0x49: {  	_ =	shalt  }
0x4a: {  	_ =	shalt  }
0x4b: {  	_ =	shalt  }
0x4c: {  	_ =	shalt  }
0x4d: {  	_ =	shalt  }
0x4e: {  	_ =	shalt  }
0x4f: {  	_ =	shalt  }
0x50: {  	_ =	shalt  }
0x51: {  	_ =	shalt  }
0x52: {  	_ =	shalt  }
0x53: {  	_ =	shalt  }
0x54: {  	_ =	shalt  }
0x55: {  	_ =	shalt  }
0x56: {  	_ =	shalt  }
0x57: {  	_ =	shalt  }
0x58: {  	_ =	shalt  }
0x59: {  	_ =	shalt  }
0x5a: {  	_ =	shalt  }
0x5b: {  	_ =	shalt  }
0x5c: {  	_ =	shalt  }
0x5d: {  	_ =	shalt  }
0x5e: {  	_ =	shalt  }
0x5f: {  	_ =	shalt  }
0x60: {  	_ =	shalt  }
0x61: {  	_ =	shalt  }
0x62: {  	_ =	shalt  }
0x63: {  	_ =	shalt  }
0x64: {  	_ =	shalt  }
0x65: {  	_ =	shalt  }
0x66: {  	_ =	shalt  }
0x67: {  	_ =	shalt  }
0x68: {  	_ =	shalt  }
0x69: {  	_ =	shalt  }
0x6a: {  	_ =	shalt  }
0x6b: {  	_ =	shalt  }
0x6c: {  	_ =	shalt  }
0x6d: {  	_ =	shalt  }
0x6e: {  	_ =	shalt  }
0x6f: {  	_ =	shalt  }
0x70: {  	_ =	shalt  }
0x71: {  	_ =	shalt  }
0x72: {  	_ =	shalt  }
0x73: {  	_ =	shalt  }
0x74: {  	_ =	shalt  }
0x75: {  	_ =	shalt  }
0x76: {  	_ =	shalt  }
0x77: {  	_ =	shalt  }
0x78: {  	_ =	shalt  }
0x79: {  	_ =	shalt  }
0x7a: {  	_ =	shalt  }
0x7b: {  	_ =	shalt  }
0x7c: {  	_ =	shalt  }
0x7d: {  	_ =	shalt  }
0x7e: {  	_ =	shalt  }
0x7f: {  	_ =	shalt  }
0x80: {  	_ =	shalt  }
0x81: {  	_ =	shalt  }
0x82: {  	_ =	shalt  }
0x83: {  	_ =	shalt  }
0x84: {  	_ =	shalt  }
0x85: {  	_ =	shalt  }
0x86: {  	_ =	shalt  }
0x87: {  	_ =	shalt  }
.Lfunc_end0:
.L_simem_size_0:
called_computation_lowered:
.L_overlay_start_0:
0x88: {  	s2 =	sld [smem:$0x3FD9]  }
0x89: {  	s3 =	sld [smem:$0x3FFE];
	_ =	sdelay $0x1  }
0x8a: {  	s1 =	srdreg.scid  }
0x8b: {  	s0 =	sand.u32 $0x1, s1  }
0x8c: {  	s16 =	sshll.u32 s0, $0xA;
	s2 =	sadd.s32 s3, s2  }
0x8d: {  	s2 =	sadd.s32 s2, s16  }
0x8e: {  	[smem:$0x3FAB] =	sst s2  }
0x8f: {  	_ = 	snop  }
0x90: {  	(tm) =	ssettm $0x1  }
0x91: {  	s17 =	sld [smem:$0x3FFB];
	_ =	sdelay $0x3  }
0x92: {  	_ =	strace s17  }
0x93: {  	s2 =	sld [smem:$0x3FFC];
	_ =	sdelay $0x3  }
0x94: {  	_ =	strace s2  }
0x95: {  	s2 =	sld [smem:$0x3FFD];
	_ =	sdelay $0x3  }
0x96: {  	_ =	strace s2  }
0x97: {  	_ =	strace $0x8FFFFFFF  }
0x98: {  	s18 =	sld [smem:$0x3FDB];
	_ =	sdelay $0x1  }
0x99: {  	s19 =	simm.s32 $_scs_section_size  }
0x9a: {  	s4 =	simm.s32 $_size__tile_overlayer_lowered;
	s5 =	simm.s32 $_tile_overlayer_lowered  }
0x9b: {  	s22 =	simm.s32 $0x1BFF;
	s21 =	sshll.u32 s5, $0x1;
	s2 =	sadd.s32 s19, s18  }
0x9c: {  	s6 =	simm.s32 $0x0;
	s20 =	sshll.u32 s4, $0x1;
	s4 =	sadd.s32 s21, s2  }
0x9d: {  	[timem:s6], [sflag:s22] =	dma.local [hbm:s4], s20  }
0x9e: {  	_ =	swait.ge [sflag:s22], s20  }
0x9f: {  	s3 =	ssub.s32 $0x0, s20;
	[sflag:s22] =	ssyncset.done $0x0  }
0xa0: {  	[sflag:s22] =	ssyncadd.s32 s3;
	_ =	sdelay $0x1  }
0xa1: {  	s23 =	simm.s32 $0x1B8B  }
0xa2: {  	_ =	swait.ge [sflag:s23], $0x1  }
0xa3: {  	[sflag:s23] =	ssyncset.done $0x0  }
0xa4: {  	s25 =	simm.s32 $0x1B8E;
	s24 =	sld [smem:$0x3FFE];
	[sflag:s23] =	ssyncadd.s32 $0xFFFFFFFF  }
0xa5: {  	s26 =	simm.s32 $execute0_lowered;
	[smem:$0x3FD2] =	sst s25  }
0xa6: {  	s4 =	sshll.u32 s26, $0x1;
	_ =	strace $0x80000049;
	[dreg:$0x1] =	wrdreg $0xFFFFFFFF  }
0xa7: {  	s28 =	simm.s32 $_size_execute0_lowered;
	s2 =	sadd.s32 s2, s4;
	[dreg:$0x0] =	wrdreg $0x0  }
0xa8: {  	s4 =	sshll.u32 s28, $0x1;
	[dreg:$0x2] =	wrdreg s2  }
0xa9: {  	[dreg:$0x3] =	wrdreg s4  }
0xaa: {  	[dreg:$0x4] =	wrdreg $0xC0  }
0xab: {  	_ =	task [dreg:s6], $0x5FFFF  }
0xac: {  	[dreg:$0x1] =	wrdreg $0xFFFFFFFF  }
0xad: {  	[dreg:$0x0] =	wrdreg $0x60  }
0xae: {  	[dreg:$0x2] =	wrdreg s24  }
0xaf: {  	[dreg:$0x3] =	wrdreg $0x13C000  }
0xb0: {  	[dreg:$0x4] =	wrdreg $0x9  }
0xb1: {  	_ =	task.clear_ibuf [dreg:s6], $0x5FFFF;
	_ =	strace $0x90000049  }
0xb2: {  	s29 =	simm.s32 $0x9;
	_ =	strace $0x8000004B  }
0xb3: {  	_ =	swait.ge [sflag:s29], $0x1  }
0xb4: {  	[sflag:s29] =	ssyncadd.s32 $0xFFFFFFFF  }
0xb5: {  	_ =	strace $0x9000004B  }
0xb6: {  	_ =	sfence  }
0xb7: {  	s30 =	sld [smem:$0x0];
	_ =	sdelay $0x2  }
0xb8: {  	s31 =	sshll.u32 s1, $0xD;
	s1 =	sshrl.u32 s1, $0x2  }
0xb9: {  	s3 =	sand.u32 $0x4000, s31;
	s1 =	sadd.s32 s1, s30  }
0xba: {  	s0 =	sor.u32 s3, s0;
	s1 =	sshll.u32 s1, $0x11  }
0xbb: {  	s0 =	sor.u32 s1, s0  }
0xbc: {  	s0 =	sadd.s32 $0x8F2B, s0  }
0xbd: {  	[sflag:s0] =	ssyncadd.remote.s32 $0x1  }
0xbe: {  	_ =	sfence.sel $0xFFFF  }
0xbf: {  	[dreg:$0x0] =	wrdreg $0xFFFFFFFF;
	(pc) =	sbr.abs _section_cstart, $3  }
0xc0: {  	[dreg:$0x1] =	wrdreg $0xFFFFFFFF  }
0xc1: {  	_ =	task.clear_ibuf [dreg:s6], $0x2FFFF;
	_ =	strace $0x9FFFFFFF  }
0xc2: {  	(tm) =	ssettm $0x7FFFFFFF  }
0xc3: {  	_ =	shalt  }
tec
execute0_lowered:
.L_overlay_start_1:
0x0: {  	(tag) =	ssettag $0x1  }
0x1: {  	s0 =	rddreg [dreg:$0x0]  }
0x2: {  	s1 =	rddreg [dreg:$0x1]  }
0x3: {  	s2 =	simm.s32 $0x0;
	s20 =	stileid.u32;
	s5 =	srdreg.scid  }
0x4: {  	s28 =	simm.s32 $0x2;
	s29 =	simm.s32 $0x3;
	s30 =	simm.s32 $0x4  }
0x5: {  	s31 =	simm.s32 $0x4F00;
	[smem:$0x7FF] =	sst s2;
	s3 =	smul.u32 $0x2800, s20  }
0x6: {  	s4 =	sadd.s32 $0x1E7600, s0;
	s10 =	sadd.s32 $0x3C600, s0;
	s7 =	smul.u32 $0x1B000, s20  }
0x7: {  	s5 =	sand.u32 $0x1, s5;
	s8 =	sadd.s32 $0x50600, s0;
	s16 =	smul.u32 $0x6C00, s20  }
0x8: {  	p0 =	sne.s32 s20, $0x0;
	s20 =	simm.s32 $0xD000;
	_ =	strace $0x8000004A  }
0x9: {  	s18 =	ssub.s32 $0x2, s5;
	[dreg:$0x3] =	wrdreg s8;
	s9 =	smul.u32 $0x50000, s5  }
0xa: {  	s13 =	smul.u32 $0x288000, s5;
	s5 =	sshllo.u32 s5, $0x1;
	s6 =	sshrl.u32 s3, $0x3  }
0xb: {  	s19 =	sshrl.u32 s18, $0x1;
	s21 =	sshrl.u32 s7, $0x2;
	s7 =	sadd.s32 $0x6C000, s1  }
0xc: {  	s17 =	sadd.s32 $0x6C000, s16;
	s12 =	sadd.s32 s6, s0;
	s0 =	sadd.s32 $0x283A00, s0  }
0xd: {  	s14 =	ssub.s32 s18, s19;
	s22 =	sadd.s32 s3, s9;
	s6 =	sadd.s32 s21, s1  }
0xe: {  	s11 =	sadd.s32 s16, s13;
	s15 =	sadd.s32 s13, s17;
	s18 =	smul.u32 $0x28000, s5  }
0xf: {  	s19 =	sadd.s32 $0xD8000, s16;
	s5 =	smul.u32 $0x144000, s5;
	s21 =	simm.s32 $0x5  }
0x10: {  	s9 =	sshrl.u32 s22, $0x3;
	s8 =	sadd.s32 $0x2D600, s12;
	s11 =	sshrl.u32 s11, $0x3  }
0x11: {  	s15 =	sshrl.u32 s15, $0x3;
	s13 =	sadd.s32 s13, s19;
	s22 =	simm.s32 $0x2800  }
0x12: {  	s9 =	sadd.s32 s10, s9;
	s11 =	sadd.s32 s0, s11;
	s15 =	sadd.s32 s0, s15  }
0x13: {  	s3 =	sadd.s32 s3, s18;
	s23 =	sshrl.u32 s13, $0x3;
	s13 =	sadd.s32 $0x37600, s12  }
0x14: {  	s25 =	sadd.s32 s16, s5;
	s26 =	sadd.s32 s17, s5;
	s5 =	sadd.s32 s19, s5  }
0x15: {  	s19 =	smax.u32 s14, $0x1;
	[dreg:$0x4] =	wrdreg s11;
	s11 =	sadd.s32 $0x32600, s12  }
0x16: {  	[dreg:$0x5] =	wrdreg s15;
	s3 =	sshrl.u32 s3, $0x3;
	s24 =	sadd.s32 s0, s23  }
0x17: {  	s5 =	sshrl.u32 s5, $0x3;
	s23 =	simm.s32 $0x80;
	[dreg:$0x6] =	wrdreg s24  }
0x18: {  	s15 =	sadd.s32 s10, s3;
	s3 =	sshrl.u32 s25, $0x3;
	s10 =	sshrl.u32 s26, $0x3  }
0x19: {  	s18 =	sadd.s32 s0, s5;
	s24 =	simm.s32 $0x5000;
	s25 =	simm.s32 $0x9000  }
0x1a: {  	s26 =	simm.s32 $0x1;
	s3 =	sadd.s32 s0, s3;
	s17 =	sadd.s32 s0, s10  }
0x1b: {  	s0 =	simm.s32 $0x4F80;
	[dreg:$0x7] =	wrdreg s3;
	s3 =	simm.s32 $0x0  }
.LBB2_1:
0x1c: {  	s5 =	rddreg [dreg:$0x3]  }
0x1d: {  	[tilespmem:s20], [sflag:$0x5] =	stream.linear.gather [hbm4b:s5+s2], $0x6C00, $0x38;
	[tilespmem:$0x1A840] =	vst v63  }
0x1e: {  	_ =	swait.ge [sflag:s21], $0x6C00  }
0x1f: {  	[sflag:s21] =	ssyncset.done $0x0  }
0x20: {  	[sflag:s21] =	ssyncadd.s32 $0xFFFF9400  }
0x21: {  	[spmem:s6] =	stream.linear.scatter [tilespmem:s20], [sflag:$0x5], $0x6C00, $0x38;
	[tilespmem:$0x1A840] =	vst v63  }
0x22: {  	_ =	swait.ge [sflag:s21], $0x6C00  }
0x23: {  	[sflag:s21] =	ssyncset.done $0x0  }
0x24: {  	s5 =	simm.s32 @!p0 $0xD000;
	[sflag:s21] =	ssyncadd.s32 $0xFFFF9400  }
0x25: {  	[spmem:s7] =	stream.linear.scatter @!p0 [tilespmem:s5], [sflag:$0x5], $0x400, $0x38;
	[tilespmem:$0x1A840] =	vst v63  }
0x26: {  	s5 =	simm.s32 @!p0 $0x5  }
0x27: {  	_ =	swait.ge @!p0 [sflag:s5], $0x400  }
0x28: {  	[sflag:s5] =	ssyncset.done @!p0 $0x0  }
0x29: {  	[sflag:s5] =	ssyncadd.s32 @!p0 $0xFFFFFC00  }
0x2a: {  	[tilespmem:s22], [sflag:$0x5] =	stream.linear.gather [hbm4b:s8+s2], $0x2800, $0x38;
	[tilespmem:$0x1A840] =	vst v63  }
0x2b: {  	_ =	swait.ge [sflag:s21], $0x2800  }
0x2c: {  	[sflag:s21] =	ssyncset.done $0x0  }
0x2d: {  	[sflag:s21] =	ssyncadd.s32 $0xFFFFD800  }
0x2e: {  	[tilespmem:s2], [sflag:$0x5] =	stream.linear.gather [hbm4b:s9+s2], $0x2800, $0x38;
	[tilespmem:$0x1A840] =	vst v63  }
0x2f: {  	_ =	swait.ge [sflag:s21], $0x2800  }
0x30: {  	[sflag:s21] =	ssyncset.done $0x0  }
0x31: {  	[sflag:s21] =	ssyncadd.s32 $0xFFFFD800  }
0x32: {  	[tilespmem:s24], [sflag:$0x1] =	stream.indirect.gather [hbm4b:s4+s23], $0x80, s2, s23, $0xb8;
	[tilespmem:$0x1A840] =	vst v63  }
0x33: {  	_ = 	snop  }
0x34: {  	[tilespmem:s25], [sflag:$0x2] =	stream.indirect.gather [hbm4b:s4+s23], $0x80, s23, s23, $0xb8;
	[tilespmem:$0x1A840] =	vst v63  }
0x35: {  	[bflag:$0x0] =	sbarrier.arrive $0xFFFF  }
0x36: {  	_ =	swait.ge [sflag:s26], $0x4000  }
0x37: {  	[sflag:s26] =	ssyncset.done $0x0  }
0x38: {  	s12 =	simm.s32 $0x2800;
	[sflag:s26] =	ssyncadd.s32 $0xFFFFC000  }
0x39: {  	[spmem:s1] =	stream.indirect.scatter.add.f32 [tilespmem:s24], [sflag:$0x3], $0x80, s12, s23, $0xb8;
	[tilespmem:$0x1A840] =	vst v63  }
0x3a: {  	_ =	swait.ge [sflag:s28], $0x4000  }
0x3b: {  	[sflag:s28] =	ssyncset.done $0x0  }
0x3c: {  	s14 =	simm.s32 $0x2880;
	[sflag:s28] =	ssyncadd.s32 $0xFFFFC000  }
0x3d: {  	[spmem:s1] =	stream.indirect.scatter.add.f32 [tilespmem:s25], [sflag:$0x4], $0x80, s14, s23, $0xb8;
	[tilespmem:$0x1A840] =	vst v63  }
0x3e: {  	_ =	swait.ge [sflag:s29], $0x4000  }
0x3f: {  	[sflag:s29] =	ssyncset.done $0x0  }
0x40: {  	s16 =	simm.s32 $0x100;
	[sflag:s29] =	ssyncadd.s32 $0xFFFFC000  }
0x41: {  	[tilespmem:s24], [sflag:$0x1] =	stream.indirect.gather [hbm4b:s4+s23], $0x80, s16, s23, $0xb8;
	[tilespmem:$0x1A840] =	vst v63  }
0x42: {  	_ =	swait.ge [sflag:s30], $0x4000  }
0x43: {  	[sflag:s30] =	ssyncset.done $0x0  }
0x44: {  	s10 =	simm.s32 $0x180;
	s5 =	simm.s32 $0x400;
	[sflag:s30] =	ssyncadd.s32 $0xFFFFC000  }
.LBB2_2:
0x45: {  	[tilespmem:s25], [sflag:$0x2] =	stream.indirect.gather [hbm4b:s4+s23], $0x80, s10, s23, $0xb8;
	[tilespmem:$0x1A840] =	vst v63  }
0x46: {  	s10 =	smov.u32 s5  }
0x47: {  	p1 =	sne.s32 s5, $0x9800;
	s5 =	sadd.s32 $0x400, s5;
	_ =	swait.ge [sflag:s26], $0x4000  }
0x48: {  	s10 =	sshra.s32 s10, $0x2;
	[sflag:s26] =	ssyncset.done $0x0  }
0x49: {  	s12 =	sadd.s32 $0x2800, s10;
	[sflag:s26] =	ssyncadd.s32 $0xFFFFC000  }
0x4a: {  	[spmem:s1] =	stream.indirect.scatter.add.f32 [tilespmem:s24], [sflag:$0x3], $0x80, s12, s23, $0xb8;
	[tilespmem:$0x1A840] =	vst v63  }
0x4b: {  	_ =	swait.ge [sflag:s28], $0x4000  }
0x4c: {  	[sflag:s28] =	ssyncset.done $0x0  }
0x4d: {  	s12 =	sadd.s32 $0x2880, s10;
	[sflag:s28] =	ssyncadd.s32 $0xFFFFC000  }
0x4e: {  	[spmem:s1] =	stream.indirect.scatter.add.f32 [tilespmem:s25], [sflag:$0x4], $0x80, s12, s23, $0xb8;
	[tilespmem:$0x1A840] =	vst v63  }
0x4f: {  	_ =	swait.ge [sflag:s29], $0x4000  }
0x50: {  	[sflag:s29] =	ssyncset.done $0x0  }
.Ltmp0:
0x51: {  	s12 =	sadd.s32 $0x100, s10;
	[sflag:s29] =	ssyncadd.s32 $0xFFFFC000;
	(pc) =	sbr.rel @p1 .LBB2_2-.Ltmp0, $4  }
0x52: {  	[tilespmem:s24], [sflag:$0x1] =	stream.indirect.gather [hbm4b:s4+s23], $0x80, s12, s23, $0xb8;
	[tilespmem:$0x1A840] =	vst v63  }
0x53: {  	_ =	swait.ge [sflag:s30], $0x4000  }
0x54: {  	[sflag:s30] =	ssyncset.done $0x0  }
0x55: {  	s10 =	sadd.s32 $0x180, s10;
	[sflag:s30] =	ssyncadd.s32 $0xFFFFC000  }
0x56: {  	[tilespmem:s25], [sflag:$0x2] =	stream.indirect.gather [hbm4b:s4+s23], $0x80, s10, s23, $0xb8;
	[tilespmem:$0x1A840] =	vst v63  }
0x57: {  	_ =	swait.ge [sflag:s26], $0x4000  }
0x58: {  	[sflag:s26] =	ssyncset.done $0x0  }
0x59: {  	[sflag:s26] =	ssyncadd.s32 $0xFFFFC000  }
0x5a: {  	[spmem:s1] =	stream.indirect.scatter.add.f32 [tilespmem:s24], [sflag:$0x3], $0x80, s31, s23, $0xb8;
	[tilespmem:$0x1A840] =	vst v63  }
0x5b: {  	_ =	swait.ge [sflag:s28], $0x4000  }
0x5c: {  	[sflag:s28] =	ssyncset.done $0x0  }
0x5d: {  	[sflag:s28] =	ssyncadd.s32 $0xFFFFC000  }
0x5e: {  	[spmem:s1] =	stream.indirect.scatter.add.f32 [tilespmem:s25], [sflag:$0x4], $0x80, s0, s23, $0xb8;
	[tilespmem:$0x1A840] =	vst v63  }
0x5f: {  	_ =	swait.ge [sflag:s29], $0x4000  }
0x60: {  	[sflag:s29] =	ssyncset.done $0x0  }
0x61: {  	[sflag:s29] =	ssyncadd.s32 $0xFFFFC000  }
0x62: {  	_ =	swait.ge [sflag:s30], $0x4000  }
0x63: {  	[sflag:s30] =	ssyncset.done $0x0  }
0x64: {  	s5 =	stileid.u32;
	[sflag:s30] =	ssyncadd.s32 $0xFFFFC000  }
0x65: {  	s5 =	sshll.u32 s5, $0x6;
	[bflag:$0x0] =	sbarrier.arrive $0xFFFF  }
0x66: {  	s10 =	sshrl.u32 s6, $0x3;
	s5 =	sor.u32 $0x1C05, s5;
	s12 =	rddreg [dreg:$0x4]  }
0x67: {  	[hbm:s12], [sflag:s5] =	dma.local [spmem:s10], $0xD80  }
0x68: {  	_ =	swait.ge [sflag:s21], $0xD80  }
0x69: {  	[sflag:s21] =	ssyncset.done $0x0  }
0x6a: {  	[sflag:s21] =	ssyncadd.s32 $0xFFFFF280  }
0x6b: {  	[bflag:$0x0] =	sbarrier.arrive $0xFFFF  }
0x6c: {  	[spmem:s6] =	stream.linear.scatter [tilespmem:s20], [sflag:$0x5], $0x6C00, $0x38;
	[tilespmem:$0x1A840] =	vst v63  }
0x6d: {  	_ =	swait.ge [sflag:s21], $0x6C00  }
0x6e: {  	[sflag:s21] =	ssyncset.done $0x0  }
0x6f: {  	s12 =	simm.s32 @!p0 $0xD000;
	[sflag:s21] =	ssyncadd.s32 $0xFFFF9400  }
0x70: {  	[spmem:s7] =	stream.linear.scatter @!p0 [tilespmem:s12], [sflag:$0x5], $0x400, $0x38;
	[tilespmem:$0x1A840] =	vst v63  }
0x71: {  	s12 =	simm.s32 @!p0 $0x5  }
0x72: {  	_ =	swait.ge @!p0 [sflag:s12], $0x400  }
0x73: {  	[sflag:s12] =	ssyncset.done @!p0 $0x0  }
0x74: {  	s14 =	simm.s32 $0x0;
	[sflag:s12] =	ssyncadd.s32 @!p0 $0xFFFFFC00  }
0x75: {  	[tilespmem:s22], [sflag:$0x5] =	stream.linear.gather [hbm4b:s11+s14], $0x2800, $0x38;
	[tilespmem:$0x1A840] =	vst v63  }
0x76: {  	_ =	swait.ge [sflag:s21], $0x2800  }
0x77: {  	[sflag:s21] =	ssyncset.done $0x0  }
0x78: {  	[sflag:s21] =	ssyncadd.s32 $0xFFFFD800  }
0x79: {  	[tilespmem:s14], [sflag:$0x5] =	stream.linear.gather [hbm4b:s9+s14], $0x2800, $0x38;
	[tilespmem:$0x1A840] =	vst v63  }
0x7a: {  	_ =	swait.ge [sflag:s21], $0x2800  }
0x7b: {  	[sflag:s21] =	ssyncset.done $0x0  }
0x7c: {  	[sflag:s21] =	ssyncadd.s32 $0xFFFFD800  }
0x7d: {  	[tilespmem:s24], [sflag:$0x1] =	stream.indirect.gather [hbm4b:s4+s23], $0x80, s14, s23, $0xb8;
	[tilespmem:$0x1A840] =	vst v63  }
0x7e: {  	_ = 	snop  }
0x7f: {  	[tilespmem:s25], [sflag:$0x2] =	stream.indirect.gather [hbm4b:s4+s23], $0x80, s23, s23, $0xb8;
	[tilespmem:$0x1A840] =	vst v63  }
0x80: {  	[bflag:$0x0] =	sbarrier.arrive $0xFFFF  }
0x81: {  	_ =	swait.ge [sflag:s26], $0x4000  }
0x82: {  	[sflag:s26] =	ssyncset.done $0x0  }
0x83: {  	s16 =	simm.s32 $0x2800;
	[sflag:s26] =	ssyncadd.s32 $0xFFFFC000  }
0x84: {  	[spmem:s1] =	stream.indirect.scatter.add.f32 [tilespmem:s24], [sflag:$0x3], $0x80, s16, s23, $0xb8;
	[tilespmem:$0x1A840] =	vst v63  }
0x85: {  	_ =	swait.ge [sflag:s28], $0x4000  }
0x86: {  	[sflag:s28] =	ssyncset.done $0x0  }
0x87: {  	s14 =	simm.s32 $0x2880;
	[sflag:s28] =	ssyncadd.s32 $0xFFFFC000  }
0x88: {  	[spmem:s1] =	stream.indirect.scatter.add.f32 [tilespmem:s25], [sflag:$0x4], $0x80, s14, s23, $0xb8;
	[tilespmem:$0x1A840] =	vst v63  }
0x89: {  	_ =	swait.ge [sflag:s29], $0x4000  }
0x8a: {  	[sflag:s29] =	ssyncset.done $0x0  }
0x8b: {  	s16 =	simm.s32 $0x100;
	[sflag:s29] =	ssyncadd.s32 $0xFFFFC000  }
0x8c: {  	[tilespmem:s24], [sflag:$0x1] =	stream.indirect.gather [hbm4b:s4+s23], $0x80, s16, s23, $0xb8;
	[tilespmem:$0x1A840] =	vst v63  }
0x8d: {  	_ =	swait.ge [sflag:s30], $0x4000  }
0x8e: {  	[sflag:s30] =	ssyncset.done $0x0  }
0x8f: {  	s12 =	simm.s32 $0x400;
	s14 =	simm.s32 $0x180;
	[sflag:s30] =	ssyncadd.s32 $0xFFFFC000  }
.LBB2_4:
0x90: {  	[tilespmem:s25], [sflag:$0x2] =	stream.indirect.gather [hbm4b:s4+s23], $0x80, s14, s23, $0xb8;
	[tilespmem:$0x1A840] =	vst v63  }
0x91: {  	s14 =	smov.u32 s12  }
0x92: {  	p1 =	sne.s32 s12, $0x9800;
	s12 =	sadd.s32 $0x400, s12;
	_ =	swait.ge [sflag:s26], $0x4000  }
0x93: {  	s14 =	sshra.s32 s14, $0x2;
	[sflag:s26] =	ssyncset.done $0x0  }
0x94: {  	s16 =	sadd.s32 $0x2800, s14;
	[sflag:s26] =	ssyncadd.s32 $0xFFFFC000  }
0x95: {  	[spmem:s1] =	stream.indirect.scatter.add.f32 [tilespmem:s24], [sflag:$0x3], $0x80, s16, s23, $0xb8;
	[tilespmem:$0x1A840] =	vst v63  }
0x96: {  	_ =	swait.ge [sflag:s28], $0x4000  }
0x97: {  	[sflag:s28] =	ssyncset.done $0x0  }
0x98: {  	s16 =	sadd.s32 $0x2880, s14;
	[sflag:s28] =	ssyncadd.s32 $0xFFFFC000  }
0x99: {  	[spmem:s1] =	stream.indirect.scatter.add.f32 [tilespmem:s25], [sflag:$0x4], $0x80, s16, s23, $0xb8;
	[tilespmem:$0x1A840] =	vst v63  }
0x9a: {  	_ =	swait.ge [sflag:s29], $0x4000  }
0x9b: {  	[sflag:s29] =	ssyncset.done $0x0  }
.Ltmp1:
0x9c: {  	s16 =	sadd.s32 $0x100, s14;
	[sflag:s29] =	ssyncadd.s32 $0xFFFFC000;
	(pc) =	sbr.rel @p1 .LBB2_4-.Ltmp1, $4  }
0x9d: {  	[tilespmem:s24], [sflag:$0x1] =	stream.indirect.gather [hbm4b:s4+s23], $0x80, s16, s23, $0xb8;
	[tilespmem:$0x1A840] =	vst v63  }
0x9e: {  	_ =	swait.ge [sflag:s30], $0x4000  }
0x9f: {  	[sflag:s30] =	ssyncset.done $0x0  }
0xa0: {  	s14 =	sadd.s32 $0x180, s14;
	[sflag:s30] =	ssyncadd.s32 $0xFFFFC000  }
0xa1: {  	[tilespmem:s25], [sflag:$0x2] =	stream.indirect.gather [hbm4b:s4+s23], $0x80, s14, s23, $0xb8;
	[tilespmem:$0x1A840] =	vst v63  }
0xa2: {  	_ =	swait.ge [sflag:s26], $0x4000  }
0xa3: {  	[sflag:s26] =	ssyncset.done $0x0  }
0xa4: {  	[sflag:s26] =	ssyncadd.s32 $0xFFFFC000  }
0xa5: {  	[spmem:s1] =	stream.indirect.scatter.add.f32 [tilespmem:s24], [sflag:$0x3], $0x80, s31, s23, $0xb8;
	[tilespmem:$0x1A840] =	vst v63  }
0xa6: {  	_ =	swait.ge [sflag:s28], $0x4000  }
0xa7: {  	[sflag:s28] =	ssyncset.done $0x0  }
0xa8: {  	[sflag:s28] =	ssyncadd.s32 $0xFFFFC000  }
0xa9: {  	[spmem:s1] =	stream.indirect.scatter.add.f32 [tilespmem:s25], [sflag:$0x4], $0x80, s0, s23, $0xb8;
	[tilespmem:$0x1A840] =	vst v63  }
0xaa: {  	_ =	swait.ge [sflag:s29], $0x4000  }
0xab: {  	[sflag:s29] =	ssyncset.done $0x0  }
0xac: {  	[sflag:s29] =	ssyncadd.s32 $0xFFFFC000  }
0xad: {  	_ =	swait.ge [sflag:s30], $0x4000  }
0xae: {  	[sflag:s30] =	ssyncset.done $0x0  }
0xaf: {  	[sflag:s30] =	ssyncadd.s32 $0xFFFFC000  }
0xb0: {  	[bflag:$0x0] =	sbarrier.arrive $0xFFFF  }
0xb1: {  	s12 =	rddreg [dreg:$0x5]  }
0xb2: {  	[hbm:s12], [sflag:s5] =	dma.local [spmem:s10], $0xD80  }
0xb3: {  	_ =	swait.ge [sflag:s21], $0xD80  }
0xb4: {  	[sflag:s21] =	ssyncset.done $0x0  }
0xb5: {  	[sflag:s21] =	ssyncadd.s32 $0xFFFFF280  }
0xb6: {  	[bflag:$0x0] =	sbarrier.arrive $0xFFFF  }
0xb7: {  	[spmem:s6] =	stream.linear.scatter [tilespmem:s20], [sflag:$0x5], $0x6C00, $0x38;
	[tilespmem:$0x1A840] =	vst v63  }
0xb8: {  	_ =	swait.ge [sflag:s21], $0x6C00  }
0xb9: {  	[sflag:s21] =	ssyncset.done $0x0  }
0xba: {  	s12 =	simm.s32 @!p0 $0xD000;
	[sflag:s21] =	ssyncadd.s32 $0xFFFF9400  }
0xbb: {  	[spmem:s7] =	stream.linear.scatter @!p0 [tilespmem:s12], [sflag:$0x5], $0x400, $0x38;
	[tilespmem:$0x1A840] =	vst v63  }
0xbc: {  	s12 =	simm.s32 @!p0 $0x5  }
0xbd: {  	_ =	swait.ge @!p0 [sflag:s12], $0x400  }
0xbe: {  	[sflag:s12] =	ssyncset.done @!p0 $0x0  }
0xbf: {  	s14 =	simm.s32 $0x0;
	[sflag:s12] =	ssyncadd.s32 @!p0 $0xFFFFFC00  }
0xc0: {  	[tilespmem:s22], [sflag:$0x5] =	stream.linear.gather [hbm4b:s13+s14], $0x2800, $0x38;
	[tilespmem:$0x1A840] =	vst v63  }
0xc1: {  	_ =	swait.ge [sflag:s21], $0x2800  }
0xc2: {  	[sflag:s21] =	ssyncset.done $0x0  }
0xc3: {  	[sflag:s21] =	ssyncadd.s32 $0xFFFFD800  }
0xc4: {  	[tilespmem:s14], [sflag:$0x5] =	stream.linear.gather [hbm4b:s9+s14], $0x2800, $0x38;
	[tilespmem:$0x1A840] =	vst v63  }
0xc5: {  	_ =	swait.ge [sflag:s21], $0x2800  }
0xc6: {  	[sflag:s21] =	ssyncset.done $0x0  }
0xc7: {  	[sflag:s21] =	ssyncadd.s32 $0xFFFFD800  }
0xc8: {  	[tilespmem:s24], [sflag:$0x1] =	stream.indirect.gather [hbm4b:s4+s23], $0x80, s14, s23, $0xb8;
	[tilespmem:$0x1A840] =	vst v63  }
0xc9: {  	_ = 	snop  }
0xca: {  	[tilespmem:s25], [sflag:$0x2] =	stream.indirect.gather [hbm4b:s4+s23], $0x80, s23, s23, $0xb8;
	[tilespmem:$0x1A840] =	vst v63  }
0xcb: {  	[bflag:$0x0] =	sbarrier.arrive $0xFFFF  }
0xcc: {  	_ =	swait.ge [sflag:s26], $0x4000  }
0xcd: {  	[sflag:s26] =	ssyncset.done $0x0  }
0xce: {  	s16 =	simm.s32 $0x2800;
	[sflag:s26] =	ssyncadd.s32 $0xFFFFC000  }
0xcf: {  	[spmem:s1] =	stream.indirect.scatter.add.f32 [tilespmem:s24], [sflag:$0x3], $0x80, s16, s23, $0xb8;
	[tilespmem:$0x1A840] =	vst v63  }
0xd0: {  	_ =	swait.ge [sflag:s28], $0x4000  }
0xd1: {  	[sflag:s28] =	ssyncset.done $0x0  }
0xd2: {  	s14 =	simm.s32 $0x2880;
	[sflag:s28] =	ssyncadd.s32 $0xFFFFC000  }
0xd3: {  	[spmem:s1] =	stream.indirect.scatter.add.f32 [tilespmem:s25], [sflag:$0x4], $0x80, s14, s23, $0xb8;
	[tilespmem:$0x1A840] =	vst v63  }
0xd4: {  	_ =	swait.ge [sflag:s29], $0x4000  }
0xd5: {  	[sflag:s29] =	ssyncset.done $0x0  }
0xd6: {  	s16 =	simm.s32 $0x100;
	[sflag:s29] =	ssyncadd.s32 $0xFFFFC000  }
0xd7: {  	[tilespmem:s24], [sflag:$0x1] =	stream.indirect.gather [hbm4b:s4+s23], $0x80, s16, s23, $0xb8;
	[tilespmem:$0x1A840] =	vst v63  }
0xd8: {  	_ =	swait.ge [sflag:s30], $0x4000  }
0xd9: {  	[sflag:s30] =	ssyncset.done $0x0  }
0xda: {  	s12 =	simm.s32 $0x400;
	s14 =	simm.s32 $0x180;
	[sflag:s30] =	ssyncadd.s32 $0xFFFFC000  }
.LBB2_6:
0xdb: {  	[tilespmem:s25], [sflag:$0x2] =	stream.indirect.gather [hbm4b:s4+s23], $0x80, s14, s23, $0xb8;
	[tilespmem:$0x1A840] =	vst v63  }
0xdc: {  	s14 =	smov.u32 s12  }
0xdd: {  	p1 =	sne.s32 s12, $0x9800;
	s12 =	sadd.s32 $0x400, s12;
	_ =	swait.ge [sflag:s26], $0x4000  }
0xde: {  	s14 =	sshra.s32 s14, $0x2;
	[sflag:s26] =	ssyncset.done $0x0  }
0xdf: {  	s16 =	sadd.s32 $0x2800, s14;
	[sflag:s26] =	ssyncadd.s32 $0xFFFFC000  }
0xe0: {  	[spmem:s1] =	stream.indirect.scatter.add.f32 [tilespmem:s24], [sflag:$0x3], $0x80, s16, s23, $0xb8;
	[tilespmem:$0x1A840] =	vst v63  }
0xe1: {  	_ =	swait.ge [sflag:s28], $0x4000  }
0xe2: {  	[sflag:s28] =	ssyncset.done $0x0  }
0xe3: {  	s16 =	sadd.s32 $0x2880, s14;
	[sflag:s28] =	ssyncadd.s32 $0xFFFFC000  }
0xe4: {  	[spmem:s1] =	stream.indirect.scatter.add.f32 [tilespmem:s25], [sflag:$0x4], $0x80, s16, s23, $0xb8;
	[tilespmem:$0x1A840] =	vst v63  }
0xe5: {  	_ =	swait.ge [sflag:s29], $0x4000  }
0xe6: {  	[sflag:s29] =	ssyncset.done $0x0  }
.Ltmp2:
0xe7: {  	s16 =	sadd.s32 $0x100, s14;
	[sflag:s29] =	ssyncadd.s32 $0xFFFFC000;
	(pc) =	sbr.rel @p1 .LBB2_6-.Ltmp2, $4  }
0xe8: {  	[tilespmem:s24], [sflag:$0x1] =	stream.indirect.gather [hbm4b:s4+s23], $0x80, s16, s23, $0xb8;
	[tilespmem:$0x1A840] =	vst v63  }
0xe9: {  	_ =	swait.ge [sflag:s30], $0x4000  }
0xea: {  	[sflag:s30] =	ssyncset.done $0x0  }
0xeb: {  	s14 =	sadd.s32 $0x180, s14;
	[sflag:s30] =	ssyncadd.s32 $0xFFFFC000  }
0xec: {  	[tilespmem:s25], [sflag:$0x2] =	stream.indirect.gather [hbm4b:s4+s23], $0x80, s14, s23, $0xb8;
	[tilespmem:$0x1A840] =	vst v63  }
0xed: {  	_ =	swait.ge [sflag:s26], $0x4000  }
0xee: {  	[sflag:s26] =	ssyncset.done $0x0  }
0xef: {  	[sflag:s26] =	ssyncadd.s32 $0xFFFFC000  }
0xf0: {  	[spmem:s1] =	stream.indirect.scatter.add.f32 [tilespmem:s24], [sflag:$0x3], $0x80, s31, s23, $0xb8;
	[tilespmem:$0x1A840] =	vst v63  }
0xf1: {  	_ =	swait.ge [sflag:s28], $0x4000  }
0xf2: {  	[sflag:s28] =	ssyncset.done $0x0  }
0xf3: {  	[sflag:s28] =	ssyncadd.s32 $0xFFFFC000  }
0xf4: {  	[spmem:s1] =	stream.indirect.scatter.add.f32 [tilespmem:s25], [sflag:$0x4], $0x80, s0, s23, $0xb8;
	[tilespmem:$0x1A840] =	vst v63  }
0xf5: {  	_ =	swait.ge [sflag:s29], $0x4000  }
0xf6: {  	[sflag:s29] =	ssyncset.done $0x0  }
0xf7: {  	[sflag:s29] =	ssyncadd.s32 $0xFFFFC000  }
0xf8: {  	_ =	swait.ge [sflag:s30], $0x4000  }
0xf9: {  	[sflag:s30] =	ssyncset.done $0x0  }
0xfa: {  	[sflag:s30] =	ssyncadd.s32 $0xFFFFC000  }
0xfb: {  	[bflag:$0x0] =	sbarrier.arrive $0xFFFF  }
0xfc: {  	s12 =	rddreg [dreg:$0x6]  }
0xfd: {  	[hbm:s12], [sflag:s5] =	dma.local [spmem:s10], $0xD80  }
0xfe: {  	_ =	swait.ge [sflag:s21], $0xD80  }
0xff: {  	[sflag:s21] =	ssyncset.done $0x0  }
0x100: {  	[sflag:s21] =	ssyncadd.s32 $0xFFFFF280  }
0x101: {  	[bflag:$0x0] =	sbarrier.arrive $0xFFFF  }
0x102: {  	[spmem:s6] =	stream.linear.scatter [tilespmem:s20], [sflag:$0x5], $0x6C00, $0x38;
	[tilespmem:$0x1A840] =	vst v63  }
0x103: {  	_ =	swait.ge [sflag:s21], $0x6C00  }
0x104: {  	[sflag:s21] =	ssyncset.done $0x0  }
0x105: {  	s12 =	simm.s32 @!p0 $0xD000;
	[sflag:s21] =	ssyncadd.s32 $0xFFFF9400  }
0x106: {  	[spmem:s7] =	stream.linear.scatter @!p0 [tilespmem:s12], [sflag:$0x5], $0x400, $0x38;
	[tilespmem:$0x1A840] =	vst v63  }
0x107: {  	s12 =	simm.s32 @!p0 $0x5  }
0x108: {  	_ =	swait.ge @!p0 [sflag:s12], $0x400  }
0x109: {  	[sflag:s12] =	ssyncset.done @!p0 $0x0  }
0x10a: {  	s14 =	simm.s32 $0x0;
	[sflag:s12] =	ssyncadd.s32 @!p0 $0xFFFFFC00  }
0x10b: {  	[tilespmem:s22], [sflag:$0x5] =	stream.linear.gather [hbm4b:s8+s14], $0x2800, $0x38;
	[tilespmem:$0x1A840] =	vst v63  }
0x10c: {  	_ =	swait.ge [sflag:s21], $0x2800  }
0x10d: {  	[sflag:s21] =	ssyncset.done $0x0  }
0x10e: {  	[sflag:s21] =	ssyncadd.s32 $0xFFFFD800  }
0x10f: {  	[tilespmem:s14], [sflag:$0x5] =	stream.linear.gather [hbm4b:s15+s14], $0x2800, $0x38;
	[tilespmem:$0x1A840] =	vst v63  }
0x110: {  	_ =	swait.ge [sflag:s21], $0x2800  }
0x111: {  	[sflag:s21] =	ssyncset.done $0x0  }
0x112: {  	[sflag:s21] =	ssyncadd.s32 $0xFFFFD800  }
0x113: {  	[tilespmem:s24], [sflag:$0x1] =	stream.indirect.gather [hbm4b:s4+s23], $0x80, s14, s23, $0xb8;
	[tilespmem:$0x1A840] =	vst v63  }
0x114: {  	_ = 	snop  }
0x115: {  	[tilespmem:s25], [sflag:$0x2] =	stream.indirect.gather [hbm4b:s4+s23], $0x80, s23, s23, $0xb8;
	[tilespmem:$0x1A840] =	vst v63  }
0x116: {  	[bflag:$0x0] =	sbarrier.arrive $0xFFFF  }
0x117: {  	_ =	swait.ge [sflag:s26], $0x4000  }
0x118: {  	[sflag:s26] =	ssyncset.done $0x0  }
0x119: {  	s16 =	simm.s32 $0x2800;
	[sflag:s26] =	ssyncadd.s32 $0xFFFFC000  }
0x11a: {  	[spmem:s1] =	stream.indirect.scatter.add.f32 [tilespmem:s24], [sflag:$0x3], $0x80, s16, s23, $0xb8;
	[tilespmem:$0x1A840] =	vst v63  }
0x11b: {  	_ =	swait.ge [sflag:s28], $0x4000  }
0x11c: {  	[sflag:s28] =	ssyncset.done $0x0  }
0x11d: {  	s14 =	simm.s32 $0x2880;
	[sflag:s28] =	ssyncadd.s32 $0xFFFFC000  }
0x11e: {  	[spmem:s1] =	stream.indirect.scatter.add.f32 [tilespmem:s25], [sflag:$0x4], $0x80, s14, s23, $0xb8;
	[tilespmem:$0x1A840] =	vst v63  }
0x11f: {  	_ =	swait.ge [sflag:s29], $0x4000  }
0x120: {  	[sflag:s29] =	ssyncset.done $0x0  }
0x121: {  	s16 =	simm.s32 $0x100;
	[sflag:s29] =	ssyncadd.s32 $0xFFFFC000  }
0x122: {  	[tilespmem:s24], [sflag:$0x1] =	stream.indirect.gather [hbm4b:s4+s23], $0x80, s16, s23, $0xb8;
	[tilespmem:$0x1A840] =	vst v63  }
0x123: {  	_ =	swait.ge [sflag:s30], $0x4000  }
0x124: {  	[sflag:s30] =	ssyncset.done $0x0  }
0x125: {  	s12 =	simm.s32 $0x400;
	s14 =	simm.s32 $0x180;
	[sflag:s30] =	ssyncadd.s32 $0xFFFFC000  }
.LBB2_8:
0x126: {  	[tilespmem:s25], [sflag:$0x2] =	stream.indirect.gather [hbm4b:s4+s23], $0x80, s14, s23, $0xb8;
	[tilespmem:$0x1A840] =	vst v63  }
0x127: {  	s14 =	smov.u32 s12  }
0x128: {  	p1 =	sne.s32 s12, $0x9800;
	s12 =	sadd.s32 $0x400, s12;
	_ =	swait.ge [sflag:s26], $0x4000  }
0x129: {  	s14 =	sshra.s32 s14, $0x2;
	[sflag:s26] =	ssyncset.done $0x0  }
0x12a: {  	s16 =	sadd.s32 $0x2800, s14;
	[sflag:s26] =	ssyncadd.s32 $0xFFFFC000  }
0x12b: {  	[spmem:s1] =	stream.indirect.scatter.add.f32 [tilespmem:s24], [sflag:$0x3], $0x80, s16, s23, $0xb8;
	[tilespmem:$0x1A840] =	vst v63  }
0x12c: {  	_ =	swait.ge [sflag:s28], $0x4000  }
0x12d: {  	[sflag:s28] =	ssyncset.done $0x0  }
0x12e: {  	s16 =	sadd.s32 $0x2880, s14;
	[sflag:s28] =	ssyncadd.s32 $0xFFFFC000  }
0x12f: {  	[spmem:s1] =	stream.indirect.scatter.add.f32 [tilespmem:s25], [sflag:$0x4], $0x80, s16, s23, $0xb8;
	[tilespmem:$0x1A840] =	vst v63  }
0x130: {  	_ =	swait.ge [sflag:s29], $0x4000  }
0x131: {  	[sflag:s29] =	ssyncset.done $0x0  }
.Ltmp3:
0x132: {  	s16 =	sadd.s32 $0x100, s14;
	[sflag:s29] =	ssyncadd.s32 $0xFFFFC000;
	(pc) =	sbr.rel @p1 .LBB2_8-.Ltmp3, $4  }
0x133: {  	[tilespmem:s24], [sflag:$0x1] =	stream.indirect.gather [hbm4b:s4+s23], $0x80, s16, s23, $0xb8;
	[tilespmem:$0x1A840] =	vst v63  }
0x134: {  	_ =	swait.ge [sflag:s30], $0x4000  }
0x135: {  	[sflag:s30] =	ssyncset.done $0x0  }
0x136: {  	s14 =	sadd.s32 $0x180, s14;
	[sflag:s30] =	ssyncadd.s32 $0xFFFFC000  }
0x137: {  	[tilespmem:s25], [sflag:$0x2] =	stream.indirect.gather [hbm4b:s4+s23], $0x80, s14, s23, $0xb8;
	[tilespmem:$0x1A840] =	vst v63  }
0x138: {  	_ =	swait.ge [sflag:s26], $0x4000  }
0x139: {  	[sflag:s26] =	ssyncset.done $0x0  }
0x13a: {  	[sflag:s26] =	ssyncadd.s32 $0xFFFFC000  }
0x13b: {  	[spmem:s1] =	stream.indirect.scatter.add.f32 [tilespmem:s24], [sflag:$0x3], $0x80, s31, s23, $0xb8;
	[tilespmem:$0x1A840] =	vst v63  }
0x13c: {  	_ =	swait.ge [sflag:s28], $0x4000  }
0x13d: {  	[sflag:s28] =	ssyncset.done $0x0  }
0x13e: {  	[sflag:s28] =	ssyncadd.s32 $0xFFFFC000  }
0x13f: {  	[spmem:s1] =	stream.indirect.scatter.add.f32 [tilespmem:s25], [sflag:$0x4], $0x80, s0, s23, $0xb8;
	[tilespmem:$0x1A840] =	vst v63  }
0x140: {  	_ =	swait.ge [sflag:s29], $0x4000  }
0x141: {  	[sflag:s29] =	ssyncset.done $0x0  }
0x142: {  	[sflag:s29] =	ssyncadd.s32 $0xFFFFC000  }
0x143: {  	_ =	swait.ge [sflag:s30], $0x4000  }
0x144: {  	[sflag:s30] =	ssyncset.done $0x0  }
0x145: {  	[sflag:s30] =	ssyncadd.s32 $0xFFFFC000  }
0x146: {  	[bflag:$0x0] =	sbarrier.arrive $0xFFFF  }
0x147: {  	s12 =	rddreg [dreg:$0x7]  }
0x148: {  	[hbm:s12], [sflag:s5] =	dma.local [spmem:s10], $0xD80  }
0x149: {  	_ =	swait.ge [sflag:s21], $0xD80  }
0x14a: {  	[sflag:s21] =	ssyncset.done $0x0  }
0x14b: {  	[sflag:s21] =	ssyncadd.s32 $0xFFFFF280  }
0x14c: {  	[bflag:$0x0] =	sbarrier.arrive $0xFFFF  }
0x14d: {  	[spmem:s6] =	stream.linear.scatter [tilespmem:s20], [sflag:$0x5], $0x6C00, $0x38;
	[tilespmem:$0x1A840] =	vst v63  }
0x14e: {  	_ =	swait.ge [sflag:s21], $0x6C00  }
0x14f: {  	[sflag:s21] =	ssyncset.done $0x0  }
0x150: {  	s12 =	simm.s32 @!p0 $0xD000;
	[sflag:s21] =	ssyncadd.s32 $0xFFFF9400  }
0x151: {  	[spmem:s7] =	stream.linear.scatter @!p0 [tilespmem:s12], [sflag:$0x5], $0x400, $0x38;
	[tilespmem:$0x1A840] =	vst v63  }
0x152: {  	s12 =	simm.s32 @!p0 $0x5  }
0x153: {  	_ =	swait.ge @!p0 [sflag:s12], $0x400  }
0x154: {  	[sflag:s12] =	ssyncset.done @!p0 $0x0  }
0x155: {  	s14 =	simm.s32 $0x0;
	[sflag:s12] =	ssyncadd.s32 @!p0 $0xFFFFFC00  }
0x156: {  	[tilespmem:s22], [sflag:$0x5] =	stream.linear.gather [hbm4b:s11+s14], $0x2800, $0x38;
	[tilespmem:$0x1A840] =	vst v63  }
0x157: {  	_ =	swait.ge [sflag:s21], $0x2800  }
0x158: {  	[sflag:s21] =	ssyncset.done $0x0  }
0x159: {  	[sflag:s21] =	ssyncadd.s32 $0xFFFFD800  }
0x15a: {  	[tilespmem:s14], [sflag:$0x5] =	stream.linear.gather [hbm4b:s15+s14], $0x2800, $0x38;
	[tilespmem:$0x1A840] =	vst v63  }
0x15b: {  	_ =	swait.ge [sflag:s21], $0x2800  }
0x15c: {  	[sflag:s21] =	ssyncset.done $0x0  }
0x15d: {  	[sflag:s21] =	ssyncadd.s32 $0xFFFFD800  }
0x15e: {  	[tilespmem:s24], [sflag:$0x1] =	stream.indirect.gather [hbm4b:s4+s23], $0x80, s14, s23, $0xb8;
	[tilespmem:$0x1A840] =	vst v63  }
0x15f: {  	_ = 	snop  }
0x160: {  	[tilespmem:s25], [sflag:$0x2] =	stream.indirect.gather [hbm4b:s4+s23], $0x80, s23, s23, $0xb8;
	[tilespmem:$0x1A840] =	vst v63  }
0x161: {  	[bflag:$0x0] =	sbarrier.arrive $0xFFFF  }
0x162: {  	_ =	swait.ge [sflag:s26], $0x4000  }
0x163: {  	[sflag:s26] =	ssyncset.done $0x0  }
0x164: {  	s16 =	simm.s32 $0x2800;
	[sflag:s26] =	ssyncadd.s32 $0xFFFFC000  }
0x165: {  	[spmem:s1] =	stream.indirect.scatter.add.f32 [tilespmem:s24], [sflag:$0x3], $0x80, s16, s23, $0xb8;
	[tilespmem:$0x1A840] =	vst v63  }
0x166: {  	_ =	swait.ge [sflag:s28], $0x4000  }
0x167: {  	[sflag:s28] =	ssyncset.done $0x0  }
0x168: {  	s14 =	simm.s32 $0x2880;
	[sflag:s28] =	ssyncadd.s32 $0xFFFFC000  }
0x169: {  	[spmem:s1] =	stream.indirect.scatter.add.f32 [tilespmem:s25], [sflag:$0x4], $0x80, s14, s23, $0xb8;
	[tilespmem:$0x1A840] =	vst v63  }
0x16a: {  	_ =	swait.ge [sflag:s29], $0x4000  }
0x16b: {  	[sflag:s29] =	ssyncset.done $0x0  }
0x16c: {  	s16 =	simm.s32 $0x100;
	[sflag:s29] =	ssyncadd.s32 $0xFFFFC000  }
0x16d: {  	[tilespmem:s24], [sflag:$0x1] =	stream.indirect.gather [hbm4b:s4+s23], $0x80, s16, s23, $0xb8;
	[tilespmem:$0x1A840] =	vst v63  }
0x16e: {  	_ =	swait.ge [sflag:s30], $0x4000  }
0x16f: {  	[sflag:s30] =	ssyncset.done $0x0  }
0x170: {  	s12 =	simm.s32 $0x400;
	s14 =	simm.s32 $0x180;
	[sflag:s30] =	ssyncadd.s32 $0xFFFFC000  }
.LBB2_10:
0x171: {  	[tilespmem:s25], [sflag:$0x2] =	stream.indirect.gather [hbm4b:s4+s23], $0x80, s14, s23, $0xb8;
	[tilespmem:$0x1A840] =	vst v63  }
0x172: {  	s14 =	smov.u32 s12  }
0x173: {  	p1 =	sne.s32 s12, $0x9800;
	s12 =	sadd.s32 $0x400, s12;
	_ =	swait.ge [sflag:s26], $0x4000  }
0x174: {  	s14 =	sshra.s32 s14, $0x2;
	[sflag:s26] =	ssyncset.done $0x0  }
0x175: {  	s16 =	sadd.s32 $0x2800, s14;
	[sflag:s26] =	ssyncadd.s32 $0xFFFFC000  }
0x176: {  	[spmem:s1] =	stream.indirect.scatter.add.f32 [tilespmem:s24], [sflag:$0x3], $0x80, s16, s23, $0xb8;
	[tilespmem:$0x1A840] =	vst v63  }
0x177: {  	_ =	swait.ge [sflag:s28], $0x4000  }
0x178: {  	[sflag:s28] =	ssyncset.done $0x0  }
0x179: {  	s16 =	sadd.s32 $0x2880, s14;
	[sflag:s28] =	ssyncadd.s32 $0xFFFFC000  }
0x17a: {  	[spmem:s1] =	stream.indirect.scatter.add.f32 [tilespmem:s25], [sflag:$0x4], $0x80, s16, s23, $0xb8;
	[tilespmem:$0x1A840] =	vst v63  }
0x17b: {  	_ =	swait.ge [sflag:s29], $0x4000  }
0x17c: {  	[sflag:s29] =	ssyncset.done $0x0  }
.Ltmp4:
0x17d: {  	s16 =	sadd.s32 $0x100, s14;
	[sflag:s29] =	ssyncadd.s32 $0xFFFFC000;
	(pc) =	sbr.rel @p1 .LBB2_10-.Ltmp4, $4  }
0x17e: {  	[tilespmem:s24], [sflag:$0x1] =	stream.indirect.gather [hbm4b:s4+s23], $0x80, s16, s23, $0xb8;
	[tilespmem:$0x1A840] =	vst v63  }
0x17f: {  	_ =	swait.ge [sflag:s30], $0x4000  }
0x180: {  	[sflag:s30] =	ssyncset.done $0x0  }
0x181: {  	s14 =	sadd.s32 $0x180, s14;
	[sflag:s30] =	ssyncadd.s32 $0xFFFFC000  }
0x182: {  	[tilespmem:s25], [sflag:$0x2] =	stream.indirect.gather [hbm4b:s4+s23], $0x80, s14, s23, $0xb8;
	[tilespmem:$0x1A840] =	vst v63  }
0x183: {  	_ =	swait.ge [sflag:s26], $0x4000  }
0x184: {  	[sflag:s26] =	ssyncset.done $0x0  }
0x185: {  	[sflag:s26] =	ssyncadd.s32 $0xFFFFC000  }
0x186: {  	[spmem:s1] =	stream.indirect.scatter.add.f32 [tilespmem:s24], [sflag:$0x3], $0x80, s31, s23, $0xb8;
	[tilespmem:$0x1A840] =	vst v63  }
0x187: {  	_ =	swait.ge [sflag:s28], $0x4000  }
0x188: {  	[sflag:s28] =	ssyncset.done $0x0  }
0x189: {  	[sflag:s28] =	ssyncadd.s32 $0xFFFFC000  }
0x18a: {  	[spmem:s1] =	stream.indirect.scatter.add.f32 [tilespmem:s25], [sflag:$0x4], $0x80, s0, s23, $0xb8;
	[tilespmem:$0x1A840] =	vst v63  }
0x18b: {  	_ =	swait.ge [sflag:s29], $0x4000  }
0x18c: {  	[sflag:s29] =	ssyncset.done $0x0  }
0x18d: {  	[sflag:s29] =	ssyncadd.s32 $0xFFFFC000  }
0x18e: {  	_ =	swait.ge [sflag:s30], $0x4000  }
0x18f: {  	[sflag:s30] =	ssyncset.done $0x0  }
0x190: {  	[sflag:s30] =	ssyncadd.s32 $0xFFFFC000  }
0x191: {  	[bflag:$0x0] =	sbarrier.arrive $0xFFFF  }
0x192: {  	[hbm:s17], [sflag:s5] =	dma.local [spmem:s10], $0xD80  }
0x193: {  	_ =	swait.ge [sflag:s21], $0xD80  }
0x194: {  	[sflag:s21] =	ssyncset.done $0x0  }
0x195: {  	[sflag:s21] =	ssyncadd.s32 $0xFFFFF280  }
0x196: {  	[bflag:$0x0] =	sbarrier.arrive $0xFFFF  }
0x197: {  	[spmem:s6] =	stream.linear.scatter [tilespmem:s20], [sflag:$0x5], $0x6C00, $0x38;
	[tilespmem:$0x1A840] =	vst v63  }
0x198: {  	_ =	swait.ge [sflag:s21], $0x6C00  }
0x199: {  	[sflag:s21] =	ssyncset.done $0x0  }
0x19a: {  	s12 =	simm.s32 @!p0 $0xD000;
	[sflag:s21] =	ssyncadd.s32 $0xFFFF9400  }
0x19b: {  	[spmem:s7] =	stream.linear.scatter @!p0 [tilespmem:s12], [sflag:$0x5], $0x400, $0x38;
	[tilespmem:$0x1A840] =	vst v63  }
0x19c: {  	s12 =	simm.s32 @!p0 $0x5  }
0x19d: {  	_ =	swait.ge @!p0 [sflag:s12], $0x400  }
0x19e: {  	[sflag:s12] =	ssyncset.done @!p0 $0x0  }
0x19f: {  	s14 =	simm.s32 $0x0;
	[sflag:s12] =	ssyncadd.s32 @!p0 $0xFFFFFC00  }
0x1a0: {  	[tilespmem:s22], [sflag:$0x5] =	stream.linear.gather [hbm4b:s13+s14], $0x2800, $0x38;
	[tilespmem:$0x1A840] =	vst v63  }
0x1a1: {  	_ =	swait.ge [sflag:s21], $0x2800  }
0x1a2: {  	[sflag:s21] =	ssyncset.done $0x0  }
0x1a3: {  	[sflag:s21] =	ssyncadd.s32 $0xFFFFD800  }
0x1a4: {  	[tilespmem:s14], [sflag:$0x5] =	stream.linear.gather [hbm4b:s15+s14], $0x2800, $0x38;
	[tilespmem:$0x1A840] =	vst v63  }
0x1a5: {  	_ =	swait.ge [sflag:s21], $0x2800  }
0x1a6: {  	[sflag:s21] =	ssyncset.done $0x0  }
0x1a7: {  	[sflag:s21] =	ssyncadd.s32 $0xFFFFD800  }
0x1a8: {  	[tilespmem:s24], [sflag:$0x1] =	stream.indirect.gather [hbm4b:s4+s23], $0x80, s14, s23, $0xb8;
	[tilespmem:$0x1A840] =	vst v63  }
0x1a9: {  	_ = 	snop  }
0x1aa: {  	[tilespmem:s25], [sflag:$0x2] =	stream.indirect.gather [hbm4b:s4+s23], $0x80, s23, s23, $0xb8;
	[tilespmem:$0x1A840] =	vst v63  }
0x1ab: {  	[bflag:$0x0] =	sbarrier.arrive $0xFFFF  }
0x1ac: {  	_ =	swait.ge [sflag:s26], $0x4000  }
0x1ad: {  	[sflag:s26] =	ssyncset.done $0x0  }
0x1ae: {  	s16 =	simm.s32 $0x2800;
	[sflag:s26] =	ssyncadd.s32 $0xFFFFC000  }
0x1af: {  	[spmem:s1] =	stream.indirect.scatter.add.f32 [tilespmem:s24], [sflag:$0x3], $0x80, s16, s23, $0xb8;
	[tilespmem:$0x1A840] =	vst v63  }
0x1b0: {  	_ =	swait.ge [sflag:s28], $0x4000  }
0x1b1: {  	[sflag:s28] =	ssyncset.done $0x0  }
0x1b2: {  	s14 =	simm.s32 $0x2880;
	[sflag:s28] =	ssyncadd.s32 $0xFFFFC000  }
0x1b3: {  	[spmem:s1] =	stream.indirect.scatter.add.f32 [tilespmem:s25], [sflag:$0x4], $0x80, s14, s23, $0xb8;
	[tilespmem:$0x1A840] =	vst v63  }
0x1b4: {  	_ =	swait.ge [sflag:s29], $0x4000  }
0x1b5: {  	[sflag:s29] =	ssyncset.done $0x0  }
0x1b6: {  	s16 =	simm.s32 $0x100;
	[sflag:s29] =	ssyncadd.s32 $0xFFFFC000  }
0x1b7: {  	[tilespmem:s24], [sflag:$0x1] =	stream.indirect.gather [hbm4b:s4+s23], $0x80, s16, s23, $0xb8;
	[tilespmem:$0x1A840] =	vst v63  }
0x1b8: {  	_ =	swait.ge [sflag:s30], $0x4000  }
0x1b9: {  	[sflag:s30] =	ssyncset.done $0x0  }
0x1ba: {  	s12 =	simm.s32 $0x400;
	s14 =	simm.s32 $0x180;
	[sflag:s30] =	ssyncadd.s32 $0xFFFFC000  }
.LBB2_12:
0x1bb: {  	[tilespmem:s25], [sflag:$0x2] =	stream.indirect.gather [hbm4b:s4+s23], $0x80, s14, s23, $0xb8;
	[tilespmem:$0x1A840] =	vst v63  }
0x1bc: {  	s14 =	smov.u32 s12  }
0x1bd: {  	p1 =	sne.s32 s12, $0x9800;
	s12 =	sadd.s32 $0x400, s12;
	_ =	swait.ge [sflag:s26], $0x4000  }
0x1be: {  	s14 =	sshra.s32 s14, $0x2;
	[sflag:s26] =	ssyncset.done $0x0  }
0x1bf: {  	s16 =	sadd.s32 $0x2800, s14;
	[sflag:s26] =	ssyncadd.s32 $0xFFFFC000  }
0x1c0: {  	[spmem:s1] =	stream.indirect.scatter.add.f32 [tilespmem:s24], [sflag:$0x3], $0x80, s16, s23, $0xb8;
	[tilespmem:$0x1A840] =	vst v63  }
0x1c1: {  	_ =	swait.ge [sflag:s28], $0x4000  }
0x1c2: {  	[sflag:s28] =	ssyncset.done $0x0  }
0x1c3: {  	s16 =	sadd.s32 $0x2880, s14;
	[sflag:s28] =	ssyncadd.s32 $0xFFFFC000  }
0x1c4: {  	[spmem:s1] =	stream.indirect.scatter.add.f32 [tilespmem:s25], [sflag:$0x4], $0x80, s16, s23, $0xb8;
	[tilespmem:$0x1A840] =	vst v63  }
0x1c5: {  	_ =	swait.ge [sflag:s29], $0x4000  }
0x1c6: {  	[sflag:s29] =	ssyncset.done $0x0  }
.Ltmp5:
0x1c7: {  	s16 =	sadd.s32 $0x100, s14;
	[sflag:s29] =	ssyncadd.s32 $0xFFFFC000;
	(pc) =	sbr.rel @p1 .LBB2_12-.Ltmp5, $4  }
0x1c8: {  	[tilespmem:s24], [sflag:$0x1] =	stream.indirect.gather [hbm4b:s4+s23], $0x80, s16, s23, $0xb8;
	[tilespmem:$0x1A840] =	vst v63  }
0x1c9: {  	_ =	swait.ge [sflag:s30], $0x4000  }
0x1ca: {  	[sflag:s30] =	ssyncset.done $0x0  }
0x1cb: {  	s14 =	sadd.s32 $0x180, s14;
	[sflag:s30] =	ssyncadd.s32 $0xFFFFC000  }
0x1cc: {  	[tilespmem:s25], [sflag:$0x2] =	stream.indirect.gather [hbm4b:s4+s23], $0x80, s14, s23, $0xb8;
	[tilespmem:$0x1A840] =	vst v63  }
0x1cd: {  	_ =	swait.ge [sflag:s26], $0x4000  }
0x1ce: {  	[sflag:s26] =	ssyncset.done $0x0  }
0x1cf: {  	[sflag:s26] =	ssyncadd.s32 $0xFFFFC000  }
0x1d0: {  	[spmem:s1] =	stream.indirect.scatter.add.f32 [tilespmem:s24], [sflag:$0x3], $0x80, s31, s23, $0xb8;
	[tilespmem:$0x1A840] =	vst v63  }
0x1d1: {  	_ =	swait.ge [sflag:s28], $0x4000  }
0x1d2: {  	[sflag:s28] =	ssyncset.done $0x0  }
0x1d3: {  	[sflag:s28] =	ssyncadd.s32 $0xFFFFC000  }
0x1d4: {  	[spmem:s1] =	stream.indirect.scatter.add.f32 [tilespmem:s25], [sflag:$0x4], $0x80, s0, s23, $0xb8;
	[tilespmem:$0x1A840] =	vst v63  }
0x1d5: {  	_ =	swait.ge [sflag:s29], $0x4000  }
0x1d6: {  	[sflag:s29] =	ssyncset.done $0x0  }
0x1d7: {  	[sflag:s29] =	ssyncadd.s32 $0xFFFFC000  }
0x1d8: {  	_ =	swait.ge [sflag:s30], $0x4000  }
0x1d9: {  	[sflag:s30] =	ssyncset.done $0x0  }
0x1da: {  	s3 =	sadd.s32 $0x1, s3;
	[sflag:s30] =	ssyncadd.s32 $0xFFFFC000  }
0x1db: {  	p1 =	sne.s32 s3, s19;
	[bflag:$0x0] =	sbarrier.arrive $0xFFFF  }
0x1dc: {  	[hbm:s18], [sflag:s5] =	dma.local [spmem:s10], $0xD80  }
.Ltmp6:
0x1dd: {  	_ =	swait.ge [sflag:s21], $0xD80;
	(pc) =	sbr.rel @p1 .LBB2_1-.Ltmp6, $3  }
0x1de: {  	[sflag:s21] =	ssyncset.done $0x0  }
0x1df: {  	[sflag:s21] =	ssyncadd.s32 $0xFFFFF280  }
0x1e0: {  	[bflag:$0x0] =	sbarrier.arrive $0xFFFF;
	_ =	sdelay $0x1  }
0x1e1: {  	_ =	sfence.sel $0x180000  }
0x1e2: {  	[bflag:$0x0] =	sbarrier.arrive $0xFFFF  }
0x1e3: {  	_ =	strace $0x9000004A  }
0x1e4: {  	[bflag:$0x2] =	sbarrier.arrive $0xFFFF  }
0x1e5: {  	s0 =	rddreg [dreg:$0x2]  }
0x1e6: {  	s0 =	sadd.s32 @!p0 $0x100000, s0  }
0x1e7: {  	[sflag:s0] =	ssyncadd.tile.s32 @!p0 $0x1;
	_ =	shalt  }
.Lfunc_end2:
_tile_overlayer_lowered:
.L_overlay_start_2:
0x1e8: {  	(tag) =	ssettag $0x2  }
0x1e9: {  	s0 =	rddreg [dreg:$0x0];
	s2 =	stileid.u32  }
0x1ea: {  	s1 =	rddreg [dreg:$0x1];
	p0 =	sne.s32 s2, $0x0  }
0x1eb: {  	s3 =	rddreg [dreg:$0x2];
	[bflag:$0x3] =	sbarrier.arrive $0xFFFF;
	s2 =	simm.s32 @!p0 $0x1C05  }
0x1ec: {  	[timem:s3], [sflag:s2] =	dma.local @!p0 [hbm:s0], s1  }
0x1ed: {  	s0 =	simm.s32 @!p0 $0x5  }
0x1ee: {  	_ =	swait.ge @!p0 [sflag:s0], s1  }
0x1ef: {  	s1 =	ssub.s32 @!p0 $0x0, s1;
	[sflag:s0] =	ssyncset.done @!p0 $0x0  }
0x1f0: {  	[sflag:s0] =	ssyncadd.s32 @!p0 s1  }
0x1f1: {  	[bflag:$0x3] =	sbarrier.arrive $0xFFFF  }
0x1f2: {  	_ =	shalt  }

// kernel: kernel.5.cloned.1.call-start
scs
__scs_entry_jumppad:
0x0: {  	(pc) =	sbr.rel $0x88, $3  }
0x1: {  	(tag) =	ssettag $0x0;
	lr =	simm.s32 $0x1  }
0x2: {  	[smem:$0x3F84] =	sst lr;
	_ =	strace $0xD0000000  }
0x3: {  	_ = 	snop  }
0x4: {  	_ = 	snop  }
0x5: {  	_ = 	snop  }
0x6: {  	_ = 	snop  }
0x7: {  	_ = 	snop  }
__scs_overlays_trampoline_lowered:
0x8: {  	[smem:$0x3F93] =	sst s0  }
0x9: {  	[smem:$0x3F94] =	sst s1  }
0xa: {  	[smem:$0x3F95] =	sst s2  }
0xb: {  	[smem:$0x3F96] =	sst s3  }
0xc: {  	[smem:$0x3F97] =	sst s4  }
0xd: {  	[smem:$0x3F98] =	sst s5  }
0xe: {  	[smem:$0x3F99] =	sst s6  }
0xf: {  	[smem:$0x3F9A] =	sst s7  }
0x10: {  	[smem:$0x3F9B] =	sst s8  }
0x11: {  	[smem:$0x3F9C] =	sst s9;
	s0 =	simm.s32 @!p0 $0x0  }
0x12: {  	s1 =	sld [smem:$0x3F82];
	s0 =	simm.s32 @p0 $0x1  }
0x13: {  	[smem:$0x3F9D] =	sst s0;
	s0 =	simm.s32 @!p1 $0x0  }
0x14: {  	s2 =	sld [smem:$0x3F81];
	s0 =	simm.s32 @p1 $0x1  }
0x15: {  	[smem:$0x3F9E] =	sst s0;
	s0 =	simm.s32 @!p2 $0x0  }
0x16: {  	s3 =	sld [smem:$0x3FDB];
	s0 =	simm.s32 @p2 $0x1  }
0x17: {  	s4 =	simm.s32 $0x1BF5;
	[smem:$0x3FA0] =	sst s0  }
0x18: {  	s0 =	sld [smem:$0x3F83];
	_ =	swait.ge [sflag:s4], $0x0  }
0x19: {  	s7 =	sld [smem:$0x3F84]  }
0x1a: {  	s8 =	sadd.s32 $0xFFFFE003, lr  }
0x1b: {  	s9 =	sadd.s32 $0xFFFFFEF7, lr;
	s5 =	simm.s32 $0xFFFFFFFF;
	p2 =	slt.u32 s8, $0xFFFFF086  }
0x1c: {  	p1 =	slt.u32 s9, $0xF7A;
	s5 =	simm.s32 @!p2 $0x0  }
0x1d: {  	s5 =	simm.s32 @p1 $0x1;
	p0 =	seq.s32 s7, s2  }
0x1e: {  	s7 =	smul.u32 @!p0 $0xF7A, s2;
	p2 =	seq.s32 @!p0 s5, $0x0  }
0x1f: {  	s9 =	smul.u32 $0xF7A, s1;
	s8 =	simm.s32 @!p0 $0x1BF5;
	p2 =	por !p2, p0  }
0x20: {  	[sflag:s8] =	ssyncset.s32 @!p0 $0xFFFFF086;
	s6 =	sadd.s32 @!p0 s3, s7;
	s7 =	simm.s32 @!p0 $0x108  }
0x21: {  	s3 =	sadd.s32 s3, s9;
	s6 =	sadd.s32 @!p0 $0x88, s6;
	s7 =	simm.s32 @p2 $0x1082  }
0x22: {  	[simem:s7], [sflag:s8] =	dma.local @!p0 [hbm:s6], $0xF7A  }
0x23: {  	s9 =	sor.u32 $0xD0000000, s2;
	s6 =	simm.s32 $0x108;
	_ =	swait.ge @!p0 [sflag:s8], $0x0  }
0x24: {  	s3 =	sadd.s32 $0x88, s3;
	s6 =	simm.s32 @!p1 $0x1082;
	[sflag:s4] =	ssyncset.s32 $0xFFFFF086  }
0x25: {  	[simem:s6], [sflag:s4] =	dma.local [hbm:s3], $0xF7A  }
0x26: {  	[smem:$0x3F84] =	sst s1;
	(tag) =	ssettag s2;
	_ =	strace s9  }
0x27: {  	s1 =	sld [smem:$0x3F94]  }
0x28: {  	s2 =	sld [smem:$0x3F95]  }
0x29: {  	s4 =	sld [smem:$0x3F97]  }
0x2a: {  	p0 =	seq.s32 s5, $0x0;
	s5 =	sld [smem:$0x3F98]  }
0x2b: {  	s6 =	sld [smem:$0x3F99]  }
0x2c: {  	s7 =	sld [smem:$0x3F9A]  }
0x2d: {  	s3 =	simm.s32 $0x108;
	s8 =	sld [smem:$0x3F9B]  }
0x2e: {  	s3 =	simm.s32 @!p0 $0x1082;
	s9 =	sld [smem:$0x3F9C]  }
0x2f: {  	lr =	sadd.s32 s0, s3;
	s0 =	sld [smem:$0x3F93]  }
0x30: {  	s3 =	sld [smem:$0x3F96]  }
0x31: {  	[smem:$0x3F9F] =	sst s10  }
0x32: {  	s10 =	sld [smem:$0x3F9D];
	_ =	sdelay $0x3  }
0x33: {  	p0 =	seq.s32 s10, $0x1;
	s10 =	sld [smem:$0x3F9F];
	_ =	sdelay $0x3  }
0x34: {  	[smem:$0x3F9F] =	sst s10  }
0x35: {  	s10 =	sld [smem:$0x3F9E];
	_ =	sdelay $0x3  }
0x36: {  	p1 =	seq.s32 s10, $0x1;
	s10 =	sld [smem:$0x3F9F];
	_ =	sdelay $0x3  }
0x37: {  	[smem:$0x3F9F] =	sst s10  }
0x38: {  	s10 =	sld [smem:$0x3FA0]  }
0x39: {  	_ = 	snop;
	(pc) =	sbr.ind lr, $3  }
0x3a: {  	_ = 	snop  }
0x3b: {  	_ = 	snop  }
0x3c: {  	p2 =	seq.s32 s10, $0x1;
	s10 =	sld [smem:$0x3F9F]  }
0x3d: {  	_ =	shalt  }
0x3e: {  	_ =	shalt  }
0x3f: {  	_ =	shalt  }
0x40: {  	_ =	shalt  }
0x41: {  	_ =	shalt  }
0x42: {  	_ =	shalt  }
0x43: {  	_ =	shalt  }
0x44: {  	_ =	shalt  }
0x45: {  	_ =	shalt  }
0x46: {  	_ =	shalt  }
0x47: {  	_ =	shalt  }
0x48: {  	_ =	shalt  }
0x49: {  	_ =	shalt  }
0x4a: {  	_ =	shalt  }
0x4b: {  	_ =	shalt  }
0x4c: {  	_ =	shalt  }
0x4d: {  	_ =	shalt  }
0x4e: {  	_ =	shalt  }
0x4f: {  	_ =	shalt  }
0x50: {  	_ =	shalt  }
0x51: {  	_ =	shalt  }
0x52: {  	_ =	shalt  }
0x53: {  	_ =	shalt  }
0x54: {  	_ =	shalt  }
0x55: {  	_ =	shalt  }
0x56: {  	_ =	shalt  }
0x57: {  	_ =	shalt  }
0x58: {  	_ =	shalt  }
0x59: {  	_ =	shalt  }
0x5a: {  	_ =	shalt  }
0x5b: {  	_ =	shalt  }
0x5c: {  	_ =	shalt  }
0x5d: {  	_ =	shalt  }
0x5e: {  	_ =	shalt  }
0x5f: {  	_ =	shalt  }
0x60: {  	_ =	shalt  }
0x61: {  	_ =	shalt  }
0x62: {  	_ =	shalt  }
0x63: {  	_ =	shalt  }
0x64: {  	_ =	shalt  }
0x65: {  	_ =	shalt  }
0x66: {  	_ =	shalt  }
0x67: {  	_ =	shalt  }
0x68: {  	_ =	shalt  }
0x69: {  	_ =	shalt  }
0x6a: {  	_ =	shalt  }
0x6b: {  	_ =	shalt  }
0x6c: {  	_ =	shalt  }
0x6d: {  	_ =	shalt  }
0x6e: {  	_ =	shalt  }
0x6f: {  	_ =	shalt  }
0x70: {  	_ =	shalt  }
0x71: {  	_ =	shalt  }
0x72: {  	_ =	shalt  }
0x73: {  	_ =	shalt  }
0x74: {  	_ =	shalt  }
0x75: {  	_ =	shalt  }
0x76: {  	_ =	shalt  }
0x77: {  	_ =	shalt  }
0x78: {  	_ =	shalt  }
0x79: {  	_ =	shalt  }
0x7a: {  	_ =	shalt  }
0x7b: {  	_ =	shalt  }
0x7c: {  	_ =	shalt  }
0x7d: {  	_ =	shalt  }
0x7e: {  	_ =	shalt  }
0x7f: {  	_ =	shalt  }
0x80: {  	_ =	shalt  }
0x81: {  	_ =	shalt  }
0x82: {  	_ =	shalt  }
0x83: {  	_ =	shalt  }
0x84: {  	_ =	shalt  }
0x85: {  	_ =	shalt  }
0x86: {  	_ =	shalt  }
0x87: {  	_ =	shalt  }
.Lfunc_end0:
.L_simem_size_0:
called_computation.1_lowered:
.L_overlay_start_0:
0x88: {  	s2 =	sld [smem:$0x3FD9]  }
0x89: {  	s3 =	sld [smem:$0x3FFE];
	_ =	sdelay $0x1  }
0x8a: {  	s1 =	srdreg.scid  }
0x8b: {  	s0 =	sand.u32 $0x1, s1  }
0x8c: {  	s16 =	sshll.u32 s0, $0xA;
	s2 =	sadd.s32 s3, s2  }
0x8d: {  	s2 =	sadd.s32 s2, s16  }
0x8e: {  	[smem:$0x3FAB] =	sst s2  }
0x8f: {  	_ = 	snop  }
0x90: {  	(tm) =	ssettm $0x1  }
0x91: {  	s17 =	sld [smem:$0x3FFB];
	_ =	sdelay $0x3  }
0x92: {  	_ =	strace s17  }
0x93: {  	s2 =	sld [smem:$0x3FFC];
	_ =	sdelay $0x3  }
0x94: {  	_ =	strace s2  }
0x95: {  	s2 =	sld [smem:$0x3FFD];
	_ =	sdelay $0x3  }
0x96: {  	_ =	strace s2  }
0x97: {  	_ =	strace $0x8FFFFFFF  }
0x98: {  	s18 =	sld [smem:$0x3FDB];
	_ =	sdelay $0x1  }
0x99: {  	s19 =	simm.s32 $_scs_section_size  }
0x9a: {  	s4 =	simm.s32 $_size__tile_overlayer_lowered;
	s5 =	simm.s32 $_tile_overlayer_lowered  }
0x9b: {  	s22 =	simm.s32 $0x1BFF;
	s21 =	sshll.u32 s5, $0x1;
	s2 =	sadd.s32 s19, s18  }
0x9c: {  	s6 =	simm.s32 $0x0;
	s20 =	sshll.u32 s4, $0x1;
	s4 =	sadd.s32 s21, s2  }
0x9d: {  	[timem:s6], [sflag:s22] =	dma.local [hbm:s4], s20  }
0x9e: {  	_ =	swait.ge [sflag:s22], s20  }
0x9f: {  	s3 =	ssub.s32 $0x0, s20;
	[sflag:s22] =	ssyncset.done $0x0  }
0xa0: {  	[sflag:s22] =	ssyncadd.s32 s3;
	_ =	sdelay $0x1  }
0xa1: {  	s23 =	simm.s32 $0x1B8B  }
0xa2: {  	_ =	swait.ge [sflag:s23], $0x1  }
0xa3: {  	[sflag:s23] =	ssyncset.done $0x0  }
0xa4: {  	s25 =	simm.s32 $0x1B8E;
	s24 =	sld [smem:$0x3FFE];
	[sflag:s23] =	ssyncadd.s32 $0xFFFFFFFF  }
0xa5: {  	s26 =	simm.s32 $execute0_lowered;
	[smem:$0x3FD2] =	sst s25  }
0xa6: {  	s4 =	sshll.u32 s26, $0x1;
	_ =	strace $0x80000046;
	[dreg:$0x1] =	wrdreg $0xFFFFFFFF  }
0xa7: {  	s28 =	simm.s32 $_size_execute0_lowered;
	s2 =	sadd.s32 s2, s4;
	[dreg:$0x0] =	wrdreg $0x0  }
0xa8: {  	s4 =	sshll.u32 s28, $0x1;
	[dreg:$0x2] =	wrdreg s2  }
0xa9: {  	[dreg:$0x3] =	wrdreg s4  }
0xaa: {  	[dreg:$0x4] =	wrdreg $0xC0  }
0xab: {  	_ =	task [dreg:s6], $0x5FFFF  }
0xac: {  	[dreg:$0x1] =	wrdreg $0xFFFFFFFF  }
0xad: {  	[dreg:$0x0] =	wrdreg $0x60  }
0xae: {  	[dreg:$0x2] =	wrdreg s24  }
0xaf: {  	[dreg:$0x3] =	wrdreg $0xC0000  }
0xb0: {  	[dreg:$0x4] =	wrdreg $0x9  }
0xb1: {  	_ =	task.clear_ibuf [dreg:s6], $0x5FFFF;
	_ =	strace $0x90000046  }
0xb2: {  	s29 =	simm.s32 $0x9;
	_ =	strace $0x80000048  }
0xb3: {  	_ =	swait.ge [sflag:s29], $0x1  }
0xb4: {  	[sflag:s29] =	ssyncadd.s32 $0xFFFFFFFF  }
0xb5: {  	_ =	strace $0x90000048  }
0xb6: {  	_ =	sfence  }
0xb7: {  	s30 =	sld [smem:$0x0];
	_ =	sdelay $0x2  }
0xb8: {  	s31 =	sshll.u32 s1, $0xD;
	s1 =	sshrl.u32 s1, $0x2  }
0xb9: {  	s3 =	sand.u32 $0x4000, s31;
	s1 =	sadd.s32 s1, s30  }
0xba: {  	s0 =	sor.u32 s3, s0;
	s1 =	sshll.u32 s1, $0x11  }
0xbb: {  	s0 =	sor.u32 s1, s0  }
0xbc: {  	s0 =	sadd.s32 $0x8F2B, s0  }
0xbd: {  	[sflag:s0] =	ssyncadd.remote.s32 $0x1  }
0xbe: {  	_ =	sfence.sel $0xFFFF  }
0xbf: {  	[dreg:$0x0] =	wrdreg $0xFFFFFFFF;
	(pc) =	sbr.abs _section_cstart, $3  }
0xc0: {  	[dreg:$0x1] =	wrdreg $0xFFFFFFFF  }
0xc1: {  	_ =	task.clear_ibuf [dreg:s6], $0x2FFFF;
	_ =	strace $0x9FFFFFFF  }
0xc2: {  	(tm) =	ssettm $0x7FFFFFFF  }
0xc3: {  	_ =	shalt  }
tec
execute0_lowered:
.L_overlay_start_1:
0x0: {  	(tag) =	ssettag $0x1  }
0x1: {  	s0 =	srdreg.scid;
	s5 =	rddreg [dreg:$0x0]  }
0x2: {  	s18 =	stileid.u32;
	s1 =	rddreg [dreg:$0x1];
	s2 =	simm.s32 $0x0  }
0x3: {  	s14 =	simm.s32 $0x1400;
	s15 =	simm.s32 $0x1;
	s6 =	smul.u32 $0x1400, s18  }
0x4: {  	s16 =	simm.s32 $0x5400;
	s17 =	simm.s32 $0x80;
	s7 =	smul.u32 $0x6C00, s18  }
0x5: {  	s4 =	sand.u32 $0x1, s0;
	s0 =	rddreg [dreg:$0x2];
	s8 =	smul.u32 $0x1B000, s18  }
0x6: {  	s20 =	simm.s32 $0x0;
	[smem:$0x7FF] =	sst s2;
	s3 =	smul.u32 $0x14000, s4  }
0x7: {  	p0 =	sne.s32 s18, $0x0;
	s18 =	sshll.u32 s18, $0x6;
	s29 =	smul.u32 $0x144000, s4  }
0x8: {  	_ =	strace $0x80000047;
	s30 =	ssub.s32 $0x2, s4;
	s4 =	sadd.s32 $0x15400, s5  }
0x9: {  	s18 =	sor.u32 $0x1C01, s18;
	s9 =	sshrl.u32 s30, $0x1;
	s31 =	sshrl.u32 s8, $0x2  }
0xa: {  	s3 =	sadd.s32 s6, s3;
	s6 =	sadd.s32 s7, s29;
	s13 =	ssub.s32 s30, s9  }
0xb: {  	s3 =	sshrl.u32 s3, $0x3;
	s6 =	sshrl.u32 s6, $0x3;
	s13 =	smax.u32 s13, $0x1  }
0xc: {  	s11 =	sadd.s32 s3, s5;
	s3 =	sadd.s32 $0x16200, s5;
	s12 =	sadd.s32 s6, s5  }
0xd: {  	s5 =	sadd.s32 s31, s1;
	s6 =	sadd.s32 $0x6C000, s1;
	s7 =	sadd.s32 $0x6400, s11  }
0xe: {  	s8 =	sadd.s32 $0x16A00, s12;
	s9 =	sadd.s32 $0xB400, s11;
	s10 =	sadd.s32 $0x24200, s12  }
0xf: {  	s11 =	sadd.s32 $0x10400, s11;
	s12 =	sadd.s32 $0x31A00, s12;
	s19 =	sshrl.u32 s5, $0x3  }
.LBB2_1:
0x10: {  	[tilespmem:s14], [sflag:$0x1] =	stream.linear.gather [hbm4b:s3+s2], $0x4000, $0x38;
	[tilespmem:$0x12C40] =	vst v63  }
0x11: {  	_ =	swait.ge [sflag:s15], $0x4000  }
0x12: {  	[sflag:s15] =	ssyncset.done $0x0  }
0x13: {  	[sflag:s15] =	ssyncadd.s32 $0xFFFFC000  }
0x14: {  	[tilespmem:s16], [sflag:$0x1] =	stream.linear.gather [hbm4b:s4+s2], $0x6C00, $0x38;
	[tilespmem:$0x12C40] =	vst v63  }
0x15: {  	_ =	swait.ge [sflag:s15], $0x6C00  }
0x16: {  	[sflag:s15] =	ssyncset.done $0x0  }
0x17: {  	[sflag:s15] =	ssyncadd.s32 $0xFFFF9400  }
0x18: {  	[spmem:s5] =	stream.linear.scatter [tilespmem:s16], [sflag:$0x1], $0x6C00, $0x38;
	[tilespmem:$0x12C40] =	vst v63  }
0x19: {  	_ =	swait.ge [sflag:s15], $0x6C00  }
0x1a: {  	[sflag:s15] =	ssyncset.done $0x0  }
0x1b: {  	s21 =	simm.s32 @!p0 $0x5400;
	[sflag:s15] =	ssyncadd.s32 $0xFFFF9400  }
0x1c: {  	[spmem:s6] =	stream.linear.scatter @!p0 [tilespmem:s21], [sflag:$0x1], $0x400, $0x38;
	[tilespmem:$0x12C40] =	vst v63  }
0x1d: {  	s21 =	simm.s32 @!p0 $0x1  }
0x1e: {  	_ =	swait.ge @!p0 [sflag:s21], $0x400  }
0x1f: {  	[sflag:s21] =	ssyncset.done @!p0 $0x0  }
0x20: {  	[sflag:s21] =	ssyncadd.s32 @!p0 $0xFFFFFC00  }
0x21: {  	[tilespmem:s2], [sflag:$0x1] =	stream.linear.gather [hbm4b:s7+s2], $0x1400, $0x38;
	[tilespmem:$0x12C40] =	vst v63  }
0x22: {  	_ =	swait.ge [sflag:s15], $0x1400  }
0x23: {  	[sflag:s15] =	ssyncset.done $0x0  }
0x24: {  	[sflag:s15] =	ssyncadd.s32 $0xFFFFEC00  }
0x25: {  	s31 =	simm.s32 $0x0;
	[bflag:$0x0] =	sbarrier.arrive $0xFFFF  }
0x26: {  	[spmem:s1] =	stream.indirect.scatter.add.f32 [tilespmem:s14], [sflag:$0x1], $0x80, s31, s17, $0xb8;
	[tilespmem:$0x12C40] =	vst v63  }
0x27: {  	_ =	swait.ge [sflag:s15], $0x4000  }
0x28: {  	s21 =	simm.s32 $0x200;
	[sflag:s15] =	ssyncset.done $0x0  }
.LBB2_2:
0x29: {  	s22 =	sshra.s32 s21, $0x2;
	[sflag:s15] =	ssyncadd.s32 $0xFFFFC000;
	p1 =	sne.s32 s21, $0x4E00  }
0x2a: {  	[spmem:s1] =	stream.indirect.scatter.add.f32 [tilespmem:s14], [sflag:$0x1], $0x80, s22, s17, $0xb8;
	[tilespmem:$0x12C40] =	vst v63  }
.Ltmp0:
0x2b: {  	_ = 	snop;
	(pc) =	sbr.rel @p1 .LBB2_2-.Ltmp0, $4  }
0x2c: {  	_ = 	snop  }
0x2d: {  	s21 =	sadd.s32 $0x200, s21  }
0x2e: {  	_ =	swait.ge [sflag:s15], $0x4000  }
0x2f: {  	[sflag:s15] =	ssyncset.done $0x0  }
0x30: {  	[sflag:s15] =	ssyncadd.s32 $0xFFFFC000  }
0x31: {  	[bflag:$0x0] =	sbarrier.arrive $0xFFFF  }
0x32: {  	[hbm:s8], [sflag:s18] =	dma.local [spmem:s19], $0xD80  }
0x33: {  	_ =	swait.ge [sflag:s15], $0xD80  }
0x34: {  	[sflag:s15] =	ssyncset.done $0x0  }
0x35: {  	[sflag:s15] =	ssyncadd.s32 $0xFFFFF280  }
0x36: {  	[bflag:$0x0] =	sbarrier.arrive $0xFFFF  }
0x37: {  	[spmem:s5] =	stream.linear.scatter [tilespmem:s16], [sflag:$0x1], $0x6C00, $0x38;
	[tilespmem:$0x12C40] =	vst v63  }
0x38: {  	_ =	swait.ge [sflag:s15], $0x6C00  }
0x39: {  	[sflag:s15] =	ssyncset.done $0x0  }
0x3a: {  	s21 =	simm.s32 @!p0 $0x5400;
	[sflag:s15] =	ssyncadd.s32 $0xFFFF9400  }
0x3b: {  	[spmem:s6] =	stream.linear.scatter @!p0 [tilespmem:s21], [sflag:$0x1], $0x400, $0x38;
	[tilespmem:$0x12C40] =	vst v63  }
0x3c: {  	s21 =	simm.s32 @!p0 $0x1  }
0x3d: {  	_ =	swait.ge @!p0 [sflag:s21], $0x400  }
0x3e: {  	[sflag:s21] =	ssyncset.done @!p0 $0x0  }
0x3f: {  	s30 =	simm.s32 $0x0;
	[sflag:s21] =	ssyncadd.s32 @!p0 $0xFFFFFC00  }
0x40: {  	[tilespmem:s30], [sflag:$0x1] =	stream.linear.gather [hbm4b:s9+s30], $0x1400, $0x38;
	[tilespmem:$0x12C40] =	vst v63  }
0x41: {  	_ =	swait.ge [sflag:s15], $0x1400  }
0x42: {  	[sflag:s15] =	ssyncset.done $0x0  }
0x43: {  	[sflag:s15] =	ssyncadd.s32 $0xFFFFEC00  }
0x44: {  	s31 =	simm.s32 $0x0;
	[bflag:$0x0] =	sbarrier.arrive $0xFFFF  }
0x45: {  	[spmem:s1] =	stream.indirect.scatter.add.f32 [tilespmem:s14], [sflag:$0x1], $0x80, s31, s17, $0xb8;
	[tilespmem:$0x12C40] =	vst v63  }
0x46: {  	_ =	swait.ge [sflag:s15], $0x4000  }
0x47: {  	s21 =	simm.s32 $0x200;
	[sflag:s15] =	ssyncset.done $0x0  }
.LBB2_4:
0x48: {  	s22 =	sshra.s32 s21, $0x2;
	[sflag:s15] =	ssyncadd.s32 $0xFFFFC000;
	p1 =	sne.s32 s21, $0x4E00  }
0x49: {  	[spmem:s1] =	stream.indirect.scatter.add.f32 [tilespmem:s14], [sflag:$0x1], $0x80, s22, s17, $0xb8;
	[tilespmem:$0x12C40] =	vst v63  }
.Ltmp1:
0x4a: {  	_ = 	snop;
	(pc) =	sbr.rel @p1 .LBB2_4-.Ltmp1, $4  }
0x4b: {  	_ = 	snop  }
0x4c: {  	s21 =	sadd.s32 $0x200, s21  }
0x4d: {  	_ =	swait.ge [sflag:s15], $0x4000  }
0x4e: {  	[sflag:s15] =	ssyncset.done $0x0  }
0x4f: {  	[sflag:s15] =	ssyncadd.s32 $0xFFFFC000  }
0x50: {  	[bflag:$0x0] =	sbarrier.arrive $0xFFFF  }
0x51: {  	[hbm:s10], [sflag:s18] =	dma.local [spmem:s19], $0xD80  }
0x52: {  	_ =	swait.ge [sflag:s15], $0xD80  }
0x53: {  	[sflag:s15] =	ssyncset.done $0x0  }
0x54: {  	[sflag:s15] =	ssyncadd.s32 $0xFFFFF280  }
0x55: {  	[bflag:$0x0] =	sbarrier.arrive $0xFFFF  }
0x56: {  	[spmem:s5] =	stream.linear.scatter [tilespmem:s16], [sflag:$0x1], $0x6C00, $0x38;
	[tilespmem:$0x12C40] =	vst v63  }
0x57: {  	_ =	swait.ge [sflag:s15], $0x6C00  }
0x58: {  	[sflag:s15] =	ssyncset.done $0x0  }
0x59: {  	s21 =	simm.s32 @!p0 $0x5400;
	[sflag:s15] =	ssyncadd.s32 $0xFFFF9400  }
0x5a: {  	[spmem:s6] =	stream.linear.scatter @!p0 [tilespmem:s21], [sflag:$0x1], $0x400, $0x38;
	[tilespmem:$0x12C40] =	vst v63  }
0x5b: {  	s21 =	simm.s32 @!p0 $0x1  }
0x5c: {  	_ =	swait.ge @!p0 [sflag:s21], $0x400  }
0x5d: {  	[sflag:s21] =	ssyncset.done @!p0 $0x0  }
0x5e: {  	s30 =	simm.s32 $0x0;
	[sflag:s21] =	ssyncadd.s32 @!p0 $0xFFFFFC00  }
0x5f: {  	[tilespmem:s30], [sflag:$0x1] =	stream.linear.gather [hbm4b:s11+s30], $0x1400, $0x38;
	[tilespmem:$0x12C40] =	vst v63  }
0x60: {  	_ =	swait.ge [sflag:s15], $0x1400  }
0x61: {  	[sflag:s15] =	ssyncset.done $0x0  }
0x62: {  	[sflag:s15] =	ssyncadd.s32 $0xFFFFEC00  }
0x63: {  	s31 =	simm.s32 $0x0;
	[bflag:$0x0] =	sbarrier.arrive $0xFFFF  }
0x64: {  	[spmem:s1] =	stream.indirect.scatter.add.f32 [tilespmem:s14], [sflag:$0x1], $0x80, s31, s17, $0xb8;
	[tilespmem:$0x12C40] =	vst v63  }
0x65: {  	_ =	swait.ge [sflag:s15], $0x4000  }
0x66: {  	s21 =	simm.s32 $0x200;
	[sflag:s15] =	ssyncset.done $0x0  }
.LBB2_6:
0x67: {  	s22 =	sshra.s32 s21, $0x2;
	[sflag:s15] =	ssyncadd.s32 $0xFFFFC000;
	p1 =	sne.s32 s21, $0x4E00  }
0x68: {  	[spmem:s1] =	stream.indirect.scatter.add.f32 [tilespmem:s14], [sflag:$0x1], $0x80, s22, s17, $0xb8;
	[tilespmem:$0x12C40] =	vst v63  }
.Ltmp2:
0x69: {  	_ = 	snop;
	(pc) =	sbr.rel @p1 .LBB2_6-.Ltmp2, $4  }
0x6a: {  	_ = 	snop  }
0x6b: {  	s21 =	sadd.s32 $0x200, s21  }
0x6c: {  	_ =	swait.ge [sflag:s15], $0x4000  }
0x6d: {  	[sflag:s15] =	ssyncset.done $0x0  }
0x6e: {  	[sflag:s15] =	ssyncadd.s32 $0xFFFFC000;
	s20 =	sadd.s32 $0x1, s20  }
0x6f: {  	[bflag:$0x0] =	sbarrier.arrive $0xFFFF;
	p1 =	sne.s32 s20, s13  }
0x70: {  	[hbm:s12], [sflag:s18] =	dma.local [spmem:s19], $0xD80  }
.Ltmp3:
0x71: {  	_ =	swait.ge [sflag:s15], $0xD80;
	(pc) =	sbr.rel @p1 .LBB2_1-.Ltmp3, $3  }
0x72: {  	[sflag:s15] =	ssyncset.done $0x0  }
0x73: {  	[sflag:s15] =	ssyncadd.s32 $0xFFFFF280  }
0x74: {  	[bflag:$0x0] =	sbarrier.arrive $0xFFFF;
	_ =	sdelay $0x1  }
0x75: {  	_ =	sfence.sel $0x180000  }
0x76: {  	[bflag:$0x0] =	sbarrier.arrive $0xFFFF  }
0x77: {  	_ =	strace $0x90000047  }
0x78: {  	s0 =	sadd.s32 @!p0 $0x100000, s0;
	[bflag:$0x2] =	sbarrier.arrive $0xFFFF  }
0x79: {  	[sflag:s0] =	ssyncadd.tile.s32 @!p0 $0x1;
	_ =	shalt  }
.Lfunc_end2:
_tile_overlayer_lowered:
.L_overlay_start_2:
0x7a: {  	(tag) =	ssettag $0x2  }
0x7b: {  	s0 =	rddreg [dreg:$0x0];
	s2 =	stileid.u32  }
0x7c: {  	s1 =	rddreg [dreg:$0x1];
	p0 =	sne.s32 s2, $0x0  }
0x7d: {  	s3 =	rddreg [dreg:$0x2];
	[bflag:$0x3] =	sbarrier.arrive $0xFFFF;
	s2 =	simm.s32 @!p0 $0x1C01  }
0x7e: {  	[timem:s3], [sflag:s2] =	dma.local @!p0 [hbm:s0], s1  }
0x7f: {  	s0 =	simm.s32 @!p0 $0x1  }
0x80: {  	_ =	swait.ge @!p0 [sflag:s0], s1  }
0x81: {  	s1 =	ssub.s32 @!p0 $0x0, s1;
	[sflag:s0] =	ssyncset.done @!p0 $0x0  }
0x82: {  	[sflag:s0] =	ssyncadd.s32 @!p0 s1  }
0x83: {  	[bflag:$0x3] =	sbarrier.arrive $0xFFFF  }
0x84: {  	_ =	shalt  }

</sc_bundles>
